<compile_context>
chip_gen: v7x
topology: tpu7x:2x2x1
jax: 0.10.2.dev20260603
libtpu: 0.0.44.dev20260713+nightly
codegen_flags: <defaults>
</compile_context>

<pallas_src>
import functools

import jax
import jax.numpy as jnp
from jax import lax
from jax.experimental import pallas as pl
from jax.experimental.pallas import tpu as pltpu
from jax.experimental.pallas import tpu_sc as plsc

N = 50000
K = 27
C = 128
NW = 32
BC = 112
CHUNKS = 14
NP = NW * BC * CHUNKS
BT = 12544
NT = NP // BT
ZROW = N
EPS = 1e-5



def _gemm_body(x_ref, w_ref, o_ref):
    o_ref[...] = jnp.dot(x_ref[...].astype(jnp.bfloat16),
                         w_ref[0].astype(jnp.bfloat16),
                         preferred_element_type=jnp.float32)


def _gemm_bn_body(y_ref, s_ref, g_ref, b_ref, w_ref, o_ref):
    mean = s_ref[0:1, :] * (1.0 / N)
    var = s_ref[1:2, :] * (1.0 / N) - mean * mean
    inv = lax.rsqrt(var + EPS)
    x = (y_ref[...] - mean) * (inv * g_ref[0:1, :]) + b_ref[0:1, :]
    x = jnp.maximum(x, 0.0)
    t = pl.program_id(0)
    rows = t * BT + lax.broadcasted_iota(jnp.int32, (BT, 1), 0)
    x = jnp.where(rows < N, x, 0.0)
    o_ref[...] = jnp.dot(x.astype(jnp.bfloat16),
                         w_ref[0].astype(jnp.bfloat16),
                         preferred_element_type=jnp.float32)


def _stats_body(y_ref, o_ref):
    @pl.when(pl.program_id(0) == 0)
    def _init():
        o_ref[...] = jnp.zeros_like(o_ref)

    y = y_ref[...]
    o_ref[0:1, :] += jnp.sum(y, axis=0, keepdims=True)
    o_ref[1:2, :] += jnp.sum(y * y, axis=0, keepdims=True)


def _bn_relu_body(y_ref, s_ref, g_ref, b_ref, o_ref):
    mean = s_ref[0:1, :] * (1.0 / N)
    var = s_ref[1:2, :] * (1.0 / N) - mean * mean
    inv = lax.rsqrt(var + EPS)
    x = (y_ref[...] - mean) * (inv * g_ref[0:1, :]) + b_ref[0:1, :]
    o_ref[...] = jnp.maximum(x, 0.0)


def _gemm_all_k(x, w):
    return pl.pallas_call(
        _gemm_body,
        grid=(NT, K),
        in_specs=[pl.BlockSpec((BT, C), lambda t, k: (t, 0)),
                  pl.BlockSpec((1, C, C), lambda t, k: (k, 0, 0))],
        out_specs=pl.BlockSpec((BT, C), lambda t, k: (k * NT + t, 0)),
        out_shape=jax.ShapeDtypeStruct((K * NP, C), jnp.float32),
    )(x, w)


def _gemm_bn_all_k(y, s, g, b, w):
    return pl.pallas_call(
        _gemm_bn_body,
        grid=(NT, K),
        in_specs=[pl.BlockSpec((BT, C), lambda t, k: (t, 0)),
                  pl.BlockSpec((8, C), lambda t, k: (0, 0)),
                  pl.BlockSpec((1, C), lambda t, k: (0, 0)),
                  pl.BlockSpec((1, C), lambda t, k: (0, 0)),
                  pl.BlockSpec((1, C, C), lambda t, k: (k, 0, 0))],
        out_specs=pl.BlockSpec((BT, C), lambda t, k: (k * NT + t, 0)),
        out_shape=jax.ShapeDtypeStruct((K * NP, C), jnp.float32),
    )(y, s, g, b, w)


def _stats(y):
    return pl.pallas_call(
        _stats_body,
        grid=(NT,),
        in_specs=[pl.BlockSpec((BT, C), lambda t: (t, 0))],
        out_specs=pl.BlockSpec((8, C), lambda t: (0, 0)),
        out_shape=jax.ShapeDtypeStruct((8, C), jnp.float32),
    )(y)


def _bn_relu_final(y, s, g, b):
    return pl.pallas_call(
        _bn_relu_body,
        grid=(25,),
        in_specs=[pl.BlockSpec((2000, C), lambda t: (t, 0)),
                  pl.BlockSpec((8, C), lambda t: (0, 0)),
                  pl.BlockSpec((1, C), lambda t: (0, 0)),
                  pl.BlockSpec((1, C), lambda t: (0, 0))],
        out_specs=pl.BlockSpec((2000, C), lambda t: (t, 0)),
        out_shape=jax.ShapeDtypeStruct((N, C), jnp.float32),
    )(y, s, g, b)



NSET = 3
NROUND = K // NSET


def _reduce_round(bufs_v, acc_v, b0, overwrite):
    cpb = C // 16

    @plsc.parallel_loop(0, BC * cpb, unroll=4)
    def _(p):
        r = p // cpb
        c = (p % cpb) * 16
        s = bufs_v[b0, r, pl.ds(c, 16)]
        for j in range(1, NSET):
            s = s + bufs_v[b0 + j, r, pl.ds(c, 16)]
        if overwrite:
            acc_v[r, pl.ds(c, 16)] = s
        else:
            plsc.addupdate(acc_v.at[r, pl.ds(c, 16)], s)


def _sc_gather_body(z_hbm, idx_hbm, y_hbm, idx_v, bufs_v, acc_v, semg):
    wid = lax.axis_index("s") * 2 + lax.axis_index("c")
    base = wid * (BC * CHUNKS)

    def chunk(ci, carry):
        cb = base + ci * BC
        pltpu.sync_copy(idx_hbm.at[wid * CHUNKS + ci], idx_v)
        prev = None
        for r in range(NROUND):
            b0 = (r % 2) * NSET
            cps = [pltpu.async_copy(z_hbm.at[idx_v.at[r * NSET + j]],
                                    bufs_v.at[b0 + j], semg)
                   for j in range(NSET)]
            if prev is not None:
                pb0, pcps = prev
                for cp in pcps:
                    cp.wait()
                _reduce_round(bufs_v, acc_v, pb0, overwrite=(r == 1))
            prev = (b0, cps)
        pb0, pcps = prev
        for cp in pcps:
            cp.wait()
        _reduce_round(bufs_v, acc_v, pb0, overwrite=False)
        pltpu.sync_copy(acc_v, y_hbm.at[pl.ds(cb, BC)])
        return carry

    lax.fori_loop(0, CHUNKS, chunk, 0)


def _sc_gather(z, idx_t):
    fn = pl.kernel(
        _sc_gather_body,
        out_type=jax.ShapeDtypeStruct((NP, C), jnp.float32),
        mesh=plsc.VectorSubcoreMesh(core_axis_name="c", subcore_axis_name="s"),
        scratch_types=[pltpu.VMEM((K, BC), jnp.int32),
                       pltpu.VMEM((2 * NSET, BC, C), jnp.float32),
                       pltpu.VMEM((BC, C), jnp.float32),
                       pltpu.SemaphoreType.DMA],
    )
    return fn(z, idx_t)



def kernel(features, nbr_idx, nbr_mask, W1, gamma1, beta1, W2, gamma2, beta2):
    x = jnp.pad(features, ((0, NP - N), (0, 0)))
    offs = (jnp.arange(K, dtype=jnp.int32) * NP)[None, :]
    pad_rows = (N + (jnp.arange(N, dtype=jnp.int32) % (NP - N)))[:, None]
    fidx = jnp.where(nbr_mask, nbr_idx + offs, pad_rows + offs).astype(jnp.int32)
    self_pad = jnp.arange(N, NP, dtype=jnp.int32)[:, None] + offs
    fidx = jnp.concatenate([fidx, self_pad], axis=0)
    idx_t = fidx.reshape(NW * CHUNKS, BC, K).transpose(0, 2, 1)

    g1 = gamma1.reshape(1, C)
    b1 = beta1.reshape(1, C)
    g2 = gamma2.reshape(1, C)
    b2 = beta2.reshape(1, C)

    z1 = _gemm_all_k(x, W1)
    y1 = _sc_gather(z1, idx_t)
    s1 = _stats(y1)
    z2 = _gemm_bn_all_k(y1, s1, g1, b1, W2)
    y2 = _sc_gather(z2, idx_t)
    s2 = _stats(y2)
    return _bn_relu_final(y2, s2, g2, b2)

# --- scband reference (transcript-rebuilt; emitter-appended) ---
"""Pipeline reference for scband-sub-mblock-83674552861283 (READ-ONLY COPY).

The authoritative reference and input builder live on the scoring server;
editing this copy changes nothing except your own understanding.
"""

import jax, jax.numpy as jnp
import numpy as np

N = 50000
G = 48
C_IN = 128
C_OUT = 128
K = 27


def _build_graph():
    # Deterministic active-voxel set + submanifold 3x3x3 neighbor maps.
    rng = np.random.default_rng(0)
    lin = np.sort(rng.choice(G ** 3, size=N, replace=False))
    z = lin // (G * G)
    y = (lin // G) % G
    x = lin % G
    nbr_idx = np.zeros((N, K), dtype=np.int32)
    nbr_mask = np.zeros((N, K), dtype=bool)
    k = 0
    for dz in (-1, 0, 1):
        for dy in (-1, 0, 1):
            for dx in (-1, 0, 1):
                nz, ny, nx = z + dz, y + dy, x + dx
                valid = (nz >= 0) & (nz < G) & (ny >= 0) & (ny < G) & (nx >= 0) & (nx < G)
                nlin = nz * (G * G) + ny * G + nx
                pos = np.searchsorted(lin, nlin)
                posc = np.clip(pos, 0, N - 1)
                found = valid & (lin[posc] == nlin)
                nbr_idx[:, k] = np.where(found, posc, 0)
                nbr_mask[:, k] = found
                k += 1
    return nbr_idx, nbr_mask


def setup_inputs(seed: int = 0):
    key = jax.random.key(seed)
    ks = jax.random.split(key, 3)
    nbr_idx, nbr_mask = _build_graph()
    features = jax.random.normal(ks[0], (N, C_IN), dtype=jnp.float32)
    s1 = 1.0 / np.sqrt(K * C_IN)
    s2 = 1.0 / np.sqrt(K * C_OUT)
    W1 = jax.random.normal(ks[1], (K, C_IN, C_OUT), dtype=jnp.float32) * s1
    W2 = jax.random.normal(ks[2], (K, C_OUT, C_OUT), dtype=jnp.float32) * s2
    return {
        'features': features,
        'nbr_idx': jnp.asarray(nbr_idx),
        'nbr_mask': jnp.asarray(nbr_mask),
        'W1': W1,
        'gamma1': jnp.ones((C_OUT,), dtype=jnp.float32),
        'beta1': jnp.zeros((C_OUT,), dtype=jnp.float32),
        'W2': W2,
        'gamma2': jnp.ones((C_OUT,), dtype=jnp.float32),
        'beta2': jnp.zeros((C_OUT,), dtype=jnp.float32),
    }


def _subm_conv(feats, nbr_idx, nbr_mask, W):
    # Submanifold conv: output only at active voxels; gather active neighbors
    # per kernel offset and apply per-offset weight matrix.
    out = jnp.zeros((feats.shape[0], W.shape[2]), dtype=feats.dtype)
    for k in range(K):
        g = jnp.where(nbr_mask[:, k:k + 1], feats[nbr_idx[:, k]], 0.0)
        out = out + g @ W[k]
    return out


def _bn_relu(y, gamma, beta):
    # BatchNorm1d in training mode (batch statistics, biased variance) + ReLU
    mean = jnp.mean(y, axis=0)
    var = jnp.mean((y - mean) ** 2, axis=0)
    yhat = (y - mean) * jax.lax.rsqrt(var + 1e-5)
    return jax.nn.relu(yhat * gamma + beta)


def reference(features, nbr_idx, nbr_mask, W1, gamma1, beta1, W2, gamma2, beta2):
    y = _subm_conv(features, nbr_idx, nbr_mask, W1)
    y = _bn_relu(y, gamma1, beta1)
    y = _subm_conv(y, nbr_idx, nbr_mask, W2)
    y = _bn_relu(y, gamma2, beta2)
    return y

if __name__ == "__main__":
    import jax
    _d = setup_inputs()
    print(jax.jit(kernel)(*tuple(_d.values())))

</pallas_src>

<mosaic_0001>
#map = affine_map<(d0, d1) -> (0, 0)>
#map1 = affine_map<(d0, d1) -> (0, 0, 0)>
module attributes {stable_mosaic.version = 14 : i64} {
  func.func @_sc_gather_body(%arg0: i32, %arg1: i32, %arg2: memref<1354752x128xf32, #tpu.memory_space<hbm>>, %arg3: memref<448x27x112xi32, #tpu.memory_space<hbm>>, %arg4: memref<50176x128xf32, #tpu.memory_space<hbm>>, %arg5: memref<27x112xi32, #tpu.memory_space<vmem>>, %arg6: memref<6x112x128xf32, #tpu.memory_space<vmem>>, %arg7: memref<112x128xf32, #tpu.memory_space<vmem>>, %arg8: memref<!tpu.dma_semaphore, #tpu.memory_space<semaphore_mem>>) attributes {dimension_semantics = [#tpu.dimension_semantics<core_parallel>, #tpu.dimension_semantics<subcore_parallel>], iteration_bounds = array<i64: 2, 16>, scalar_prefetch = 0 : i64, scratch_operands = 4 : i64, tpu.core_type = #tpu.core_type<sc_vector_subcore>, window_params = [{transform_indices = #map}, {transform_indices = #map1}, {transform_indices = #map}]} {
    %mul3A = arith.constant 2 : i32
    %mul3A_0 = arith.muli %arg1, %mul3A : i32
    %add3A = arith.addi %mul3A_0, %arg0 : i32
    %mul3A_1 = arith.constant 1568 : i32
    %mul3A_2 = arith.muli %add3A, %mul3A_1 : i32
    %scan3A = arith.constant 0 : i32
    %scan3A_3 = arith.constant 0 : i32
    %scan3A_4 = arith.constant 14 : i32
    %scan3A_5 = arith.addi %scan3A_3, %scan3A_4 : i32
    %scan3A_6 = arith.constant 1 : i32
    scf.for %scan3A_8 = %scan3A_3 to %scan3A_5 step %scan3A_6  : i32 {
      %mul3A_9 = arith.constant 112 : i32
      %mul3A_10 = arith.muli %scan3A_8, %mul3A_9 : i32
      %add3A_11 = arith.addi %mul3A_2, %mul3A_10 : i32
      %mul3A_12 = arith.constant 14 : i32
      %mul3A_13 = arith.muli %add3A, %mul3A_12 : i32
      %add3A_14 = arith.addi %mul3A_13, %scan3A_8 : i32
      "tpu.region"() ({
        %run_scoped3A = tpu.sem_alloc : memref<!tpu.dma_semaphore, #tpu.memory_space<semaphore_mem>>
        %dma_start3A_687 = arith.constant 0 : i32
        %dma_start3A_688 = arith.constant 0 : i32
        %dma_start3A_689 = tpu.memref_slice %arg3[%add3A_14, %dma_start3A_687, %dma_start3A_688] : memref<448x27x112xi32, #tpu.memory_space<hbm>> -> memref<1x27x112xi32, #tpu.memory_space<hbm>>
        %dma_start3A_690 = tpu.memref_squeeze %dma_start3A_689 : memref<1x27x112xi32, #tpu.memory_space<hbm>> -> memref<27x112xi32, #tpu.memory_space<hbm>>
        %dma_start3A_691 = arith.constant 0 : i32
        %dma_start3A_692 = arith.constant 0 : i32
        %dma_start3A_693 = tpu.memref_slice %arg3[%add3A_14, %dma_start3A_691, %dma_start3A_692] : memref<448x27x112xi32, #tpu.memory_space<hbm>> -> memref<1x27x112xi32, #tpu.memory_space<hbm>>
        %dma_start3A_694 = tpu.memref_squeeze %dma_start3A_693 : memref<1x27x112xi32, #tpu.memory_space<hbm>> -> memref<27x112xi32, #tpu.memory_space<hbm>>
        tpu.enqueue_dma source(%dma_start3A_694 : memref<27x112xi32, #tpu.memory_space<hbm>>) target(%arg5 : memref<27x112xi32, #tpu.memory_space<vmem>>) target_semaphore(%run_scoped3A : memref<!tpu.dma_semaphore, #tpu.memory_space<semaphore_mem>>)
        %dma_wait3A_695 = arith.constant 0 : i32
        %dma_wait3A_696 = arith.constant 0 : i32
        %dma_wait3A_697 = tpu.memref_slice %arg3[%add3A_14, %dma_wait3A_695, %dma_wait3A_696] : memref<448x27x112xi32, #tpu.memory_space<hbm>> -> memref<1x27x112xi32, #tpu.memory_space<hbm>>
        %dma_wait3A_698 = tpu.memref_squeeze %dma_wait3A_697 : memref<1x27x112xi32, #tpu.memory_space<hbm>> -> memref<27x112xi32, #tpu.memory_space<hbm>>
        %dma_wait3A_699 = arith.constant 0 : i32
        %dma_wait3A_700 = arith.constant 0 : i32
        %dma_wait3A_701 = tpu.memref_slice %arg3[%add3A_14, %dma_wait3A_699, %dma_wait3A_700] : memref<448x27x112xi32, #tpu.memory_space<hbm>> -> memref<1x27x112xi32, #tpu.memory_space<hbm>>
        %dma_wait3A_702 = tpu.memref_squeeze %dma_wait3A_701 : memref<1x27x112xi32, #tpu.memory_space<hbm>> -> memref<27x112xi32, #tpu.memory_space<hbm>>
        tpu.wait_dma2 semaphore(%run_scoped3A : memref<!tpu.dma_semaphore, #tpu.memory_space<semaphore_mem>>) src(%dma_wait3A_702 : memref<27x112xi32, #tpu.memory_space<hbm>>) dst(%arg5 : memref<27x112xi32, #tpu.memory_space<vmem>>)
        tpu.yield
      }) : () -> ()
      %dma_start3A = arith.constant 0 : i32
      %dma_start3A_15 = arith.constant 0 : i32
      %dma_start3A_16 = arith.constant 0 : i32
      %dma_start3A_17 = arith.constant 0 : i32
      %dma_start3A_18 = tpu.memref_slice %arg6[%dma_start3A_15, %dma_start3A_16, %dma_start3A_17] : memref<6x112x128xf32, #tpu.memory_space<vmem>> -> memref<1x112x128xf32, #tpu.memory_space<vmem>>
      %dma_start3A_19 = tpu.memref_squeeze %dma_start3A_18 : memref<1x112x128xf32, #tpu.memory_space<vmem>> -> memref<112x128xf32, #tpu.memory_space<vmem>>
      %dma_start3A_20 = arith.constant 0 : i32
      %dma_start3A_21 = tpu.memref_slice %arg5[%dma_start3A, %dma_start3A_20] : memref<27x112xi32, #tpu.memory_space<vmem>> -> memref<1x112xi32, #tpu.memory_space<vmem>>
      %dma_start3A_22 = tpu.memref_squeeze %dma_start3A_21 : memref<1x112xi32, #tpu.memory_space<vmem>> -> memref<112xi32, #tpu.memory_space<vmem>>
      %dma_start3A_23 = arith.constant 0 : i32
      %dma_start3A_24 = arith.constant 0 : i32
      %dma_start3A_25 = tpu.memref_slice %arg2[%dma_start3A_23, %dma_start3A_24] : memref<1354752x128xf32, #tpu.memory_space<hbm>> -> memref<1354752x128xf32, #tpu.memory_space<hbm>>
      tpu.enqueue_indirect_dma source(%dma_start3A_25 : memref<1354752x128xf32, #tpu.memory_space<hbm>>) target(%dma_start3A_19 : memref<112x128xf32, #tpu.memory_space<vmem>>) offsets(%dma_start3A_22 : memref<112xi32, #tpu.memory_space<vmem>>) semaphore(%arg8 : memref<!tpu.dma_semaphore, #tpu.memory_space<semaphore_mem>>)
      %dma_start3A_26 = arith.constant 1 : i32
      %dma_start3A_27 = arith.constant 1 : i32
      %dma_start3A_28 = arith.constant 0 : i32
      %dma_start3A_29 = arith.constant 0 : i32
      %dma_start3A_30 = tpu.memref_slice %arg6[%dma_start3A_27, %dma_start3A_28, %dma_start3A_29] : memref<6x112x128xf32, #tpu.memory_space<vmem>> -> memref<1x112x128xf32, #tpu.memory_space<vmem>>
      %dma_start3A_31 = tpu.memref_squeeze %dma_start3A_30 : memref<1x112x128xf32, #tpu.memory_space<vmem>> -> memref<112x128xf32, #tpu.memory_space<vmem>>
      %dma_start3A_32 = arith.constant 0 : i32
      %dma_start3A_33 = tpu.memref_slice %arg5[%dma_start3A_26, %dma_start3A_32] : memref<27x112xi32, #tpu.memory_space<vmem>> -> memref<1x112xi32, #tpu.memory_space<vmem>>
      %dma_start3A_34 = tpu.memref_squeeze %dma_start3A_33 : memref<1x112xi32, #tpu.memory_space<vmem>> -> memref<112xi32, #tpu.memory_space<vmem>>
      %dma_start3A_35 = arith.constant 0 : i32
      %dma_start3A_36 = arith.constant 0 : i32
      %dma_start3A_37 = tpu.memref_slice %arg2[%dma_start3A_35, %dma_start3A_36] : memref<1354752x128xf32, #tpu.memory_space<hbm>> -> memref<1354752x128xf32, #tpu.memory_space<hbm>>
      tpu.enqueue_indirect_dma source(%dma_start3A_37 : memref<1354752x128xf32, #tpu.memory_space<hbm>>) target(%dma_start3A_31 : memref<112x128xf32, #tpu.memory_space<vmem>>) offsets(%dma_start3A_34 : memref<112xi32, #tpu.memory_space<vmem>>) semaphore(%arg8 : memref<!tpu.dma_semaphore, #tpu.memory_space<semaphore_mem>>)
      %dma_start3A_38 = arith.constant 2 : i32
      %dma_start3A_39 = arith.constant 2 : i32
      %dma_start3A_40 = arith.constant 0 : i32
      %dma_start3A_41 = arith.constant 0 : i32
      %dma_start3A_42 = tpu.memref_slice %arg6[%dma_start3A_39, %dma_start3A_40, %dma_start3A_41] : memref<6x112x128xf32, #tpu.memory_space<vmem>> -> memref<1x112x128xf32, #tpu.memory_space<vmem>>
      %dma_start3A_43 = tpu.memref_squeeze %dma_start3A_42 : memref<1x112x128xf32, #tpu.memory_space<vmem>> -> memref<112x128xf32, #tpu.memory_space<vmem>>
      %dma_start3A_44 = arith.constant 0 : i32
      %dma_start3A_45 = tpu.memref_slice %arg5[%dma_start3A_38, %dma_start3A_44] : memref<27x112xi32, #tpu.memory_space<vmem>> -> memref<1x112xi32, #tpu.memory_space<vmem>>
      %dma_start3A_46 = tpu.memref_squeeze %dma_start3A_45 : memref<1x112xi32, #tpu.memory_space<vmem>> -> memref<112xi32, #tpu.memory_space<vmem>>
      %dma_start3A_47 = arith.constant 0 : i32
      %dma_start3A_48 = arith.constant 0 : i32
      %dma_start3A_49 = tpu.memref_slice %arg2[%dma_start3A_47, %dma_start3A_48] : memref<1354752x128xf32, #tpu.memory_space<hbm>> -> memref<1354752x128xf32, #tpu.memory_space<hbm>>
      tpu.enqueue_indirect_dma source(%dma_start3A_49 : memref<1354752x128xf32, #tpu.memory_space<hbm>>) target(%dma_start3A_43 : memref<112x128xf32, #tpu.memory_space<vmem>>) offsets(%dma_start3A_46 : memref<112xi32, #tpu.memory_space<vmem>>) semaphore(%arg8 : memref<!tpu.dma_semaphore, #tpu.memory_space<semaphore_mem>>)
      %dma_start3A_50 = arith.constant 3 : i32
      %dma_start3A_51 = arith.constant 3 : i32
      %dma_start3A_52 = arith.constant 0 : i32
      %dma_start3A_53 = arith.constant 0 : i32
      %dma_start3A_54 = tpu.memref_slice %arg6[%dma_start3A_51, %dma_start3A_52, %dma_start3A_53] : memref<6x112x128xf32, #tpu.memory_space<vmem>> -> memref<1x112x128xf32, #tpu.memory_space<vmem>>
      %dma_start3A_55 = tpu.memref_squeeze %dma_start3A_54 : memref<1x112x128xf32, #tpu.memory_space<vmem>> -> memref<112x128xf32, #tpu.memory_space<vmem>>
      %dma_start3A_56 = arith.constant 0 : i32
      %dma_start3A_57 = tpu.memref_slice %arg5[%dma_start3A_50, %dma_start3A_56] : memref<27x112xi32, #tpu.memory_space<vmem>> -> memref<1x112xi32, #tpu.memory_space<vmem>>
      %dma_start3A_58 = tpu.memref_squeeze %dma_start3A_57 : memref<1x112xi32, #tpu.memory_space<vmem>> -> memref<112xi32, #tpu.memory_space<vmem>>
      %dma_start3A_59 = arith.constant 0 : i32
      %dma_start3A_60 = arith.constant 0 : i32
      %dma_start3A_61 = tpu.memref_slice %arg2[%dma_start3A_59, %dma_start3A_60] : memref<1354752x128xf32, #tpu.memory_space<hbm>> -> memref<1354752x128xf32, #tpu.memory_space<hbm>>
      tpu.enqueue_indirect_dma source(%dma_start3A_61 : memref<1354752x128xf32, #tpu.memory_space<hbm>>) target(%dma_start3A_55 : memref<112x128xf32, #tpu.memory_space<vmem>>) offsets(%dma_start3A_58 : memref<112xi32, #tpu.memory_space<vmem>>) semaphore(%arg8 : memref<!tpu.dma_semaphore, #tpu.memory_space<semaphore_mem>>)
      %dma_start3A_62 = arith.constant 4 : i32
      %dma_start3A_63 = arith.constant 4 : i32
      %dma_start3A_64 = arith.constant 0 : i32
      %dma_start3A_65 = arith.constant 0 : i32
      %dma_start3A_66 = tpu.memref_slice %arg6[%dma_start3A_63, %dma_start3A_64, %dma_start3A_65] : memref<6x112x128xf32, #tpu.memory_space<vmem>> -> memref<1x112x128xf32, #tpu.memory_space<vmem>>
      %dma_start3A_67 = tpu.memref_squeeze %dma_start3A_66 : memref<1x112x128xf32, #tpu.memory_space<vmem>> -> memref<112x128xf32, #tpu.memory_space<vmem>>
      %dma_start3A_68 = arith.constant 0 : i32
      %dma_start3A_69 = tpu.memref_slice %arg5[%dma_start3A_62, %dma_start3A_68] : memref<27x112xi32, #tpu.memory_space<vmem>> -> memref<1x112xi32, #tpu.memory_space<vmem>>
      %dma_start3A_70 = tpu.memref_squeeze %dma_start3A_69 : memref<1x112xi32, #tpu.memory_space<vmem>> -> memref<112xi32, #tpu.memory_space<vmem>>
      %dma_start3A_71 = arith.constant 0 : i32
      %dma_start3A_72 = arith.constant 0 : i32
      %dma_start3A_73 = tpu.memref_slice %arg2[%dma_start3A_71, %dma_start3A_72] : memref<1354752x128xf32, #tpu.memory_space<hbm>> -> memref<1354752x128xf32, #tpu.memory_space<hbm>>
      tpu.enqueue_indirect_dma source(%dma_start3A_73 : memref<1354752x128xf32, #tpu.memory_space<hbm>>) target(%dma_start3A_67 : memref<112x128xf32, #tpu.memory_space<vmem>>) offsets(%dma_start3A_70 : memref<112xi32, #tpu.memory_space<vmem>>) semaphore(%arg8 : memref<!tpu.dma_semaphore, #tpu.memory_space<semaphore_mem>>)
      %dma_start3A_74 = arith.constant 5 : i32
      %dma_start3A_75 = arith.constant 5 : i32
      %dma_start3A_76 = arith.constant 0 : i32
      %dma_start3A_77 = arith.constant 0 : i32
      %dma_start3A_78 = tpu.memref_slice %arg6[%dma_start3A_75, %dma_start3A_76, %dma_start3A_77] : memref<6x112x128xf32, #tpu.memory_space<vmem>> -> memref<1x112x128xf32, #tpu.memory_space<vmem>>
      %dma_start3A_79 = tpu.memref_squeeze %dma_start3A_78 : memref<1x112x128xf32, #tpu.memory_space<vmem>> -> memref<112x128xf32, #tpu.memory_space<vmem>>
      %dma_start3A_80 = arith.constant 0 : i32
      %dma_start3A_81 = tpu.memref_slice %arg5[%dma_start3A_74, %dma_start3A_80] : memref<27x112xi32, #tpu.memory_space<vmem>> -> memref<1x112xi32, #tpu.memory_space<vmem>>
      %dma_start3A_82 = tpu.memref_squeeze %dma_start3A_81 : memref<1x112xi32, #tpu.memory_space<vmem>> -> memref<112xi32, #tpu.memory_space<vmem>>
      %dma_start3A_83 = arith.constant 0 : i32
      %dma_start3A_84 = arith.constant 0 : i32
      %dma_start3A_85 = tpu.memref_slice %arg2[%dma_start3A_83, %dma_start3A_84] : memref<1354752x128xf32, #tpu.memory_space<hbm>> -> memref<1354752x128xf32, #tpu.memory_space<hbm>>
      tpu.enqueue_indirect_dma source(%dma_start3A_85 : memref<1354752x128xf32, #tpu.memory_space<hbm>>) target(%dma_start3A_79 : memref<112x128xf32, #tpu.memory_space<vmem>>) offsets(%dma_start3A_82 : memref<112xi32, #tpu.memory_space<vmem>>) semaphore(%arg8 : memref<!tpu.dma_semaphore, #tpu.memory_space<semaphore_mem>>)
      %dma_wait3A = arith.constant 0 : i32
      %dma_wait3A_86 = arith.constant 0 : i32
      %dma_wait3A_87 = arith.constant 0 : i32
      %dma_wait3A_88 = arith.constant 0 : i32
      %dma_wait3A_89 = tpu.memref_slice %arg6[%dma_wait3A_86, %dma_wait3A_87, %dma_wait3A_88] : memref<6x112x128xf32, #tpu.memory_space<vmem>> -> memref<1x112x128xf32, #tpu.memory_space<vmem>>
      %dma_wait3A_90 = tpu.memref_squeeze %dma_wait3A_89 : memref<1x112x128xf32, #tpu.memory_space<vmem>> -> memref<112x128xf32, #tpu.memory_space<vmem>>
      %dma_wait3A_91 = arith.constant 0 : i32
      %dma_wait3A_92 = tpu.memref_slice %arg5[%dma_wait3A, %dma_wait3A_91] : memref<27x112xi32, #tpu.memory_space<vmem>> -> memref<1x112xi32, #tpu.memory_space<vmem>>
      %dma_wait3A_93 = tpu.memref_squeeze %dma_wait3A_92 : memref<1x112xi32, #tpu.memory_space<vmem>> -> memref<112xi32, #tpu.memory_space<vmem>>
      %dma_wait3A_94 = arith.constant 0 : i32
      %dma_wait3A_95 = arith.constant 0 : i32
      %dma_wait3A_96 = tpu.memref_slice %arg2[%dma_wait3A_94, %dma_wait3A_95] : memref<1354752x128xf32, #tpu.memory_space<hbm>> -> memref<1354752x128xf32, #tpu.memory_space<hbm>>
      tpu.wait_indirect_dma semaphore(%arg8 : memref<!tpu.dma_semaphore, #tpu.memory_space<semaphore_mem>>) src(%dma_wait3A_96 : memref<1354752x128xf32, #tpu.memory_space<hbm>>) dst(%dma_wait3A_90 : memref<112x128xf32, #tpu.memory_space<vmem>>)
      %dma_wait3A_97 = arith.constant 1 : i32
      %dma_wait3A_98 = arith.constant 1 : i32
      %dma_wait3A_99 = arith.constant 0 : i32
      %dma_wait3A_100 = arith.constant 0 : i32
      %dma_wait3A_101 = tpu.memref_slice %arg6[%dma_wait3A_98, %dma_wait3A_99, %dma_wait3A_100] : memref<6x112x128xf32, #tpu.memory_space<vmem>> -> memref<1x112x128xf32, #tpu.memory_space<vmem>>
      %dma_wait3A_102 = tpu.memref_squeeze %dma_wait3A_101 : memref<1x112x128xf32, #tpu.memory_space<vmem>> -> memref<112x128xf32, #tpu.memory_space<vmem>>
      %dma_wait3A_103 = arith.constant 0 : i32
      %dma_wait3A_104 = tpu.memref_slice %arg5[%dma_wait3A_97, %dma_wait3A_103] : memref<27x112xi32, #tpu.memory_space<vmem>> -> memref<1x112xi32, #tpu.memory_space<vmem>>
      %dma_wait3A_105 = tpu.memref_squeeze %dma_wait3A_104 : memref<1x112xi32, #tpu.memory_space<vmem>> -> memref<112xi32, #tpu.memory_space<vmem>>
      %dma_wait3A_106 = arith.constant 0 : i32
      %dma_wait3A_107 = arith.constant 0 : i32
      %dma_wait3A_108 = tpu.memref_slice %arg2[%dma_wait3A_106, %dma_wait3A_107] : memref<1354752x128xf32, #tpu.memory_space<hbm>> -> memref<1354752x128xf32, #tpu.memory_space<hbm>>
      tpu.wait_indirect_dma semaphore(%arg8 : memref<!tpu.dma_semaphore, #tpu.memory_space<semaphore_mem>>) src(%dma_wait3A_108 : memref<1354752x128xf32, #tpu.memory_space<hbm>>) dst(%dma_wait3A_102 : memref<112x128xf32, #tpu.memory_space<vmem>>)
      %dma_wait3A_109 = arith.constant 2 : i32
      %dma_wait3A_110 = arith.constant 2 : i32
      %dma_wait3A_111 = arith.constant 0 : i32
      %dma_wait3A_112 = arith.constant 0 : i32
      %dma_wait3A_113 = tpu.memref_slice %arg6[%dma_wait3A_110, %dma_wait3A_111, %dma_wait3A_112] : memref<6x112x128xf32, #tpu.memory_space<vmem>> -> memref<1x112x128xf32, #tpu.memory_space<vmem>>
      %dma_wait3A_114 = tpu.memref_squeeze %dma_wait3A_113 : memref<1x112x128xf32, #tpu.memory_space<vmem>> -> memref<112x128xf32, #tpu.memory_space<vmem>>
      %dma_wait3A_115 = arith.constant 0 : i32
      %dma_wait3A_116 = tpu.memref_slice %arg5[%dma_wait3A_109, %dma_wait3A_115] : memref<27x112xi32, #tpu.memory_space<vmem>> -> memref<1x112xi32, #tpu.memory_space<vmem>>
      %dma_wait3A_117 = tpu.memref_squeeze %dma_wait3A_116 : memref<1x112xi32, #tpu.memory_space<vmem>> -> memref<112xi32, #tpu.memory_space<vmem>>
      %dma_wait3A_118 = arith.constant 0 : i32
      %dma_wait3A_119 = arith.constant 0 : i32
      %dma_wait3A_120 = tpu.memref_slice %arg2[%dma_wait3A_118, %dma_wait3A_119] : memref<1354752x128xf32, #tpu.memory_space<hbm>> -> memref<1354752x128xf32, #tpu.memory_space<hbm>>
      tpu.wait_indirect_dma semaphore(%arg8 : memref<!tpu.dma_semaphore, #tpu.memory_space<semaphore_mem>>) src(%dma_wait3A_120 : memref<1354752x128xf32, #tpu.memory_space<hbm>>) dst(%dma_wait3A_114 : memref<112x128xf32, #tpu.memory_space<vmem>>)
      %parallel_loop3A = arith.constant 0 : i32
      %parallel_loop3A_121 = arith.constant 896 : i32
      %parallel_loop3A_122 = arith.constant 1 : i32
      scf.for %parallel_loop3A_687 = %parallel_loop3A to %parallel_loop3A_121 step %parallel_loop3A_122  : i32 {
        %parallel_loop3A_688 = arith.constant 8 : i32
        %parallel_loop3A_689 = arith.divsi %parallel_loop3A_687, %parallel_loop3A_688 : i32
        %parallel_loop3A_690 = arith.constant 0 : i32
        %parallel_loop3A_691 = arith.cmpi sgt, %parallel_loop3A_687, %parallel_loop3A_690 : i32
        %parallel_loop3A_692 = arith.extui %parallel_loop3A_691 : i1 to i32
        %parallel_loop3A_693 = arith.constant 0 : i32
        %parallel_loop3A_694 = arith.cmpi slt, %parallel_loop3A_687, %parallel_loop3A_693 : i32
        %parallel_loop3A_695 = arith.extui %parallel_loop3A_694 : i1 to i32
        %parallel_loop3A_696 = arith.subi %parallel_loop3A_692, %parallel_loop3A_695 : i32
        %parallel_loop3A_697 = arith.constant 0 : i32
        %parallel_loop3A_698 = arith.cmpi sgt, %parallel_loop3A_688, %parallel_loop3A_697 : i32
        %parallel_loop3A_699 = arith.extui %parallel_loop3A_698 : i1 to i32
        %parallel_loop3A_700 = arith.constant 0 : i32
        %parallel_loop3A_701 = arith.cmpi slt, %parallel_loop3A_688, %parallel_loop3A_700 : i32
        %parallel_loop3A_702 = arith.extui %parallel_loop3A_701 : i1 to i32
        %parallel_loop3A_703 = arith.subi %parallel_loop3A_699, %parallel_loop3A_702 : i32
        %parallel_loop3A_704 = arith.cmpi ne, %parallel_loop3A_696, %parallel_loop3A_703 : i32
        %parallel_loop3A_705 = arith.remsi %parallel_loop3A_687, %parallel_loop3A_688 : i32
        %parallel_loop3A_706 = arith.constant 0 : i32
        %parallel_loop3A_707 = arith.cmpi ne, %parallel_loop3A_705, %parallel_loop3A_706 : i32
        %parallel_loop3A_708 = arith.andi %parallel_loop3A_704, %parallel_loop3A_707 : i1
        %parallel_loop3A_709 = arith.constant 1 : i32
        %parallel_loop3A_710 = arith.subi %parallel_loop3A_689, %parallel_loop3A_709 : i32
        %parallel_loop3A_711 = arith.select %parallel_loop3A_708, %parallel_loop3A_710, %parallel_loop3A_689 : i32
        %parallel_loop3A_712 = arith.constant 8 : i32
        %parallel_loop3A_713 = arith.constant 0 : i32
        %parallel_loop3A_714 = arith.cmpi eq, %parallel_loop3A_712, %parallel_loop3A_713 : i32
        %parallel_loop3A_715 = arith.constant 1 : i32
        %parallel_loop3A_716 = arith.select %parallel_loop3A_714, %parallel_loop3A_715, %parallel_loop3A_712 : i32
        %parallel_loop3A_717 = arith.remsi %parallel_loop3A_687, %parallel_loop3A_716 : i32
        %parallel_loop3A_718 = arith.constant 0 : i32
        %parallel_loop3A_719 = arith.cmpi ne, %parallel_loop3A_717, %parallel_loop3A_718 : i32
        %parallel_loop3A_720 = arith.constant 0 : i32
        %parallel_loop3A_721 = arith.cmpi slt, %parallel_loop3A_717, %parallel_loop3A_720 : i32
        %parallel_loop3A_722 = arith.constant 0 : i32
        %parallel_loop3A_723 = arith.cmpi slt, %parallel_loop3A_716, %parallel_loop3A_722 : i32
        %parallel_loop3A_724 = arith.xori %parallel_loop3A_721, %parallel_loop3A_723 : i1
        %parallel_loop3A_725 = arith.andi %parallel_loop3A_724, %parallel_loop3A_719 : i1
        %parallel_loop3A_726 = arith.addi %parallel_loop3A_717, %parallel_loop3A_716 : i32
        %parallel_loop3A_727 = arith.select %parallel_loop3A_725, %parallel_loop3A_726, %parallel_loop3A_717 : i32
        %parallel_loop3A_728 = arith.constant 16 : i32
        %parallel_loop3A_729 = arith.muli %parallel_loop3A_727, %parallel_loop3A_728 : i32
        %parallel_loop3A_730 = arith.constant 0 : i32
        %parallel_loop3A_731 = arith.index_cast %parallel_loop3A_730 : i32 to index
        %parallel_loop3A_732 = arith.index_cast %parallel_loop3A_711 : i32 to index
        %parallel_loop3A_733 = arith.index_cast %parallel_loop3A_729 : i32 to index
        %parallel_loop3A_734 = tpu.vector_load %arg6[%parallel_loop3A_731, %parallel_loop3A_732, %parallel_loop3A_733] {strides = array<i32>} : memref<6x112x128xf32, #tpu.memory_space<vmem>>, vector<1x1x16xf32>,
        %parallel_loop3A_735 = vector.shape_cast %parallel_loop3A_734 : vector<1x1x16xf32> to vector<16xf32>
        %parallel_loop3A_736 = arith.constant 1 : i32
        %parallel_loop3A_737 = arith.index_cast %parallel_loop3A_736 : i32 to index
        %parallel_loop3A_738 = arith.index_cast %parallel_loop3A_711 : i32 to index
        %parallel_loop3A_739 = arith.index_cast %parallel_loop3A_729 : i32 to index
        %parallel_loop3A_740 = tpu.vector_load %arg6[%parallel_loop3A_737, %parallel_loop3A_738, %parallel_loop3A_739] {strides = array<i32>} : memref<6x112x128xf32, #tpu.memory_space<vmem>>, vector<1x1x16xf32>,
        %parallel_loop3A_741 = vector.shape_cast %parallel_loop3A_740 : vector<1x1x16xf32> to vector<16xf32>
        %parallel_loop3A_742 = arith.addf %parallel_loop3A_735, %parallel_loop3A_741 : vector<16xf32>
        %parallel_loop3A_743 = arith.constant 2 : i32
        %parallel_loop3A_744 = arith.index_cast %parallel_loop3A_743 : i32 to index
        %parallel_loop3A_745 = arith.index_cast %parallel_loop3A_711 : i32 to index
        %parallel_loop3A_746 = arith.index_cast %parallel_loop3A_729 : i32 to index
        %parallel_loop3A_747 = tpu.vector_load %arg6[%parallel_loop3A_744, %parallel_loop3A_745, %parallel_loop3A_746] {strides = array<i32>} : memref<6x112x128xf32, #tpu.memory_space<vmem>>, vector<1x1x16xf32>,
        %parallel_loop3A_748 = vector.shape_cast %parallel_loop3A_747 : vector<1x1x16xf32> to vector<16xf32>
        %parallel_loop3A_749 = arith.addf %parallel_loop3A_742, %parallel_loop3A_748 : vector<16xf32>
        %parallel_loop3A_750 = arith.index_cast %parallel_loop3A_711 : i32 to index
        %parallel_loop3A_751 = arith.index_cast %parallel_loop3A_729 : i32 to index
        %parallel_loop3A_752 = tpu.vector_load %arg7[%parallel_loop3A_750, %parallel_loop3A_751] {strides = array<i32>} : memref<112x128xf32, #tpu.memory_space<vmem>>, vector<1x16xf32>,
        %parallel_loop3A_753 = vector.shape_cast %parallel_loop3A_752 : vector<1x16xf32> to vector<16xf32>
        %parallel_loop3A_754 = vector.shape_cast %parallel_loop3A_749 : vector<16xf32> to vector<1x16xf32>
        tpu.vector_store %arg7[%parallel_loop3A_750, %parallel_loop3A_751], %parallel_loop3A_754 {strides = array<i32>} : memref<112x128xf32, #tpu.memory_space<vmem>>, vector<1x16xf32>,
      } {sc.loop_unroll_factor = 4 : i64, sc.parallel_access}
      %dma_start3A_123 = arith.constant 6 : i32
      %dma_start3A_124 = arith.constant 0 : i32
      %dma_start3A_125 = arith.constant 0 : i32
      %dma_start3A_126 = arith.constant 0 : i32
      %dma_start3A_127 = tpu.memref_slice %arg6[%dma_start3A_124, %dma_start3A_125, %dma_start3A_126] : memref<6x112x128xf32, #tpu.memory_space<vmem>> -> memref<1x112x128xf32, #tpu.memory_space<vmem>>
      %dma_start3A_128 = tpu.memref_squeeze %dma_start3A_127 : memref<1x112x128xf32, #tpu.memory_space<vmem>> -> memref<112x128xf32, #tpu.memory_space<vmem>>
      %dma_start3A_129 = arith.constant 0 : i32
      %dma_start3A_130 = tpu.memref_slice %arg5[%dma_start3A_123, %dma_start3A_129] : memref<27x112xi32, #tpu.memory_space<vmem>> -> memref<1x112xi32, #tpu.memory_space<vmem>>
      %dma_start3A_131 = tpu.memref_squeeze %dma_start3A_130 : memref<1x112xi32, #tpu.memory_space<vmem>> -> memref<112xi32, #tpu.memory_space<vmem>>
      %dma_start3A_132 = arith.constant 0 : i32
      %dma_start3A_133 = arith.constant 0 : i32
      %dma_start3A_134 = tpu.memref_slice %arg2[%dma_start3A_132, %dma_start3A_133] : memref<1354752x128xf32, #tpu.memory_space<hbm>> -> memref<1354752x128xf32, #tpu.memory_space<hbm>>
      tpu.enqueue_indirect_dma source(%dma_start3A_134 : memref<1354752x128xf32, #tpu.memory_space<hbm>>) target(%dma_start3A_128 : memref<112x128xf32, #tpu.memory_space<vmem>>) offsets(%dma_start3A_131 : memref<112xi32, #tpu.memory_space<vmem>>) semaphore(%arg8 : memref<!tpu.dma_semaphore, #tpu.memory_space<semaphore_mem>>)
      %dma_start3A_135 = arith.constant 7 : i32
      %dma_start3A_136 = arith.constant 1 : i32
      %dma_start3A_137 = arith.constant 0 : i32
      %dma_start3A_138 = arith.constant 0 : i32
      %dma_start3A_139 = tpu.memref_slice %arg6[%dma_start3A_136, %dma_start3A_137, %dma_start3A_138] : memref<6x112x128xf32, #tpu.memory_space<vmem>> -> memref<1x112x128xf32, #tpu.memory_space<vmem>>
      %dma_start3A_140 = tpu.memref_squeeze %dma_start3A_139 : memref<1x112x128xf32, #tpu.memory_space<vmem>> -> memref<112x128xf32, #tpu.memory_space<vmem>>
      %dma_start3A_141 = arith.constant 0 : i32
      %dma_start3A_142 = tpu.memref_slice %arg5[%dma_start3A_135, %dma_start3A_141] : memref<27x112xi32, #tpu.memory_space<vmem>> -> memref<1x112xi32, #tpu.memory_space<vmem>>
      %dma_start3A_143 = tpu.memref_squeeze %dma_start3A_142 : memref<1x112xi32, #tpu.memory_space<vmem>> -> memref<112xi32, #tpu.memory_space<vmem>>
      %dma_start3A_144 = arith.constant 0 : i32
      %dma_start3A_145 = arith.constant 0 : i32
      %dma_start3A_146 = tpu.memref_slice %arg2[%dma_start3A_144, %dma_start3A_145] : memref<1354752x128xf32, #tpu.memory_space<hbm>> -> memref<1354752x128xf32, #tpu.memory_space<hbm>>
      tpu.enqueue_indirect_dma source(%dma_start3A_146 : memref<1354752x128xf32, #tpu.memory_space<hbm>>) target(%dma_start3A_140 : memref<112x128xf32, #tpu.memory_space<vmem>>) offsets(%dma_start3A_143 : memref<112xi32, #tpu.memory_space<vmem>>) semaphore(%arg8 : memref<!tpu.dma_semaphore, #tpu.memory_space<semaphore_mem>>)
      %dma_start3A_147 = arith.constant 8 : i32
      %dma_start3A_148 = arith.constant 2 : i32
      %dma_start3A_149 = arith.constant 0 : i32
      %dma_start3A_150 = arith.constant 0 : i32
      %dma_start3A_151 = tpu.memref_slice %arg6[%dma_start3A_148, %dma_start3A_149, %dma_start3A_150] : memref<6x112x128xf32, #tpu.memory_space<vmem>> -> memref<1x112x128xf32, #tpu.memory_space<vmem>>
      %dma_start3A_152 = tpu.memref_squeeze %dma_start3A_151 : memref<1x112x128xf32, #tpu.memory_space<vmem>> -> memref<112x128xf32, #tpu.memory_space<vmem>>
      %dma_start3A_153 = arith.constant 0 : i32
      %dma_start3A_154 = tpu.memref_slice %arg5[%dma_start3A_147, %dma_start3A_153] : memref<27x112xi32, #tpu.memory_space<vmem>> -> memref<1x112xi32, #tpu.memory_space<vmem>>
      %dma_start3A_155 = tpu.memref_squeeze %dma_start3A_154 : memref<1x112xi32, #tpu.memory_space<vmem>> -> memref<112xi32, #tpu.memory_space<vmem>>
      %dma_start3A_156 = arith.constant 0 : i32
      %dma_start3A_157 = arith.constant 0 : i32
      %dma_start3A_158 = tpu.memref_slice %arg2[%dma_start3A_156, %dma_start3A_157] : memref<1354752x128xf32, #tpu.memory_space<hbm>> -> memref<1354752x128xf32, #tpu.memory_space<hbm>>
      tpu.enqueue_indirect_dma source(%dma_start3A_158 : memref<1354752x128xf32, #tpu.memory_space<hbm>>) target(%dma_start3A_152 : memref<112x128xf32, #tpu.memory_space<vmem>>) offsets(%dma_start3A_155 : memref<112xi32, #tpu.memory_space<vmem>>) semaphore(%arg8 : memref<!tpu.dma_semaphore, #tpu.memory_space<semaphore_mem>>)
      %dma_wait3A_159 = arith.constant 3 : i32
      %dma_wait3A_160 = arith.constant 3 : i32
      %dma_wait3A_161 = arith.constant 0 : i32
      %dma_wait3A_162 = arith.constant 0 : i32
      %dma_wait3A_163 = tpu.memref_slice %arg6[%dma_wait3A_160, %dma_wait3A_161, %dma_wait3A_162] : memref<6x112x128xf32, #tpu.memory_space<vmem>> -> memref<1x112x128xf32, #tpu.memory_space<vmem>>
      %dma_wait3A_164 = tpu.memref_squeeze %dma_wait3A_163 : memref<1x112x128xf32, #tpu.memory_space<vmem>> -> memref<112x128xf32, #tpu.memory_space<vmem>>
      %dma_wait3A_165 = arith.constant 0 : i32
      %dma_wait3A_166 = tpu.memref_slice %arg5[%dma_wait3A_159, %dma_wait3A_165] : memref<27x112xi32, #tpu.memory_space<vmem>> -> memref<1x112xi32, #tpu.memory_space<vmem>>
      %dma_wait3A_167 = tpu.memref_squeeze %dma_wait3A_166 : memref<1x112xi32, #tpu.memory_space<vmem>> -> memref<112xi32, #tpu.memory_space<vmem>>
      %dma_wait3A_168 = arith.constant 0 : i32
      %dma_wait3A_169 = arith.constant 0 : i32
      %dma_wait3A_170 = tpu.memref_slice %arg2[%dma_wait3A_168, %dma_wait3A_169] : memref<1354752x128xf32, #tpu.memory_space<hbm>> -> memref<1354752x128xf32, #tpu.memory_space<hbm>>
      tpu.wait_indirect_dma semaphore(%arg8 : memref<!tpu.dma_semaphore, #tpu.memory_space<semaphore_mem>>) src(%dma_wait3A_170 : memref<1354752x128xf32, #tpu.memory_space<hbm>>) dst(%dma_wait3A_164 : memref<112x128xf32, #tpu.memory_space<vmem>>)
      %dma_wait3A_171 = arith.constant 4 : i32
      %dma_wait3A_172 = arith.constant 4 : i32
      %dma_wait3A_173 = arith.constant 0 : i32
      %dma_wait3A_174 = arith.constant 0 : i32
      %dma_wait3A_175 = tpu.memref_slice %arg6[%dma_wait3A_172, %dma_wait3A_173, %dma_wait3A_174] : memref<6x112x128xf32, #tpu.memory_space<vmem>> -> memref<1x112x128xf32, #tpu.memory_space<vmem>>
      %dma_wait3A_176 = tpu.memref_squeeze %dma_wait3A_175 : memref<1x112x128xf32, #tpu.memory_space<vmem>> -> memref<112x128xf32, #tpu.memory_space<vmem>>
      %dma_wait3A_177 = arith.constant 0 : i32
      %dma_wait3A_178 = tpu.memref_slice %arg5[%dma_wait3A_171, %dma_wait3A_177] : memref<27x112xi32, #tpu.memory_space<vmem>> -> memref<1x112xi32, #tpu.memory_space<vmem>>
      %dma_wait3A_179 = tpu.memref_squeeze %dma_wait3A_178 : memref<1x112xi32, #tpu.memory_space<vmem>> -> memref<112xi32, #tpu.memory_space<vmem>>
      %dma_wait3A_180 = arith.constant 0 : i32
      %dma_wait3A_181 = arith.constant 0 : i32
      %dma_wait3A_182 = tpu.memref_slice %arg2[%dma_wait3A_180, %dma_wait3A_181] : memref<1354752x128xf32, #tpu.memory_space<hbm>> -> memref<1354752x128xf32, #tpu.memory_space<hbm>>
      tpu.wait_indirect_dma semaphore(%arg8 : memref<!tpu.dma_semaphore, #tpu.memory_space<semaphore_mem>>) src(%dma_wait3A_182 : memref<1354752x128xf32, #tpu.memory_space<hbm>>) dst(%dma_wait3A_176 : memref<112x128xf32, #tpu.memory_space<vmem>>)
      %dma_wait3A_183 = arith.constant 5 : i32
      %dma_wait3A_184 = arith.constant 5 : i32
      %dma_wait3A_185 = arith.constant 0 : i32
      %dma_wait3A_186 = arith.constant 0 : i32
      %dma_wait3A_187 = tpu.memref_slice %arg6[%dma_wait3A_184, %dma_wait3A_185, %dma_wait3A_186] : memref<6x112x128xf32, #tpu.memory_space<vmem>> -> memref<1x112x128xf32, #tpu.memory_space<vmem>>
      %dma_wait3A_188 = tpu.memref_squeeze %dma_wait3A_187 : memref<1x112x128xf32, #tpu.memory_space<vmem>> -> memref<112x128xf32, #tpu.memory_space<vmem>>
      %dma_wait3A_189 = arith.constant 0 : i32
      %dma_wait3A_190 = tpu.memref_slice %arg5[%dma_wait3A_183, %dma_wait3A_189] : memref<27x112xi32, #tpu.memory_space<vmem>> -> memref<1x112xi32, #tpu.memory_space<vmem>>
      %dma_wait3A_191 = tpu.memref_squeeze %dma_wait3A_190 : memref<1x112xi32, #tpu.memory_space<vmem>> -> memref<112xi32, #tpu.memory_space<vmem>>
      %dma_wait3A_192 = arith.constant 0 : i32
      %dma_wait3A_193 = arith.constant 0 : i32
      %dma_wait3A_194 = tpu.memref_slice %arg2[%dma_wait3A_192, %dma_wait3A_193] : memref<1354752x128xf32, #tpu.memory_space<hbm>> -> memref<1354752x128xf32, #tpu.memory_space<hbm>>
      tpu.wait_indirect_dma semaphore(%arg8 : memref<!tpu.dma_semaphore, #tpu.memory_space<semaphore_mem>>) src(%dma_wait3A_194 : memref<1354752x128xf32, #tpu.memory_space<hbm>>) dst(%dma_wait3A_188 : memref<112x128xf32, #tpu.memory_space<vmem>>)
      %parallel_loop3A_195 = arith.constant 0 : i32
      %parallel_loop3A_196 = arith.constant 896 : i32
      %parallel_loop3A_197 = arith.constant 1 : i32
      scf.for %parallel_loop3A_687 = %parallel_loop3A_195 to %parallel_loop3A_196 step %parallel_loop3A_197  : i32 {
        %parallel_loop3A_688 = arith.constant 8 : i32
        %parallel_loop3A_689 = arith.divsi %parallel_loop3A_687, %parallel_loop3A_688 : i32
        %parallel_loop3A_690 = arith.constant 0 : i32
        %parallel_loop3A_691 = arith.cmpi sgt, %parallel_loop3A_687, %parallel_loop3A_690 : i32
        %parallel_loop3A_692 = arith.extui %parallel_loop3A_691 : i1 to i32
        %parallel_loop3A_693 = arith.constant 0 : i32
        %parallel_loop3A_694 = arith.cmpi slt, %parallel_loop3A_687, %parallel_loop3A_693 : i32
        %parallel_loop3A_695 = arith.extui %parallel_loop3A_694 : i1 to i32
        %parallel_loop3A_696 = arith.subi %parallel_loop3A_692, %parallel_loop3A_695 : i32
        %parallel_loop3A_697 = arith.constant 0 : i32
        %parallel_loop3A_698 = arith.cmpi sgt, %parallel_loop3A_688, %parallel_loop3A_697 : i32
        %parallel_loop3A_699 = arith.extui %parallel_loop3A_698 : i1 to i32
        %parallel_loop3A_700 = arith.constant 0 : i32
        %parallel_loop3A_701 = arith.cmpi slt, %parallel_loop3A_688, %parallel_loop3A_700 : i32
        %parallel_loop3A_702 = arith.extui %parallel_loop3A_701 : i1 to i32
        %parallel_loop3A_703 = arith.subi %parallel_loop3A_699, %parallel_loop3A_702 : i32
        %parallel_loop3A_704 = arith.cmpi ne, %parallel_loop3A_696, %parallel_loop3A_703 : i32
        %parallel_loop3A_705 = arith.remsi %parallel_loop3A_687, %parallel_loop3A_688 : i32
        %parallel_loop3A_706 = arith.constant 0 : i32
        %parallel_loop3A_707 = arith.cmpi ne, %parallel_loop3A_705, %parallel_loop3A_706 : i32
        %parallel_loop3A_708 = arith.andi %parallel_loop3A_704, %parallel_loop3A_707 : i1
        %parallel_loop3A_709 = arith.constant 1 : i32
        %parallel_loop3A_710 = arith.subi %parallel_loop3A_689, %parallel_loop3A_709 : i32
        %parallel_loop3A_711 = arith.select %parallel_loop3A_708, %parallel_loop3A_710, %parallel_loop3A_689 : i32
        %parallel_loop3A_712 = arith.constant 8 : i32
        %parallel_loop3A_713 = arith.constant 0 : i32
        %parallel_loop3A_714 = arith.cmpi eq, %parallel_loop3A_712, %parallel_loop3A_713 : i32
        %parallel_loop3A_715 = arith.constant 1 : i32
        %parallel_loop3A_716 = arith.select %parallel_loop3A_714, %parallel_loop3A_715, %parallel_loop3A_712 : i32
        %parallel_loop3A_717 = arith.remsi %parallel_loop3A_687, %parallel_loop3A_716 : i32
        %parallel_loop3A_718 = arith.constant 0 : i32
        %parallel_loop3A_719 = arith.cmpi ne, %parallel_loop3A_717, %parallel_loop3A_718 : i32
        %parallel_loop3A_720 = arith.constant 0 : i32
        %parallel_loop3A_721 = arith.cmpi slt, %parallel_loop3A_717, %parallel_loop3A_720 : i32
        %parallel_loop3A_722 = arith.constant 0 : i32
        %parallel_loop3A_723 = arith.cmpi slt, %parallel_loop3A_716, %parallel_loop3A_722 : i32
        %parallel_loop3A_724 = arith.xori %parallel_loop3A_721, %parallel_loop3A_723 : i1
        %parallel_loop3A_725 = arith.andi %parallel_loop3A_724, %parallel_loop3A_719 : i1
        %parallel_loop3A_726 = arith.addi %parallel_loop3A_717, %parallel_loop3A_716 : i32
        %parallel_loop3A_727 = arith.select %parallel_loop3A_725, %parallel_loop3A_726, %parallel_loop3A_717 : i32
        %parallel_loop3A_728 = arith.constant 16 : i32
        %parallel_loop3A_729 = arith.muli %parallel_loop3A_727, %parallel_loop3A_728 : i32
        %parallel_loop3A_730 = arith.constant 3 : i32
        %parallel_loop3A_731 = arith.index_cast %parallel_loop3A_730 : i32 to index
        %parallel_loop3A_732 = arith.index_cast %parallel_loop3A_711 : i32 to index
        %parallel_loop3A_733 = arith.index_cast %parallel_loop3A_729 : i32 to index
        %parallel_loop3A_734 = tpu.vector_load %arg6[%parallel_loop3A_731, %parallel_loop3A_732, %parallel_loop3A_733] {strides = array<i32>} : memref<6x112x128xf32, #tpu.memory_space<vmem>>, vector<1x1x16xf32>,
        %parallel_loop3A_735 = vector.shape_cast %parallel_loop3A_734 : vector<1x1x16xf32> to vector<16xf32>
        %parallel_loop3A_736 = arith.constant 4 : i32
        %parallel_loop3A_737 = arith.index_cast %parallel_loop3A_736 : i32 to index
        %parallel_loop3A_738 = arith.index_cast %parallel_loop3A_711 : i32 to index
        %parallel_loop3A_739 = arith.index_cast %parallel_loop3A_729 : i32 to index
        %parallel_loop3A_740 = tpu.vector_load %arg6[%parallel_loop3A_737, %parallel_loop3A_738, %parallel_loop3A_739] {strides = array<i32>} : memref<6x112x128xf32, #tpu.memory_space<vmem>>, vector<1x1x16xf32>,
        %parallel_loop3A_741 = vector.shape_cast %parallel_loop3A_740 : vector<1x1x16xf32> to vector<16xf32>
        %parallel_loop3A_742 = arith.addf %parallel_loop3A_735, %parallel_loop3A_741 : vector<16xf32>
        %parallel_loop3A_743 = arith.constant 5 : i32
        %parallel_loop3A_744 = arith.index_cast %parallel_loop3A_743 : i32 to index
        %parallel_loop3A_745 = arith.index_cast %parallel_loop3A_711 : i32 to index
        %parallel_loop3A_746 = arith.index_cast %parallel_loop3A_729 : i32 to index
        %parallel_loop3A_747 = tpu.vector_load %arg6[%parallel_loop3A_744, %parallel_loop3A_745, %parallel_loop3A_746] {strides = array<i32>} : memref<6x112x128xf32, #tpu.memory_space<vmem>>, vector<1x1x16xf32>,
        %parallel_loop3A_748 = vector.shape_cast %parallel_loop3A_747 : vector<1x1x16xf32> to vector<16xf32>
        %parallel_loop3A_749 = arith.addf %parallel_loop3A_742, %parallel_loop3A_748 : vector<16xf32>
        %parallel_loop3A_750 = arith.index_cast %parallel_loop3A_711 : i32 to index
        %parallel_loop3A_751 = arith.index_cast %parallel_loop3A_729 : i32 to index
        %parallel_loop3A_752 = tpu.vector_load %arg7[%parallel_loop3A_750, %parallel_loop3A_751] {strides = array<i32>} : memref<112x128xf32, #tpu.memory_space<vmem>>, vector<1x16xf32>,
        %parallel_loop3A_753 = vector.shape_cast %parallel_loop3A_752 : vector<1x16xf32> to vector<16xf32>
        %parallel_loop3A_754 = vector.shape_cast %parallel_loop3A_749 : vector<16xf32> to vector<1x16xf32>
        tpu.vector_store %arg7[%parallel_loop3A_750, %parallel_loop3A_751], %parallel_loop3A_754 {add = true, strides = array<i32>} : memref<112x128xf32, #tpu.memory_space<vmem>>, vector<1x16xf32>,
      } {sc.loop_unroll_factor = 4 : i64, sc.parallel_access}
      %dma_start3A_198 = arith.constant 9 : i32
      %dma_start3A_199 = arith.constant 3 : i32
      %dma_start3A_200 = arith.constant 0 : i32
      %dma_start3A_201 = arith.constant 0 : i32
      %dma_start3A_202 = tpu.memref_slice %arg6[%dma_start3A_199, %dma_start3A_200, %dma_start3A_201] : memref<6x112x128xf32, #tpu.memory_space<vmem>> -> memref<1x112x128xf32, #tpu.memory_space<vmem>>
      %dma_start3A_203 = tpu.memref_squeeze %dma_start3A_202 : memref<1x112x128xf32, #tpu.memory_space<vmem>> -> memref<112x128xf32, #tpu.memory_space<vmem>>
      %dma_start3A_204 = arith.constant 0 : i32
      %dma_start3A_205 = tpu.memref_slice %arg5[%dma_start3A_198, %dma_start3A_204] : memref<27x112xi32, #tpu.memory_space<vmem>> -> memref<1x112xi32, #tpu.memory_space<vmem>>
      %dma_start3A_206 = tpu.memref_squeeze %dma_start3A_205 : memref<1x112xi32, #tpu.memory_space<vmem>> -> memref<112xi32, #tpu.memory_space<vmem>>
      %dma_start3A_207 = arith.constant 0 : i32
      %dma_start3A_208 = arith.constant 0 : i32
      %dma_start3A_209 = tpu.memref_slice %arg2[%dma_start3A_207, %dma_start3A_208] : memref<1354752x128xf32, #tpu.memory_space<hbm>> -> memref<1354752x128xf32, #tpu.memory_space<hbm>>
      tpu.enqueue_indirect_dma source(%dma_start3A_209 : memref<1354752x128xf32, #tpu.memory_space<hbm>>) target(%dma_start3A_203 : memref<112x128xf32, #tpu.memory_space<vmem>>) offsets(%dma_start3A_206 : memref<112xi32, #tpu.memory_space<vmem>>) semaphore(%arg8 : memref<!tpu.dma_semaphore, #tpu.memory_space<semaphore_mem>>)
      %dma_start3A_210 = arith.constant 10 : i32
      %dma_start3A_211 = arith.constant 4 : i32
      %dma_start3A_212 = arith.constant 0 : i32
      %dma_start3A_213 = arith.constant 0 : i32
      %dma_start3A_214 = tpu.memref_slice %arg6[%dma_start3A_211, %dma_start3A_212, %dma_start3A_213] : memref<6x112x128xf32, #tpu.memory_space<vmem>> -> memref<1x112x128xf32, #tpu.memory_space<vmem>>
      %dma_start3A_215 = tpu.memref_squeeze %dma_start3A_214 : memref<1x112x128xf32, #tpu.memory_space<vmem>> -> memref<112x128xf32, #tpu.memory_space<vmem>>
      %dma_start3A_216 = arith.constant 0 : i32
      %dma_start3A_217 = tpu.memref_slice %arg5[%dma_start3A_210, %dma_start3A_216] : memref<27x112xi32, #tpu.memory_space<vmem>> -> memref<1x112xi32, #tpu.memory_space<vmem>>
      %dma_start3A_218 = tpu.memref_squeeze %dma_start3A_217 : memref<1x112xi32, #tpu.memory_space<vmem>> -> memref<112xi32, #tpu.memory_space<vmem>>
      %dma_start3A_219 = arith.constant 0 : i32
      %dma_start3A_220 = arith.constant 0 : i32
      %dma_start3A_221 = tpu.memref_slice %arg2[%dma_start3A_219, %dma_start3A_220] : memref<1354752x128xf32, #tpu.memory_space<hbm>> -> memref<1354752x128xf32, #tpu.memory_space<hbm>>
      tpu.enqueue_indirect_dma source(%dma_start3A_221 : memref<1354752x128xf32, #tpu.memory_space<hbm>>) target(%dma_start3A_215 : memref<112x128xf32, #tpu.memory_space<vmem>>) offsets(%dma_start3A_218 : memref<112xi32, #tpu.memory_space<vmem>>) semaphore(%arg8 : memref<!tpu.dma_semaphore, #tpu.memory_space<semaphore_mem>>)
      %dma_start3A_222 = arith.constant 11 : i32
      %dma_start3A_223 = arith.constant 5 : i32
      %dma_start3A_224 = arith.constant 0 : i32
      %dma_start3A_225 = arith.constant 0 : i32
      %dma_start3A_226 = tpu.memref_slice %arg6[%dma_start3A_223, %dma_start3A_224, %dma_start3A_225] : memref<6x112x128xf32, #tpu.memory_space<vmem>> -> memref<1x112x128xf32, #tpu.memory_space<vmem>>
      %dma_start3A_227 = tpu.memref_squeeze %dma_start3A_226 : memref<1x112x128xf32, #tpu.memory_space<vmem>> -> memref<112x128xf32, #tpu.memory_space<vmem>>
      %dma_start3A_228 = arith.constant 0 : i32
      %dma_start3A_229 = tpu.memref_slice %arg5[%dma_start3A_222, %dma_start3A_228] : memref<27x112xi32, #tpu.memory_space<vmem>> -> memref<1x112xi32, #tpu.memory_space<vmem>>
      %dma_start3A_230 = tpu.memref_squeeze %dma_start3A_229 : memref<1x112xi32, #tpu.memory_space<vmem>> -> memref<112xi32, #tpu.memory_space<vmem>>
      %dma_start3A_231 = arith.constant 0 : i32
      %dma_start3A_232 = arith.constant 0 : i32
      %dma_start3A_233 = tpu.memref_slice %arg2[%dma_start3A_231, %dma_start3A_232] : memref<1354752x128xf32, #tpu.memory_space<hbm>> -> memref<1354752x128xf32, #tpu.memory_space<hbm>>
      tpu.enqueue_indirect_dma source(%dma_start3A_233 : memref<1354752x128xf32, #tpu.memory_space<hbm>>) target(%dma_start3A_227 : memref<112x128xf32, #tpu.memory_space<vmem>>) offsets(%dma_start3A_230 : memref<112xi32, #tpu.memory_space<vmem>>) semaphore(%arg8 : memref<!tpu.dma_semaphore, #tpu.memory_space<semaphore_mem>>)
      %dma_wait3A_234 = arith.constant 6 : i32
      %dma_wait3A_235 = arith.constant 0 : i32
      %dma_wait3A_236 = arith.constant 0 : i32
      %dma_wait3A_237 = arith.constant 0 : i32
      %dma_wait3A_238 = tpu.memref_slice %arg6[%dma_wait3A_235, %dma_wait3A_236, %dma_wait3A_237] : memref<6x112x128xf32, #tpu.memory_space<vmem>> -> memref<1x112x128xf32, #tpu.memory_space<vmem>>
      %dma_wait3A_239 = tpu.memref_squeeze %dma_wait3A_238 : memref<1x112x128xf32, #tpu.memory_space<vmem>> -> memref<112x128xf32, #tpu.memory_space<vmem>>
      %dma_wait3A_240 = arith.constant 0 : i32
      %dma_wait3A_241 = tpu.memref_slice %arg5[%dma_wait3A_234, %dma_wait3A_240] : memref<27x112xi32, #tpu.memory_space<vmem>> -> memref<1x112xi32, #tpu.memory_space<vmem>>
      %dma_wait3A_242 = tpu.memref_squeeze %dma_wait3A_241 : memref<1x112xi32, #tpu.memory_space<vmem>> -> memref<112xi32, #tpu.memory_space<vmem>>
      %dma_wait3A_243 = arith.constant 0 : i32
      %dma_wait3A_244 = arith.constant 0 : i32
      %dma_wait3A_245 = tpu.memref_slice %arg2[%dma_wait3A_243, %dma_wait3A_244] : memref<1354752x128xf32, #tpu.memory_space<hbm>> -> memref<1354752x128xf32, #tpu.memory_space<hbm>>
      tpu.wait_indirect_dma semaphore(%arg8 : memref<!tpu.dma_semaphore, #tpu.memory_space<semaphore_mem>>) src(%dma_wait3A_245 : memref<1354752x128xf32, #tpu.memory_space<hbm>>) dst(%dma_wait3A_239 : memref<112x128xf32, #tpu.memory_space<vmem>>)
      %dma_wait3A_246 = arith.constant 7 : i32
      %dma_wait3A_247 = arith.constant 1 : i32
      %dma_wait3A_248 = arith.constant 0 : i32
      %dma_wait3A_249 = arith.constant 0 : i32
      %dma_wait3A_250 = tpu.memref_slice %arg6[%dma_wait3A_247, %dma_wait3A_248, %dma_wait3A_249] : memref<6x112x128xf32, #tpu.memory_space<vmem>> -> memref<1x112x128xf32, #tpu.memory_space<vmem>>
      %dma_wait3A_251 = tpu.memref_squeeze %dma_wait3A_250 : memref<1x112x128xf32, #tpu.memory_space<vmem>> -> memref<112x128xf32, #tpu.memory_space<vmem>>
      %dma_wait3A_252 = arith.constant 0 : i32
      %dma_wait3A_253 = tpu.memref_slice %arg5[%dma_wait3A_246, %dma_wait3A_252] : memref<27x112xi32, #tpu.memory_space<vmem>> -> memref<1x112xi32, #tpu.memory_space<vmem>>
      %dma_wait3A_254 = tpu.memref_squeeze %dma_wait3A_253 : memref<1x112xi32, #tpu.memory_space<vmem>> -> memref<112xi32, #tpu.memory_space<vmem>>
      %dma_wait3A_255 = arith.constant 0 : i32
      %dma_wait3A_256 = arith.constant 0 : i32
      %dma_wait3A_257 = tpu.memref_slice %arg2[%dma_wait3A_255, %dma_wait3A_256] : memref<1354752x128xf32, #tpu.memory_space<hbm>> -> memref<1354752x128xf32, #tpu.memory_space<hbm>>
      tpu.wait_indirect_dma semaphore(%arg8 : memref<!tpu.dma_semaphore, #tpu.memory_space<semaphore_mem>>) src(%dma_wait3A_257 : memref<1354752x128xf32, #tpu.memory_space<hbm>>) dst(%dma_wait3A_251 : memref<112x128xf32, #tpu.memory_space<vmem>>)
      %dma_wait3A_258 = arith.constant 8 : i32
      %dma_wait3A_259 = arith.constant 2 : i32
      %dma_wait3A_260 = arith.constant 0 : i32
      %dma_wait3A_261 = arith.constant 0 : i32
      %dma_wait3A_262 = tpu.memref_slice %arg6[%dma_wait3A_259, %dma_wait3A_260, %dma_wait3A_261] : memref<6x112x128xf32, #tpu.memory_space<vmem>> -> memref<1x112x128xf32, #tpu.memory_space<vmem>>
      %dma_wait3A_263 = tpu.memref_squeeze %dma_wait3A_262 : memref<1x112x128xf32, #tpu.memory_space<vmem>> -> memref<112x128xf32, #tpu.memory_space<vmem>>
      %dma_wait3A_264 = arith.constant 0 : i32
      %dma_wait3A_265 = tpu.memref_slice %arg5[%dma_wait3A_258, %dma_wait3A_264] : memref<27x112xi32, #tpu.memory_space<vmem>> -> memref<1x112xi32, #tpu.memory_space<vmem>>
      %dma_wait3A_266 = tpu.memref_squeeze %dma_wait3A_265 : memref<1x112xi32, #tpu.memory_space<vmem>> -> memref<112xi32, #tpu.memory_space<vmem>>
      %dma_wait3A_267 = arith.constant 0 : i32
      %dma_wait3A_268 = arith.constant 0 : i32
      %dma_wait3A_269 = tpu.memref_slice %arg2[%dma_wait3A_267, %dma_wait3A_268] : memref<1354752x128xf32, #tpu.memory_space<hbm>> -> memref<1354752x128xf32, #tpu.memory_space<hbm>>
      tpu.wait_indirect_dma semaphore(%arg8 : memref<!tpu.dma_semaphore, #tpu.memory_space<semaphore_mem>>) src(%dma_wait3A_269 : memref<1354752x128xf32, #tpu.memory_space<hbm>>) dst(%dma_wait3A_263 : memref<112x128xf32, #tpu.memory_space<vmem>>)
      %parallel_loop3A_270 = arith.constant 0 : i32
      %parallel_loop3A_271 = arith.constant 896 : i32
      %parallel_loop3A_272 = arith.constant 1 : i32
      scf.for %parallel_loop3A_687 = %parallel_loop3A_270 to %parallel_loop3A_271 step %parallel_loop3A_272  : i32 {
        %parallel_loop3A_688 = arith.constant 8 : i32
        %parallel_loop3A_689 = arith.divsi %parallel_loop3A_687, %parallel_loop3A_688 : i32
        %parallel_loop3A_690 = arith.constant 0 : i32
        %parallel_loop3A_691 = arith.cmpi sgt, %parallel_loop3A_687, %parallel_loop3A_690 : i32
        %parallel_loop3A_692 = arith.extui %parallel_loop3A_691 : i1 to i32
        %parallel_loop3A_693 = arith.constant 0 : i32
        %parallel_loop3A_694 = arith.cmpi slt, %parallel_loop3A_687, %parallel_loop3A_693 : i32
        %parallel_loop3A_695 = arith.extui %parallel_loop3A_694 : i1 to i32
        %parallel_loop3A_696 = arith.subi %parallel_loop3A_692, %parallel_loop3A_695 : i32
        %parallel_loop3A_697 = arith.constant 0 : i32
        %parallel_loop3A_698 = arith.cmpi sgt, %parallel_loop3A_688, %parallel_loop3A_697 : i32
        %parallel_loop3A_699 = arith.extui %parallel_loop3A_698 : i1 to i32
        %parallel_loop3A_700 = arith.constant 0 : i32
        %parallel_loop3A_701 = arith.cmpi slt, %parallel_loop3A_688, %parallel_loop3A_700 : i32
        %parallel_loop3A_702 = arith.extui %parallel_loop3A_701 : i1 to i32
        %parallel_loop3A_703 = arith.subi %parallel_loop3A_699, %parallel_loop3A_702 : i32
        %parallel_loop3A_704 = arith.cmpi ne, %parallel_loop3A_696, %parallel_loop3A_703 : i32
        %parallel_loop3A_705 = arith.remsi %parallel_loop3A_687, %parallel_loop3A_688 : i32
        %parallel_loop3A_706 = arith.constant 0 : i32
        %parallel_loop3A_707 = arith.cmpi ne, %parallel_loop3A_705, %parallel_loop3A_706 : i32
        %parallel_loop3A_708 = arith.andi %parallel_loop3A_704, %parallel_loop3A_707 : i1
        %parallel_loop3A_709 = arith.constant 1 : i32
        %parallel_loop3A_710 = arith.subi %parallel_loop3A_689, %parallel_loop3A_709 : i32
        %parallel_loop3A_711 = arith.select %parallel_loop3A_708, %parallel_loop3A_710, %parallel_loop3A_689 : i32
        %parallel_loop3A_712 = arith.constant 8 : i32
        %parallel_loop3A_713 = arith.constant 0 : i32
        %parallel_loop3A_714 = arith.cmpi eq, %parallel_loop3A_712, %parallel_loop3A_713 : i32
        %parallel_loop3A_715 = arith.constant 1 : i32
        %parallel_loop3A_716 = arith.select %parallel_loop3A_714, %parallel_loop3A_715, %parallel_loop3A_712 : i32
        %parallel_loop3A_717 = arith.remsi %parallel_loop3A_687, %parallel_loop3A_716 : i32
        %parallel_loop3A_718 = arith.constant 0 : i32
        %parallel_loop3A_719 = arith.cmpi ne, %parallel_loop3A_717, %parallel_loop3A_718 : i32
        %parallel_loop3A_720 = arith.constant 0 : i32
        %parallel_loop3A_721 = arith.cmpi slt, %parallel_loop3A_717, %parallel_loop3A_720 : i32
        %parallel_loop3A_722 = arith.constant 0 : i32
        %parallel_loop3A_723 = arith.cmpi slt, %parallel_loop3A_716, %parallel_loop3A_722 : i32
        %parallel_loop3A_724 = arith.xori %parallel_loop3A_721, %parallel_loop3A_723 : i1
        %parallel_loop3A_725 = arith.andi %parallel_loop3A_724, %parallel_loop3A_719 : i1
        %parallel_loop3A_726 = arith.addi %parallel_loop3A_717, %parallel_loop3A_716 : i32
        %parallel_loop3A_727 = arith.select %parallel_loop3A_725, %parallel_loop3A_726, %parallel_loop3A_717 : i32
        %parallel_loop3A_728 = arith.constant 16 : i32
        %parallel_loop3A_729 = arith.muli %parallel_loop3A_727, %parallel_loop3A_728 : i32
        %parallel_loop3A_730 = arith.constant 0 : i32
        %parallel_loop3A_731 = arith.index_cast %parallel_loop3A_730 : i32 to index
        %parallel_loop3A_732 = arith.index_cast %parallel_loop3A_711 : i32 to index
        %parallel_loop3A_733 = arith.index_cast %parallel_loop3A_729 : i32 to index
        %parallel_loop3A_734 = tpu.vector_load %arg6[%parallel_loop3A_731, %parallel_loop3A_732, %parallel_loop3A_733] {strides = array<i32>} : memref<6x112x128xf32, #tpu.memory_space<vmem>>, vector<1x1x16xf32>,
        %parallel_loop3A_735 = vector.shape_cast %parallel_loop3A_734 : vector<1x1x16xf32> to vector<16xf32>
        %parallel_loop3A_736 = arith.constant 1 : i32
        %parallel_loop3A_737 = arith.index_cast %parallel_loop3A_736 : i32 to index
        %parallel_loop3A_738 = arith.index_cast %parallel_loop3A_711 : i32 to index
        %parallel_loop3A_739 = arith.index_cast %parallel_loop3A_729 : i32 to index
        %parallel_loop3A_740 = tpu.vector_load %arg6[%parallel_loop3A_737, %parallel_loop3A_738, %parallel_loop3A_739] {strides = array<i32>} : memref<6x112x128xf32, #tpu.memory_space<vmem>>, vector<1x1x16xf32>,
        %parallel_loop3A_741 = vector.shape_cast %parallel_loop3A_740 : vector<1x1x16xf32> to vector<16xf32>
        %parallel_loop3A_742 = arith.addf %parallel_loop3A_735, %parallel_loop3A_741 : vector<16xf32>
        %parallel_loop3A_743 = arith.constant 2 : i32
        %parallel_loop3A_744 = arith.index_cast %parallel_loop3A_743 : i32 to index
        %parallel_loop3A_745 = arith.index_cast %parallel_loop3A_711 : i32 to index
        %parallel_loop3A_746 = arith.index_cast %parallel_loop3A_729 : i32 to index
        %parallel_loop3A_747 = tpu.vector_load %arg6[%parallel_loop3A_744, %parallel_loop3A_745, %parallel_loop3A_746] {strides = array<i32>} : memref<6x112x128xf32, #tpu.memory_space<vmem>>, vector<1x1x16xf32>,
        %parallel_loop3A_748 = vector.shape_cast %parallel_loop3A_747 : vector<1x1x16xf32> to vector<16xf32>
        %parallel_loop3A_749 = arith.addf %parallel_loop3A_742, %parallel_loop3A_748 : vector<16xf32>
        %parallel_loop3A_750 = arith.index_cast %parallel_loop3A_711 : i32 to index
        %parallel_loop3A_751 = arith.index_cast %parallel_loop3A_729 : i32 to index
        %parallel_loop3A_752 = tpu.vector_load %arg7[%parallel_loop3A_750, %parallel_loop3A_751] {strides = array<i32>} : memref<112x128xf32, #tpu.memory_space<vmem>>, vector<1x16xf32>,
        %parallel_loop3A_753 = vector.shape_cast %parallel_loop3A_752 : vector<1x16xf32> to vector<16xf32>
        %parallel_loop3A_754 = vector.shape_cast %parallel_loop3A_749 : vector<16xf32> to vector<1x16xf32>
        tpu.vector_store %arg7[%parallel_loop3A_750, %parallel_loop3A_751], %parallel_loop3A_754 {add = true, strides = array<i32>} : memref<112x128xf32, #tpu.memory_space<vmem>>, vector<1x16xf32>,
      } {sc.loop_unroll_factor = 4 : i64, sc.parallel_access}
      %dma_start3A_273 = arith.constant 12 : i32
      %dma_start3A_274 = arith.constant 0 : i32
      %dma_start3A_275 = arith.constant 0 : i32
      %dma_start3A_276 = arith.constant 0 : i32
      %dma_start3A_277 = tpu.memref_slice %arg6[%dma_start3A_274, %dma_start3A_275, %dma_start3A_276] : memref<6x112x128xf32, #tpu.memory_space<vmem>> -> memref<1x112x128xf32, #tpu.memory_space<vmem>>
      %dma_start3A_278 = tpu.memref_squeeze %dma_start3A_277 : memref<1x112x128xf32, #tpu.memory_space<vmem>> -> memref<112x128xf32, #tpu.memory_space<vmem>>
      %dma_start3A_279 = arith.constant 0 : i32
      %dma_start3A_280 = tpu.memref_slice %arg5[%dma_start3A_273, %dma_start3A_279] : memref<27x112xi32, #tpu.memory_space<vmem>> -> memref<1x112xi32, #tpu.memory_space<vmem>>
      %dma_start3A_281 = tpu.memref_squeeze %dma_start3A_280 : memref<1x112xi32, #tpu.memory_space<vmem>> -> memref<112xi32, #tpu.memory_space<vmem>>
      %dma_start3A_282 = arith.constant 0 : i32
      %dma_start3A_283 = arith.constant 0 : i32
      %dma_start3A_284 = tpu.memref_slice %arg2[%dma_start3A_282, %dma_start3A_283] : memref<1354752x128xf32, #tpu.memory_space<hbm>> -> memref<1354752x128xf32, #tpu.memory_space<hbm>>
      tpu.enqueue_indirect_dma source(%dma_start3A_284 : memref<1354752x128xf32, #tpu.memory_space<hbm>>) target(%dma_start3A_278 : memref<112x128xf32, #tpu.memory_space<vmem>>) offsets(%dma_start3A_281 : memref<112xi32, #tpu.memory_space<vmem>>) semaphore(%arg8 : memref<!tpu.dma_semaphore, #tpu.memory_space<semaphore_mem>>)
      %dma_start3A_285 = arith.constant 13 : i32
      %dma_start3A_286 = arith.constant 1 : i32
      %dma_start3A_287 = arith.constant 0 : i32
      %dma_start3A_288 = arith.constant 0 : i32
      %dma_start3A_289 = tpu.memref_slice %arg6[%dma_start3A_286, %dma_start3A_287, %dma_start3A_288] : memref<6x112x128xf32, #tpu.memory_space<vmem>> -> memref<1x112x128xf32, #tpu.memory_space<vmem>>
      %dma_start3A_290 = tpu.memref_squeeze %dma_start3A_289 : memref<1x112x128xf32, #tpu.memory_space<vmem>> -> memref<112x128xf32, #tpu.memory_space<vmem>>
      %dma_start3A_291 = arith.constant 0 : i32
      %dma_start3A_292 = tpu.memref_slice %arg5[%dma_start3A_285, %dma_start3A_291] : memref<27x112xi32, #tpu.memory_space<vmem>> -> memref<1x112xi32, #tpu.memory_space<vmem>>
      %dma_start3A_293 = tpu.memref_squeeze %dma_start3A_292 : memref<1x112xi32, #tpu.memory_space<vmem>> -> memref<112xi32, #tpu.memory_space<vmem>>
      %dma_start3A_294 = arith.constant 0 : i32
      %dma_start3A_295 = arith.constant 0 : i32
      %dma_start3A_296 = tpu.memref_slice %arg2[%dma_start3A_294, %dma_start3A_295] : memref<1354752x128xf32, #tpu.memory_space<hbm>> -> memref<1354752x128xf32, #tpu.memory_space<hbm>>
      tpu.enqueue_indirect_dma source(%dma_start3A_296 : memref<1354752x128xf32, #tpu.memory_space<hbm>>) target(%dma_start3A_290 : memref<112x128xf32, #tpu.memory_space<vmem>>) offsets(%dma_start3A_293 : memref<112xi32, #tpu.memory_space<vmem>>) semaphore(%arg8 : memref<!tpu.dma_semaphore, #tpu.memory_space<semaphore_mem>>)
      %dma_start3A_297 = arith.constant 14 : i32
      %dma_start3A_298 = arith.constant 2 : i32
      %dma_start3A_299 = arith.constant 0 : i32
      %dma_start3A_300 = arith.constant 0 : i32
      %dma_start3A_301 = tpu.memref_slice %arg6[%dma_start3A_298, %dma_start3A_299, %dma_start3A_300] : memref<6x112x128xf32, #tpu.memory_space<vmem>> -> memref<1x112x128xf32, #tpu.memory_space<vmem>>
      %dma_start3A_302 = tpu.memref_squeeze %dma_start3A_301 : memref<1x112x128xf32, #tpu.memory_space<vmem>> -> memref<112x128xf32, #tpu.memory_space<vmem>>
      %dma_start3A_303 = arith.constant 0 : i32
      %dma_start3A_304 = tpu.memref_slice %arg5[%dma_start3A_297, %dma_start3A_303] : memref<27x112xi32, #tpu.memory_space<vmem>> -> memref<1x112xi32, #tpu.memory_space<vmem>>
      %dma_start3A_305 = tpu.memref_squeeze %dma_start3A_304 : memref<1x112xi32, #tpu.memory_space<vmem>> -> memref<112xi32, #tpu.memory_space<vmem>>
      %dma_start3A_306 = arith.constant 0 : i32
      %dma_start3A_307 = arith.constant 0 : i32
      %dma_start3A_308 = tpu.memref_slice %arg2[%dma_start3A_306, %dma_start3A_307] : memref<1354752x128xf32, #tpu.memory_space<hbm>> -> memref<1354752x128xf32, #tpu.memory_space<hbm>>
      tpu.enqueue_indirect_dma source(%dma_start3A_308 : memref<1354752x128xf32, #tpu.memory_space<hbm>>) target(%dma_start3A_302 : memref<112x128xf32, #tpu.memory_space<vmem>>) offsets(%dma_start3A_305 : memref<112xi32, #tpu.memory_space<vmem>>) semaphore(%arg8 : memref<!tpu.dma_semaphore, #tpu.memory_space<semaphore_mem>>)
      %dma_wait3A_309 = arith.constant 9 : i32
      %dma_wait3A_310 = arith.constant 3 : i32
      %dma_wait3A_311 = arith.constant 0 : i32
      %dma_wait3A_312 = arith.constant 0 : i32
      %dma_wait3A_313 = tpu.memref_slice %arg6[%dma_wait3A_310, %dma_wait3A_311, %dma_wait3A_312] : memref<6x112x128xf32, #tpu.memory_space<vmem>> -> memref<1x112x128xf32, #tpu.memory_space<vmem>>
      %dma_wait3A_314 = tpu.memref_squeeze %dma_wait3A_313 : memref<1x112x128xf32, #tpu.memory_space<vmem>> -> memref<112x128xf32, #tpu.memory_space<vmem>>
      %dma_wait3A_315 = arith.constant 0 : i32
      %dma_wait3A_316 = tpu.memref_slice %arg5[%dma_wait3A_309, %dma_wait3A_315] : memref<27x112xi32, #tpu.memory_space<vmem>> -> memref<1x112xi32, #tpu.memory_space<vmem>>
      %dma_wait3A_317 = tpu.memref_squeeze %dma_wait3A_316 : memref<1x112xi32, #tpu.memory_space<vmem>> -> memref<112xi32, #tpu.memory_space<vmem>>
      %dma_wait3A_318 = arith.constant 0 : i32
      %dma_wait3A_319 = arith.constant 0 : i32
      %dma_wait3A_320 = tpu.memref_slice %arg2[%dma_wait3A_318, %dma_wait3A_319] : memref<1354752x128xf32, #tpu.memory_space<hbm>> -> memref<1354752x128xf32, #tpu.memory_space<hbm>>
      tpu.wait_indirect_dma semaphore(%arg8 : memref<!tpu.dma_semaphore, #tpu.memory_space<semaphore_mem>>) src(%dma_wait3A_320 : memref<1354752x128xf32, #tpu.memory_space<hbm>>) dst(%dma_wait3A_314 : memref<112x128xf32, #tpu.memory_space<vmem>>)
      %dma_wait3A_321 = arith.constant 10 : i32
      %dma_wait3A_322 = arith.constant 4 : i32
      %dma_wait3A_323 = arith.constant 0 : i32
      %dma_wait3A_324 = arith.constant 0 : i32
      %dma_wait3A_325 = tpu.memref_slice %arg6[%dma_wait3A_322, %dma_wait3A_323, %dma_wait3A_324] : memref<6x112x128xf32, #tpu.memory_space<vmem>> -> memref<1x112x128xf32, #tpu.memory_space<vmem>>
      %dma_wait3A_326 = tpu.memref_squeeze %dma_wait3A_325 : memref<1x112x128xf32, #tpu.memory_space<vmem>> -> memref<112x128xf32, #tpu.memory_space<vmem>>
      %dma_wait3A_327 = arith.constant 0 : i32
      %dma_wait3A_328 = tpu.memref_slice %arg5[%dma_wait3A_321, %dma_wait3A_327] : memref<27x112xi32, #tpu.memory_space<vmem>> -> memref<1x112xi32, #tpu.memory_space<vmem>>
      %dma_wait3A_329 = tpu.memref_squeeze %dma_wait3A_328 : memref<1x112xi32, #tpu.memory_space<vmem>> -> memref<112xi32, #tpu.memory_space<vmem>>
      %dma_wait3A_330 = arith.constant 0 : i32
      %dma_wait3A_331 = arith.constant 0 : i32
      %dma_wait3A_332 = tpu.memref_slice %arg2[%dma_wait3A_330, %dma_wait3A_331] : memref<1354752x128xf32, #tpu.memory_space<hbm>> -> memref<1354752x128xf32, #tpu.memory_space<hbm>>
      tpu.wait_indirect_dma semaphore(%arg8 : memref<!tpu.dma_semaphore, #tpu.memory_space<semaphore_mem>>) src(%dma_wait3A_332 : memref<1354752x128xf32, #tpu.memory_space<hbm>>) dst(%dma_wait3A_326 : memref<112x128xf32, #tpu.memory_space<vmem>>)
      %dma_wait3A_333 = arith.constant 11 : i32
      %dma_wait3A_334 = arith.constant 5 : i32
      %dma_wait3A_335 = arith.constant 0 : i32
      %dma_wait3A_336 = arith.constant 0 : i32
      %dma_wait3A_337 = tpu.memref_slice %arg6[%dma_wait3A_334, %dma_wait3A_335, %dma_wait3A_336] : memref<6x112x128xf32, #tpu.memory_space<vmem>> -> memref<1x112x128xf32, #tpu.memory_space<vmem>>
      %dma_wait3A_338 = tpu.memref_squeeze %dma_wait3A_337 : memref<1x112x128xf32, #tpu.memory_space<vmem>> -> memref<112x128xf32, #tpu.memory_space<vmem>>
      %dma_wait3A_339 = arith.constant 0 : i32
      %dma_wait3A_340 = tpu.memref_slice %arg5[%dma_wait3A_333, %dma_wait3A_339] : memref<27x112xi32, #tpu.memory_space<vmem>> -> memref<1x112xi32, #tpu.memory_space<vmem>>
      %dma_wait3A_341 = tpu.memref_squeeze %dma_wait3A_340 : memref<1x112xi32, #tpu.memory_space<vmem>> -> memref<112xi32, #tpu.memory_space<vmem>>
      %dma_wait3A_342 = arith.constant 0 : i32
      %dma_wait3A_343 = arith.constant 0 : i32
      %dma_wait3A_344 = tpu.memref_slice %arg2[%dma_wait3A_342, %dma_wait3A_343] : memref<1354752x128xf32, #tpu.memory_space<hbm>> -> memref<1354752x128xf32, #tpu.memory_space<hbm>>
      tpu.wait_indirect_dma semaphore(%arg8 : memref<!tpu.dma_semaphore, #tpu.memory_space<semaphore_mem>>) src(%dma_wait3A_344 : memref<1354752x128xf32, #tpu.memory_space<hbm>>) dst(%dma_wait3A_338 : memref<112x128xf32, #tpu.memory_space<vmem>>)
      %parallel_loop3A_345 = arith.constant 0 : i32
      %parallel_loop3A_346 = arith.constant 896 : i32
      %parallel_loop3A_347 = arith.constant 1 : i32
      scf.for %parallel_loop3A_687 = %parallel_loop3A_345 to %parallel_loop3A_346 step %parallel_loop3A_347  : i32 {
        %parallel_loop3A_688 = arith.constant 8 : i32
        %parallel_loop3A_689 = arith.divsi %parallel_loop3A_687, %parallel_loop3A_688 : i32
        %parallel_loop3A_690 = arith.constant 0 : i32
        %parallel_loop3A_691 = arith.cmpi sgt, %parallel_loop3A_687, %parallel_loop3A_690 : i32
        %parallel_loop3A_692 = arith.extui %parallel_loop3A_691 : i1 to i32
        %parallel_loop3A_693 = arith.constant 0 : i32
        %parallel_loop3A_694 = arith.cmpi slt, %parallel_loop3A_687, %parallel_loop3A_693 : i32
        %parallel_loop3A_695 = arith.extui %parallel_loop3A_694 : i1 to i32
        %parallel_loop3A_696 = arith.subi %parallel_loop3A_692, %parallel_loop3A_695 : i32
        %parallel_loop3A_697 = arith.constant 0 : i32
        %parallel_loop3A_698 = arith.cmpi sgt, %parallel_loop3A_688, %parallel_loop3A_697 : i32
        %parallel_loop3A_699 = arith.extui %parallel_loop3A_698 : i1 to i32
        %parallel_loop3A_700 = arith.constant 0 : i32
        %parallel_loop3A_701 = arith.cmpi slt, %parallel_loop3A_688, %parallel_loop3A_700 : i32
        %parallel_loop3A_702 = arith.extui %parallel_loop3A_701 : i1 to i32
        %parallel_loop3A_703 = arith.subi %parallel_loop3A_699, %parallel_loop3A_702 : i32
        %parallel_loop3A_704 = arith.cmpi ne, %parallel_loop3A_696, %parallel_loop3A_703 : i32
        %parallel_loop3A_705 = arith.remsi %parallel_loop3A_687, %parallel_loop3A_688 : i32
        %parallel_loop3A_706 = arith.constant 0 : i32
        %parallel_loop3A_707 = arith.cmpi ne, %parallel_loop3A_705, %parallel_loop3A_706 : i32
        %parallel_loop3A_708 = arith.andi %parallel_loop3A_704, %parallel_loop3A_707 : i1
        %parallel_loop3A_709 = arith.constant 1 : i32
        %parallel_loop3A_710 = arith.subi %parallel_loop3A_689, %parallel_loop3A_709 : i32
        %parallel_loop3A_711 = arith.select %parallel_loop3A_708, %parallel_loop3A_710, %parallel_loop3A_689 : i32
        %parallel_loop3A_712 = arith.constant 8 : i32
        %parallel_loop3A_713 = arith.constant 0 : i32
        %parallel_loop3A_714 = arith.cmpi eq, %parallel_loop3A_712, %parallel_loop3A_713 : i32
        %parallel_loop3A_715 = arith.constant 1 : i32
        %parallel_loop3A_716 = arith.select %parallel_loop3A_714, %parallel_loop3A_715, %parallel_loop3A_712 : i32
        %parallel_loop3A_717 = arith.remsi %parallel_loop3A_687, %parallel_loop3A_716 : i32
        %parallel_loop3A_718 = arith.constant 0 : i32
        %parallel_loop3A_719 = arith.cmpi ne, %parallel_loop3A_717, %parallel_loop3A_718 : i32
        %parallel_loop3A_720 = arith.constant 0 : i32
        %parallel_loop3A_721 = arith.cmpi slt, %parallel_loop3A_717, %parallel_loop3A_720 : i32
        %parallel_loop3A_722 = arith.constant 0 : i32
        %parallel_loop3A_723 = arith.cmpi slt, %parallel_loop3A_716, %parallel_loop3A_722 : i32
        %parallel_loop3A_724 = arith.xori %parallel_loop3A_721, %parallel_loop3A_723 : i1
        %parallel_loop3A_725 = arith.andi %parallel_loop3A_724, %parallel_loop3A_719 : i1
        %parallel_loop3A_726 = arith.addi %parallel_loop3A_717, %parallel_loop3A_716 : i32
        %parallel_loop3A_727 = arith.select %parallel_loop3A_725, %parallel_loop3A_726, %parallel_loop3A_717 : i32
        %parallel_loop3A_728 = arith.constant 16 : i32
        %parallel_loop3A_729 = arith.muli %parallel_loop3A_727, %parallel_loop3A_728 : i32
        %parallel_loop3A_730 = arith.constant 3 : i32
        %parallel_loop3A_731 = arith.index_cast %parallel_loop3A_730 : i32 to index
        %parallel_loop3A_732 = arith.index_cast %parallel_loop3A_711 : i32 to index
        %parallel_loop3A_733 = arith.index_cast %parallel_loop3A_729 : i32 to index
        %parallel_loop3A_734 = tpu.vector_load %arg6[%parallel_loop3A_731, %parallel_loop3A_732, %parallel_loop3A_733] {strides = array<i32>} : memref<6x112x128xf32, #tpu.memory_space<vmem>>, vector<1x1x16xf32>,
        %parallel_loop3A_735 = vector.shape_cast %parallel_loop3A_734 : vector<1x1x16xf32> to vector<16xf32>
        %parallel_loop3A_736 = arith.constant 4 : i32
        %parallel_loop3A_737 = arith.index_cast %parallel_loop3A_736 : i32 to index
        %parallel_loop3A_738 = arith.index_cast %parallel_loop3A_711 : i32 to index
        %parallel_loop3A_739 = arith.index_cast %parallel_loop3A_729 : i32 to index
        %parallel_loop3A_740 = tpu.vector_load %arg6[%parallel_loop3A_737, %parallel_loop3A_738, %parallel_loop3A_739] {strides = array<i32>} : memref<6x112x128xf32, #tpu.memory_space<vmem>>, vector<1x1x16xf32>,
        %parallel_loop3A_741 = vector.shape_cast %parallel_loop3A_740 : vector<1x1x16xf32> to vector<16xf32>
        %parallel_loop3A_742 = arith.addf %parallel_loop3A_735, %parallel_loop3A_741 : vector<16xf32>
        %parallel_loop3A_743 = arith.constant 5 : i32
        %parallel_loop3A_744 = arith.index_cast %parallel_loop3A_743 : i32 to index
        %parallel_loop3A_745 = arith.index_cast %parallel_loop3A_711 : i32 to index
        %parallel_loop3A_746 = arith.index_cast %parallel_loop3A_729 : i32 to index
        %parallel_loop3A_747 = tpu.vector_load %arg6[%parallel_loop3A_744, %parallel_loop3A_745, %parallel_loop3A_746] {strides = array<i32>} : memref<6x112x128xf32, #tpu.memory_space<vmem>>, vector<1x1x16xf32>,
        %parallel_loop3A_748 = vector.shape_cast %parallel_loop3A_747 : vector<1x1x16xf32> to vector<16xf32>
        %parallel_loop3A_749 = arith.addf %parallel_loop3A_742, %parallel_loop3A_748 : vector<16xf32>
        %parallel_loop3A_750 = arith.index_cast %parallel_loop3A_711 : i32 to index
        %parallel_loop3A_751 = arith.index_cast %parallel_loop3A_729 : i32 to index
        %parallel_loop3A_752 = tpu.vector_load %arg7[%parallel_loop3A_750, %parallel_loop3A_751] {strides = array<i32>} : memref<112x128xf32, #tpu.memory_space<vmem>>, vector<1x16xf32>,
        %parallel_loop3A_753 = vector.shape_cast %parallel_loop3A_752 : vector<1x16xf32> to vector<16xf32>
        %parallel_loop3A_754 = vector.shape_cast %parallel_loop3A_749 : vector<16xf32> to vector<1x16xf32>
        tpu.vector_store %arg7[%parallel_loop3A_750, %parallel_loop3A_751], %parallel_loop3A_754 {add = true, strides = array<i32>} : memref<112x128xf32, #tpu.memory_space<vmem>>, vector<1x16xf32>,
      } {sc.loop_unroll_factor = 4 : i64, sc.parallel_access}
      %dma_start3A_348 = arith.constant 15 : i32
      %dma_start3A_349 = arith.constant 3 : i32
      %dma_start3A_350 = arith.constant 0 : i32
      %dma_start3A_351 = arith.constant 0 : i32
      %dma_start3A_352 = tpu.memref_slice %arg6[%dma_start3A_349, %dma_start3A_350, %dma_start3A_351] : memref<6x112x128xf32, #tpu.memory_space<vmem>> -> memref<1x112x128xf32, #tpu.memory_space<vmem>>
      %dma_start3A_353 = tpu.memref_squeeze %dma_start3A_352 : memref<1x112x128xf32, #tpu.memory_space<vmem>> -> memref<112x128xf32, #tpu.memory_space<vmem>>
      %dma_start3A_354 = arith.constant 0 : i32
      %dma_start3A_355 = tpu.memref_slice %arg5[%dma_start3A_348, %dma_start3A_354] : memref<27x112xi32, #tpu.memory_space<vmem>> -> memref<1x112xi32, #tpu.memory_space<vmem>>
      %dma_start3A_356 = tpu.memref_squeeze %dma_start3A_355 : memref<1x112xi32, #tpu.memory_space<vmem>> -> memref<112xi32, #tpu.memory_space<vmem>>
      %dma_start3A_357 = arith.constant 0 : i32
      %dma_start3A_358 = arith.constant 0 : i32
      %dma_start3A_359 = tpu.memref_slice %arg2[%dma_start3A_357, %dma_start3A_358] : memref<1354752x128xf32, #tpu.memory_space<hbm>> -> memref<1354752x128xf32, #tpu.memory_space<hbm>>
      tpu.enqueue_indirect_dma source(%dma_start3A_359 : memref<1354752x128xf32, #tpu.memory_space<hbm>>) target(%dma_start3A_353 : memref<112x128xf32, #tpu.memory_space<vmem>>) offsets(%dma_start3A_356 : memref<112xi32, #tpu.memory_space<vmem>>) semaphore(%arg8 : memref<!tpu.dma_semaphore, #tpu.memory_space<semaphore_mem>>)
      %dma_start3A_360 = arith.constant 16 : i32
      %dma_start3A_361 = arith.constant 4 : i32
      %dma_start3A_362 = arith.constant 0 : i32
      %dma_start3A_363 = arith.constant 0 : i32
      %dma_start3A_364 = tpu.memref_slice %arg6[%dma_start3A_361, %dma_start3A_362, %dma_start3A_363] : memref<6x112x128xf32, #tpu.memory_space<vmem>> -> memref<1x112x128xf32, #tpu.memory_space<vmem>>
      %dma_start3A_365 = tpu.memref_squeeze %dma_start3A_364 : memref<1x112x128xf32, #tpu.memory_space<vmem>> -> memref<112x128xf32, #tpu.memory_space<vmem>>
      %dma_start3A_366 = arith.constant 0 : i32
      %dma_start3A_367 = tpu.memref_slice %arg5[%dma_start3A_360, %dma_start3A_366] : memref<27x112xi32, #tpu.memory_space<vmem>> -> memref<1x112xi32, #tpu.memory_space<vmem>>
      %dma_start3A_368 = tpu.memref_squeeze %dma_start3A_367 : memref<1x112xi32, #tpu.memory_space<vmem>> -> memref<112xi32, #tpu.memory_space<vmem>>
      %dma_start3A_369 = arith.constant 0 : i32
      %dma_start3A_370 = arith.constant 0 : i32
      %dma_start3A_371 = tpu.memref_slice %arg2[%dma_start3A_369, %dma_start3A_370] : memref<1354752x128xf32, #tpu.memory_space<hbm>> -> memref<1354752x128xf32, #tpu.memory_space<hbm>>
      tpu.enqueue_indirect_dma source(%dma_start3A_371 : memref<1354752x128xf32, #tpu.memory_space<hbm>>) target(%dma_start3A_365 : memref<112x128xf32, #tpu.memory_space<vmem>>) offsets(%dma_start3A_368 : memref<112xi32, #tpu.memory_space<vmem>>) semaphore(%arg8 : memref<!tpu.dma_semaphore, #tpu.memory_space<semaphore_mem>>)
      %dma_start3A_372 = arith.constant 17 : i32
      %dma_start3A_373 = arith.constant 5 : i32
      %dma_start3A_374 = arith.constant 0 : i32
      %dma_start3A_375 = arith.constant 0 : i32
      %dma_start3A_376 = tpu.memref_slice %arg6[%dma_start3A_373, %dma_start3A_374, %dma_start3A_375] : memref<6x112x128xf32, #tpu.memory_space<vmem>> -> memref<1x112x128xf32, #tpu.memory_space<vmem>>
      %dma_start3A_377 = tpu.memref_squeeze %dma_start3A_376 : memref<1x112x128xf32, #tpu.memory_space<vmem>> -> memref<112x128xf32, #tpu.memory_space<vmem>>
      %dma_start3A_378 = arith.constant 0 : i32
      %dma_start3A_379 = tpu.memref_slice %arg5[%dma_start3A_372, %dma_start3A_378] : memref<27x112xi32, #tpu.memory_space<vmem>> -> memref<1x112xi32, #tpu.memory_space<vmem>>
      %dma_start3A_380 = tpu.memref_squeeze %dma_start3A_379 : memref<1x112xi32, #tpu.memory_space<vmem>> -> memref<112xi32, #tpu.memory_space<vmem>>
      %dma_start3A_381 = arith.constant 0 : i32
      %dma_start3A_382 = arith.constant 0 : i32
      %dma_start3A_383 = tpu.memref_slice %arg2[%dma_start3A_381, %dma_start3A_382] : memref<1354752x128xf32, #tpu.memory_space<hbm>> -> memref<1354752x128xf32, #tpu.memory_space<hbm>>
      tpu.enqueue_indirect_dma source(%dma_start3A_383 : memref<1354752x128xf32, #tpu.memory_space<hbm>>) target(%dma_start3A_377 : memref<112x128xf32, #tpu.memory_space<vmem>>) offsets(%dma_start3A_380 : memref<112xi32, #tpu.memory_space<vmem>>) semaphore(%arg8 : memref<!tpu.dma_semaphore, #tpu.memory_space<semaphore_mem>>)
      %dma_wait3A_384 = arith.constant 12 : i32
      %dma_wait3A_385 = arith.constant 0 : i32
      %dma_wait3A_386 = arith.constant 0 : i32
      %dma_wait3A_387 = arith.constant 0 : i32
      %dma_wait3A_388 = tpu.memref_slice %arg6[%dma_wait3A_385, %dma_wait3A_386, %dma_wait3A_387] : memref<6x112x128xf32, #tpu.memory_space<vmem>> -> memref<1x112x128xf32, #tpu.memory_space<vmem>>
      %dma_wait3A_389 = tpu.memref_squeeze %dma_wait3A_388 : memref<1x112x128xf32, #tpu.memory_space<vmem>> -> memref<112x128xf32, #tpu.memory_space<vmem>>
      %dma_wait3A_390 = arith.constant 0 : i32
      %dma_wait3A_391 = tpu.memref_slice %arg5[%dma_wait3A_384, %dma_wait3A_390] : memref<27x112xi32, #tpu.memory_space<vmem>> -> memref<1x112xi32, #tpu.memory_space<vmem>>
      %dma_wait3A_392 = tpu.memref_squeeze %dma_wait3A_391 : memref<1x112xi32, #tpu.memory_space<vmem>> -> memref<112xi32, #tpu.memory_space<vmem>>
      %dma_wait3A_393 = arith.constant 0 : i32
      %dma_wait3A_394 = arith.constant 0 : i32
      %dma_wait3A_395 = tpu.memref_slice %arg2[%dma_wait3A_393, %dma_wait3A_394] : memref<1354752x128xf32, #tpu.memory_space<hbm>> -> memref<1354752x128xf32, #tpu.memory_space<hbm>>
      tpu.wait_indirect_dma semaphore(%arg8 : memref<!tpu.dma_semaphore, #tpu.memory_space<semaphore_mem>>) src(%dma_wait3A_395 : memref<1354752x128xf32, #tpu.memory_space<hbm>>) dst(%dma_wait3A_389 : memref<112x128xf32, #tpu.memory_space<vmem>>)
      %dma_wait3A_396 = arith.constant 13 : i32
      %dma_wait3A_397 = arith.constant 1 : i32
      %dma_wait3A_398 = arith.constant 0 : i32
      %dma_wait3A_399 = arith.constant 0 : i32
      %dma_wait3A_400 = tpu.memref_slice %arg6[%dma_wait3A_397, %dma_wait3A_398, %dma_wait3A_399] : memref<6x112x128xf32, #tpu.memory_space<vmem>> -> memref<1x112x128xf32, #tpu.memory_space<vmem>>
      %dma_wait3A_401 = tpu.memref_squeeze %dma_wait3A_400 : memref<1x112x128xf32, #tpu.memory_space<vmem>> -> memref<112x128xf32, #tpu.memory_space<vmem>>
      %dma_wait3A_402 = arith.constant 0 : i32
      %dma_wait3A_403 = tpu.memref_slice %arg5[%dma_wait3A_396, %dma_wait3A_402] : memref<27x112xi32, #tpu.memory_space<vmem>> -> memref<1x112xi32, #tpu.memory_space<vmem>>
      %dma_wait3A_404 = tpu.memref_squeeze %dma_wait3A_403 : memref<1x112xi32, #tpu.memory_space<vmem>> -> memref<112xi32, #tpu.memory_space<vmem>>
      %dma_wait3A_405 = arith.constant 0 : i32
      %dma_wait3A_406 = arith.constant 0 : i32
      %dma_wait3A_407 = tpu.memref_slice %arg2[%dma_wait3A_405, %dma_wait3A_406] : memref<1354752x128xf32, #tpu.memory_space<hbm>> -> memref<1354752x128xf32, #tpu.memory_space<hbm>>
      tpu.wait_indirect_dma semaphore(%arg8 : memref<!tpu.dma_semaphore, #tpu.memory_space<semaphore_mem>>) src(%dma_wait3A_407 : memref<1354752x128xf32, #tpu.memory_space<hbm>>) dst(%dma_wait3A_401 : memref<112x128xf32, #tpu.memory_space<vmem>>)
      %dma_wait3A_408 = arith.constant 14 : i32
      %dma_wait3A_409 = arith.constant 2 : i32
      %dma_wait3A_410 = arith.constant 0 : i32
      %dma_wait3A_411 = arith.constant 0 : i32
      %dma_wait3A_412 = tpu.memref_slice %arg6[%dma_wait3A_409, %dma_wait3A_410, %dma_wait3A_411] : memref<6x112x128xf32, #tpu.memory_space<vmem>> -> memref<1x112x128xf32, #tpu.memory_space<vmem>>
      %dma_wait3A_413 = tpu.memref_squeeze %dma_wait3A_412 : memref<1x112x128xf32, #tpu.memory_space<vmem>> -> memref<112x128xf32, #tpu.memory_space<vmem>>
      %dma_wait3A_414 = arith.constant 0 : i32
      %dma_wait3A_415 = tpu.memref_slice %arg5[%dma_wait3A_408, %dma_wait3A_414] : memref<27x112xi32, #tpu.memory_space<vmem>> -> memref<1x112xi32, #tpu.memory_space<vmem>>
      %dma_wait3A_416 = tpu.memref_squeeze %dma_wait3A_415 : memref<1x112xi32, #tpu.memory_space<vmem>> -> memref<112xi32, #tpu.memory_space<vmem>>
      %dma_wait3A_417 = arith.constant 0 : i32
      %dma_wait3A_418 = arith.constant 0 : i32
      %dma_wait3A_419 = tpu.memref_slice %arg2[%dma_wait3A_417, %dma_wait3A_418] : memref<1354752x128xf32, #tpu.memory_space<hbm>> -> memref<1354752x128xf32, #tpu.memory_space<hbm>>
      tpu.wait_indirect_dma semaphore(%arg8 : memref<!tpu.dma_semaphore, #tpu.memory_space<semaphore_mem>>) src(%dma_wait3A_419 : memref<1354752x128xf32, #tpu.memory_space<hbm>>) dst(%dma_wait3A_413 : memref<112x128xf32, #tpu.memory_space<vmem>>)
      %parallel_loop3A_420 = arith.constant 0 : i32
      %parallel_loop3A_421 = arith.constant 896 : i32
      %parallel_loop3A_422 = arith.constant 1 : i32
      scf.for %parallel_loop3A_687 = %parallel_loop3A_420 to %parallel_loop3A_421 step %parallel_loop3A_422  : i32 {
        %parallel_loop3A_688 = arith.constant 8 : i32
        %parallel_loop3A_689 = arith.divsi %parallel_loop3A_687, %parallel_loop3A_688 : i32
        %parallel_loop3A_690 = arith.constant 0 : i32
        %parallel_loop3A_691 = arith.cmpi sgt, %parallel_loop3A_687, %parallel_loop3A_690 : i32
        %parallel_loop3A_692 = arith.extui %parallel_loop3A_691 : i1 to i32
        %parallel_loop3A_693 = arith.constant 0 : i32
        %parallel_loop3A_694 = arith.cmpi slt, %parallel_loop3A_687, %parallel_loop3A_693 : i32
        %parallel_loop3A_695 = arith.extui %parallel_loop3A_694 : i1 to i32
        %parallel_loop3A_696 = arith.subi %parallel_loop3A_692, %parallel_loop3A_695 : i32
        %parallel_loop3A_697 = arith.constant 0 : i32
        %parallel_loop3A_698 = arith.cmpi sgt, %parallel_loop3A_688, %parallel_loop3A_697 : i32
        %parallel_loop3A_699 = arith.extui %parallel_loop3A_698 : i1 to i32
        %parallel_loop3A_700 = arith.constant 0 : i32
        %parallel_loop3A_701 = arith.cmpi slt, %parallel_loop3A_688, %parallel_loop3A_700 : i32
        %parallel_loop3A_702 = arith.extui %parallel_loop3A_701 : i1 to i32
        %parallel_loop3A_703 = arith.subi %parallel_loop3A_699, %parallel_loop3A_702 : i32
        %parallel_loop3A_704 = arith.cmpi ne, %parallel_loop3A_696, %parallel_loop3A_703 : i32
        %parallel_loop3A_705 = arith.remsi %parallel_loop3A_687, %parallel_loop3A_688 : i32
        %parallel_loop3A_706 = arith.constant 0 : i32
        %parallel_loop3A_707 = arith.cmpi ne, %parallel_loop3A_705, %parallel_loop3A_706 : i32
        %parallel_loop3A_708 = arith.andi %parallel_loop3A_704, %parallel_loop3A_707 : i1
        %parallel_loop3A_709 = arith.constant 1 : i32
        %parallel_loop3A_710 = arith.subi %parallel_loop3A_689, %parallel_loop3A_709 : i32
        %parallel_loop3A_711 = arith.select %parallel_loop3A_708, %parallel_loop3A_710, %parallel_loop3A_689 : i32
        %parallel_loop3A_712 = arith.constant 8 : i32
        %parallel_loop3A_713 = arith.constant 0 : i32
        %parallel_loop3A_714 = arith.cmpi eq, %parallel_loop3A_712, %parallel_loop3A_713 : i32
        %parallel_loop3A_715 = arith.constant 1 : i32
        %parallel_loop3A_716 = arith.select %parallel_loop3A_714, %parallel_loop3A_715, %parallel_loop3A_712 : i32
        %parallel_loop3A_717 = arith.remsi %parallel_loop3A_687, %parallel_loop3A_716 : i32
        %parallel_loop3A_718 = arith.constant 0 : i32
        %parallel_loop3A_719 = arith.cmpi ne, %parallel_loop3A_717, %parallel_loop3A_718 : i32
        %parallel_loop3A_720 = arith.constant 0 : i32
        %parallel_loop3A_721 = arith.cmpi slt, %parallel_loop3A_717, %parallel_loop3A_720 : i32
        %parallel_loop3A_722 = arith.constant 0 : i32
        %parallel_loop3A_723 = arith.cmpi slt, %parallel_loop3A_716, %parallel_loop3A_722 : i32
        %parallel_loop3A_724 = arith.xori %parallel_loop3A_721, %parallel_loop3A_723 : i1
        %parallel_loop3A_725 = arith.andi %parallel_loop3A_724, %parallel_loop3A_719 : i1
        %parallel_loop3A_726 = arith.addi %parallel_loop3A_717, %parallel_loop3A_716 : i32
        %parallel_loop3A_727 = arith.select %parallel_loop3A_725, %parallel_loop3A_726, %parallel_loop3A_717 : i32
        %parallel_loop3A_728 = arith.constant 16 : i32
        %parallel_loop3A_729 = arith.muli %parallel_loop3A_727, %parallel_loop3A_728 : i32
        %parallel_loop3A_730 = arith.constant 0 : i32
        %parallel_loop3A_731 = arith.index_cast %parallel_loop3A_730 : i32 to index
        %parallel_loop3A_732 = arith.index_cast %parallel_loop3A_711 : i32 to index
        %parallel_loop3A_733 = arith.index_cast %parallel_loop3A_729 : i32 to index
        %parallel_loop3A_734 = tpu.vector_load %arg6[%parallel_loop3A_731, %parallel_loop3A_732, %parallel_loop3A_733] {strides = array<i32>} : memref<6x112x128xf32, #tpu.memory_space<vmem>>, vector<1x1x16xf32>,
        %parallel_loop3A_735 = vector.shape_cast %parallel_loop3A_734 : vector<1x1x16xf32> to vector<16xf32>
        %parallel_loop3A_736 = arith.constant 1 : i32
        %parallel_loop3A_737 = arith.index_cast %parallel_loop3A_736 : i32 to index
        %parallel_loop3A_738 = arith.index_cast %parallel_loop3A_711 : i32 to index
        %parallel_loop3A_739 = arith.index_cast %parallel_loop3A_729 : i32 to index
        %parallel_loop3A_740 = tpu.vector_load %arg6[%parallel_loop3A_737, %parallel_loop3A_738, %parallel_loop3A_739] {strides = array<i32>} : memref<6x112x128xf32, #tpu.memory_space<vmem>>, vector<1x1x16xf32>,
        %parallel_loop3A_741 = vector.shape_cast %parallel_loop3A_740 : vector<1x1x16xf32> to vector<16xf32>
        %parallel_loop3A_742 = arith.addf %parallel_loop3A_735, %parallel_loop3A_741 : vector<16xf32>
        %parallel_loop3A_743 = arith.constant 2 : i32
        %parallel_loop3A_744 = arith.index_cast %parallel_loop3A_743 : i32 to index
        %parallel_loop3A_745 = arith.index_cast %parallel_loop3A_711 : i32 to index
        %parallel_loop3A_746 = arith.index_cast %parallel_loop3A_729 : i32 to index
        %parallel_loop3A_747 = tpu.vector_load %arg6[%parallel_loop3A_744, %parallel_loop3A_745, %parallel_loop3A_746] {strides = array<i32>} : memref<6x112x128xf32, #tpu.memory_space<vmem>>, vector<1x1x16xf32>,
        %parallel_loop3A_748 = vector.shape_cast %parallel_loop3A_747 : vector<1x1x16xf32> to vector<16xf32>
        %parallel_loop3A_749 = arith.addf %parallel_loop3A_742, %parallel_loop3A_748 : vector<16xf32>
        %parallel_loop3A_750 = arith.index_cast %parallel_loop3A_711 : i32 to index
        %parallel_loop3A_751 = arith.index_cast %parallel_loop3A_729 : i32 to index
        %parallel_loop3A_752 = tpu.vector_load %arg7[%parallel_loop3A_750, %parallel_loop3A_751] {strides = array<i32>} : memref<112x128xf32, #tpu.memory_space<vmem>>, vector<1x16xf32>,
        %parallel_loop3A_753 = vector.shape_cast %parallel_loop3A_752 : vector<1x16xf32> to vector<16xf32>
        %parallel_loop3A_754 = vector.shape_cast %parallel_loop3A_749 : vector<16xf32> to vector<1x16xf32>
        tpu.vector_store %arg7[%parallel_loop3A_750, %parallel_loop3A_751], %parallel_loop3A_754 {add = true, strides = array<i32>} : memref<112x128xf32, #tpu.memory_space<vmem>>, vector<1x16xf32>,
      } {sc.loop_unroll_factor = 4 : i64, sc.parallel_access}
      %dma_start3A_423 = arith.constant 18 : i32
      %dma_start3A_424 = arith.constant 0 : i32
      %dma_start3A_425 = arith.constant 0 : i32
      %dma_start3A_426 = arith.constant 0 : i32
      %dma_start3A_427 = tpu.memref_slice %arg6[%dma_start3A_424, %dma_start3A_425, %dma_start3A_426] : memref<6x112x128xf32, #tpu.memory_space<vmem>> -> memref<1x112x128xf32, #tpu.memory_space<vmem>>
      %dma_start3A_428 = tpu.memref_squeeze %dma_start3A_427 : memref<1x112x128xf32, #tpu.memory_space<vmem>> -> memref<112x128xf32, #tpu.memory_space<vmem>>
      %dma_start3A_429 = arith.constant 0 : i32
      %dma_start3A_430 = tpu.memref_slice %arg5[%dma_start3A_423, %dma_start3A_429] : memref<27x112xi32, #tpu.memory_space<vmem>> -> memref<1x112xi32, #tpu.memory_space<vmem>>
      %dma_start3A_431 = tpu.memref_squeeze %dma_start3A_430 : memref<1x112xi32, #tpu.memory_space<vmem>> -> memref<112xi32, #tpu.memory_space<vmem>>
      %dma_start3A_432 = arith.constant 0 : i32
      %dma_start3A_433 = arith.constant 0 : i32
      %dma_start3A_434 = tpu.memref_slice %arg2[%dma_start3A_432, %dma_start3A_433] : memref<1354752x128xf32, #tpu.memory_space<hbm>> -> memref<1354752x128xf32, #tpu.memory_space<hbm>>
      tpu.enqueue_indirect_dma source(%dma_start3A_434 : memref<1354752x128xf32, #tpu.memory_space<hbm>>) target(%dma_start3A_428 : memref<112x128xf32, #tpu.memory_space<vmem>>) offsets(%dma_start3A_431 : memref<112xi32, #tpu.memory_space<vmem>>) semaphore(%arg8 : memref<!tpu.dma_semaphore, #tpu.memory_space<semaphore_mem>>)
      %dma_start3A_435 = arith.constant 19 : i32
      %dma_start3A_436 = arith.constant 1 : i32
      %dma_start3A_437 = arith.constant 0 : i32
      %dma_start3A_438 = arith.constant 0 : i32
      %dma_start3A_439 = tpu.memref_slice %arg6[%dma_start3A_436, %dma_start3A_437, %dma_start3A_438] : memref<6x112x128xf32, #tpu.memory_space<vmem>> -> memref<1x112x128xf32, #tpu.memory_space<vmem>>
      %dma_start3A_440 = tpu.memref_squeeze %dma_start3A_439 : memref<1x112x128xf32, #tpu.memory_space<vmem>> -> memref<112x128xf32, #tpu.memory_space<vmem>>
      %dma_start3A_441 = arith.constant 0 : i32
      %dma_start3A_442 = tpu.memref_slice %arg5[%dma_start3A_435, %dma_start3A_441] : memref<27x112xi32, #tpu.memory_space<vmem>> -> memref<1x112xi32, #tpu.memory_space<vmem>>
      %dma_start3A_443 = tpu.memref_squeeze %dma_start3A_442 : memref<1x112xi32, #tpu.memory_space<vmem>> -> memref<112xi32, #tpu.memory_space<vmem>>
      %dma_start3A_444 = arith.constant 0 : i32
      %dma_start3A_445 = arith.constant 0 : i32
      %dma_start3A_446 = tpu.memref_slice %arg2[%dma_start3A_444, %dma_start3A_445] : memref<1354752x128xf32, #tpu.memory_space<hbm>> -> memref<1354752x128xf32, #tpu.memory_space<hbm>>
      tpu.enqueue_indirect_dma source(%dma_start3A_446 : memref<1354752x128xf32, #tpu.memory_space<hbm>>) target(%dma_start3A_440 : memref<112x128xf32, #tpu.memory_space<vmem>>) offsets(%dma_start3A_443 : memref<112xi32, #tpu.memory_space<vmem>>) semaphore(%arg8 : memref<!tpu.dma_semaphore, #tpu.memory_space<semaphore_mem>>)
      %dma_start3A_447 = arith.constant 20 : i32
      %dma_start3A_448 = arith.constant 2 : i32
      %dma_start3A_449 = arith.constant 0 : i32
      %dma_start3A_450 = arith.constant 0 : i32
      %dma_start3A_451 = tpu.memref_slice %arg6[%dma_start3A_448, %dma_start3A_449, %dma_start3A_450] : memref<6x112x128xf32, #tpu.memory_space<vmem>> -> memref<1x112x128xf32, #tpu.memory_space<vmem>>
      %dma_start3A_452 = tpu.memref_squeeze %dma_start3A_451 : memref<1x112x128xf32, #tpu.memory_space<vmem>> -> memref<112x128xf32, #tpu.memory_space<vmem>>
      %dma_start3A_453 = arith.constant 0 : i32
      %dma_start3A_454 = tpu.memref_slice %arg5[%dma_start3A_447, %dma_start3A_453] : memref<27x112xi32, #tpu.memory_space<vmem>> -> memref<1x112xi32, #tpu.memory_space<vmem>>
      %dma_start3A_455 = tpu.memref_squeeze %dma_start3A_454 : memref<1x112xi32, #tpu.memory_space<vmem>> -> memref<112xi32, #tpu.memory_space<vmem>>
      %dma_start3A_456 = arith.constant 0 : i32
      %dma_start3A_457 = arith.constant 0 : i32
      %dma_start3A_458 = tpu.memref_slice %arg2[%dma_start3A_456, %dma_start3A_457] : memref<1354752x128xf32, #tpu.memory_space<hbm>> -> memref<1354752x128xf32, #tpu.memory_space<hbm>>
      tpu.enqueue_indirect_dma source(%dma_start3A_458 : memref<1354752x128xf32, #tpu.memory_space<hbm>>) target(%dma_start3A_452 : memref<112x128xf32, #tpu.memory_space<vmem>>) offsets(%dma_start3A_455 : memref<112xi32, #tpu.memory_space<vmem>>) semaphore(%arg8 : memref<!tpu.dma_semaphore, #tpu.memory_space<semaphore_mem>>)
      %dma_wait3A_459 = arith.constant 15 : i32
      %dma_wait3A_460 = arith.constant 3 : i32
      %dma_wait3A_461 = arith.constant 0 : i32
      %dma_wait3A_462 = arith.constant 0 : i32
      %dma_wait3A_463 = tpu.memref_slice %arg6[%dma_wait3A_460, %dma_wait3A_461, %dma_wait3A_462] : memref<6x112x128xf32, #tpu.memory_space<vmem>> -> memref<1x112x128xf32, #tpu.memory_space<vmem>>
      %dma_wait3A_464 = tpu.memref_squeeze %dma_wait3A_463 : memref<1x112x128xf32, #tpu.memory_space<vmem>> -> memref<112x128xf32, #tpu.memory_space<vmem>>
      %dma_wait3A_465 = arith.constant 0 : i32
      %dma_wait3A_466 = tpu.memref_slice %arg5[%dma_wait3A_459, %dma_wait3A_465] : memref<27x112xi32, #tpu.memory_space<vmem>> -> memref<1x112xi32, #tpu.memory_space<vmem>>
      %dma_wait3A_467 = tpu.memref_squeeze %dma_wait3A_466 : memref<1x112xi32, #tpu.memory_space<vmem>> -> memref<112xi32, #tpu.memory_space<vmem>>
      %dma_wait3A_468 = arith.constant 0 : i32
      %dma_wait3A_469 = arith.constant 0 : i32
      %dma_wait3A_470 = tpu.memref_slice %arg2[%dma_wait3A_468, %dma_wait3A_469] : memref<1354752x128xf32, #tpu.memory_space<hbm>> -> memref<1354752x128xf32, #tpu.memory_space<hbm>>
      tpu.wait_indirect_dma semaphore(%arg8 : memref<!tpu.dma_semaphore, #tpu.memory_space<semaphore_mem>>) src(%dma_wait3A_470 : memref<1354752x128xf32, #tpu.memory_space<hbm>>) dst(%dma_wait3A_464 : memref<112x128xf32, #tpu.memory_space<vmem>>)
      %dma_wait3A_471 = arith.constant 16 : i32
      %dma_wait3A_472 = arith.constant 4 : i32
      %dma_wait3A_473 = arith.constant 0 : i32
      %dma_wait3A_474 = arith.constant 0 : i32
      %dma_wait3A_475 = tpu.memref_slice %arg6[%dma_wait3A_472, %dma_wait3A_473, %dma_wait3A_474] : memref<6x112x128xf32, #tpu.memory_space<vmem>> -> memref<1x112x128xf32, #tpu.memory_space<vmem>>
      %dma_wait3A_476 = tpu.memref_squeeze %dma_wait3A_475 : memref<1x112x128xf32, #tpu.memory_space<vmem>> -> memref<112x128xf32, #tpu.memory_space<vmem>>
      %dma_wait3A_477 = arith.constant 0 : i32
      %dma_wait3A_478 = tpu.memref_slice %arg5[%dma_wait3A_471, %dma_wait3A_477] : memref<27x112xi32, #tpu.memory_space<vmem>> -> memref<1x112xi32, #tpu.memory_space<vmem>>
      %dma_wait3A_479 = tpu.memref_squeeze %dma_wait3A_478 : memref<1x112xi32, #tpu.memory_space<vmem>> -> memref<112xi32, #tpu.memory_space<vmem>>
      %dma_wait3A_480 = arith.constant 0 : i32
      %dma_wait3A_481 = arith.constant 0 : i32
      %dma_wait3A_482 = tpu.memref_slice %arg2[%dma_wait3A_480, %dma_wait3A_481] : memref<1354752x128xf32, #tpu.memory_space<hbm>> -> memref<1354752x128xf32, #tpu.memory_space<hbm>>
      tpu.wait_indirect_dma semaphore(%arg8 : memref<!tpu.dma_semaphore, #tpu.memory_space<semaphore_mem>>) src(%dma_wait3A_482 : memref<1354752x128xf32, #tpu.memory_space<hbm>>) dst(%dma_wait3A_476 : memref<112x128xf32, #tpu.memory_space<vmem>>)
      %dma_wait3A_483 = arith.constant 17 : i32
      %dma_wait3A_484 = arith.constant 5 : i32
      %dma_wait3A_485 = arith.constant 0 : i32
      %dma_wait3A_486 = arith.constant 0 : i32
      %dma_wait3A_487 = tpu.memref_slice %arg6[%dma_wait3A_484, %dma_wait3A_485, %dma_wait3A_486] : memref<6x112x128xf32, #tpu.memory_space<vmem>> -> memref<1x112x128xf32, #tpu.memory_space<vmem>>
      %dma_wait3A_488 = tpu.memref_squeeze %dma_wait3A_487 : memref<1x112x128xf32, #tpu.memory_space<vmem>> -> memref<112x128xf32, #tpu.memory_space<vmem>>
      %dma_wait3A_489 = arith.constant 0 : i32
      %dma_wait3A_490 = tpu.memref_slice %arg5[%dma_wait3A_483, %dma_wait3A_489] : memref<27x112xi32, #tpu.memory_space<vmem>> -> memref<1x112xi32, #tpu.memory_space<vmem>>
      %dma_wait3A_491 = tpu.memref_squeeze %dma_wait3A_490 : memref<1x112xi32, #tpu.memory_space<vmem>> -> memref<112xi32, #tpu.memory_space<vmem>>
      %dma_wait3A_492 = arith.constant 0 : i32
      %dma_wait3A_493 = arith.constant 0 : i32
      %dma_wait3A_494 = tpu.memref_slice %arg2[%dma_wait3A_492, %dma_wait3A_493] : memref<1354752x128xf32, #tpu.memory_space<hbm>> -> memref<1354752x128xf32, #tpu.memory_space<hbm>>
      tpu.wait_indirect_dma semaphore(%arg8 : memref<!tpu.dma_semaphore, #tpu.memory_space<semaphore_mem>>) src(%dma_wait3A_494 : memref<1354752x128xf32, #tpu.memory_space<hbm>>) dst(%dma_wait3A_488 : memref<112x128xf32, #tpu.memory_space<vmem>>)
      %parallel_loop3A_495 = arith.constant 0 : i32
      %parallel_loop3A_496 = arith.constant 896 : i32
      %parallel_loop3A_497 = arith.constant 1 : i32
      scf.for %parallel_loop3A_687 = %parallel_loop3A_495 to %parallel_loop3A_496 step %parallel_loop3A_497  : i32 {
        %parallel_loop3A_688 = arith.constant 8 : i32
        %parallel_loop3A_689 = arith.divsi %parallel_loop3A_687, %parallel_loop3A_688 : i32
        %parallel_loop3A_690 = arith.constant 0 : i32
        %parallel_loop3A_691 = arith.cmpi sgt, %parallel_loop3A_687, %parallel_loop3A_690 : i32
        %parallel_loop3A_692 = arith.extui %parallel_loop3A_691 : i1 to i32
        %parallel_loop3A_693 = arith.constant 0 : i32
        %parallel_loop3A_694 = arith.cmpi slt, %parallel_loop3A_687, %parallel_loop3A_693 : i32
        %parallel_loop3A_695 = arith.extui %parallel_loop3A_694 : i1 to i32
        %parallel_loop3A_696 = arith.subi %parallel_loop3A_692, %parallel_loop3A_695 : i32
        %parallel_loop3A_697 = arith.constant 0 : i32
        %parallel_loop3A_698 = arith.cmpi sgt, %parallel_loop3A_688, %parallel_loop3A_697 : i32
        %parallel_loop3A_699 = arith.extui %parallel_loop3A_698 : i1 to i32
        %parallel_loop3A_700 = arith.constant 0 : i32
        %parallel_loop3A_701 = arith.cmpi slt, %parallel_loop3A_688, %parallel_loop3A_700 : i32
        %parallel_loop3A_702 = arith.extui %parallel_loop3A_701 : i1 to i32
        %parallel_loop3A_703 = arith.subi %parallel_loop3A_699, %parallel_loop3A_702 : i32
        %parallel_loop3A_704 = arith.cmpi ne, %parallel_loop3A_696, %parallel_loop3A_703 : i32
        %parallel_loop3A_705 = arith.remsi %parallel_loop3A_687, %parallel_loop3A_688 : i32
        %parallel_loop3A_706 = arith.constant 0 : i32
        %parallel_loop3A_707 = arith.cmpi ne, %parallel_loop3A_705, %parallel_loop3A_706 : i32
        %parallel_loop3A_708 = arith.andi %parallel_loop3A_704, %parallel_loop3A_707 : i1
        %parallel_loop3A_709 = arith.constant 1 : i32
        %parallel_loop3A_710 = arith.subi %parallel_loop3A_689, %parallel_loop3A_709 : i32
        %parallel_loop3A_711 = arith.select %parallel_loop3A_708, %parallel_loop3A_710, %parallel_loop3A_689 : i32
        %parallel_loop3A_712 = arith.constant 8 : i32
        %parallel_loop3A_713 = arith.constant 0 : i32
        %parallel_loop3A_714 = arith.cmpi eq, %parallel_loop3A_712, %parallel_loop3A_713 : i32
        %parallel_loop3A_715 = arith.constant 1 : i32
        %parallel_loop3A_716 = arith.select %parallel_loop3A_714, %parallel_loop3A_715, %parallel_loop3A_712 : i32
        %parallel_loop3A_717 = arith.remsi %parallel_loop3A_687, %parallel_loop3A_716 : i32
        %parallel_loop3A_718 = arith.constant 0 : i32
        %parallel_loop3A_719 = arith.cmpi ne, %parallel_loop3A_717, %parallel_loop3A_718 : i32
        %parallel_loop3A_720 = arith.constant 0 : i32
        %parallel_loop3A_721 = arith.cmpi slt, %parallel_loop3A_717, %parallel_loop3A_720 : i32
        %parallel_loop3A_722 = arith.constant 0 : i32
        %parallel_loop3A_723 = arith.cmpi slt, %parallel_loop3A_716, %parallel_loop3A_722 : i32
        %parallel_loop3A_724 = arith.xori %parallel_loop3A_721, %parallel_loop3A_723 : i1
        %parallel_loop3A_725 = arith.andi %parallel_loop3A_724, %parallel_loop3A_719 : i1
        %parallel_loop3A_726 = arith.addi %parallel_loop3A_717, %parallel_loop3A_716 : i32
        %parallel_loop3A_727 = arith.select %parallel_loop3A_725, %parallel_loop3A_726, %parallel_loop3A_717 : i32
        %parallel_loop3A_728 = arith.constant 16 : i32
        %parallel_loop3A_729 = arith.muli %parallel_loop3A_727, %parallel_loop3A_728 : i32
        %parallel_loop3A_730 = arith.constant 3 : i32
        %parallel_loop3A_731 = arith.index_cast %parallel_loop3A_730 : i32 to index
        %parallel_loop3A_732 = arith.index_cast %parallel_loop3A_711 : i32 to index
        %parallel_loop3A_733 = arith.index_cast %parallel_loop3A_729 : i32 to index
        %parallel_loop3A_734 = tpu.vector_load %arg6[%parallel_loop3A_731, %parallel_loop3A_732, %parallel_loop3A_733] {strides = array<i32>} : memref<6x112x128xf32, #tpu.memory_space<vmem>>, vector<1x1x16xf32>,
        %parallel_loop3A_735 = vector.shape_cast %parallel_loop3A_734 : vector<1x1x16xf32> to vector<16xf32>
        %parallel_loop3A_736 = arith.constant 4 : i32
        %parallel_loop3A_737 = arith.index_cast %parallel_loop3A_736 : i32 to index
        %parallel_loop3A_738 = arith.index_cast %parallel_loop3A_711 : i32 to index
        %parallel_loop3A_739 = arith.index_cast %parallel_loop3A_729 : i32 to index
        %parallel_loop3A_740 = tpu.vector_load %arg6[%parallel_loop3A_737, %parallel_loop3A_738, %parallel_loop3A_739] {strides = array<i32>} : memref<6x112x128xf32, #tpu.memory_space<vmem>>, vector<1x1x16xf32>,
        %parallel_loop3A_741 = vector.shape_cast %parallel_loop3A_740 : vector<1x1x16xf32> to vector<16xf32>
        %parallel_loop3A_742 = arith.addf %parallel_loop3A_735, %parallel_loop3A_741 : vector<16xf32>
        %parallel_loop3A_743 = arith.constant 5 : i32
        %parallel_loop3A_744 = arith.index_cast %parallel_loop3A_743 : i32 to index
        %parallel_loop3A_745 = arith.index_cast %parallel_loop3A_711 : i32 to index
        %parallel_loop3A_746 = arith.index_cast %parallel_loop3A_729 : i32 to index
        %parallel_loop3A_747 = tpu.vector_load %arg6[%parallel_loop3A_744, %parallel_loop3A_745, %parallel_loop3A_746] {strides = array<i32>} : memref<6x112x128xf32, #tpu.memory_space<vmem>>, vector<1x1x16xf32>,
        %parallel_loop3A_748 = vector.shape_cast %parallel_loop3A_747 : vector<1x1x16xf32> to vector<16xf32>
        %parallel_loop3A_749 = arith.addf %parallel_loop3A_742, %parallel_loop3A_748 : vector<16xf32>
        %parallel_loop3A_750 = arith.index_cast %parallel_loop3A_711 : i32 to index
        %parallel_loop3A_751 = arith.index_cast %parallel_loop3A_729 : i32 to index
        %parallel_loop3A_752 = tpu.vector_load %arg7[%parallel_loop3A_750, %parallel_loop3A_751] {strides = array<i32>} : memref<112x128xf32, #tpu.memory_space<vmem>>, vector<1x16xf32>,
        %parallel_loop3A_753 = vector.shape_cast %parallel_loop3A_752 : vector<1x16xf32> to vector<16xf32>
        %parallel_loop3A_754 = vector.shape_cast %parallel_loop3A_749 : vector<16xf32> to vector<1x16xf32>
        tpu.vector_store %arg7[%parallel_loop3A_750, %parallel_loop3A_751], %parallel_loop3A_754 {add = true, strides = array<i32>} : memref<112x128xf32, #tpu.memory_space<vmem>>, vector<1x16xf32>,
      } {sc.loop_unroll_factor = 4 : i64, sc.parallel_access}
      %dma_start3A_498 = arith.constant 21 : i32
      %dma_start3A_499 = arith.constant 3 : i32
      %dma_start3A_500 = arith.constant 0 : i32
      %dma_start3A_501 = arith.constant 0 : i32
      %dma_start3A_502 = tpu.memref_slice %arg6[%dma_start3A_499, %dma_start3A_500, %dma_start3A_501] : memref<6x112x128xf32, #tpu.memory_space<vmem>> -> memref<1x112x128xf32, #tpu.memory_space<vmem>>
      %dma_start3A_503 = tpu.memref_squeeze %dma_start3A_502 : memref<1x112x128xf32, #tpu.memory_space<vmem>> -> memref<112x128xf32, #tpu.memory_space<vmem>>
      %dma_start3A_504 = arith.constant 0 : i32
      %dma_start3A_505 = tpu.memref_slice %arg5[%dma_start3A_498, %dma_start3A_504] : memref<27x112xi32, #tpu.memory_space<vmem>> -> memref<1x112xi32, #tpu.memory_space<vmem>>
      %dma_start3A_506 = tpu.memref_squeeze %dma_start3A_505 : memref<1x112xi32, #tpu.memory_space<vmem>> -> memref<112xi32, #tpu.memory_space<vmem>>
      %dma_start3A_507 = arith.constant 0 : i32
      %dma_start3A_508 = arith.constant 0 : i32
      %dma_start3A_509 = tpu.memref_slice %arg2[%dma_start3A_507, %dma_start3A_508] : memref<1354752x128xf32, #tpu.memory_space<hbm>> -> memref<1354752x128xf32, #tpu.memory_space<hbm>>
      tpu.enqueue_indirect_dma source(%dma_start3A_509 : memref<1354752x128xf32, #tpu.memory_space<hbm>>) target(%dma_start3A_503 : memref<112x128xf32, #tpu.memory_space<vmem>>) offsets(%dma_start3A_506 : memref<112xi32, #tpu.memory_space<vmem>>) semaphore(%arg8 : memref<!tpu.dma_semaphore, #tpu.memory_space<semaphore_mem>>)
      %dma_start3A_510 = arith.constant 22 : i32
      %dma_start3A_511 = arith.constant 4 : i32
      %dma_start3A_512 = arith.constant 0 : i32
      %dma_start3A_513 = arith.constant 0 : i32
      %dma_start3A_514 = tpu.memref_slice %arg6[%dma_start3A_511, %dma_start3A_512, %dma_start3A_513] : memref<6x112x128xf32, #tpu.memory_space<vmem>> -> memref<1x112x128xf32, #tpu.memory_space<vmem>>
      %dma_start3A_515 = tpu.memref_squeeze %dma_start3A_514 : memref<1x112x128xf32, #tpu.memory_space<vmem>> -> memref<112x128xf32, #tpu.memory_space<vmem>>
      %dma_start3A_516 = arith.constant 0 : i32
      %dma_start3A_517 = tpu.memref_slice %arg5[%dma_start3A_510, %dma_start3A_516] : memref<27x112xi32, #tpu.memory_space<vmem>> -> memref<1x112xi32, #tpu.memory_space<vmem>>
      %dma_start3A_518 = tpu.memref_squeeze %dma_start3A_517 : memref<1x112xi32, #tpu.memory_space<vmem>> -> memref<112xi32, #tpu.memory_space<vmem>>
      %dma_start3A_519 = arith.constant 0 : i32
      %dma_start3A_520 = arith.constant 0 : i32
      %dma_start3A_521 = tpu.memref_slice %arg2[%dma_start3A_519, %dma_start3A_520] : memref<1354752x128xf32, #tpu.memory_space<hbm>> -> memref<1354752x128xf32, #tpu.memory_space<hbm>>
      tpu.enqueue_indirect_dma source(%dma_start3A_521 : memref<1354752x128xf32, #tpu.memory_space<hbm>>) target(%dma_start3A_515 : memref<112x128xf32, #tpu.memory_space<vmem>>) offsets(%dma_start3A_518 : memref<112xi32, #tpu.memory_space<vmem>>) semaphore(%arg8 : memref<!tpu.dma_semaphore, #tpu.memory_space<semaphore_mem>>)
      %dma_start3A_522 = arith.constant 23 : i32
      %dma_start3A_523 = arith.constant 5 : i32
      %dma_start3A_524 = arith.constant 0 : i32
      %dma_start3A_525 = arith.constant 0 : i32
      %dma_start3A_526 = tpu.memref_slice %arg6[%dma_start3A_523, %dma_start3A_524, %dma_start3A_525] : memref<6x112x128xf32, #tpu.memory_space<vmem>> -> memref<1x112x128xf32, #tpu.memory_space<vmem>>
      %dma_start3A_527 = tpu.memref_squeeze %dma_start3A_526 : memref<1x112x128xf32, #tpu.memory_space<vmem>> -> memref<112x128xf32, #tpu.memory_space<vmem>>
      %dma_start3A_528 = arith.constant 0 : i32
      %dma_start3A_529 = tpu.memref_slice %arg5[%dma_start3A_522, %dma_start3A_528] : memref<27x112xi32, #tpu.memory_space<vmem>> -> memref<1x112xi32, #tpu.memory_space<vmem>>
      %dma_start3A_530 = tpu.memref_squeeze %dma_start3A_529 : memref<1x112xi32, #tpu.memory_space<vmem>> -> memref<112xi32, #tpu.memory_space<vmem>>
      %dma_start3A_531 = arith.constant 0 : i32
      %dma_start3A_532 = arith.constant 0 : i32
      %dma_start3A_533 = tpu.memref_slice %arg2[%dma_start3A_531, %dma_start3A_532] : memref<1354752x128xf32, #tpu.memory_space<hbm>> -> memref<1354752x128xf32, #tpu.memory_space<hbm>>
      tpu.enqueue_indirect_dma source(%dma_start3A_533 : memref<1354752x128xf32, #tpu.memory_space<hbm>>) target(%dma_start3A_527 : memref<112x128xf32, #tpu.memory_space<vmem>>) offsets(%dma_start3A_530 : memref<112xi32, #tpu.memory_space<vmem>>) semaphore(%arg8 : memref<!tpu.dma_semaphore, #tpu.memory_space<semaphore_mem>>)
      %dma_wait3A_534 = arith.constant 18 : i32
      %dma_wait3A_535 = arith.constant 0 : i32
      %dma_wait3A_536 = arith.constant 0 : i32
      %dma_wait3A_537 = arith.constant 0 : i32
      %dma_wait3A_538 = tpu.memref_slice %arg6[%dma_wait3A_535, %dma_wait3A_536, %dma_wait3A_537] : memref<6x112x128xf32, #tpu.memory_space<vmem>> -> memref<1x112x128xf32, #tpu.memory_space<vmem>>
      %dma_wait3A_539 = tpu.memref_squeeze %dma_wait3A_538 : memref<1x112x128xf32, #tpu.memory_space<vmem>> -> memref<112x128xf32, #tpu.memory_space<vmem>>
      %dma_wait3A_540 = arith.constant 0 : i32
      %dma_wait3A_541 = tpu.memref_slice %arg5[%dma_wait3A_534, %dma_wait3A_540] : memref<27x112xi32, #tpu.memory_space<vmem>> -> memref<1x112xi32, #tpu.memory_space<vmem>>
      %dma_wait3A_542 = tpu.memref_squeeze %dma_wait3A_541 : memref<1x112xi32, #tpu.memory_space<vmem>> -> memref<112xi32, #tpu.memory_space<vmem>>
      %dma_wait3A_543 = arith.constant 0 : i32
      %dma_wait3A_544 = arith.constant 0 : i32
      %dma_wait3A_545 = tpu.memref_slice %arg2[%dma_wait3A_543, %dma_wait3A_544] : memref<1354752x128xf32, #tpu.memory_space<hbm>> -> memref<1354752x128xf32, #tpu.memory_space<hbm>>
      tpu.wait_indirect_dma semaphore(%arg8 : memref<!tpu.dma_semaphore, #tpu.memory_space<semaphore_mem>>) src(%dma_wait3A_545 : memref<1354752x128xf32, #tpu.memory_space<hbm>>) dst(%dma_wait3A_539 : memref<112x128xf32, #tpu.memory_space<vmem>>)
      %dma_wait3A_546 = arith.constant 19 : i32
      %dma_wait3A_547 = arith.constant 1 : i32
      %dma_wait3A_548 = arith.constant 0 : i32
      %dma_wait3A_549 = arith.constant 0 : i32
      %dma_wait3A_550 = tpu.memref_slice %arg6[%dma_wait3A_547, %dma_wait3A_548, %dma_wait3A_549] : memref<6x112x128xf32, #tpu.memory_space<vmem>> -> memref<1x112x128xf32, #tpu.memory_space<vmem>>
      %dma_wait3A_551 = tpu.memref_squeeze %dma_wait3A_550 : memref<1x112x128xf32, #tpu.memory_space<vmem>> -> memref<112x128xf32, #tpu.memory_space<vmem>>
      %dma_wait3A_552 = arith.constant 0 : i32
      %dma_wait3A_553 = tpu.memref_slice %arg5[%dma_wait3A_546, %dma_wait3A_552] : memref<27x112xi32, #tpu.memory_space<vmem>> -> memref<1x112xi32, #tpu.memory_space<vmem>>
      %dma_wait3A_554 = tpu.memref_squeeze %dma_wait3A_553 : memref<1x112xi32, #tpu.memory_space<vmem>> -> memref<112xi32, #tpu.memory_space<vmem>>
      %dma_wait3A_555 = arith.constant 0 : i32
      %dma_wait3A_556 = arith.constant 0 : i32
      %dma_wait3A_557 = tpu.memref_slice %arg2[%dma_wait3A_555, %dma_wait3A_556] : memref<1354752x128xf32, #tpu.memory_space<hbm>> -> memref<1354752x128xf32, #tpu.memory_space<hbm>>
      tpu.wait_indirect_dma semaphore(%arg8 : memref<!tpu.dma_semaphore, #tpu.memory_space<semaphore_mem>>) src(%dma_wait3A_557 : memref<1354752x128xf32, #tpu.memory_space<hbm>>) dst(%dma_wait3A_551 : memref<112x128xf32, #tpu.memory_space<vmem>>)
      %dma_wait3A_558 = arith.constant 20 : i32
      %dma_wait3A_559 = arith.constant 2 : i32
      %dma_wait3A_560 = arith.constant 0 : i32
      %dma_wait3A_561 = arith.constant 0 : i32
      %dma_wait3A_562 = tpu.memref_slice %arg6[%dma_wait3A_559, %dma_wait3A_560, %dma_wait3A_561] : memref<6x112x128xf32, #tpu.memory_space<vmem>> -> memref<1x112x128xf32, #tpu.memory_space<vmem>>
      %dma_wait3A_563 = tpu.memref_squeeze %dma_wait3A_562 : memref<1x112x128xf32, #tpu.memory_space<vmem>> -> memref<112x128xf32, #tpu.memory_space<vmem>>
      %dma_wait3A_564 = arith.constant 0 : i32
      %dma_wait3A_565 = tpu.memref_slice %arg5[%dma_wait3A_558, %dma_wait3A_564] : memref<27x112xi32, #tpu.memory_space<vmem>> -> memref<1x112xi32, #tpu.memory_space<vmem>>
      %dma_wait3A_566 = tpu.memref_squeeze %dma_wait3A_565 : memref<1x112xi32, #tpu.memory_space<vmem>> -> memref<112xi32, #tpu.memory_space<vmem>>
      %dma_wait3A_567 = arith.constant 0 : i32
      %dma_wait3A_568 = arith.constant 0 : i32
      %dma_wait3A_569 = tpu.memref_slice %arg2[%dma_wait3A_567, %dma_wait3A_568] : memref<1354752x128xf32, #tpu.memory_space<hbm>> -> memref<1354752x128xf32, #tpu.memory_space<hbm>>
      tpu.wait_indirect_dma semaphore(%arg8 : memref<!tpu.dma_semaphore, #tpu.memory_space<semaphore_mem>>) src(%dma_wait3A_569 : memref<1354752x128xf32, #tpu.memory_space<hbm>>) dst(%dma_wait3A_563 : memref<112x128xf32, #tpu.memory_space<vmem>>)
      %parallel_loop3A_570 = arith.constant 0 : i32
      %parallel_loop3A_571 = arith.constant 896 : i32
      %parallel_loop3A_572 = arith.constant 1 : i32
      scf.for %parallel_loop3A_687 = %parallel_loop3A_570 to %parallel_loop3A_571 step %parallel_loop3A_572  : i32 {
        %parallel_loop3A_688 = arith.constant 8 : i32
        %parallel_loop3A_689 = arith.divsi %parallel_loop3A_687, %parallel_loop3A_688 : i32
        %parallel_loop3A_690 = arith.constant 0 : i32
        %parallel_loop3A_691 = arith.cmpi sgt, %parallel_loop3A_687, %parallel_loop3A_690 : i32
        %parallel_loop3A_692 = arith.extui %parallel_loop3A_691 : i1 to i32
        %parallel_loop3A_693 = arith.constant 0 : i32
        %parallel_loop3A_694 = arith.cmpi slt, %parallel_loop3A_687, %parallel_loop3A_693 : i32
        %parallel_loop3A_695 = arith.extui %parallel_loop3A_694 : i1 to i32
        %parallel_loop3A_696 = arith.subi %parallel_loop3A_692, %parallel_loop3A_695 : i32
        %parallel_loop3A_697 = arith.constant 0 : i32
        %parallel_loop3A_698 = arith.cmpi sgt, %parallel_loop3A_688, %parallel_loop3A_697 : i32
        %parallel_loop3A_699 = arith.extui %parallel_loop3A_698 : i1 to i32
        %parallel_loop3A_700 = arith.constant 0 : i32
        %parallel_loop3A_701 = arith.cmpi slt, %parallel_loop3A_688, %parallel_loop3A_700 : i32
        %parallel_loop3A_702 = arith.extui %parallel_loop3A_701 : i1 to i32
        %parallel_loop3A_703 = arith.subi %parallel_loop3A_699, %parallel_loop3A_702 : i32
        %parallel_loop3A_704 = arith.cmpi ne, %parallel_loop3A_696, %parallel_loop3A_703 : i32
        %parallel_loop3A_705 = arith.remsi %parallel_loop3A_687, %parallel_loop3A_688 : i32
        %parallel_loop3A_706 = arith.constant 0 : i32
        %parallel_loop3A_707 = arith.cmpi ne, %parallel_loop3A_705, %parallel_loop3A_706 : i32
        %parallel_loop3A_708 = arith.andi %parallel_loop3A_704, %parallel_loop3A_707 : i1
        %parallel_loop3A_709 = arith.constant 1 : i32
        %parallel_loop3A_710 = arith.subi %parallel_loop3A_689, %parallel_loop3A_709 : i32
        %parallel_loop3A_711 = arith.select %parallel_loop3A_708, %parallel_loop3A_710, %parallel_loop3A_689 : i32
        %parallel_loop3A_712 = arith.constant 8 : i32
        %parallel_loop3A_713 = arith.constant 0 : i32
        %parallel_loop3A_714 = arith.cmpi eq, %parallel_loop3A_712, %parallel_loop3A_713 : i32
        %parallel_loop3A_715 = arith.constant 1 : i32
        %parallel_loop3A_716 = arith.select %parallel_loop3A_714, %parallel_loop3A_715, %parallel_loop3A_712 : i32
        %parallel_loop3A_717 = arith.remsi %parallel_loop3A_687, %parallel_loop3A_716 : i32
        %parallel_loop3A_718 = arith.constant 0 : i32
        %parallel_loop3A_719 = arith.cmpi ne, %parallel_loop3A_717, %parallel_loop3A_718 : i32
        %parallel_loop3A_720 = arith.constant 0 : i32
        %parallel_loop3A_721 = arith.cmpi slt, %parallel_loop3A_717, %parallel_loop3A_720 : i32
        %parallel_loop3A_722 = arith.constant 0 : i32
        %parallel_loop3A_723 = arith.cmpi slt, %parallel_loop3A_716, %parallel_loop3A_722 : i32
        %parallel_loop3A_724 = arith.xori %parallel_loop3A_721, %parallel_loop3A_723 : i1
        %parallel_loop3A_725 = arith.andi %parallel_loop3A_724, %parallel_loop3A_719 : i1
        %parallel_loop3A_726 = arith.addi %parallel_loop3A_717, %parallel_loop3A_716 : i32
        %parallel_loop3A_727 = arith.select %parallel_loop3A_725, %parallel_loop3A_726, %parallel_loop3A_717 : i32
        %parallel_loop3A_728 = arith.constant 16 : i32
        %parallel_loop3A_729 = arith.muli %parallel_loop3A_727, %parallel_loop3A_728 : i32
        %parallel_loop3A_730 = arith.constant 0 : i32
        %parallel_loop3A_731 = arith.index_cast %parallel_loop3A_730 : i32 to index
        %parallel_loop3A_732 = arith.index_cast %parallel_loop3A_711 : i32 to index
        %parallel_loop3A_733 = arith.index_cast %parallel_loop3A_729 : i32 to index
        %parallel_loop3A_734 = tpu.vector_load %arg6[%parallel_loop3A_731, %parallel_loop3A_732, %parallel_loop3A_733] {strides = array<i32>} : memref<6x112x128xf32, #tpu.memory_space<vmem>>, vector<1x1x16xf32>,
        %parallel_loop3A_735 = vector.shape_cast %parallel_loop3A_734 : vector<1x1x16xf32> to vector<16xf32>
        %parallel_loop3A_736 = arith.constant 1 : i32
        %parallel_loop3A_737 = arith.index_cast %parallel_loop3A_736 : i32 to index
        %parallel_loop3A_738 = arith.index_cast %parallel_loop3A_711 : i32 to index
        %parallel_loop3A_739 = arith.index_cast %parallel_loop3A_729 : i32 to index
        %parallel_loop3A_740 = tpu.vector_load %arg6[%parallel_loop3A_737, %parallel_loop3A_738, %parallel_loop3A_739] {strides = array<i32>} : memref<6x112x128xf32, #tpu.memory_space<vmem>>, vector<1x1x16xf32>,
        %parallel_loop3A_741 = vector.shape_cast %parallel_loop3A_740 : vector<1x1x16xf32> to vector<16xf32>
        %parallel_loop3A_742 = arith.addf %parallel_loop3A_735, %parallel_loop3A_741 : vector<16xf32>
        %parallel_loop3A_743 = arith.constant 2 : i32
        %parallel_loop3A_744 = arith.index_cast %parallel_loop3A_743 : i32 to index
        %parallel_loop3A_745 = arith.index_cast %parallel_loop3A_711 : i32 to index
        %parallel_loop3A_746 = arith.index_cast %parallel_loop3A_729 : i32 to index
        %parallel_loop3A_747 = tpu.vector_load %arg6[%parallel_loop3A_744, %parallel_loop3A_745, %parallel_loop3A_746] {strides = array<i32>} : memref<6x112x128xf32, #tpu.memory_space<vmem>>, vector<1x1x16xf32>,
        %parallel_loop3A_748 = vector.shape_cast %parallel_loop3A_747 : vector<1x1x16xf32> to vector<16xf32>
        %parallel_loop3A_749 = arith.addf %parallel_loop3A_742, %parallel_loop3A_748 : vector<16xf32>
        %parallel_loop3A_750 = arith.index_cast %parallel_loop3A_711 : i32 to index
        %parallel_loop3A_751 = arith.index_cast %parallel_loop3A_729 : i32 to index
        %parallel_loop3A_752 = tpu.vector_load %arg7[%parallel_loop3A_750, %parallel_loop3A_751] {strides = array<i32>} : memref<112x128xf32, #tpu.memory_space<vmem>>, vector<1x16xf32>,
        %parallel_loop3A_753 = vector.shape_cast %parallel_loop3A_752 : vector<1x16xf32> to vector<16xf32>
        %parallel_loop3A_754 = vector.shape_cast %parallel_loop3A_749 : vector<16xf32> to vector<1x16xf32>
        tpu.vector_store %arg7[%parallel_loop3A_750, %parallel_loop3A_751], %parallel_loop3A_754 {add = true, strides = array<i32>} : memref<112x128xf32, #tpu.memory_space<vmem>>, vector<1x16xf32>,
      } {sc.loop_unroll_factor = 4 : i64, sc.parallel_access}
      %dma_start3A_573 = arith.constant 24 : i32
      %dma_start3A_574 = arith.constant 0 : i32
      %dma_start3A_575 = arith.constant 0 : i32
      %dma_start3A_576 = arith.constant 0 : i32
      %dma_start3A_577 = tpu.memref_slice %arg6[%dma_start3A_574, %dma_start3A_575, %dma_start3A_576] : memref<6x112x128xf32, #tpu.memory_space<vmem>> -> memref<1x112x128xf32, #tpu.memory_space<vmem>>
      %dma_start3A_578 = tpu.memref_squeeze %dma_start3A_577 : memref<1x112x128xf32, #tpu.memory_space<vmem>> -> memref<112x128xf32, #tpu.memory_space<vmem>>
      %dma_start3A_579 = arith.constant 0 : i32
      %dma_start3A_580 = tpu.memref_slice %arg5[%dma_start3A_573, %dma_start3A_579] : memref<27x112xi32, #tpu.memory_space<vmem>> -> memref<1x112xi32, #tpu.memory_space<vmem>>
      %dma_start3A_581 = tpu.memref_squeeze %dma_start3A_580 : memref<1x112xi32, #tpu.memory_space<vmem>> -> memref<112xi32, #tpu.memory_space<vmem>>
      %dma_start3A_582 = arith.constant 0 : i32
      %dma_start3A_583 = arith.constant 0 : i32
      %dma_start3A_584 = tpu.memref_slice %arg2[%dma_start3A_582, %dma_start3A_583] : memref<1354752x128xf32, #tpu.memory_space<hbm>> -> memref<1354752x128xf32, #tpu.memory_space<hbm>>
      tpu.enqueue_indirect_dma source(%dma_start3A_584 : memref<1354752x128xf32, #tpu.memory_space<hbm>>) target(%dma_start3A_578 : memref<112x128xf32, #tpu.memory_space<vmem>>) offsets(%dma_start3A_581 : memref<112xi32, #tpu.memory_space<vmem>>) semaphore(%arg8 : memref<!tpu.dma_semaphore, #tpu.memory_space<semaphore_mem>>)
      %dma_start3A_585 = arith.constant 25 : i32
      %dma_start3A_586 = arith.constant 1 : i32
      %dma_start3A_587 = arith.constant 0 : i32
      %dma_start3A_588 = arith.constant 0 : i32
      %dma_start3A_589 = tpu.memref_slice %arg6[%dma_start3A_586, %dma_start3A_587, %dma_start3A_588] : memref<6x112x128xf32, #tpu.memory_space<vmem>> -> memref<1x112x128xf32, #tpu.memory_space<vmem>>
      %dma_start3A_590 = tpu.memref_squeeze %dma_start3A_589 : memref<1x112x128xf32, #tpu.memory_space<vmem>> -> memref<112x128xf32, #tpu.memory_space<vmem>>
      %dma_start3A_591 = arith.constant 0 : i32
      %dma_start3A_592 = tpu.memref_slice %arg5[%dma_start3A_585, %dma_start3A_591] : memref<27x112xi32, #tpu.memory_space<vmem>> -> memref<1x112xi32, #tpu.memory_space<vmem>>
      %dma_start3A_593 = tpu.memref_squeeze %dma_start3A_592 : memref<1x112xi32, #tpu.memory_space<vmem>> -> memref<112xi32, #tpu.memory_space<vmem>>
      %dma_start3A_594 = arith.constant 0 : i32
      %dma_start3A_595 = arith.constant 0 : i32
      %dma_start3A_596 = tpu.memref_slice %arg2[%dma_start3A_594, %dma_start3A_595] : memref<1354752x128xf32, #tpu.memory_space<hbm>> -> memref<1354752x128xf32, #tpu.memory_space<hbm>>
      tpu.enqueue_indirect_dma source(%dma_start3A_596 : memref<1354752x128xf32, #tpu.memory_space<hbm>>) target(%dma_start3A_590 : memref<112x128xf32, #tpu.memory_space<vmem>>) offsets(%dma_start3A_593 : memref<112xi32, #tpu.memory_space<vmem>>) semaphore(%arg8 : memref<!tpu.dma_semaphore, #tpu.memory_space<semaphore_mem>>)
      %dma_start3A_597 = arith.constant 26 : i32
      %dma_start3A_598 = arith.constant 2 : i32
      %dma_start3A_599 = arith.constant 0 : i32
      %dma_start3A_600 = arith.constant 0 : i32
      %dma_start3A_601 = tpu.memref_slice %arg6[%dma_start3A_598, %dma_start3A_599, %dma_start3A_600] : memref<6x112x128xf32, #tpu.memory_space<vmem>> -> memref<1x112x128xf32, #tpu.memory_space<vmem>>
      %dma_start3A_602 = tpu.memref_squeeze %dma_start3A_601 : memref<1x112x128xf32, #tpu.memory_space<vmem>> -> memref<112x128xf32, #tpu.memory_space<vmem>>
      %dma_start3A_603 = arith.constant 0 : i32
      %dma_start3A_604 = tpu.memref_slice %arg5[%dma_start3A_597, %dma_start3A_603] : memref<27x112xi32, #tpu.memory_space<vmem>> -> memref<1x112xi32, #tpu.memory_space<vmem>>
      %dma_start3A_605 = tpu.memref_squeeze %dma_start3A_604 : memref<1x112xi32, #tpu.memory_space<vmem>> -> memref<112xi32, #tpu.memory_space<vmem>>
      %dma_start3A_606 = arith.constant 0 : i32
      %dma_start3A_607 = arith.constant 0 : i32
      %dma_start3A_608 = tpu.memref_slice %arg2[%dma_start3A_606, %dma_start3A_607] : memref<1354752x128xf32, #tpu.memory_space<hbm>> -> memref<1354752x128xf32, #tpu.memory_space<hbm>>
      tpu.enqueue_indirect_dma source(%dma_start3A_608 : memref<1354752x128xf32, #tpu.memory_space<hbm>>) target(%dma_start3A_602 : memref<112x128xf32, #tpu.memory_space<vmem>>) offsets(%dma_start3A_605 : memref<112xi32, #tpu.memory_space<vmem>>) semaphore(%arg8 : memref<!tpu.dma_semaphore, #tpu.memory_space<semaphore_mem>>)
      %dma_wait3A_609 = arith.constant 21 : i32
      %dma_wait3A_610 = arith.constant 3 : i32
      %dma_wait3A_611 = arith.constant 0 : i32
      %dma_wait3A_612 = arith.constant 0 : i32
      %dma_wait3A_613 = tpu.memref_slice %arg6[%dma_wait3A_610, %dma_wait3A_611, %dma_wait3A_612] : memref<6x112x128xf32, #tpu.memory_space<vmem>> -> memref<1x112x128xf32, #tpu.memory_space<vmem>>
      %dma_wait3A_614 = tpu.memref_squeeze %dma_wait3A_613 : memref<1x112x128xf32, #tpu.memory_space<vmem>> -> memref<112x128xf32, #tpu.memory_space<vmem>>
      %dma_wait3A_615 = arith.constant 0 : i32
      %dma_wait3A_616 = tpu.memref_slice %arg5[%dma_wait3A_609, %dma_wait3A_615] : memref<27x112xi32, #tpu.memory_space<vmem>> -> memref<1x112xi32, #tpu.memory_space<vmem>>
      %dma_wait3A_617 = tpu.memref_squeeze %dma_wait3A_616 : memref<1x112xi32, #tpu.memory_space<vmem>> -> memref<112xi32, #tpu.memory_space<vmem>>
      %dma_wait3A_618 = arith.constant 0 : i32
      %dma_wait3A_619 = arith.constant 0 : i32
      %dma_wait3A_620 = tpu.memref_slice %arg2[%dma_wait3A_618, %dma_wait3A_619] : memref<1354752x128xf32, #tpu.memory_space<hbm>> -> memref<1354752x128xf32, #tpu.memory_space<hbm>>
      tpu.wait_indirect_dma semaphore(%arg8 : memref<!tpu.dma_semaphore, #tpu.memory_space<semaphore_mem>>) src(%dma_wait3A_620 : memref<1354752x128xf32, #tpu.memory_space<hbm>>) dst(%dma_wait3A_614 : memref<112x128xf32, #tpu.memory_space<vmem>>)
      %dma_wait3A_621 = arith.constant 22 : i32
      %dma_wait3A_622 = arith.constant 4 : i32
      %dma_wait3A_623 = arith.constant 0 : i32
      %dma_wait3A_624 = arith.constant 0 : i32
      %dma_wait3A_625 = tpu.memref_slice %arg6[%dma_wait3A_622, %dma_wait3A_623, %dma_wait3A_624] : memref<6x112x128xf32, #tpu.memory_space<vmem>> -> memref<1x112x128xf32, #tpu.memory_space<vmem>>
      %dma_wait3A_626 = tpu.memref_squeeze %dma_wait3A_625 : memref<1x112x128xf32, #tpu.memory_space<vmem>> -> memref<112x128xf32, #tpu.memory_space<vmem>>
      %dma_wait3A_627 = arith.constant 0 : i32
      %dma_wait3A_628 = tpu.memref_slice %arg5[%dma_wait3A_621, %dma_wait3A_627] : memref<27x112xi32, #tpu.memory_space<vmem>> -> memref<1x112xi32, #tpu.memory_space<vmem>>
      %dma_wait3A_629 = tpu.memref_squeeze %dma_wait3A_628 : memref<1x112xi32, #tpu.memory_space<vmem>> -> memref<112xi32, #tpu.memory_space<vmem>>
      %dma_wait3A_630 = arith.constant 0 : i32
      %dma_wait3A_631 = arith.constant 0 : i32
      %dma_wait3A_632 = tpu.memref_slice %arg2[%dma_wait3A_630, %dma_wait3A_631] : memref<1354752x128xf32, #tpu.memory_space<hbm>> -> memref<1354752x128xf32, #tpu.memory_space<hbm>>
      tpu.wait_indirect_dma semaphore(%arg8 : memref<!tpu.dma_semaphore, #tpu.memory_space<semaphore_mem>>) src(%dma_wait3A_632 : memref<1354752x128xf32, #tpu.memory_space<hbm>>) dst(%dma_wait3A_626 : memref<112x128xf32, #tpu.memory_space<vmem>>)
      %dma_wait3A_633 = arith.constant 23 : i32
      %dma_wait3A_634 = arith.constant 5 : i32
      %dma_wait3A_635 = arith.constant 0 : i32
      %dma_wait3A_636 = arith.constant 0 : i32
      %dma_wait3A_637 = tpu.memref_slice %arg6[%dma_wait3A_634, %dma_wait3A_635, %dma_wait3A_636] : memref<6x112x128xf32, #tpu.memory_space<vmem>> -> memref<1x112x128xf32, #tpu.memory_space<vmem>>
      %dma_wait3A_638 = tpu.memref_squeeze %dma_wait3A_637 : memref<1x112x128xf32, #tpu.memory_space<vmem>> -> memref<112x128xf32, #tpu.memory_space<vmem>>
      %dma_wait3A_639 = arith.constant 0 : i32
      %dma_wait3A_640 = tpu.memref_slice %arg5[%dma_wait3A_633, %dma_wait3A_639] : memref<27x112xi32, #tpu.memory_space<vmem>> -> memref<1x112xi32, #tpu.memory_space<vmem>>
      %dma_wait3A_641 = tpu.memref_squeeze %dma_wait3A_640 : memref<1x112xi32, #tpu.memory_space<vmem>> -> memref<112xi32, #tpu.memory_space<vmem>>
      %dma_wait3A_642 = arith.constant 0 : i32
      %dma_wait3A_643 = arith.constant 0 : i32
      %dma_wait3A_644 = tpu.memref_slice %arg2[%dma_wait3A_642, %dma_wait3A_643] : memref<1354752x128xf32, #tpu.memory_space<hbm>> -> memref<1354752x128xf32, #tpu.memory_space<hbm>>
      tpu.wait_indirect_dma semaphore(%arg8 : memref<!tpu.dma_semaphore, #tpu.memory_space<semaphore_mem>>) src(%dma_wait3A_644 : memref<1354752x128xf32, #tpu.memory_space<hbm>>) dst(%dma_wait3A_638 : memref<112x128xf32, #tpu.memory_space<vmem>>)
      %parallel_loop3A_645 = arith.constant 0 : i32
      %parallel_loop3A_646 = arith.constant 896 : i32
      %parallel_loop3A_647 = arith.constant 1 : i32
      scf.for %parallel_loop3A_687 = %parallel_loop3A_645 to %parallel_loop3A_646 step %parallel_loop3A_647  : i32 {
        %parallel_loop3A_688 = arith.constant 8 : i32
        %parallel_loop3A_689 = arith.divsi %parallel_loop3A_687, %parallel_loop3A_688 : i32
        %parallel_loop3A_690 = arith.constant 0 : i32
        %parallel_loop3A_691 = arith.cmpi sgt, %parallel_loop3A_687, %parallel_loop3A_690 : i32
        %parallel_loop3A_692 = arith.extui %parallel_loop3A_691 : i1 to i32
        %parallel_loop3A_693 = arith.constant 0 : i32
        %parallel_loop3A_694 = arith.cmpi slt, %parallel_loop3A_687, %parallel_loop3A_693 : i32
        %parallel_loop3A_695 = arith.extui %parallel_loop3A_694 : i1 to i32
        %parallel_loop3A_696 = arith.subi %parallel_loop3A_692, %parallel_loop3A_695 : i32
        %parallel_loop3A_697 = arith.constant 0 : i32
        %parallel_loop3A_698 = arith.cmpi sgt, %parallel_loop3A_688, %parallel_loop3A_697 : i32
        %parallel_loop3A_699 = arith.extui %parallel_loop3A_698 : i1 to i32
        %parallel_loop3A_700 = arith.constant 0 : i32
        %parallel_loop3A_701 = arith.cmpi slt, %parallel_loop3A_688, %parallel_loop3A_700 : i32
        %parallel_loop3A_702 = arith.extui %parallel_loop3A_701 : i1 to i32
        %parallel_loop3A_703 = arith.subi %parallel_loop3A_699, %parallel_loop3A_702 : i32
        %parallel_loop3A_704 = arith.cmpi ne, %parallel_loop3A_696, %parallel_loop3A_703 : i32
        %parallel_loop3A_705 = arith.remsi %parallel_loop3A_687, %parallel_loop3A_688 : i32
        %parallel_loop3A_706 = arith.constant 0 : i32
        %parallel_loop3A_707 = arith.cmpi ne, %parallel_loop3A_705, %parallel_loop3A_706 : i32
        %parallel_loop3A_708 = arith.andi %parallel_loop3A_704, %parallel_loop3A_707 : i1
        %parallel_loop3A_709 = arith.constant 1 : i32
        %parallel_loop3A_710 = arith.subi %parallel_loop3A_689, %parallel_loop3A_709 : i32
        %parallel_loop3A_711 = arith.select %parallel_loop3A_708, %parallel_loop3A_710, %parallel_loop3A_689 : i32
        %parallel_loop3A_712 = arith.constant 8 : i32
        %parallel_loop3A_713 = arith.constant 0 : i32
        %parallel_loop3A_714 = arith.cmpi eq, %parallel_loop3A_712, %parallel_loop3A_713 : i32
        %parallel_loop3A_715 = arith.constant 1 : i32
        %parallel_loop3A_716 = arith.select %parallel_loop3A_714, %parallel_loop3A_715, %parallel_loop3A_712 : i32
        %parallel_loop3A_717 = arith.remsi %parallel_loop3A_687, %parallel_loop3A_716 : i32
        %parallel_loop3A_718 = arith.constant 0 : i32
        %parallel_loop3A_719 = arith.cmpi ne, %parallel_loop3A_717, %parallel_loop3A_718 : i32
        %parallel_loop3A_720 = arith.constant 0 : i32
        %parallel_loop3A_721 = arith.cmpi slt, %parallel_loop3A_717, %parallel_loop3A_720 : i32
        %parallel_loop3A_722 = arith.constant 0 : i32
        %parallel_loop3A_723 = arith.cmpi slt, %parallel_loop3A_716, %parallel_loop3A_722 : i32
        %parallel_loop3A_724 = arith.xori %parallel_loop3A_721, %parallel_loop3A_723 : i1
        %parallel_loop3A_725 = arith.andi %parallel_loop3A_724, %parallel_loop3A_719 : i1
        %parallel_loop3A_726 = arith.addi %parallel_loop3A_717, %parallel_loop3A_716 : i32
        %parallel_loop3A_727 = arith.select %parallel_loop3A_725, %parallel_loop3A_726, %parallel_loop3A_717 : i32
        %parallel_loop3A_728 = arith.constant 16 : i32
        %parallel_loop3A_729 = arith.muli %parallel_loop3A_727, %parallel_loop3A_728 : i32
        %parallel_loop3A_730 = arith.constant 3 : i32
        %parallel_loop3A_731 = arith.index_cast %parallel_loop3A_730 : i32 to index
        %parallel_loop3A_732 = arith.index_cast %parallel_loop3A_711 : i32 to index
        %parallel_loop3A_733 = arith.index_cast %parallel_loop3A_729 : i32 to index
        %parallel_loop3A_734 = tpu.vector_load %arg6[%parallel_loop3A_731, %parallel_loop3A_732, %parallel_loop3A_733] {strides = array<i32>} : memref<6x112x128xf32, #tpu.memory_space<vmem>>, vector<1x1x16xf32>,
        %parallel_loop3A_735 = vector.shape_cast %parallel_loop3A_734 : vector<1x1x16xf32> to vector<16xf32>
        %parallel_loop3A_736 = arith.constant 4 : i32
        %parallel_loop3A_737 = arith.index_cast %parallel_loop3A_736 : i32 to index
        %parallel_loop3A_738 = arith.index_cast %parallel_loop3A_711 : i32 to index
        %parallel_loop3A_739 = arith.index_cast %parallel_loop3A_729 : i32 to index
        %parallel_loop3A_740 = tpu.vector_load %arg6[%parallel_loop3A_737, %parallel_loop3A_738, %parallel_loop3A_739] {strides = array<i32>} : memref<6x112x128xf32, #tpu.memory_space<vmem>>, vector<1x1x16xf32>,
        %parallel_loop3A_741 = vector.shape_cast %parallel_loop3A_740 : vector<1x1x16xf32> to vector<16xf32>
        %parallel_loop3A_742 = arith.addf %parallel_loop3A_735, %parallel_loop3A_741 : vector<16xf32>
        %parallel_loop3A_743 = arith.constant 5 : i32
        %parallel_loop3A_744 = arith.index_cast %parallel_loop3A_743 : i32 to index
        %parallel_loop3A_745 = arith.index_cast %parallel_loop3A_711 : i32 to index
        %parallel_loop3A_746 = arith.index_cast %parallel_loop3A_729 : i32 to index
        %parallel_loop3A_747 = tpu.vector_load %arg6[%parallel_loop3A_744, %parallel_loop3A_745, %parallel_loop3A_746] {strides = array<i32>} : memref<6x112x128xf32, #tpu.memory_space<vmem>>, vector<1x1x16xf32>,
        %parallel_loop3A_748 = vector.shape_cast %parallel_loop3A_747 : vector<1x1x16xf32> to vector<16xf32>
        %parallel_loop3A_749 = arith.addf %parallel_loop3A_742, %parallel_loop3A_748 : vector<16xf32>
        %parallel_loop3A_750 = arith.index_cast %parallel_loop3A_711 : i32 to index
        %parallel_loop3A_751 = arith.index_cast %parallel_loop3A_729 : i32 to index
        %parallel_loop3A_752 = tpu.vector_load %arg7[%parallel_loop3A_750, %parallel_loop3A_751] {strides = array<i32>} : memref<112x128xf32, #tpu.memory_space<vmem>>, vector<1x16xf32>,
        %parallel_loop3A_753 = vector.shape_cast %parallel_loop3A_752 : vector<1x16xf32> to vector<16xf32>
        %parallel_loop3A_754 = vector.shape_cast %parallel_loop3A_749 : vector<16xf32> to vector<1x16xf32>
        tpu.vector_store %arg7[%parallel_loop3A_750, %parallel_loop3A_751], %parallel_loop3A_754 {add = true, strides = array<i32>} : memref<112x128xf32, #tpu.memory_space<vmem>>, vector<1x16xf32>,
      } {sc.loop_unroll_factor = 4 : i64, sc.parallel_access}
      %dma_wait3A_648 = arith.constant 24 : i32
      %dma_wait3A_649 = arith.constant 0 : i32
      %dma_wait3A_650 = arith.constant 0 : i32
      %dma_wait3A_651 = arith.constant 0 : i32
      %dma_wait3A_652 = tpu.memref_slice %arg6[%dma_wait3A_649, %dma_wait3A_650, %dma_wait3A_651] : memref<6x112x128xf32, #tpu.memory_space<vmem>> -> memref<1x112x128xf32, #tpu.memory_space<vmem>>
      %dma_wait3A_653 = tpu.memref_squeeze %dma_wait3A_652 : memref<1x112x128xf32, #tpu.memory_space<vmem>> -> memref<112x128xf32, #tpu.memory_space<vmem>>
      %dma_wait3A_654 = arith.constant 0 : i32
      %dma_wait3A_655 = tpu.memref_slice %arg5[%dma_wait3A_648, %dma_wait3A_654] : memref<27x112xi32, #tpu.memory_space<vmem>> -> memref<1x112xi32, #tpu.memory_space<vmem>>
      %dma_wait3A_656 = tpu.memref_squeeze %dma_wait3A_655 : memref<1x112xi32, #tpu.memory_space<vmem>> -> memref<112xi32, #tpu.memory_space<vmem>>
      %dma_wait3A_657 = arith.constant 0 : i32
      %dma_wait3A_658 = arith.constant 0 : i32
      %dma_wait3A_659 = tpu.memref_slice %arg2[%dma_wait3A_657, %dma_wait3A_658] : memref<1354752x128xf32, #tpu.memory_space<hbm>> -> memref<1354752x128xf32, #tpu.memory_space<hbm>>
      tpu.wait_indirect_dma semaphore(%arg8 : memref<!tpu.dma_semaphore, #tpu.memory_space<semaphore_mem>>) src(%dma_wait3A_659 : memref<1354752x128xf32, #tpu.memory_space<hbm>>) dst(%dma_wait3A_653 : memref<112x128xf32, #tpu.memory_space<vmem>>)
      %dma_wait3A_660 = arith.constant 25 : i32
      %dma_wait3A_661 = arith.constant 1 : i32
      %dma_wait3A_662 = arith.constant 0 : i32
      %dma_wait3A_663 = arith.constant 0 : i32
      %dma_wait3A_664 = tpu.memref_slice %arg6[%dma_wait3A_661, %dma_wait3A_662, %dma_wait3A_663] : memref<6x112x128xf32, #tpu.memory_space<vmem>> -> memref<1x112x128xf32, #tpu.memory_space<vmem>>
      %dma_wait3A_665 = tpu.memref_squeeze %dma_wait3A_664 : memref<1x112x128xf32, #tpu.memory_space<vmem>> -> memref<112x128xf32, #tpu.memory_space<vmem>>
      %dma_wait3A_666 = arith.constant 0 : i32
      %dma_wait3A_667 = tpu.memref_slice %arg5[%dma_wait3A_660, %dma_wait3A_666] : memref<27x112xi32, #tpu.memory_space<vmem>> -> memref<1x112xi32, #tpu.memory_space<vmem>>
      %dma_wait3A_668 = tpu.memref_squeeze %dma_wait3A_667 : memref<1x112xi32, #tpu.memory_space<vmem>> -> memref<112xi32, #tpu.memory_space<vmem>>
      %dma_wait3A_669 = arith.constant 0 : i32
      %dma_wait3A_670 = arith.constant 0 : i32
      %dma_wait3A_671 = tpu.memref_slice %arg2[%dma_wait3A_669, %dma_wait3A_670] : memref<1354752x128xf32, #tpu.memory_space<hbm>> -> memref<1354752x128xf32, #tpu.memory_space<hbm>>
      tpu.wait_indirect_dma semaphore(%arg8 : memref<!tpu.dma_semaphore, #tpu.memory_space<semaphore_mem>>) src(%dma_wait3A_671 : memref<1354752x128xf32, #tpu.memory_space<hbm>>) dst(%dma_wait3A_665 : memref<112x128xf32, #tpu.memory_space<vmem>>)
      %dma_wait3A_672 = arith.constant 26 : i32
      %dma_wait3A_673 = arith.constant 2 : i32
      %dma_wait3A_674 = arith.constant 0 : i32
      %dma_wait3A_675 = arith.constant 0 : i32
      %dma_wait3A_676 = tpu.memref_slice %arg6[%dma_wait3A_673, %dma_wait3A_674, %dma_wait3A_675] : memref<6x112x128xf32, #tpu.memory_space<vmem>> -> memref<1x112x128xf32, #tpu.memory_space<vmem>>
      %dma_wait3A_677 = tpu.memref_squeeze %dma_wait3A_676 : memref<1x112x128xf32, #tpu.memory_space<vmem>> -> memref<112x128xf32, #tpu.memory_space<vmem>>
      %dma_wait3A_678 = arith.constant 0 : i32
      %dma_wait3A_679 = tpu.memref_slice %arg5[%dma_wait3A_672, %dma_wait3A_678] : memref<27x112xi32, #tpu.memory_space<vmem>> -> memref<1x112xi32, #tpu.memory_space<vmem>>
      %dma_wait3A_680 = tpu.memref_squeeze %dma_wait3A_679 : memref<1x112xi32, #tpu.memory_space<vmem>> -> memref<112xi32, #tpu.memory_space<vmem>>
      %dma_wait3A_681 = arith.constant 0 : i32
      %dma_wait3A_682 = arith.constant 0 : i32
      %dma_wait3A_683 = tpu.memref_slice %arg2[%dma_wait3A_681, %dma_wait3A_682] : memref<1354752x128xf32, #tpu.memory_space<hbm>> -> memref<1354752x128xf32, #tpu.memory_space<hbm>>
      tpu.wait_indirect_dma semaphore(%arg8 : memref<!tpu.dma_semaphore, #tpu.memory_space<semaphore_mem>>) src(%dma_wait3A_683 : memref<1354752x128xf32, #tpu.memory_space<hbm>>) dst(%dma_wait3A_677 : memref<112x128xf32, #tpu.memory_space<vmem>>)
      %parallel_loop3A_684 = arith.constant 0 : i32
      %parallel_loop3A_685 = arith.constant 896 : i32
      %parallel_loop3A_686 = arith.constant 1 : i32
      scf.for %parallel_loop3A_687 = %parallel_loop3A_684 to %parallel_loop3A_685 step %parallel_loop3A_686  : i32 {
        %parallel_loop3A_688 = arith.constant 8 : i32
        %parallel_loop3A_689 = arith.divsi %parallel_loop3A_687, %parallel_loop3A_688 : i32
        %parallel_loop3A_690 = arith.constant 0 : i32
        %parallel_loop3A_691 = arith.cmpi sgt, %parallel_loop3A_687, %parallel_loop3A_690 : i32
        %parallel_loop3A_692 = arith.extui %parallel_loop3A_691 : i1 to i32
        %parallel_loop3A_693 = arith.constant 0 : i32
        %parallel_loop3A_694 = arith.cmpi slt, %parallel_loop3A_687, %parallel_loop3A_693 : i32
        %parallel_loop3A_695 = arith.extui %parallel_loop3A_694 : i1 to i32
        %parallel_loop3A_696 = arith.subi %parallel_loop3A_692, %parallel_loop3A_695 : i32
        %parallel_loop3A_697 = arith.constant 0 : i32
        %parallel_loop3A_698 = arith.cmpi sgt, %parallel_loop3A_688, %parallel_loop3A_697 : i32
        %parallel_loop3A_699 = arith.extui %parallel_loop3A_698 : i1 to i32
        %parallel_loop3A_700 = arith.constant 0 : i32
        %parallel_loop3A_701 = arith.cmpi slt, %parallel_loop3A_688, %parallel_loop3A_700 : i32
        %parallel_loop3A_702 = arith.extui %parallel_loop3A_701 : i1 to i32
        %parallel_loop3A_703 = arith.subi %parallel_loop3A_699, %parallel_loop3A_702 : i32
        %parallel_loop3A_704 = arith.cmpi ne, %parallel_loop3A_696, %parallel_loop3A_703 : i32
        %parallel_loop3A_705 = arith.remsi %parallel_loop3A_687, %parallel_loop3A_688 : i32
        %parallel_loop3A_706 = arith.constant 0 : i32
        %parallel_loop3A_707 = arith.cmpi ne, %parallel_loop3A_705, %parallel_loop3A_706 : i32
        %parallel_loop3A_708 = arith.andi %parallel_loop3A_704, %parallel_loop3A_707 : i1
        %parallel_loop3A_709 = arith.constant 1 : i32
        %parallel_loop3A_710 = arith.subi %parallel_loop3A_689, %parallel_loop3A_709 : i32
        %parallel_loop3A_711 = arith.select %parallel_loop3A_708, %parallel_loop3A_710, %parallel_loop3A_689 : i32
        %parallel_loop3A_712 = arith.constant 8 : i32
        %parallel_loop3A_713 = arith.constant 0 : i32
        %parallel_loop3A_714 = arith.cmpi eq, %parallel_loop3A_712, %parallel_loop3A_713 : i32
        %parallel_loop3A_715 = arith.constant 1 : i32
        %parallel_loop3A_716 = arith.select %parallel_loop3A_714, %parallel_loop3A_715, %parallel_loop3A_712 : i32
        %parallel_loop3A_717 = arith.remsi %parallel_loop3A_687, %parallel_loop3A_716 : i32
        %parallel_loop3A_718 = arith.constant 0 : i32
        %parallel_loop3A_719 = arith.cmpi ne, %parallel_loop3A_717, %parallel_loop3A_718 : i32
        %parallel_loop3A_720 = arith.constant 0 : i32
        %parallel_loop3A_721 = arith.cmpi slt, %parallel_loop3A_717, %parallel_loop3A_720 : i32
        %parallel_loop3A_722 = arith.constant 0 : i32
        %parallel_loop3A_723 = arith.cmpi slt, %parallel_loop3A_716, %parallel_loop3A_722 : i32
        %parallel_loop3A_724 = arith.xori %parallel_loop3A_721, %parallel_loop3A_723 : i1
        %parallel_loop3A_725 = arith.andi %parallel_loop3A_724, %parallel_loop3A_719 : i1
        %parallel_loop3A_726 = arith.addi %parallel_loop3A_717, %parallel_loop3A_716 : i32
        %parallel_loop3A_727 = arith.select %parallel_loop3A_725, %parallel_loop3A_726, %parallel_loop3A_717 : i32
        %parallel_loop3A_728 = arith.constant 16 : i32
        %parallel_loop3A_729 = arith.muli %parallel_loop3A_727, %parallel_loop3A_728 : i32
        %parallel_loop3A_730 = arith.constant 0 : i32
        %parallel_loop3A_731 = arith.index_cast %parallel_loop3A_730 : i32 to index
        %parallel_loop3A_732 = arith.index_cast %parallel_loop3A_711 : i32 to index
        %parallel_loop3A_733 = arith.index_cast %parallel_loop3A_729 : i32 to index
        %parallel_loop3A_734 = tpu.vector_load %arg6[%parallel_loop3A_731, %parallel_loop3A_732, %parallel_loop3A_733] {strides = array<i32>} : memref<6x112x128xf32, #tpu.memory_space<vmem>>, vector<1x1x16xf32>,
        %parallel_loop3A_735 = vector.shape_cast %parallel_loop3A_734 : vector<1x1x16xf32> to vector<16xf32>
        %parallel_loop3A_736 = arith.constant 1 : i32
        %parallel_loop3A_737 = arith.index_cast %parallel_loop3A_736 : i32 to index
        %parallel_loop3A_738 = arith.index_cast %parallel_loop3A_711 : i32 to index
        %parallel_loop3A_739 = arith.index_cast %parallel_loop3A_729 : i32 to index
        %parallel_loop3A_740 = tpu.vector_load %arg6[%parallel_loop3A_737, %parallel_loop3A_738, %parallel_loop3A_739] {strides = array<i32>} : memref<6x112x128xf32, #tpu.memory_space<vmem>>, vector<1x1x16xf32>,
        %parallel_loop3A_741 = vector.shape_cast %parallel_loop3A_740 : vector<1x1x16xf32> to vector<16xf32>
        %parallel_loop3A_742 = arith.addf %parallel_loop3A_735, %parallel_loop3A_741 : vector<16xf32>
        %parallel_loop3A_743 = arith.constant 2 : i32
        %parallel_loop3A_744 = arith.index_cast %parallel_loop3A_743 : i32 to index
        %parallel_loop3A_745 = arith.index_cast %parallel_loop3A_711 : i32 to index
        %parallel_loop3A_746 = arith.index_cast %parallel_loop3A_729 : i32 to index
        %parallel_loop3A_747 = tpu.vector_load %arg6[%parallel_loop3A_744, %parallel_loop3A_745, %parallel_loop3A_746] {strides = array<i32>} : memref<6x112x128xf32, #tpu.memory_space<vmem>>, vector<1x1x16xf32>,
        %parallel_loop3A_748 = vector.shape_cast %parallel_loop3A_747 : vector<1x1x16xf32> to vector<16xf32>
        %parallel_loop3A_749 = arith.addf %parallel_loop3A_742, %parallel_loop3A_748 : vector<16xf32>
        %parallel_loop3A_750 = arith.index_cast %parallel_loop3A_711 : i32 to index
        %parallel_loop3A_751 = arith.index_cast %parallel_loop3A_729 : i32 to index
        %parallel_loop3A_752 = tpu.vector_load %arg7[%parallel_loop3A_750, %parallel_loop3A_751] {strides = array<i32>} : memref<112x128xf32, #tpu.memory_space<vmem>>, vector<1x16xf32>,
        %parallel_loop3A_753 = vector.shape_cast %parallel_loop3A_752 : vector<1x16xf32> to vector<16xf32>
        %parallel_loop3A_754 = vector.shape_cast %parallel_loop3A_749 : vector<16xf32> to vector<1x16xf32>
        tpu.vector_store %arg7[%parallel_loop3A_750, %parallel_loop3A_751], %parallel_loop3A_754 {add = true, strides = array<i32>} : memref<112x128xf32, #tpu.memory_space<vmem>>, vector<1x16xf32>,
      } {sc.loop_unroll_factor = 4 : i64, sc.parallel_access}
      "tpu.region"() ({
        %run_scoped3A = tpu.sem_alloc : memref<!tpu.dma_semaphore, #tpu.memory_space<semaphore_mem>>
        %dma_start3A_687 = arith.constant 0 : i32
        %dma_start3A_688 = tpu.memref_slice %arg4[%add3A_11, %dma_start3A_687] : memref<50176x128xf32, #tpu.memory_space<hbm>> -> memref<112x128xf32, #tpu.memory_space<hbm>>
        %dma_start3A_689 = arith.constant 0 : i32
        %dma_start3A_690 = tpu.memref_slice %arg4[%add3A_11, %dma_start3A_689] : memref<50176x128xf32, #tpu.memory_space<hbm>> -> memref<112x128xf32, #tpu.memory_space<hbm>>
        tpu.enqueue_dma source(%arg7 : memref<112x128xf32, #tpu.memory_space<vmem>>) target(%dma_start3A_690 : memref<112x128xf32, #tpu.memory_space<hbm>>) target_semaphore(%run_scoped3A : memref<!tpu.dma_semaphore, #tpu.memory_space<semaphore_mem>>)
        %dma_wait3A_691 = arith.constant 0 : i32
        %dma_wait3A_692 = tpu.memref_slice %arg4[%add3A_11, %dma_wait3A_691] : memref<50176x128xf32, #tpu.memory_space<hbm>> -> memref<112x128xf32, #tpu.memory_space<hbm>>
        %dma_wait3A_693 = arith.constant 0 : i32
        %dma_wait3A_694 = tpu.memref_slice %arg4[%add3A_11, %dma_wait3A_693] : memref<50176x128xf32, #tpu.memory_space<hbm>> -> memref<112x128xf32, #tpu.memory_space<hbm>>
        tpu.wait_dma2 semaphore(%run_scoped3A : memref<!tpu.dma_semaphore, #tpu.memory_space<semaphore_mem>>) src(%arg7 : memref<112x128xf32, #tpu.memory_space<vmem>>) dst(%dma_wait3A_694 : memref<112x128xf32, #tpu.memory_space<hbm>>)
        tpu.yield
      }) : () -> ()
    }
    %scan3A_7 = arith.constant 14 : i32
    return
  }
}

#map = affine_map<(d0, d1) -> (0, 0)>
#map1 = affine_map<(d0, d1) -> (0, 0, 0)>
module attributes {stable_mosaic.version = 14 : i64} {
  func.func @_sc_gather_body(%arg0: i32, %arg1: i32, %arg2: memref<1354752x128xf32, #tpu.memory_space<hbm>>, %arg3: memref<448x27x112xi32, #tpu.memory_space<hbm>>, %arg4: memref<50176x128xf32, #tpu.memory_space<hbm>>, %arg5: memref<27x112xi32, #tpu.memory_space<vmem>>, %arg6: memref<6x112x128xf32, #tpu.memory_space<vmem>>, %arg7: memref<112x128xf32, #tpu.memory_space<vmem>>, %arg8: memref<!tpu.dma_semaphore, #tpu.memory_space<semaphore_mem>>) attributes {dimension_semantics = [#tpu.dimension_semantics<core_parallel>, #tpu.dimension_semantics<subcore_parallel>], iteration_bounds = array<i64: 2, 16>, scalar_prefetch = 0 : i64, scratch_operands = 4 : i64, tpu.core_type = #tpu.core_type<sc_vector_subcore>, window_params = [{transform_indices = #map}, {transform_indices = #map1}, {transform_indices = #map}]} {
    %mul3A = arith.constant 2 : i32
    %mul3A_0 = arith.muli %arg1, %mul3A : i32
    %add3A = arith.addi %mul3A_0, %arg0 : i32
    %mul3A_1 = arith.constant 1568 : i32
    %mul3A_2 = arith.muli %add3A, %mul3A_1 : i32
    %scan3A = arith.constant 0 : i32
    %scan3A_3 = arith.constant 0 : i32
    %scan3A_4 = arith.constant 14 : i32
    %scan3A_5 = arith.addi %scan3A_3, %scan3A_4 : i32
    %scan3A_6 = arith.constant 1 : i32
    scf.for %scan3A_8 = %scan3A_3 to %scan3A_5 step %scan3A_6  : i32 {
      %mul3A_9 = arith.constant 112 : i32
      %mul3A_10 = arith.muli %scan3A_8, %mul3A_9 : i32
      %add3A_11 = arith.addi %mul3A_2, %mul3A_10 : i32
      %mul3A_12 = arith.constant 14 : i32
      %mul3A_13 = arith.muli %add3A, %mul3A_12 : i32
      %add3A_14 = arith.addi %mul3A_13, %scan3A_8 : i32
      "tpu.region"() ({
        %run_scoped3A = tpu.sem_alloc : memref<!tpu.dma_semaphore, #tpu.memory_space<semaphore_mem>>
        %dma_start3A_687 = arith.constant 0 : i32
        %dma_start3A_688 = arith.constant 0 : i32
        %dma_start3A_689 = tpu.memref_slice %arg3[%add3A_14, %dma_start3A_687, %dma_start3A_688] : memref<448x27x112xi32, #tpu.memory_space<hbm>> -> memref<1x27x112xi32, #tpu.memory_space<hbm>>
        %dma_start3A_690 = tpu.memref_squeeze %dma_start3A_689 : memref<1x27x112xi32, #tpu.memory_space<hbm>> -> memref<27x112xi32, #tpu.memory_space<hbm>>
        %dma_start3A_691 = arith.constant 0 : i32
        %dma_start3A_692 = arith.constant 0 : i32
        %dma_start3A_693 = tpu.memref_slice %arg3[%add3A_14, %dma_start3A_691, %dma_start3A_692] : memref<448x27x112xi32, #tpu.memory_space<hbm>> -> memref<1x27x112xi32, #tpu.memory_space<hbm>>
        %dma_start3A_694 = tpu.memref_squeeze %dma_start3A_693 : memref<1x27x112xi32, #tpu.memory_space<hbm>> -> memref<27x112xi32, #tpu.memory_space<hbm>>
        tpu.enqueue_dma source(%dma_start3A_694 : memref<27x112xi32, #tpu.memory_space<hbm>>) target(%arg5 : memref<27x112xi32, #tpu.memory_space<vmem>>) target_semaphore(%run_scoped3A : memref<!tpu.dma_semaphore, #tpu.memory_space<semaphore_mem>>)
        %dma_wait3A_695 = arith.constant 0 : i32
        %dma_wait3A_696 = arith.constant 0 : i32
        %dma_wait3A_697 = tpu.memref_slice %arg3[%add3A_14, %dma_wait3A_695, %dma_wait3A_696] : memref<448x27x112xi32, #tpu.memory_space<hbm>> -> memref<1x27x112xi32, #tpu.memory_space<hbm>>
        %dma_wait3A_698 = tpu.memref_squeeze %dma_wait3A_697 : memref<1x27x112xi32, #tpu.memory_space<hbm>> -> memref<27x112xi32, #tpu.memory_space<hbm>>
        %dma_wait3A_699 = arith.constant 0 : i32
        %dma_wait3A_700 = arith.constant 0 : i32
        %dma_wait3A_701 = tpu.memref_slice %arg3[%add3A_14, %dma_wait3A_699, %dma_wait3A_700] : memref<448x27x112xi32, #tpu.memory_space<hbm>> -> memref<1x27x112xi32, #tpu.memory_space<hbm>>
        %dma_wait3A_702 = tpu.memref_squeeze %dma_wait3A_701 : memref<1x27x112xi32, #tpu.memory_space<hbm>> -> memref<27x112xi32, #tpu.memory_space<hbm>>
        tpu.wait_dma2 semaphore(%run_scoped3A : memref<!tpu.dma_semaphore, #tpu.memory_space<semaphore_mem>>) src(%dma_wait3A_702 : memref<27x112xi32, #tpu.memory_space<hbm>>) dst(%arg5 : memref<27x112xi32, #tpu.memory_space<vmem>>)
        tpu.yield
      }) : () -> ()
      %dma_start3A = arith.constant 0 : i32
      %dma_start3A_15 = arith.constant 0 : i32
      %dma_start3A_16 = arith.constant 0 : i32
      %dma_start3A_17 = arith.constant 0 : i32
      %dma_start3A_18 = tpu.memref_slice %arg6[%dma_start3A_15, %dma_start3A_16, %dma_start3A_17] : memref<6x112x128xf32, #tpu.memory_space<vmem>> -> memref<1x112x128xf32, #tpu.memory_space<vmem>>
      %dma_start3A_19 = tpu.memref_squeeze %dma_start3A_18 : memref<1x112x128xf32, #tpu.memory_space<vmem>> -> memref<112x128xf32, #tpu.memory_space<vmem>>
      %dma_start3A_20 = arith.constant 0 : i32
      %dma_start3A_21 = tpu.memref_slice %arg5[%dma_start3A, %dma_start3A_20] : memref<27x112xi32, #tpu.memory_space<vmem>> -> memref<1x112xi32, #tpu.memory_space<vmem>>
      %dma_start3A_22 = tpu.memref_squeeze %dma_start3A_21 : memref<1x112xi32, #tpu.memory_space<vmem>> -> memref<112xi32, #tpu.memory_space<vmem>>
      %dma_start3A_23 = arith.constant 0 : i32
      %dma_start3A_24 = arith.constant 0 : i32
      %dma_start3A_25 = tpu.memref_slice %arg2[%dma_start3A_23, %dma_start3A_24] : memref<1354752x128xf32, #tpu.memory_space<hbm>> -> memref<1354752x128xf32, #tpu.memory_space<hbm>>
      tpu.enqueue_indirect_dma source(%dma_start3A_25 : memref<1354752x128xf32, #tpu.memory_space<hbm>>) target(%dma_start3A_19 : memref<112x128xf32, #tpu.memory_space<vmem>>) offsets(%dma_start3A_22 : memref<112xi32, #tpu.memory_space<vmem>>) semaphore(%arg8 : memref<!tpu.dma_semaphore, #tpu.memory_space<semaphore_mem>>)
      %dma_start3A_26 = arith.constant 1 : i32
      %dma_start3A_27 = arith.constant 1 : i32
      %dma_start3A_28 = arith.constant 0 : i32
      %dma_start3A_29 = arith.constant 0 : i32
      %dma_start3A_30 = tpu.memref_slice %arg6[%dma_start3A_27, %dma_start3A_28, %dma_start3A_29] : memref<6x112x128xf32, #tpu.memory_space<vmem>> -> memref<1x112x128xf32, #tpu.memory_space<vmem>>
      %dma_start3A_31 = tpu.memref_squeeze %dma_start3A_30 : memref<1x112x128xf32, #tpu.memory_space<vmem>> -> memref<112x128xf32, #tpu.memory_space<vmem>>
      %dma_start3A_32 = arith.constant 0 : i32
      %dma_start3A_33 = tpu.memref_slice %arg5[%dma_start3A_26, %dma_start3A_32] : memref<27x112xi32, #tpu.memory_space<vmem>> -> memref<1x112xi32, #tpu.memory_space<vmem>>
      %dma_start3A_34 = tpu.memref_squeeze %dma_start3A_33 : memref<1x112xi32, #tpu.memory_space<vmem>> -> memref<112xi32, #tpu.memory_space<vmem>>
      %dma_start3A_35 = arith.constant 0 : i32
      %dma_start3A_36 = arith.constant 0 : i32
      %dma_start3A_37 = tpu.memref_slice %arg2[%dma_start3A_35, %dma_start3A_36] : memref<1354752x128xf32, #tpu.memory_space<hbm>> -> memref<1354752x128xf32, #tpu.memory_space<hbm>>
      tpu.enqueue_indirect_dma source(%dma_start3A_37 : memref<1354752x128xf32, #tpu.memory_space<hbm>>) target(%dma_start3A_31 : memref<112x128xf32, #tpu.memory_space<vmem>>) offsets(%dma_start3A_34 : memref<112xi32, #tpu.memory_space<vmem>>) semaphore(%arg8 : memref<!tpu.dma_semaphore, #tpu.memory_space<semaphore_mem>>)
      %dma_start3A_38 = arith.constant 2 : i32
      %dma_start3A_39 = arith.constant 2 : i32
      %dma_start3A_40 = arith.constant 0 : i32
      %dma_start3A_41 = arith.constant 0 : i32
      %dma_start3A_42 = tpu.memref_slice %arg6[%dma_start3A_39, %dma_start3A_40, %dma_start3A_41] : memref<6x112x128xf32, #tpu.memory_space<vmem>> -> memref<1x112x128xf32, #tpu.memory_space<vmem>>
      %dma_start3A_43 = tpu.memref_squeeze %dma_start3A_42 : memref<1x112x128xf32, #tpu.memory_space<vmem>> -> memref<112x128xf32, #tpu.memory_space<vmem>>
      %dma_start3A_44 = arith.constant 0 : i32
      %dma_start3A_45 = tpu.memref_slice %arg5[%dma_start3A_38, %dma_start3A_44] : memref<27x112xi32, #tpu.memory_space<vmem>> -> memref<1x112xi32, #tpu.memory_space<vmem>>
      %dma_start3A_46 = tpu.memref_squeeze %dma_start3A_45 : memref<1x112xi32, #tpu.memory_space<vmem>> -> memref<112xi32, #tpu.memory_space<vmem>>
      %dma_start3A_47 = arith.constant 0 : i32
      %dma_start3A_48 = arith.constant 0 : i32
      %dma_start3A_49 = tpu.memref_slice %arg2[%dma_start3A_47, %dma_start3A_48] : memref<1354752x128xf32, #tpu.memory_space<hbm>> -> memref<1354752x128xf32, #tpu.memory_space<hbm>>
      tpu.enqueue_indirect_dma source(%dma_start3A_49 : memref<1354752x128xf32, #tpu.memory_space<hbm>>) target(%dma_start3A_43 : memref<112x128xf32, #tpu.memory_space<vmem>>) offsets(%dma_start3A_46 : memref<112xi32, #tpu.memory_space<vmem>>) semaphore(%arg8 : memref<!tpu.dma_semaphore, #tpu.memory_space<semaphore_mem>>)
      %dma_start3A_50 = arith.constant 3 : i32
      %dma_start3A_51 = arith.constant 3 : i32
      %dma_start3A_52 = arith.constant 0 : i32
      %dma_start3A_53 = arith.constant 0 : i32
      %dma_start3A_54 = tpu.memref_slice %arg6[%dma_start3A_51, %dma_start3A_52, %dma_start3A_53] : memref<6x112x128xf32, #tpu.memory_space<vmem>> -> memref<1x112x128xf32, #tpu.memory_space<vmem>>
      %dma_start3A_55 = tpu.memref_squeeze %dma_start3A_54 : memref<1x112x128xf32, #tpu.memory_space<vmem>> -> memref<112x128xf32, #tpu.memory_space<vmem>>
      %dma_start3A_56 = arith.constant 0 : i32
      %dma_start3A_57 = tpu.memref_slice %arg5[%dma_start3A_50, %dma_start3A_56] : memref<27x112xi32, #tpu.memory_space<vmem>> -> memref<1x112xi32, #tpu.memory_space<vmem>>
      %dma_start3A_58 = tpu.memref_squeeze %dma_start3A_57 : memref<1x112xi32, #tpu.memory_space<vmem>> -> memref<112xi32, #tpu.memory_space<vmem>>
      %dma_start3A_59 = arith.constant 0 : i32
      %dma_start3A_60 = arith.constant 0 : i32
      %dma_start3A_61 = tpu.memref_slice %arg2[%dma_start3A_59, %dma_start3A_60] : memref<1354752x128xf32, #tpu.memory_space<hbm>> -> memref<1354752x128xf32, #tpu.memory_space<hbm>>
      tpu.enqueue_indirect_dma source(%dma_start3A_61 : memref<1354752x128xf32, #tpu.memory_space<hbm>>) target(%dma_start3A_55 : memref<112x128xf32, #tpu.memory_space<vmem>>) offsets(%dma_start3A_58 : memref<112xi32, #tpu.memory_space<vmem>>) semaphore(%arg8 : memref<!tpu.dma_semaphore, #tpu.memory_space<semaphore_mem>>)
      %dma_start3A_62 = arith.constant 4 : i32
      %dma_start3A_63 = arith.constant 4 : i32
      %dma_start3A_64 = arith.constant 0 : i32
      %dma_start3A_65 = arith.constant 0 : i32
      %dma_start3A_66 = tpu.memref_slice %arg6[%dma_start3A_63, %dma_start3A_64, %dma_start3A_65] : memref<6x112x128xf32, #tpu.memory_space<vmem>> -> memref<1x112x128xf32, #tpu.memory_space<vmem>>
      %dma_start3A_67 = tpu.memref_squeeze %dma_start3A_66 : memref<1x112x128xf32, #tpu.memory_space<vmem>> -> memref<112x128xf32, #tpu.memory_space<vmem>>
      %dma_start3A_68 = arith.constant 0 : i32
      %dma_start3A_69 = tpu.memref_slice %arg5[%dma_start3A_62, %dma_start3A_68] : memref<27x112xi32, #tpu.memory_space<vmem>> -> memref<1x112xi32, #tpu.memory_space<vmem>>
      %dma_start3A_70 = tpu.memref_squeeze %dma_start3A_69 : memref<1x112xi32, #tpu.memory_space<vmem>> -> memref<112xi32, #tpu.memory_space<vmem>>
      %dma_start3A_71 = arith.constant 0 : i32
      %dma_start3A_72 = arith.constant 0 : i32
      %dma_start3A_73 = tpu.memref_slice %arg2[%dma_start3A_71, %dma_start3A_72] : memref<1354752x128xf32, #tpu.memory_space<hbm>> -> memref<1354752x128xf32, #tpu.memory_space<hbm>>
      tpu.enqueue_indirect_dma source(%dma_start3A_73 : memref<1354752x128xf32, #tpu.memory_space<hbm>>) target(%dma_start3A_67 : memref<112x128xf32, #tpu.memory_space<vmem>>) offsets(%dma_start3A_70 : memref<112xi32, #tpu.memory_space<vmem>>) semaphore(%arg8 : memref<!tpu.dma_semaphore, #tpu.memory_space<semaphore_mem>>)
      %dma_start3A_74 = arith.constant 5 : i32
      %dma_start3A_75 = arith.constant 5 : i32
      %dma_start3A_76 = arith.constant 0 : i32
      %dma_start3A_77 = arith.constant 0 : i32
      %dma_start3A_78 = tpu.memref_slice %arg6[%dma_start3A_75, %dma_start3A_76, %dma_start3A_77] : memref<6x112x128xf32, #tpu.memory_space<vmem>> -> memref<1x112x128xf32, #tpu.memory_space<vmem>>
      %dma_start3A_79 = tpu.memref_squeeze %dma_start3A_78 : memref<1x112x128xf32, #tpu.memory_space<vmem>> -> memref<112x128xf32, #tpu.memory_space<vmem>>
      %dma_start3A_80 = arith.constant 0 : i32
      %dma_start3A_81 = tpu.memref_slice %arg5[%dma_start3A_74, %dma_start3A_80] : memref<27x112xi32, #tpu.memory_space<vmem>> -> memref<1x112xi32, #tpu.memory_space<vmem>>
      %dma_start3A_82 = tpu.memref_squeeze %dma_start3A_81 : memref<1x112xi32, #tpu.memory_space<vmem>> -> memref<112xi32, #tpu.memory_space<vmem>>
      %dma_start3A_83 = arith.constant 0 : i32
      %dma_start3A_84 = arith.constant 0 : i32
      %dma_start3A_85 = tpu.memref_slice %arg2[%dma_start3A_83, %dma_start3A_84] : memref<1354752x128xf32, #tpu.memory_space<hbm>> -> memref<1354752x128xf32, #tpu.memory_space<hbm>>
      tpu.enqueue_indirect_dma source(%dma_start3A_85 : memref<1354752x128xf32, #tpu.memory_space<hbm>>) target(%dma_start3A_79 : memref<112x128xf32, #tpu.memory_space<vmem>>) offsets(%dma_start3A_82 : memref<112xi32, #tpu.memory_space<vmem>>) semaphore(%arg8 : memref<!tpu.dma_semaphore, #tpu.memory_space<semaphore_mem>>)
      %dma_wait3A = arith.constant 0 : i32
      %dma_wait3A_86 = arith.constant 0 : i32
      %dma_wait3A_87 = arith.constant 0 : i32
      %dma_wait3A_88 = arith.constant 0 : i32
      %dma_wait3A_89 = tpu.memref_slice %arg6[%dma_wait3A_86, %dma_wait3A_87, %dma_wait3A_88] : memref<6x112x128xf32, #tpu.memory_space<vmem>> -> memref<1x112x128xf32, #tpu.memory_space<vmem>>
      %dma_wait3A_90 = tpu.memref_squeeze %dma_wait3A_89 : memref<1x112x128xf32, #tpu.memory_space<vmem>> -> memref<112x128xf32, #tpu.memory_space<vmem>>
      %dma_wait3A_91 = arith.constant 0 : i32
      %dma_wait3A_92 = tpu.memref_slice %arg5[%dma_wait3A, %dma_wait3A_91] : memref<27x112xi32, #tpu.memory_space<vmem>> -> memref<1x112xi32, #tpu.memory_space<vmem>>
      %dma_wait3A_93 = tpu.memref_squeeze %dma_wait3A_92 : memref<1x112xi32, #tpu.memory_space<vmem>> -> memref<112xi32, #tpu.memory_space<vmem>>
      %dma_wait3A_94 = arith.constant 0 : i32
      %dma_wait3A_95 = arith.constant 0 : i32
      %dma_wait3A_96 = tpu.memref_slice %arg2[%dma_wait3A_94, %dma_wait3A_95] : memref<1354752x128xf32, #tpu.memory_space<hbm>> -> memref<1354752x128xf32, #tpu.memory_space<hbm>>
      tpu.wait_indirect_dma semaphore(%arg8 : memref<!tpu.dma_semaphore, #tpu.memory_space<semaphore_mem>>) src(%dma_wait3A_96 : memref<1354752x128xf32, #tpu.memory_space<hbm>>) dst(%dma_wait3A_90 : memref<112x128xf32, #tpu.memory_space<vmem>>)
      %dma_wait3A_97 = arith.constant 1 : i32
      %dma_wait3A_98 = arith.constant 1 : i32
      %dma_wait3A_99 = arith.constant 0 : i32
      %dma_wait3A_100 = arith.constant 0 : i32
      %dma_wait3A_101 = tpu.memref_slice %arg6[%dma_wait3A_98, %dma_wait3A_99, %dma_wait3A_100] : memref<6x112x128xf32, #tpu.memory_space<vmem>> -> memref<1x112x128xf32, #tpu.memory_space<vmem>>
      %dma_wait3A_102 = tpu.memref_squeeze %dma_wait3A_101 : memref<1x112x128xf32, #tpu.memory_space<vmem>> -> memref<112x128xf32, #tpu.memory_space<vmem>>
      %dma_wait3A_103 = arith.constant 0 : i32
      %dma_wait3A_104 = tpu.memref_slice %arg5[%dma_wait3A_97, %dma_wait3A_103] : memref<27x112xi32, #tpu.memory_space<vmem>> -> memref<1x112xi32, #tpu.memory_space<vmem>>
      %dma_wait3A_105 = tpu.memref_squeeze %dma_wait3A_104 : memref<1x112xi32, #tpu.memory_space<vmem>> -> memref<112xi32, #tpu.memory_space<vmem>>
      %dma_wait3A_106 = arith.constant 0 : i32
      %dma_wait3A_107 = arith.constant 0 : i32
      %dma_wait3A_108 = tpu.memref_slice %arg2[%dma_wait3A_106, %dma_wait3A_107] : memref<1354752x128xf32, #tpu.memory_space<hbm>> -> memref<1354752x128xf32, #tpu.memory_space<hbm>>
      tpu.wait_indirect_dma semaphore(%arg8 : memref<!tpu.dma_semaphore, #tpu.memory_space<semaphore_mem>>) src(%dma_wait3A_108 : memref<1354752x128xf32, #tpu.memory_space<hbm>>) dst(%dma_wait3A_102 : memref<112x128xf32, #tpu.memory_space<vmem>>)
      %dma_wait3A_109 = arith.constant 2 : i32
      %dma_wait3A_110 = arith.constant 2 : i32
      %dma_wait3A_111 = arith.constant 0 : i32
      %dma_wait3A_112 = arith.constant 0 : i32
      %dma_wait3A_113 = tpu.memref_slice %arg6[%dma_wait3A_110, %dma_wait3A_111, %dma_wait3A_112] : memref<6x112x128xf32, #tpu.memory_space<vmem>> -> memref<1x112x128xf32, #tpu.memory_space<vmem>>
      %dma_wait3A_114 = tpu.memref_squeeze %dma_wait3A_113 : memref<1x112x128xf32, #tpu.memory_space<vmem>> -> memref<112x128xf32, #tpu.memory_space<vmem>>
      %dma_wait3A_115 = arith.constant 0 : i32
      %dma_wait3A_116 = tpu.memref_slice %arg5[%dma_wait3A_109, %dma_wait3A_115] : memref<27x112xi32, #tpu.memory_space<vmem>> -> memref<1x112xi32, #tpu.memory_space<vmem>>
      %dma_wait3A_117 = tpu.memref_squeeze %dma_wait3A_116 : memref<1x112xi32, #tpu.memory_space<vmem>> -> memref<112xi32, #tpu.memory_space<vmem>>
      %dma_wait3A_118 = arith.constant 0 : i32
      %dma_wait3A_119 = arith.constant 0 : i32
      %dma_wait3A_120 = tpu.memref_slice %arg2[%dma_wait3A_118, %dma_wait3A_119] : memref<1354752x128xf32, #tpu.memory_space<hbm>> -> memref<1354752x128xf32, #tpu.memory_space<hbm>>
      tpu.wait_indirect_dma semaphore(%arg8 : memref<!tpu.dma_semaphore, #tpu.memory_space<semaphore_mem>>) src(%dma_wait3A_120 : memref<1354752x128xf32, #tpu.memory_space<hbm>>) dst(%dma_wait3A_114 : memref<112x128xf32, #tpu.memory_space<vmem>>)
      %parallel_loop3A = arith.constant 0 : i32
      %parallel_loop3A_121 = arith.constant 896 : i32
      %parallel_loop3A_122 = arith.constant 1 : i32
      scf.for %parallel_loop3A_687 = %parallel_loop3A to %parallel_loop3A_121 step %parallel_loop3A_122  : i32 {
        %parallel_loop3A_688 = arith.constant 8 : i32
        %parallel_loop3A_689 = arith.divsi %parallel_loop3A_687, %parallel_loop3A_688 : i32
        %parallel_loop3A_690 = arith.constant 0 : i32
        %parallel_loop3A_691 = arith.cmpi sgt, %parallel_loop3A_687, %parallel_loop3A_690 : i32
        %parallel_loop3A_692 = arith.extui %parallel_loop3A_691 : i1 to i32
        %parallel_loop3A_693 = arith.constant 0 : i32
        %parallel_loop3A_694 = arith.cmpi slt, %parallel_loop3A_687, %parallel_loop3A_693 : i32
        %parallel_loop3A_695 = arith.extui %parallel_loop3A_694 : i1 to i32
        %parallel_loop3A_696 = arith.subi %parallel_loop3A_692, %parallel_loop3A_695 : i32
        %parallel_loop3A_697 = arith.constant 0 : i32
        %parallel_loop3A_698 = arith.cmpi sgt, %parallel_loop3A_688, %parallel_loop3A_697 : i32
        %parallel_loop3A_699 = arith.extui %parallel_loop3A_698 : i1 to i32
        %parallel_loop3A_700 = arith.constant 0 : i32
        %parallel_loop3A_701 = arith.cmpi slt, %parallel_loop3A_688, %parallel_loop3A_700 : i32
        %parallel_loop3A_702 = arith.extui %parallel_loop3A_701 : i1 to i32
        %parallel_loop3A_703 = arith.subi %parallel_loop3A_699, %parallel_loop3A_702 : i32
        %parallel_loop3A_704 = arith.cmpi ne, %parallel_loop3A_696, %parallel_loop3A_703 : i32
        %parallel_loop3A_705 = arith.remsi %parallel_loop3A_687, %parallel_loop3A_688 : i32
        %parallel_loop3A_706 = arith.constant 0 : i32
        %parallel_loop3A_707 = arith.cmpi ne, %parallel_loop3A_705, %parallel_loop3A_706 : i32
        %parallel_loop3A_708 = arith.andi %parallel_loop3A_704, %parallel_loop3A_707 : i1
        %parallel_loop3A_709 = arith.constant 1 : i32
        %parallel_loop3A_710 = arith.subi %parallel_loop3A_689, %parallel_loop3A_709 : i32
        %parallel_loop3A_711 = arith.select %parallel_loop3A_708, %parallel_loop3A_710, %parallel_loop3A_689 : i32
        %parallel_loop3A_712 = arith.constant 8 : i32
        %parallel_loop3A_713 = arith.constant 0 : i32
        %parallel_loop3A_714 = arith.cmpi eq, %parallel_loop3A_712, %parallel_loop3A_713 : i32
        %parallel_loop3A_715 = arith.constant 1 : i32
        %parallel_loop3A_716 = arith.select %parallel_loop3A_714, %parallel_loop3A_715, %parallel_loop3A_712 : i32
        %parallel_loop3A_717 = arith.remsi %parallel_loop3A_687, %parallel_loop3A_716 : i32
        %parallel_loop3A_718 = arith.constant 0 : i32
        %parallel_loop3A_719 = arith.cmpi ne, %parallel_loop3A_717, %parallel_loop3A_718 : i32
        %parallel_loop3A_720 = arith.constant 0 : i32
        %parallel_loop3A_721 = arith.cmpi slt, %parallel_loop3A_717, %parallel_loop3A_720 : i32
        %parallel_loop3A_722 = arith.constant 0 : i32
        %parallel_loop3A_723 = arith.cmpi slt, %parallel_loop3A_716, %parallel_loop3A_722 : i32
        %parallel_loop3A_724 = arith.xori %parallel_loop3A_721, %parallel_loop3A_723 : i1
        %parallel_loop3A_725 = arith.andi %parallel_loop3A_724, %parallel_loop3A_719 : i1
        %parallel_loop3A_726 = arith.addi %parallel_loop3A_717, %parallel_loop3A_716 : i32
        %parallel_loop3A_727 = arith.select %parallel_loop3A_725, %parallel_loop3A_726, %parallel_loop3A_717 : i32
        %parallel_loop3A_728 = arith.constant 16 : i32
        %parallel_loop3A_729 = arith.muli %parallel_loop3A_727, %parallel_loop3A_728 : i32
        %parallel_loop3A_730 = arith.constant 0 : i32
        %parallel_loop3A_731 = arith.index_cast %parallel_loop3A_730 : i32 to index
        %parallel_loop3A_732 = arith.index_cast %parallel_loop3A_711 : i32 to index
        %parallel_loop3A_733 = arith.index_cast %parallel_loop3A_729 : i32 to index
        %parallel_loop3A_734 = tpu.vector_load %arg6[%parallel_loop3A_731, %parallel_loop3A_732, %parallel_loop3A_733] {strides = array<i32>} : memref<6x112x128xf32, #tpu.memory_space<vmem>>, vector<1x1x16xf32>,
        %parallel_loop3A_735 = vector.shape_cast %parallel_loop3A_734 : vector<1x1x16xf32> to vector<16xf32>
        %parallel_loop3A_736 = arith.constant 1 : i32
        %parallel_loop3A_737 = arith.index_cast %parallel_loop3A_736 : i32 to index
        %parallel_loop3A_738 = arith.index_cast %parallel_loop3A_711 : i32 to index
        %parallel_loop3A_739 = arith.index_cast %parallel_loop3A_729 : i32 to index
        %parallel_loop3A_740 = tpu.vector_load %arg6[%parallel_loop3A_737, %parallel_loop3A_738, %parallel_loop3A_739] {strides = array<i32>} : memref<6x112x128xf32, #tpu.memory_space<vmem>>, vector<1x1x16xf32>,
        %parallel_loop3A_741 = vector.shape_cast %parallel_loop3A_740 : vector<1x1x16xf32> to vector<16xf32>
        %parallel_loop3A_742 = arith.addf %parallel_loop3A_735, %parallel_loop3A_741 : vector<16xf32>
        %parallel_loop3A_743 = arith.constant 2 : i32
        %parallel_loop3A_744 = arith.index_cast %parallel_loop3A_743 : i32 to index
        %parallel_loop3A_745 = arith.index_cast %parallel_loop3A_711 : i32 to index
        %parallel_loop3A_746 = arith.index_cast %parallel_loop3A_729 : i32 to index
        %parallel_loop3A_747 = tpu.vector_load %arg6[%parallel_loop3A_744, %parallel_loop3A_745, %parallel_loop3A_746] {strides = array<i32>} : memref<6x112x128xf32, #tpu.memory_space<vmem>>, vector<1x1x16xf32>,
        %parallel_loop3A_748 = vector.shape_cast %parallel_loop3A_747 : vector<1x1x16xf32> to vector<16xf32>
        %parallel_loop3A_749 = arith.addf %parallel_loop3A_742, %parallel_loop3A_748 : vector<16xf32>
        %parallel_loop3A_750 = arith.index_cast %parallel_loop3A_711 : i32 to index
        %parallel_loop3A_751 = arith.index_cast %parallel_loop3A_729 : i32 to index
        %parallel_loop3A_752 = tpu.vector_load %arg7[%parallel_loop3A_750, %parallel_loop3A_751] {strides = array<i32>} : memref<112x128xf32, #tpu.memory_space<vmem>>, vector<1x16xf32>,
        %parallel_loop3A_753 = vector.shape_cast %parallel_loop3A_752 : vector<1x16xf32> to vector<16xf32>
        %parallel_loop3A_754 = vector.shape_cast %parallel_loop3A_749 : vector<16xf32> to vector<1x16xf32>
        tpu.vector_store %arg7[%parallel_loop3A_750, %parallel_loop3A_751], %parallel_loop3A_754 {strides = array<i32>} : memref<112x128xf32, #tpu.memory_space<vmem>>, vector<1x16xf32>,
      } {sc.loop_unroll_factor = 4 : i64, sc.parallel_access}
      %dma_start3A_123 = arith.constant 6 : i32
      %dma_start3A_124 = arith.constant 0 : i32
      %dma_start3A_125 = arith.constant 0 : i32
      %dma_start3A_126 = arith.constant 0 : i32
      %dma_start3A_127 = tpu.memref_slice %arg6[%dma_start3A_124, %dma_start3A_125, %dma_start3A_126] : memref<6x112x128xf32, #tpu.memory_space<vmem>> -> memref<1x112x128xf32, #tpu.memory_space<vmem>>
      %dma_start3A_128 = tpu.memref_squeeze %dma_start3A_127 : memref<1x112x128xf32, #tpu.memory_space<vmem>> -> memref<112x128xf32, #tpu.memory_space<vmem>>
      %dma_start3A_129 = arith.constant 0 : i32
      %dma_start3A_130 = tpu.memref_slice %arg5[%dma_start3A_123, %dma_start3A_129] : memref<27x112xi32, #tpu.memory_space<vmem>> -> memref<1x112xi32, #tpu.memory_space<vmem>>
      %dma_start3A_131 = tpu.memref_squeeze %dma_start3A_130 : memref<1x112xi32, #tpu.memory_space<vmem>> -> memref<112xi32, #tpu.memory_space<vmem>>
      %dma_start3A_132 = arith.constant 0 : i32
      %dma_start3A_133 = arith.constant 0 : i32
      %dma_start3A_134 = tpu.memref_slice %arg2[%dma_start3A_132, %dma_start3A_133] : memref<1354752x128xf32, #tpu.memory_space<hbm>> -> memref<1354752x128xf32, #tpu.memory_space<hbm>>
      tpu.enqueue_indirect_dma source(%dma_start3A_134 : memref<1354752x128xf32, #tpu.memory_space<hbm>>) target(%dma_start3A_128 : memref<112x128xf32, #tpu.memory_space<vmem>>) offsets(%dma_start3A_131 : memref<112xi32, #tpu.memory_space<vmem>>) semaphore(%arg8 : memref<!tpu.dma_semaphore, #tpu.memory_space<semaphore_mem>>)
      %dma_start3A_135 = arith.constant 7 : i32
      %dma_start3A_136 = arith.constant 1 : i32
      %dma_start3A_137 = arith.constant 0 : i32
      %dma_start3A_138 = arith.constant 0 : i32
      %dma_start3A_139 = tpu.memref_slice %arg6[%dma_start3A_136, %dma_start3A_137, %dma_start3A_138] : memref<6x112x128xf32, #tpu.memory_space<vmem>> -> memref<1x112x128xf32, #tpu.memory_space<vmem>>
      %dma_start3A_140 = tpu.memref_squeeze %dma_start3A_139 : memref<1x112x128xf32, #tpu.memory_space<vmem>> -> memref<112x128xf32, #tpu.memory_space<vmem>>
      %dma_start3A_141 = arith.constant 0 : i32
      %dma_start3A_142 = tpu.memref_slice %arg5[%dma_start3A_135, %dma_start3A_141] : memref<27x112xi32, #tpu.memory_space<vmem>> -> memref<1x112xi32, #tpu.memory_space<vmem>>
      %dma_start3A_143 = tpu.memref_squeeze %dma_start3A_142 : memref<1x112xi32, #tpu.memory_space<vmem>> -> memref<112xi32, #tpu.memory_space<vmem>>
      %dma_start3A_144 = arith.constant 0 : i32
      %dma_start3A_145 = arith.constant 0 : i32
      %dma_start3A_146 = tpu.memref_slice %arg2[%dma_start3A_144, %dma_start3A_145] : memref<1354752x128xf32, #tpu.memory_space<hbm>> -> memref<1354752x128xf32, #tpu.memory_space<hbm>>
      tpu.enqueue_indirect_dma source(%dma_start3A_146 : memref<1354752x128xf32, #tpu.memory_space<hbm>>) target(%dma_start3A_140 : memref<112x128xf32, #tpu.memory_space<vmem>>) offsets(%dma_start3A_143 : memref<112xi32, #tpu.memory_space<vmem>>) semaphore(%arg8 : memref<!tpu.dma_semaphore, #tpu.memory_space<semaphore_mem>>)
      %dma_start3A_147 = arith.constant 8 : i32
      %dma_start3A_148 = arith.constant 2 : i32
      %dma_start3A_149 = arith.constant 0 : i32
      %dma_start3A_150 = arith.constant 0 : i32
      %dma_start3A_151 = tpu.memref_slice %arg6[%dma_start3A_148, %dma_start3A_149, %dma_start3A_150] : memref<6x112x128xf32, #tpu.memory_space<vmem>> -> memref<1x112x128xf32, #tpu.memory_space<vmem>>
      %dma_start3A_152 = tpu.memref_squeeze %dma_start3A_151 : memref<1x112x128xf32, #tpu.memory_space<vmem>> -> memref<112x128xf32, #tpu.memory_space<vmem>>
      %dma_start3A_153 = arith.constant 0 : i32
      %dma_start3A_154 = tpu.memref_slice %arg5[%dma_start3A_147, %dma_start3A_153] : memref<27x112xi32, #tpu.memory_space<vmem>> -> memref<1x112xi32, #tpu.memory_space<vmem>>
      %dma_start3A_155 = tpu.memref_squeeze %dma_start3A_154 : memref<1x112xi32, #tpu.memory_space<vmem>> -> memref<112xi32, #tpu.memory_space<vmem>>
      %dma_start3A_156 = arith.constant 0 : i32
      %dma_start3A_157 = arith.constant 0 : i32
      %dma_start3A_158 = tpu.memref_slice %arg2[%dma_start3A_156, %dma_start3A_157] : memref<1354752x128xf32, #tpu.memory_space<hbm>> -> memref<1354752x128xf32, #tpu.memory_space<hbm>>
      tpu.enqueue_indirect_dma source(%dma_start3A_158 : memref<1354752x128xf32, #tpu.memory_space<hbm>>) target(%dma_start3A_152 : memref<112x128xf32, #tpu.memory_space<vmem>>) offsets(%dma_start3A_155 : memref<112xi32, #tpu.memory_space<vmem>>) semaphore(%arg8 : memref<!tpu.dma_semaphore, #tpu.memory_space<semaphore_mem>>)
      %dma_wait3A_159 = arith.constant 3 : i32
      %dma_wait3A_160 = arith.constant 3 : i32
      %dma_wait3A_161 = arith.constant 0 : i32
      %dma_wait3A_162 = arith.constant 0 : i32
      %dma_wait3A_163 = tpu.memref_slice %arg6[%dma_wait3A_160, %dma_wait3A_161, %dma_wait3A_162] : memref<6x112x128xf32, #tpu.memory_space<vmem>> -> memref<1x112x128xf32, #tpu.memory_space<vmem>>
      %dma_wait3A_164 = tpu.memref_squeeze %dma_wait3A_163 : memref<1x112x128xf32, #tpu.memory_space<vmem>> -> memref<112x128xf32, #tpu.memory_space<vmem>>
      %dma_wait3A_165 = arith.constant 0 : i32
      %dma_wait3A_166 = tpu.memref_slice %arg5[%dma_wait3A_159, %dma_wait3A_165] : memref<27x112xi32, #tpu.memory_space<vmem>> -> memref<1x112xi32, #tpu.memory_space<vmem>>
      %dma_wait3A_167 = tpu.memref_squeeze %dma_wait3A_166 : memref<1x112xi32, #tpu.memory_space<vmem>> -> memref<112xi32, #tpu.memory_space<vmem>>
      %dma_wait3A_168 = arith.constant 0 : i32
      %dma_wait3A_169 = arith.constant 0 : i32
      %dma_wait3A_170 = tpu.memref_slice %arg2[%dma_wait3A_168, %dma_wait3A_169] : memref<1354752x128xf32, #tpu.memory_space<hbm>> -> memref<1354752x128xf32, #tpu.memory_space<hbm>>
      tpu.wait_indirect_dma semaphore(%arg8 : memref<!tpu.dma_semaphore, #tpu.memory_space<semaphore_mem>>) src(%dma_wait3A_170 : memref<1354752x128xf32, #tpu.memory_space<hbm>>) dst(%dma_wait3A_164 : memref<112x128xf32, #tpu.memory_space<vmem>>)
      %dma_wait3A_171 = arith.constant 4 : i32
      %dma_wait3A_172 = arith.constant 4 : i32
      %dma_wait3A_173 = arith.constant 0 : i32
      %dma_wait3A_174 = arith.constant 0 : i32
      %dma_wait3A_175 = tpu.memref_slice %arg6[%dma_wait3A_172, %dma_wait3A_173, %dma_wait3A_174] : memref<6x112x128xf32, #tpu.memory_space<vmem>> -> memref<1x112x128xf32, #tpu.memory_space<vmem>>
      %dma_wait3A_176 = tpu.memref_squeeze %dma_wait3A_175 : memref<1x112x128xf32, #tpu.memory_space<vmem>> -> memref<112x128xf32, #tpu.memory_space<vmem>>
      %dma_wait3A_177 = arith.constant 0 : i32
      %dma_wait3A_178 = tpu.memref_slice %arg5[%dma_wait3A_171, %dma_wait3A_177] : memref<27x112xi32, #tpu.memory_space<vmem>> -> memref<1x112xi32, #tpu.memory_space<vmem>>
      %dma_wait3A_179 = tpu.memref_squeeze %dma_wait3A_178 : memref<1x112xi32, #tpu.memory_space<vmem>> -> memref<112xi32, #tpu.memory_space<vmem>>
      %dma_wait3A_180 = arith.constant 0 : i32
      %dma_wait3A_181 = arith.constant 0 : i32
      %dma_wait3A_182 = tpu.memref_slice %arg2[%dma_wait3A_180, %dma_wait3A_181] : memref<1354752x128xf32, #tpu.memory_space<hbm>> -> memref<1354752x128xf32, #tpu.memory_space<hbm>>
      tpu.wait_indirect_dma semaphore(%arg8 : memref<!tpu.dma_semaphore, #tpu.memory_space<semaphore_mem>>) src(%dma_wait3A_182 : memref<1354752x128xf32, #tpu.memory_space<hbm>>) dst(%dma_wait3A_176 : memref<112x128xf32, #tpu.memory_space<vmem>>)
      %dma_wait3A_183 = arith.constant 5 : i32
      %dma_wait3A_184 = arith.constant 5 : i32
      %dma_wait3A_185 = arith.constant 0 : i32
      %dma_wait3A_186 = arith.constant 0 : i32
      %dma_wait3A_187 = tpu.memref_slice %arg6[%dma_wait3A_184, %dma_wait3A_185, %dma_wait3A_186] : memref<6x112x128xf32, #tpu.memory_space<vmem>> -> memref<1x112x128xf32, #tpu.memory_space<vmem>>
      %dma_wait3A_188 = tpu.memref_squeeze %dma_wait3A_187 : memref<1x112x128xf32, #tpu.memory_space<vmem>> -> memref<112x128xf32, #tpu.memory_space<vmem>>
      %dma_wait3A_189 = arith.constant 0 : i32
      %dma_wait3A_190 = tpu.memref_slice %arg5[%dma_wait3A_183, %dma_wait3A_189] : memref<27x112xi32, #tpu.memory_space<vmem>> -> memref<1x112xi32, #tpu.memory_space<vmem>>
      %dma_wait3A_191 = tpu.memref_squeeze %dma_wait3A_190 : memref<1x112xi32, #tpu.memory_space<vmem>> -> memref<112xi32, #tpu.memory_space<vmem>>
      %dma_wait3A_192 = arith.constant 0 : i32
      %dma_wait3A_193 = arith.constant 0 : i32
      %dma_wait3A_194 = tpu.memref_slice %arg2[%dma_wait3A_192, %dma_wait3A_193] : memref<1354752x128xf32, #tpu.memory_space<hbm>> -> memref<1354752x128xf32, #tpu.memory_space<hbm>>
      tpu.wait_indirect_dma semaphore(%arg8 : memref<!tpu.dma_semaphore, #tpu.memory_space<semaphore_mem>>) src(%dma_wait3A_194 : memref<1354752x128xf32, #tpu.memory_space<hbm>>) dst(%dma_wait3A_188 : memref<112x128xf32, #tpu.memory_space<vmem>>)
      %parallel_loop3A_195 = arith.constant 0 : i32
      %parallel_loop3A_196 = arith.constant 896 : i32
      %parallel_loop3A_197 = arith.constant 1 : i32
      scf.for %parallel_loop3A_687 = %parallel_loop3A_195 to %parallel_loop3A_196 step %parallel_loop3A_197  : i32 {
        %parallel_loop3A_688 = arith.constant 8 : i32
        %parallel_loop3A_689 = arith.divsi %parallel_loop3A_687, %parallel_loop3A_688 : i32
        %parallel_loop3A_690 = arith.constant 0 : i32
        %parallel_loop3A_691 = arith.cmpi sgt, %parallel_loop3A_687, %parallel_loop3A_690 : i32
        %parallel_loop3A_692 = arith.extui %parallel_loop3A_691 : i1 to i32
        %parallel_loop3A_693 = arith.constant 0 : i32
        %parallel_loop3A_694 = arith.cmpi slt, %parallel_loop3A_687, %parallel_loop3A_693 : i32
        %parallel_loop3A_695 = arith.extui %parallel_loop3A_694 : i1 to i32
        %parallel_loop3A_696 = arith.subi %parallel_loop3A_692, %parallel_loop3A_695 : i32
        %parallel_loop3A_697 = arith.constant 0 : i32
        %parallel_loop3A_698 = arith.cmpi sgt, %parallel_loop3A_688, %parallel_loop3A_697 : i32
        %parallel_loop3A_699 = arith.extui %parallel_loop3A_698 : i1 to i32
        %parallel_loop3A_700 = arith.constant 0 : i32
        %parallel_loop3A_701 = arith.cmpi slt, %parallel_loop3A_688, %parallel_loop3A_700 : i32
        %parallel_loop3A_702 = arith.extui %parallel_loop3A_701 : i1 to i32
        %parallel_loop3A_703 = arith.subi %parallel_loop3A_699, %parallel_loop3A_702 : i32
        %parallel_loop3A_704 = arith.cmpi ne, %parallel_loop3A_696, %parallel_loop3A_703 : i32
        %parallel_loop3A_705 = arith.remsi %parallel_loop3A_687, %parallel_loop3A_688 : i32
        %parallel_loop3A_706 = arith.constant 0 : i32
        %parallel_loop3A_707 = arith.cmpi ne, %parallel_loop3A_705, %parallel_loop3A_706 : i32
        %parallel_loop3A_708 = arith.andi %parallel_loop3A_704, %parallel_loop3A_707 : i1
        %parallel_loop3A_709 = arith.constant 1 : i32
        %parallel_loop3A_710 = arith.subi %parallel_loop3A_689, %parallel_loop3A_709 : i32
        %parallel_loop3A_711 = arith.select %parallel_loop3A_708, %parallel_loop3A_710, %parallel_loop3A_689 : i32
        %parallel_loop3A_712 = arith.constant 8 : i32
        %parallel_loop3A_713 = arith.constant 0 : i32
        %parallel_loop3A_714 = arith.cmpi eq, %parallel_loop3A_712, %parallel_loop3A_713 : i32
        %parallel_loop3A_715 = arith.constant 1 : i32
        %parallel_loop3A_716 = arith.select %parallel_loop3A_714, %parallel_loop3A_715, %parallel_loop3A_712 : i32
        %parallel_loop3A_717 = arith.remsi %parallel_loop3A_687, %parallel_loop3A_716 : i32
        %parallel_loop3A_718 = arith.constant 0 : i32
        %parallel_loop3A_719 = arith.cmpi ne, %parallel_loop3A_717, %parallel_loop3A_718 : i32
        %parallel_loop3A_720 = arith.constant 0 : i32
        %parallel_loop3A_721 = arith.cmpi slt, %parallel_loop3A_717, %parallel_loop3A_720 : i32
        %parallel_loop3A_722 = arith.constant 0 : i32
        %parallel_loop3A_723 = arith.cmpi slt, %parallel_loop3A_716, %parallel_loop3A_722 : i32
        %parallel_loop3A_724 = arith.xori %parallel_loop3A_721, %parallel_loop3A_723 : i1
        %parallel_loop3A_725 = arith.andi %parallel_loop3A_724, %parallel_loop3A_719 : i1
        %parallel_loop3A_726 = arith.addi %parallel_loop3A_717, %parallel_loop3A_716 : i32
        %parallel_loop3A_727 = arith.select %parallel_loop3A_725, %parallel_loop3A_726, %parallel_loop3A_717 : i32
        %parallel_loop3A_728 = arith.constant 16 : i32
        %parallel_loop3A_729 = arith.muli %parallel_loop3A_727, %parallel_loop3A_728 : i32
        %parallel_loop3A_730 = arith.constant 3 : i32
        %parallel_loop3A_731 = arith.index_cast %parallel_loop3A_730 : i32 to index
        %parallel_loop3A_732 = arith.index_cast %parallel_loop3A_711 : i32 to index
        %parallel_loop3A_733 = arith.index_cast %parallel_loop3A_729 : i32 to index
        %parallel_loop3A_734 = tpu.vector_load %arg6[%parallel_loop3A_731, %parallel_loop3A_732, %parallel_loop3A_733] {strides = array<i32>} : memref<6x112x128xf32, #tpu.memory_space<vmem>>, vector<1x1x16xf32>,
        %parallel_loop3A_735 = vector.shape_cast %parallel_loop3A_734 : vector<1x1x16xf32> to vector<16xf32>
        %parallel_loop3A_736 = arith.constant 4 : i32
        %parallel_loop3A_737 = arith.index_cast %parallel_loop3A_736 : i32 to index
        %parallel_loop3A_738 = arith.index_cast %parallel_loop3A_711 : i32 to index
        %parallel_loop3A_739 = arith.index_cast %parallel_loop3A_729 : i32 to index
        %parallel_loop3A_740 = tpu.vector_load %arg6[%parallel_loop3A_737, %parallel_loop3A_738, %parallel_loop3A_739] {strides = array<i32>} : memref<6x112x128xf32, #tpu.memory_space<vmem>>, vector<1x1x16xf32>,
        %parallel_loop3A_741 = vector.shape_cast %parallel_loop3A_740 : vector<1x1x16xf32> to vector<16xf32>
        %parallel_loop3A_742 = arith.addf %parallel_loop3A_735, %parallel_loop3A_741 : vector<16xf32>
        %parallel_loop3A_743 = arith.constant 5 : i32
        %parallel_loop3A_744 = arith.index_cast %parallel_loop3A_743 : i32 to index
        %parallel_loop3A_745 = arith.index_cast %parallel_loop3A_711 : i32 to index
        %parallel_loop3A_746 = arith.index_cast %parallel_loop3A_729 : i32 to index
        %parallel_loop3A_747 = tpu.vector_load %arg6[%parallel_loop3A_744, %parallel_loop3A_745, %parallel_loop3A_746] {strides = array<i32>} : memref<6x112x128xf32, #tpu.memory_space<vmem>>, vector<1x1x16xf32>,
        %parallel_loop3A_748 = vector.shape_cast %parallel_loop3A_747 : vector<1x1x16xf32> to vector<16xf32>
        %parallel_loop3A_749 = arith.addf %parallel_loop3A_742, %parallel_loop3A_748 : vector<16xf32>
        %parallel_loop3A_750 = arith.index_cast %parallel_loop3A_711 : i32 to index
        %parallel_loop3A_751 = arith.index_cast %parallel_loop3A_729 : i32 to index
        %parallel_loop3A_752 = tpu.vector_load %arg7[%parallel_loop3A_750, %parallel_loop3A_751] {strides = array<i32>} : memref<112x128xf32, #tpu.memory_space<vmem>>, vector<1x16xf32>,
        %parallel_loop3A_753 = vector.shape_cast %parallel_loop3A_752 : vector<1x16xf32> to vector<16xf32>
        %parallel_loop3A_754 = vector.shape_cast %parallel_loop3A_749 : vector<16xf32> to vector<1x16xf32>
        tpu.vector_store %arg7[%parallel_loop3A_750, %parallel_loop3A_751], %parallel_loop3A_754 {add = true, strides = array<i32>} : memref<112x128xf32, #tpu.memory_space<vmem>>, vector<1x16xf32>,
      } {sc.loop_unroll_factor = 4 : i64, sc.parallel_access}
      %dma_start3A_198 = arith.constant 9 : i32
      %dma_start3A_199 = arith.constant 3 : i32
      %dma_start3A_200 = arith.constant 0 : i32
      %dma_start3A_201 = arith.constant 0 : i32
      %dma_start3A_202 = tpu.memref_slice %arg6[%dma_start3A_199, %dma_start3A_200, %dma_start3A_201] : memref<6x112x128xf32, #tpu.memory_space<vmem>> -> memref<1x112x128xf32, #tpu.memory_space<vmem>>
      %dma_start3A_203 = tpu.memref_squeeze %dma_start3A_202 : memref<1x112x128xf32, #tpu.memory_space<vmem>> -> memref<112x128xf32, #tpu.memory_space<vmem>>
      %dma_start3A_204 = arith.constant 0 : i32
      %dma_start3A_205 = tpu.memref_slice %arg5[%dma_start3A_198, %dma_start3A_204] : memref<27x112xi32, #tpu.memory_space<vmem>> -> memref<1x112xi32, #tpu.memory_space<vmem>>
      %dma_start3A_206 = tpu.memref_squeeze %dma_start3A_205 : memref<1x112xi32, #tpu.memory_space<vmem>> -> memref<112xi32, #tpu.memory_space<vmem>>
      %dma_start3A_207 = arith.constant 0 : i32
      %dma_start3A_208 = arith.constant 0 : i32
      %dma_start3A_209 = tpu.memref_slice %arg2[%dma_start3A_207, %dma_start3A_208] : memref<1354752x128xf32, #tpu.memory_space<hbm>> -> memref<1354752x128xf32, #tpu.memory_space<hbm>>
      tpu.enqueue_indirect_dma source(%dma_start3A_209 : memref<1354752x128xf32, #tpu.memory_space<hbm>>) target(%dma_start3A_203 : memref<112x128xf32, #tpu.memory_space<vmem>>) offsets(%dma_start3A_206 : memref<112xi32, #tpu.memory_space<vmem>>) semaphore(%arg8 : memref<!tpu.dma_semaphore, #tpu.memory_space<semaphore_mem>>)
      %dma_start3A_210 = arith.constant 10 : i32
      %dma_start3A_211 = arith.constant 4 : i32
      %dma_start3A_212 = arith.constant 0 : i32
      %dma_start3A_213 = arith.constant 0 : i32
      %dma_start3A_214 = tpu.memref_slice %arg6[%dma_start3A_211, %dma_start3A_212, %dma_start3A_213] : memref<6x112x128xf32, #tpu.memory_space<vmem>> -> memref<1x112x128xf32, #tpu.memory_space<vmem>>
      %dma_start3A_215 = tpu.memref_squeeze %dma_start3A_214 : memref<1x112x128xf32, #tpu.memory_space<vmem>> -> memref<112x128xf32, #tpu.memory_space<vmem>>
      %dma_start3A_216 = arith.constant 0 : i32
      %dma_start3A_217 = tpu.memref_slice %arg5[%dma_start3A_210, %dma_start3A_216] : memref<27x112xi32, #tpu.memory_space<vmem>> -> memref<1x112xi32, #tpu.memory_space<vmem>>
      %dma_start3A_218 = tpu.memref_squeeze %dma_start3A_217 : memref<1x112xi32, #tpu.memory_space<vmem>> -> memref<112xi32, #tpu.memory_space<vmem>>
      %dma_start3A_219 = arith.constant 0 : i32
      %dma_start3A_220 = arith.constant 0 : i32
      %dma_start3A_221 = tpu.memref_slice %arg2[%dma_start3A_219, %dma_start3A_220] : memref<1354752x128xf32, #tpu.memory_space<hbm>> -> memref<1354752x128xf32, #tpu.memory_space<hbm>>
      tpu.enqueue_indirect_dma source(%dma_start3A_221 : memref<1354752x128xf32, #tpu.memory_space<hbm>>) target(%dma_start3A_215 : memref<112x128xf32, #tpu.memory_space<vmem>>) offsets(%dma_start3A_218 : memref<112xi32, #tpu.memory_space<vmem>>) semaphore(%arg8 : memref<!tpu.dma_semaphore, #tpu.memory_space<semaphore_mem>>)
      %dma_start3A_222 = arith.constant 11 : i32
      %dma_start3A_223 = arith.constant 5 : i32
      %dma_start3A_224 = arith.constant 0 : i32
      %dma_start3A_225 = arith.constant 0 : i32
      %dma_start3A_226 = tpu.memref_slice %arg6[%dma_start3A_223, %dma_start3A_224, %dma_start3A_225] : memref<6x112x128xf32, #tpu.memory_space<vmem>> -> memref<1x112x128xf32, #tpu.memory_space<vmem>>
      %dma_start3A_227 = tpu.memref_squeeze %dma_start3A_226 : memref<1x112x128xf32, #tpu.memory_space<vmem>> -> memref<112x128xf32, #tpu.memory_space<vmem>>
      %dma_start3A_228 = arith.constant 0 : i32
      %dma_start3A_229 = tpu.memref_slice %arg5[%dma_start3A_222, %dma_start3A_228] : memref<27x112xi32, #tpu.memory_space<vmem>> -> memref<1x112xi32, #tpu.memory_space<vmem>>
      %dma_start3A_230 = tpu.memref_squeeze %dma_start3A_229 : memref<1x112xi32, #tpu.memory_space<vmem>> -> memref<112xi32, #tpu.memory_space<vmem>>
      %dma_start3A_231 = arith.constant 0 : i32
      %dma_start3A_232 = arith.constant 0 : i32
      %dma_start3A_233 = tpu.memref_slice %arg2[%dma_start3A_231, %dma_start3A_232] : memref<1354752x128xf32, #tpu.memory_space<hbm>> -> memref<1354752x128xf32, #tpu.memory_space<hbm>>
      tpu.enqueue_indirect_dma source(%dma_start3A_233 : memref<1354752x128xf32, #tpu.memory_space<hbm>>) target(%dma_start3A_227 : memref<112x128xf32, #tpu.memory_space<vmem>>) offsets(%dma_start3A_230 : memref<112xi32, #tpu.memory_space<vmem>>) semaphore(%arg8 : memref<!tpu.dma_semaphore, #tpu.memory_space<semaphore_mem>>)
      %dma_wait3A_234 = arith.constant 6 : i32
      %dma_wait3A_235 = arith.constant 0 : i32
      %dma_wait3A_236 = arith.constant 0 : i32
      %dma_wait3A_237 = arith.constant 0 : i32
      %dma_wait3A_238 = tpu.memref_slice %arg6[%dma_wait3A_235, %dma_wait3A_236, %dma_wait3A_237] : memref<6x112x128xf32, #tpu.memory_space<vmem>> -> memref<1x112x128xf32, #tpu.memory_space<vmem>>
      %dma_wait3A_239 = tpu.memref_squeeze %dma_wait3A_238 : memref<1x112x128xf32, #tpu.memory_space<vmem>> -> memref<112x128xf32, #tpu.memory_space<vmem>>
      %dma_wait3A_240 = arith.constant 0 : i32
      %dma_wait3A_241 = tpu.memref_slice %arg5[%dma_wait3A_234, %dma_wait3A_240] : memref<27x112xi32, #tpu.memory_space<vmem>> -> memref<1x112xi32, #tpu.memory_space<vmem>>
      %dma_wait3A_242 = tpu.memref_squeeze %dma_wait3A_241 : memref<1x112xi32, #tpu.memory_space<vmem>> -> memref<112xi32, #tpu.memory_space<vmem>>
      %dma_wait3A_243 = arith.constant 0 : i32
      %dma_wait3A_244 = arith.constant 0 : i32
      %dma_wait3A_245 = tpu.memref_slice %arg2[%dma_wait3A_243, %dma_wait3A_244] : memref<1354752x128xf32, #tpu.memory_space<hbm>> -> memref<1354752x128xf32, #tpu.memory_space<hbm>>
      tpu.wait_indirect_dma semaphore(%arg8 : memref<!tpu.dma_semaphore, #tpu.memory_space<semaphore_mem>>) src(%dma_wait3A_245 : memref<1354752x128xf32, #tpu.memory_space<hbm>>) dst(%dma_wait3A_239 : memref<112x128xf32, #tpu.memory_space<vmem>>)
      %dma_wait3A_246 = arith.constant 7 : i32
      %dma_wait3A_247 = arith.constant 1 : i32
      %dma_wait3A_248 = arith.constant 0 : i32
      %dma_wait3A_249 = arith.constant 0 : i32
      %dma_wait3A_250 = tpu.memref_slice %arg6[%dma_wait3A_247, %dma_wait3A_248, %dma_wait3A_249] : memref<6x112x128xf32, #tpu.memory_space<vmem>> -> memref<1x112x128xf32, #tpu.memory_space<vmem>>
      %dma_wait3A_251 = tpu.memref_squeeze %dma_wait3A_250 : memref<1x112x128xf32, #tpu.memory_space<vmem>> -> memref<112x128xf32, #tpu.memory_space<vmem>>
      %dma_wait3A_252 = arith.constant 0 : i32
      %dma_wait3A_253 = tpu.memref_slice %arg5[%dma_wait3A_246, %dma_wait3A_252] : memref<27x112xi32, #tpu.memory_space<vmem>> -> memref<1x112xi32, #tpu.memory_space<vmem>>
      %dma_wait3A_254 = tpu.memref_squeeze %dma_wait3A_253 : memref<1x112xi32, #tpu.memory_space<vmem>> -> memref<112xi32, #tpu.memory_space<vmem>>
      %dma_wait3A_255 = arith.constant 0 : i32
      %dma_wait3A_256 = arith.constant 0 : i32
      %dma_wait3A_257 = tpu.memref_slice %arg2[%dma_wait3A_255, %dma_wait3A_256] : memref<1354752x128xf32, #tpu.memory_space<hbm>> -> memref<1354752x128xf32, #tpu.memory_space<hbm>>
      tpu.wait_indirect_dma semaphore(%arg8 : memref<!tpu.dma_semaphore, #tpu.memory_space<semaphore_mem>>) src(%dma_wait3A_257 : memref<1354752x128xf32, #tpu.memory_space<hbm>>) dst(%dma_wait3A_251 : memref<112x128xf32, #tpu.memory_space<vmem>>)
      %dma_wait3A_258 = arith.constant 8 : i32
      %dma_wait3A_259 = arith.constant 2 : i32
      %dma_wait3A_260 = arith.constant 0 : i32
      %dma_wait3A_261 = arith.constant 0 : i32
      %dma_wait3A_262 = tpu.memref_slice %arg6[%dma_wait3A_259, %dma_wait3A_260, %dma_wait3A_261] : memref<6x112x128xf32, #tpu.memory_space<vmem>> -> memref<1x112x128xf32, #tpu.memory_space<vmem>>
      %dma_wait3A_263 = tpu.memref_squeeze %dma_wait3A_262 : memref<1x112x128xf32, #tpu.memory_space<vmem>> -> memref<112x128xf32, #tpu.memory_space<vmem>>
      %dma_wait3A_264 = arith.constant 0 : i32
      %dma_wait3A_265 = tpu.memref_slice %arg5[%dma_wait3A_258, %dma_wait3A_264] : memref<27x112xi32, #tpu.memory_space<vmem>> -> memref<1x112xi32, #tpu.memory_space<vmem>>
      %dma_wait3A_266 = tpu.memref_squeeze %dma_wait3A_265 : memref<1x112xi32, #tpu.memory_space<vmem>> -> memref<112xi32, #tpu.memory_space<vmem>>
      %dma_wait3A_267 = arith.constant 0 : i32
      %dma_wait3A_268 = arith.constant 0 : i32
      %dma_wait3A_269 = tpu.memref_slice %arg2[%dma_wait3A_267, %dma_wait3A_268] : memref<1354752x128xf32, #tpu.memory_space<hbm>> -> memref<1354752x128xf32, #tpu.memory_space<hbm>>
      tpu.wait_indirect_dma semaphore(%arg8 : memref<!tpu.dma_semaphore, #tpu.memory_space<semaphore_mem>>) src(%dma_wait3A_269 : memref<1354752x128xf32, #tpu.memory_space<hbm>>) dst(%dma_wait3A_263 : memref<112x128xf32, #tpu.memory_space<vmem>>)
      %parallel_loop3A_270 = arith.constant 0 : i32
      %parallel_loop3A_271 = arith.constant 896 : i32
      %parallel_loop3A_272 = arith.constant 1 : i32
      scf.for %parallel_loop3A_687 = %parallel_loop3A_270 to %parallel_loop3A_271 step %parallel_loop3A_272  : i32 {
        %parallel_loop3A_688 = arith.constant 8 : i32
        %parallel_loop3A_689 = arith.divsi %parallel_loop3A_687, %parallel_loop3A_688 : i32
        %parallel_loop3A_690 = arith.constant 0 : i32
        %parallel_loop3A_691 = arith.cmpi sgt, %parallel_loop3A_687, %parallel_loop3A_690 : i32
        %parallel_loop3A_692 = arith.extui %parallel_loop3A_691 : i1 to i32
        %parallel_loop3A_693 = arith.constant 0 : i32
        %parallel_loop3A_694 = arith.cmpi slt, %parallel_loop3A_687, %parallel_loop3A_693 : i32
        %parallel_loop3A_695 = arith.extui %parallel_loop3A_694 : i1 to i32
        %parallel_loop3A_696 = arith.subi %parallel_loop3A_692, %parallel_loop3A_695 : i32
        %parallel_loop3A_697 = arith.constant 0 : i32
        %parallel_loop3A_698 = arith.cmpi sgt, %parallel_loop3A_688, %parallel_loop3A_697 : i32
        %parallel_loop3A_699 = arith.extui %parallel_loop3A_698 : i1 to i32
        %parallel_loop3A_700 = arith.constant 0 : i32
        %parallel_loop3A_701 = arith.cmpi slt, %parallel_loop3A_688, %parallel_loop3A_700 : i32
        %parallel_loop3A_702 = arith.extui %parallel_loop3A_701 : i1 to i32
        %parallel_loop3A_703 = arith.subi %parallel_loop3A_699, %parallel_loop3A_702 : i32
        %parallel_loop3A_704 = arith.cmpi ne, %parallel_loop3A_696, %parallel_loop3A_703 : i32
        %parallel_loop3A_705 = arith.remsi %parallel_loop3A_687, %parallel_loop3A_688 : i32
        %parallel_loop3A_706 = arith.constant 0 : i32
        %parallel_loop3A_707 = arith.cmpi ne, %parallel_loop3A_705, %parallel_loop3A_706 : i32
        %parallel_loop3A_708 = arith.andi %parallel_loop3A_704, %parallel_loop3A_707 : i1
        %parallel_loop3A_709 = arith.constant 1 : i32
        %parallel_loop3A_710 = arith.subi %parallel_loop3A_689, %parallel_loop3A_709 : i32
        %parallel_loop3A_711 = arith.select %parallel_loop3A_708, %parallel_loop3A_710, %parallel_loop3A_689 : i32
        %parallel_loop3A_712 = arith.constant 8 : i32
        %parallel_loop3A_713 = arith.constant 0 : i32
        %parallel_loop3A_714 = arith.cmpi eq, %parallel_loop3A_712, %parallel_loop3A_713 : i32
        %parallel_loop3A_715 = arith.constant 1 : i32
        %parallel_loop3A_716 = arith.select %parallel_loop3A_714, %parallel_loop3A_715, %parallel_loop3A_712 : i32
        %parallel_loop3A_717 = arith.remsi %parallel_loop3A_687, %parallel_loop3A_716 : i32
        %parallel_loop3A_718 = arith.constant 0 : i32
        %parallel_loop3A_719 = arith.cmpi ne, %parallel_loop3A_717, %parallel_loop3A_718 : i32
        %parallel_loop3A_720 = arith.constant 0 : i32
        %parallel_loop3A_721 = arith.cmpi slt, %parallel_loop3A_717, %parallel_loop3A_720 : i32
        %parallel_loop3A_722 = arith.constant 0 : i32
        %parallel_loop3A_723 = arith.cmpi slt, %parallel_loop3A_716, %parallel_loop3A_722 : i32
        %parallel_loop3A_724 = arith.xori %parallel_loop3A_721, %parallel_loop3A_723 : i1
        %parallel_loop3A_725 = arith.andi %parallel_loop3A_724, %parallel_loop3A_719 : i1
        %parallel_loop3A_726 = arith.addi %parallel_loop3A_717, %parallel_loop3A_716 : i32
        %parallel_loop3A_727 = arith.select %parallel_loop3A_725, %parallel_loop3A_726, %parallel_loop3A_717 : i32
        %parallel_loop3A_728 = arith.constant 16 : i32
        %parallel_loop3A_729 = arith.muli %parallel_loop3A_727, %parallel_loop3A_728 : i32
        %parallel_loop3A_730 = arith.constant 0 : i32
        %parallel_loop3A_731 = arith.index_cast %parallel_loop3A_730 : i32 to index
        %parallel_loop3A_732 = arith.index_cast %parallel_loop3A_711 : i32 to index
        %parallel_loop3A_733 = arith.index_cast %parallel_loop3A_729 : i32 to index
        %parallel_loop3A_734 = tpu.vector_load %arg6[%parallel_loop3A_731, %parallel_loop3A_732, %parallel_loop3A_733] {strides = array<i32>} : memref<6x112x128xf32, #tpu.memory_space<vmem>>, vector<1x1x16xf32>,
        %parallel_loop3A_735 = vector.shape_cast %parallel_loop3A_734 : vector<1x1x16xf32> to vector<16xf32>
        %parallel_loop3A_736 = arith.constant 1 : i32
        %parallel_loop3A_737 = arith.index_cast %parallel_loop3A_736 : i32 to index
        %parallel_loop3A_738 = arith.index_cast %parallel_loop3A_711 : i32 to index
        %parallel_loop3A_739 = arith.index_cast %parallel_loop3A_729 : i32 to index
        %parallel_loop3A_740 = tpu.vector_load %arg6[%parallel_loop3A_737, %parallel_loop3A_738, %parallel_loop3A_739] {strides = array<i32>} : memref<6x112x128xf32, #tpu.memory_space<vmem>>, vector<1x1x16xf32>,
        %parallel_loop3A_741 = vector.shape_cast %parallel_loop3A_740 : vector<1x1x16xf32> to vector<16xf32>
        %parallel_loop3A_742 = arith.addf %parallel_loop3A_735, %parallel_loop3A_741 : vector<16xf32>
        %parallel_loop3A_743 = arith.constant 2 : i32
        %parallel_loop3A_744 = arith.index_cast %parallel_loop3A_743 : i32 to index
        %parallel_loop3A_745 = arith.index_cast %parallel_loop3A_711 : i32 to index
        %parallel_loop3A_746 = arith.index_cast %parallel_loop3A_729 : i32 to index
        %parallel_loop3A_747 = tpu.vector_load %arg6[%parallel_loop3A_744, %parallel_loop3A_745, %parallel_loop3A_746] {strides = array<i32>} : memref<6x112x128xf32, #tpu.memory_space<vmem>>, vector<1x1x16xf32>,
        %parallel_loop3A_748 = vector.shape_cast %parallel_loop3A_747 : vector<1x1x16xf32> to vector<16xf32>
        %parallel_loop3A_749 = arith.addf %parallel_loop3A_742, %parallel_loop3A_748 : vector<16xf32>
        %parallel_loop3A_750 = arith.index_cast %parallel_loop3A_711 : i32 to index
        %parallel_loop3A_751 = arith.index_cast %parallel_loop3A_729 : i32 to index
        %parallel_loop3A_752 = tpu.vector_load %arg7[%parallel_loop3A_750, %parallel_loop3A_751] {strides = array<i32>} : memref<112x128xf32, #tpu.memory_space<vmem>>, vector<1x16xf32>,
        %parallel_loop3A_753 = vector.shape_cast %parallel_loop3A_752 : vector<1x16xf32> to vector<16xf32>
        %parallel_loop3A_754 = vector.shape_cast %parallel_loop3A_749 : vector<16xf32> to vector<1x16xf32>
        tpu.vector_store %arg7[%parallel_loop3A_750, %parallel_loop3A_751], %parallel_loop3A_754 {add = true, strides = array<i32>} : memref<112x128xf32, #tpu.memory_space<vmem>>, vector<1x16xf32>,
      } {sc.loop_unroll_factor = 4 : i64, sc.parallel_access}
      %dma_start3A_273 = arith.constant 12 : i32
      %dma_start3A_274 = arith.constant 0 : i32
      %dma_start3A_275 = arith.constant 0 : i32
      %dma_start3A_276 = arith.constant 0 : i32
      %dma_start3A_277 = tpu.memref_slice %arg6[%dma_start3A_274, %dma_start3A_275, %dma_start3A_276] : memref<6x112x128xf32, #tpu.memory_space<vmem>> -> memref<1x112x128xf32, #tpu.memory_space<vmem>>
      %dma_start3A_278 = tpu.memref_squeeze %dma_start3A_277 : memref<1x112x128xf32, #tpu.memory_space<vmem>> -> memref<112x128xf32, #tpu.memory_space<vmem>>
      %dma_start3A_279 = arith.constant 0 : i32
      %dma_start3A_280 = tpu.memref_slice %arg5[%dma_start3A_273, %dma_start3A_279] : memref<27x112xi32, #tpu.memory_space<vmem>> -> memref<1x112xi32, #tpu.memory_space<vmem>>
      %dma_start3A_281 = tpu.memref_squeeze %dma_start3A_280 : memref<1x112xi32, #tpu.memory_space<vmem>> -> memref<112xi32, #tpu.memory_space<vmem>>
      %dma_start3A_282 = arith.constant 0 : i32
      %dma_start3A_283 = arith.constant 0 : i32
      %dma_start3A_284 = tpu.memref_slice %arg2[%dma_start3A_282, %dma_start3A_283] : memref<1354752x128xf32, #tpu.memory_space<hbm>> -> memref<1354752x128xf32, #tpu.memory_space<hbm>>
      tpu.enqueue_indirect_dma source(%dma_start3A_284 : memref<1354752x128xf32, #tpu.memory_space<hbm>>) target(%dma_start3A_278 : memref<112x128xf32, #tpu.memory_space<vmem>>) offsets(%dma_start3A_281 : memref<112xi32, #tpu.memory_space<vmem>>) semaphore(%arg8 : memref<!tpu.dma_semaphore, #tpu.memory_space<semaphore_mem>>)
      %dma_start3A_285 = arith.constant 13 : i32
      %dma_start3A_286 = arith.constant 1 : i32
      %dma_start3A_287 = arith.constant 0 : i32
      %dma_start3A_288 = arith.constant 0 : i32
      %dma_start3A_289 = tpu.memref_slice %arg6[%dma_start3A_286, %dma_start3A_287, %dma_start3A_288] : memref<6x112x128xf32, #tpu.memory_space<vmem>> -> memref<1x112x128xf32, #tpu.memory_space<vmem>>
      %dma_start3A_290 = tpu.memref_squeeze %dma_start3A_289 : memref<1x112x128xf32, #tpu.memory_space<vmem>> -> memref<112x128xf32, #tpu.memory_space<vmem>>
      %dma_start3A_291 = arith.constant 0 : i32
      %dma_start3A_292 = tpu.memref_slice %arg5[%dma_start3A_285, %dma_start3A_291] : memref<27x112xi32, #tpu.memory_space<vmem>> -> memref<1x112xi32, #tpu.memory_space<vmem>>
      %dma_start3A_293 = tpu.memref_squeeze %dma_start3A_292 : memref<1x112xi32, #tpu.memory_space<vmem>> -> memref<112xi32, #tpu.memory_space<vmem>>
      %dma_start3A_294 = arith.constant 0 : i32
      %dma_start3A_295 = arith.constant 0 : i32
      %dma_start3A_296 = tpu.memref_slice %arg2[%dma_start3A_294, %dma_start3A_295] : memref<1354752x128xf32, #tpu.memory_space<hbm>> -> memref<1354752x128xf32, #tpu.memory_space<hbm>>
      tpu.enqueue_indirect_dma source(%dma_start3A_296 : memref<1354752x128xf32, #tpu.memory_space<hbm>>) target(%dma_start3A_290 : memref<112x128xf32, #tpu.memory_space<vmem>>) offsets(%dma_start3A_293 : memref<112xi32, #tpu.memory_space<vmem>>) semaphore(%arg8 : memref<!tpu.dma_semaphore, #tpu.memory_space<semaphore_mem>>)
      %dma_start3A_297 = arith.constant 14 : i32
      %dma_start3A_298 = arith.constant 2 : i32
      %dma_start3A_299 = arith.constant 0 : i32
      %dma_start3A_300 = arith.constant 0 : i32
      %dma_start3A_301 = tpu.memref_slice %arg6[%dma_start3A_298, %dma_start3A_299, %dma_start3A_300] : memref<6x112x128xf32, #tpu.memory_space<vmem>> -> memref<1x112x128xf32, #tpu.memory_space<vmem>>
      %dma_start3A_302 = tpu.memref_squeeze %dma_start3A_301 : memref<1x112x128xf32, #tpu.memory_space<vmem>> -> memref<112x128xf32, #tpu.memory_space<vmem>>
      %dma_start3A_303 = arith.constant 0 : i32
      %dma_start3A_304 = tpu.memref_slice %arg5[%dma_start3A_297, %dma_start3A_303] : memref<27x112xi32, #tpu.memory_space<vmem>> -> memref<1x112xi32, #tpu.memory_space<vmem>>
      %dma_start3A_305 = tpu.memref_squeeze %dma_start3A_304 : memref<1x112xi32, #tpu.memory_space<vmem>> -> memref<112xi32, #tpu.memory_space<vmem>>
      %dma_start3A_306 = arith.constant 0 : i32
      %dma_start3A_307 = arith.constant 0 : i32
      %dma_start3A_308 = tpu.memref_slice %arg2[%dma_start3A_306, %dma_start3A_307] : memref<1354752x128xf32, #tpu.memory_space<hbm>> -> memref<1354752x128xf32, #tpu.memory_space<hbm>>
      tpu.enqueue_indirect_dma source(%dma_start3A_308 : memref<1354752x128xf32, #tpu.memory_space<hbm>>) target(%dma_start3A_302 : memref<112x128xf32, #tpu.memory_space<vmem>>) offsets(%dma_start3A_305 : memref<112xi32, #tpu.memory_space<vmem>>) semaphore(%arg8 : memref<!tpu.dma_semaphore, #tpu.memory_space<semaphore_mem>>)
      %dma_wait3A_309 = arith.constant 9 : i32
      %dma_wait3A_310 = arith.constant 3 : i32
      %dma_wait3A_311 = arith.constant 0 : i32
      %dma_wait3A_312 = arith.constant 0 : i32
      %dma_wait3A_313 = tpu.memref_slice %arg6[%dma_wait3A_310, %dma_wait3A_311, %dma_wait3A_312] : memref<6x112x128xf32, #tpu.memory_space<vmem>> -> memref<1x112x128xf32, #tpu.memory_space<vmem>>
      %dma_wait3A_314 = tpu.memref_squeeze %dma_wait3A_313 : memref<1x112x128xf32, #tpu.memory_space<vmem>> -> memref<112x128xf32, #tpu.memory_space<vmem>>
      %dma_wait3A_315 = arith.constant 0 : i32
      %dma_wait3A_316 = tpu.memref_slice %arg5[%dma_wait3A_309, %dma_wait3A_315] : memref<27x112xi32, #tpu.memory_space<vmem>> -> memref<1x112xi32, #tpu.memory_space<vmem>>
      %dma_wait3A_317 = tpu.memref_squeeze %dma_wait3A_316 : memref<1x112xi32, #tpu.memory_space<vmem>> -> memref<112xi32, #tpu.memory_space<vmem>>
      %dma_wait3A_318 = arith.constant 0 : i32
      %dma_wait3A_319 = arith.constant 0 : i32
      %dma_wait3A_320 = tpu.memref_slice %arg2[%dma_wait3A_318, %dma_wait3A_319] : memref<1354752x128xf32, #tpu.memory_space<hbm>> -> memref<1354752x128xf32, #tpu.memory_space<hbm>>
      tpu.wait_indirect_dma semaphore(%arg8 : memref<!tpu.dma_semaphore, #tpu.memory_space<semaphore_mem>>) src(%dma_wait3A_320 : memref<1354752x128xf32, #tpu.memory_space<hbm>>) dst(%dma_wait3A_314 : memref<112x128xf32, #tpu.memory_space<vmem>>)
      %dma_wait3A_321 = arith.constant 10 : i32
      %dma_wait3A_322 = arith.constant 4 : i32
      %dma_wait3A_323 = arith.constant 0 : i32
      %dma_wait3A_324 = arith.constant 0 : i32
      %dma_wait3A_325 = tpu.memref_slice %arg6[%dma_wait3A_322, %dma_wait3A_323, %dma_wait3A_324] : memref<6x112x128xf32, #tpu.memory_space<vmem>> -> memref<1x112x128xf32, #tpu.memory_space<vmem>>
      %dma_wait3A_326 = tpu.memref_squeeze %dma_wait3A_325 : memref<1x112x128xf32, #tpu.memory_space<vmem>> -> memref<112x128xf32, #tpu.memory_space<vmem>>
      %dma_wait3A_327 = arith.constant 0 : i32
      %dma_wait3A_328 = tpu.memref_slice %arg5[%dma_wait3A_321, %dma_wait3A_327] : memref<27x112xi32, #tpu.memory_space<vmem>> -> memref<1x112xi32, #tpu.memory_space<vmem>>
      %dma_wait3A_329 = tpu.memref_squeeze %dma_wait3A_328 : memref<1x112xi32, #tpu.memory_space<vmem>> -> memref<112xi32, #tpu.memory_space<vmem>>
      %dma_wait3A_330 = arith.constant 0 : i32
      %dma_wait3A_331 = arith.constant 0 : i32
      %dma_wait3A_332 = tpu.memref_slice %arg2[%dma_wait3A_330, %dma_wait3A_331] : memref<1354752x128xf32, #tpu.memory_space<hbm>> -> memref<1354752x128xf32, #tpu.memory_space<hbm>>
      tpu.wait_indirect_dma semaphore(%arg8 : memref<!tpu.dma_semaphore, #tpu.memory_space<semaphore_mem>>) src(%dma_wait3A_332 : memref<1354752x128xf32, #tpu.memory_space<hbm>>) dst(%dma_wait3A_326 : memref<112x128xf32, #tpu.memory_space<vmem>>)
      %dma_wait3A_333 = arith.constant 11 : i32
      %dma_wait3A_334 = arith.constant 5 : i32
      %dma_wait3A_335 = arith.constant 0 : i32
      %dma_wait3A_336 = arith.constant 0 : i32
      %dma_wait3A_337 = tpu.memref_slice %arg6[%dma_wait3A_334, %dma_wait3A_335, %dma_wait3A_336] : memref<6x112x128xf32, #tpu.memory_space<vmem>> -> memref<1x112x128xf32, #tpu.memory_space<vmem>>
      %dma_wait3A_338 = tpu.memref_squeeze %dma_wait3A_337 : memref<1x112x128xf32, #tpu.memory_space<vmem>> -> memref<112x128xf32, #tpu.memory_space<vmem>>
      %dma_wait3A_339 = arith.constant 0 : i32
      %dma_wait3A_340 = tpu.memref_slice %arg5[%dma_wait3A_333, %dma_wait3A_339] : memref<27x112xi32, #tpu.memory_space<vmem>> -> memref<1x112xi32, #tpu.memory_space<vmem>>
      %dma_wait3A_341 = tpu.memref_squeeze %dma_wait3A_340 : memref<1x112xi32, #tpu.memory_space<vmem>> -> memref<112xi32, #tpu.memory_space<vmem>>
      %dma_wait3A_342 = arith.constant 0 : i32
      %dma_wait3A_343 = arith.constant 0 : i32
      %dma_wait3A_344 = tpu.memref_slice %arg2[%dma_wait3A_342, %dma_wait3A_343] : memref<1354752x128xf32, #tpu.memory_space<hbm>> -> memref<1354752x128xf32, #tpu.memory_space<hbm>>
      tpu.wait_indirect_dma semaphore(%arg8 : memref<!tpu.dma_semaphore, #tpu.memory_space<semaphore_mem>>) src(%dma_wait3A_344 : memref<1354752x128xf32, #tpu.memory_space<hbm>>) dst(%dma_wait3A_338 : memref<112x128xf32, #tpu.memory_space<vmem>>)
      %parallel_loop3A_345 = arith.constant 0 : i32
      %parallel_loop3A_346 = arith.constant 896 : i32
      %parallel_loop3A_347 = arith.constant 1 : i32
      scf.for %parallel_loop3A_687 = %parallel_loop3A_345 to %parallel_loop3A_346 step %parallel_loop3A_347  : i32 {
        %parallel_loop3A_688 = arith.constant 8 : i32
        %parallel_loop3A_689 = arith.divsi %parallel_loop3A_687, %parallel_loop3A_688 : i32
        %parallel_loop3A_690 = arith.constant 0 : i32
        %parallel_loop3A_691 = arith.cmpi sgt, %parallel_loop3A_687, %parallel_loop3A_690 : i32
        %parallel_loop3A_692 = arith.extui %parallel_loop3A_691 : i1 to i32
        %parallel_loop3A_693 = arith.constant 0 : i32
        %parallel_loop3A_694 = arith.cmpi slt, %parallel_loop3A_687, %parallel_loop3A_693 : i32
        %parallel_loop3A_695 = arith.extui %parallel_loop3A_694 : i1 to i32
        %parallel_loop3A_696 = arith.subi %parallel_loop3A_692, %parallel_loop3A_695 : i32
        %parallel_loop3A_697 = arith.constant 0 : i32
        %parallel_loop3A_698 = arith.cmpi sgt, %parallel_loop3A_688, %parallel_loop3A_697 : i32
        %parallel_loop3A_699 = arith.extui %parallel_loop3A_698 : i1 to i32
        %parallel_loop3A_700 = arith.constant 0 : i32
        %parallel_loop3A_701 = arith.cmpi slt, %parallel_loop3A_688, %parallel_loop3A_700 : i32
        %parallel_loop3A_702 = arith.extui %parallel_loop3A_701 : i1 to i32
        %parallel_loop3A_703 = arith.subi %parallel_loop3A_699, %parallel_loop3A_702 : i32
        %parallel_loop3A_704 = arith.cmpi ne, %parallel_loop3A_696, %parallel_loop3A_703 : i32
        %parallel_loop3A_705 = arith.remsi %parallel_loop3A_687, %parallel_loop3A_688 : i32
        %parallel_loop3A_706 = arith.constant 0 : i32
        %parallel_loop3A_707 = arith.cmpi ne, %parallel_loop3A_705, %parallel_loop3A_706 : i32
        %parallel_loop3A_708 = arith.andi %parallel_loop3A_704, %parallel_loop3A_707 : i1
        %parallel_loop3A_709 = arith.constant 1 : i32
        %parallel_loop3A_710 = arith.subi %parallel_loop3A_689, %parallel_loop3A_709 : i32
        %parallel_loop3A_711 = arith.select %parallel_loop3A_708, %parallel_loop3A_710, %parallel_loop3A_689 : i32
        %parallel_loop3A_712 = arith.constant 8 : i32
        %parallel_loop3A_713 = arith.constant 0 : i32
        %parallel_loop3A_714 = arith.cmpi eq, %parallel_loop3A_712, %parallel_loop3A_713 : i32
        %parallel_loop3A_715 = arith.constant 1 : i32
        %parallel_loop3A_716 = arith.select %parallel_loop3A_714, %parallel_loop3A_715, %parallel_loop3A_712 : i32
        %parallel_loop3A_717 = arith.remsi %parallel_loop3A_687, %parallel_loop3A_716 : i32
        %parallel_loop3A_718 = arith.constant 0 : i32
        %parallel_loop3A_719 = arith.cmpi ne, %parallel_loop3A_717, %parallel_loop3A_718 : i32
        %parallel_loop3A_720 = arith.constant 0 : i32
        %parallel_loop3A_721 = arith.cmpi slt, %parallel_loop3A_717, %parallel_loop3A_720 : i32
        %parallel_loop3A_722 = arith.constant 0 : i32
        %parallel_loop3A_723 = arith.cmpi slt, %parallel_loop3A_716, %parallel_loop3A_722 : i32
        %parallel_loop3A_724 = arith.xori %parallel_loop3A_721, %parallel_loop3A_723 : i1
        %parallel_loop3A_725 = arith.andi %parallel_loop3A_724, %parallel_loop3A_719 : i1
        %parallel_loop3A_726 = arith.addi %parallel_loop3A_717, %parallel_loop3A_716 : i32
        %parallel_loop3A_727 = arith.select %parallel_loop3A_725, %parallel_loop3A_726, %parallel_loop3A_717 : i32
        %parallel_loop3A_728 = arith.constant 16 : i32
        %parallel_loop3A_729 = arith.muli %parallel_loop3A_727, %parallel_loop3A_728 : i32
        %parallel_loop3A_730 = arith.constant 3 : i32
        %parallel_loop3A_731 = arith.index_cast %parallel_loop3A_730 : i32 to index
        %parallel_loop3A_732 = arith.index_cast %parallel_loop3A_711 : i32 to index
        %parallel_loop3A_733 = arith.index_cast %parallel_loop3A_729 : i32 to index
        %parallel_loop3A_734 = tpu.vector_load %arg6[%parallel_loop3A_731, %parallel_loop3A_732, %parallel_loop3A_733] {strides = array<i32>} : memref<6x112x128xf32, #tpu.memory_space<vmem>>, vector<1x1x16xf32>,
        %parallel_loop3A_735 = vector.shape_cast %parallel_loop3A_734 : vector<1x1x16xf32> to vector<16xf32>
        %parallel_loop3A_736 = arith.constant 4 : i32
        %parallel_loop3A_737 = arith.index_cast %parallel_loop3A_736 : i32 to index
        %parallel_loop3A_738 = arith.index_cast %parallel_loop3A_711 : i32 to index
        %parallel_loop3A_739 = arith.index_cast %parallel_loop3A_729 : i32 to index
        %parallel_loop3A_740 = tpu.vector_load %arg6[%parallel_loop3A_737, %parallel_loop3A_738, %parallel_loop3A_739] {strides = array<i32>} : memref<6x112x128xf32, #tpu.memory_space<vmem>>, vector<1x1x16xf32>,
        %parallel_loop3A_741 = vector.shape_cast %parallel_loop3A_740 : vector<1x1x16xf32> to vector<16xf32>
        %parallel_loop3A_742 = arith.addf %parallel_loop3A_735, %parallel_loop3A_741 : vector<16xf32>
        %parallel_loop3A_743 = arith.constant 5 : i32
        %parallel_loop3A_744 = arith.index_cast %parallel_loop3A_743 : i32 to index
        %parallel_loop3A_745 = arith.index_cast %parallel_loop3A_711 : i32 to index
        %parallel_loop3A_746 = arith.index_cast %parallel_loop3A_729 : i32 to index
        %parallel_loop3A_747 = tpu.vector_load %arg6[%parallel_loop3A_744, %parallel_loop3A_745, %parallel_loop3A_746] {strides = array<i32>} : memref<6x112x128xf32, #tpu.memory_space<vmem>>, vector<1x1x16xf32>,
        %parallel_loop3A_748 = vector.shape_cast %parallel_loop3A_747 : vector<1x1x16xf32> to vector<16xf32>
        %parallel_loop3A_749 = arith.addf %parallel_loop3A_742, %parallel_loop3A_748 : vector<16xf32>
        %parallel_loop3A_750 = arith.index_cast %parallel_loop3A_711 : i32 to index
        %parallel_loop3A_751 = arith.index_cast %parallel_loop3A_729 : i32 to index
        %parallel_loop3A_752 = tpu.vector_load %arg7[%parallel_loop3A_750, %parallel_loop3A_751] {strides = array<i32>} : memref<112x128xf32, #tpu.memory_space<vmem>>, vector<1x16xf32>,
        %parallel_loop3A_753 = vector.shape_cast %parallel_loop3A_752 : vector<1x16xf32> to vector<16xf32>
        %parallel_loop3A_754 = vector.shape_cast %parallel_loop3A_749 : vector<16xf32> to vector<1x16xf32>
        tpu.vector_store %arg7[%parallel_loop3A_750, %parallel_loop3A_751], %parallel_loop3A_754 {add = true, strides = array<i32>} : memref<112x128xf32, #tpu.memory_space<vmem>>, vector<1x16xf32>,
      } {sc.loop_unroll_factor = 4 : i64, sc.parallel_access}
      %dma_start3A_348 = arith.constant 15 : i32
      %dma_start3A_349 = arith.constant 3 : i32
      %dma_start3A_350 = arith.constant 0 : i32
      %dma_start3A_351 = arith.constant 0 : i32
      %dma_start3A_352 = tpu.memref_slice %arg6[%dma_start3A_349, %dma_start3A_350, %dma_start3A_351] : memref<6x112x128xf32, #tpu.memory_space<vmem>> -> memref<1x112x128xf32, #tpu.memory_space<vmem>>
      %dma_start3A_353 = tpu.memref_squeeze %dma_start3A_352 : memref<1x112x128xf32, #tpu.memory_space<vmem>> -> memref<112x128xf32, #tpu.memory_space<vmem>>
      %dma_start3A_354 = arith.constant 0 : i32
      %dma_start3A_355 = tpu.memref_slice %arg5[%dma_start3A_348, %dma_start3A_354] : memref<27x112xi32, #tpu.memory_space<vmem>> -> memref<1x112xi32, #tpu.memory_space<vmem>>
      %dma_start3A_356 = tpu.memref_squeeze %dma_start3A_355 : memref<1x112xi32, #tpu.memory_space<vmem>> -> memref<112xi32, #tpu.memory_space<vmem>>
      %dma_start3A_357 = arith.constant 0 : i32
      %dma_start3A_358 = arith.constant 0 : i32
      %dma_start3A_359 = tpu.memref_slice %arg2[%dma_start3A_357, %dma_start3A_358] : memref<1354752x128xf32, #tpu.memory_space<hbm>> -> memref<1354752x128xf32, #tpu.memory_space<hbm>>
      tpu.enqueue_indirect_dma source(%dma_start3A_359 : memref<1354752x128xf32, #tpu.memory_space<hbm>>) target(%dma_start3A_353 : memref<112x128xf32, #tpu.memory_space<vmem>>) offsets(%dma_start3A_356 : memref<112xi32, #tpu.memory_space<vmem>>) semaphore(%arg8 : memref<!tpu.dma_semaphore, #tpu.memory_space<semaphore_mem>>)
      %dma_start3A_360 = arith.constant 16 : i32
      %dma_start3A_361 = arith.constant 4 : i32
      %dma_start3A_362 = arith.constant 0 : i32
      %dma_start3A_363 = arith.constant 0 : i32
      %dma_start3A_364 = tpu.memref_slice %arg6[%dma_start3A_361, %dma_start3A_362, %dma_start3A_363] : memref<6x112x128xf32, #tpu.memory_space<vmem>> -> memref<1x112x128xf32, #tpu.memory_space<vmem>>
      %dma_start3A_365 = tpu.memref_squeeze %dma_start3A_364 : memref<1x112x128xf32, #tpu.memory_space<vmem>> -> memref<112x128xf32, #tpu.memory_space<vmem>>
      %dma_start3A_366 = arith.constant 0 : i32
      %dma_start3A_367 = tpu.memref_slice %arg5[%dma_start3A_360, %dma_start3A_366] : memref<27x112xi32, #tpu.memory_space<vmem>> -> memref<1x112xi32, #tpu.memory_space<vmem>>
      %dma_start3A_368 = tpu.memref_squeeze %dma_start3A_367 : memref<1x112xi32, #tpu.memory_space<vmem>> -> memref<112xi32, #tpu.memory_space<vmem>>
      %dma_start3A_369 = arith.constant 0 : i32
      %dma_start3A_370 = arith.constant 0 : i32
      %dma_start3A_371 = tpu.memref_slice %arg2[%dma_start3A_369, %dma_start3A_370] : memref<1354752x128xf32, #tpu.memory_space<hbm>> -> memref<1354752x128xf32, #tpu.memory_space<hbm>>
      tpu.enqueue_indirect_dma source(%dma_start3A_371 : memref<1354752x128xf32, #tpu.memory_space<hbm>>) target(%dma_start3A_365 : memref<112x128xf32, #tpu.memory_space<vmem>>) offsets(%dma_start3A_368 : memref<112xi32, #tpu.memory_space<vmem>>) semaphore(%arg8 : memref<!tpu.dma_semaphore, #tpu.memory_space<semaphore_mem>>)
      %dma_start3A_372 = arith.constant 17 : i32
      %dma_start3A_373 = arith.constant 5 : i32
      %dma_start3A_374 = arith.constant 0 : i32
      %dma_start3A_375 = arith.constant 0 : i32
      %dma_start3A_376 = tpu.memref_slice %arg6[%dma_start3A_373, %dma_start3A_374, %dma_start3A_375] : memref<6x112x128xf32, #tpu.memory_space<vmem>> -> memref<1x112x128xf32, #tpu.memory_space<vmem>>
      %dma_start3A_377 = tpu.memref_squeeze %dma_start3A_376 : memref<1x112x128xf32, #tpu.memory_space<vmem>> -> memref<112x128xf32, #tpu.memory_space<vmem>>
      %dma_start3A_378 = arith.constant 0 : i32
      %dma_start3A_379 = tpu.memref_slice %arg5[%dma_start3A_372, %dma_start3A_378] : memref<27x112xi32, #tpu.memory_space<vmem>> -> memref<1x112xi32, #tpu.memory_space<vmem>>
      %dma_start3A_380 = tpu.memref_squeeze %dma_start3A_379 : memref<1x112xi32, #tpu.memory_space<vmem>> -> memref<112xi32, #tpu.memory_space<vmem>>
      %dma_start3A_381 = arith.constant 0 : i32
      %dma_start3A_382 = arith.constant 0 : i32
      %dma_start3A_383 = tpu.memref_slice %arg2[%dma_start3A_381, %dma_start3A_382] : memref<1354752x128xf32, #tpu.memory_space<hbm>> -> memref<1354752x128xf32, #tpu.memory_space<hbm>>
      tpu.enqueue_indirect_dma source(%dma_start3A_383 : memref<1354752x128xf32, #tpu.memory_space<hbm>>) target(%dma_start3A_377 : memref<112x128xf32, #tpu.memory_space<vmem>>) offsets(%dma_start3A_380 : memref<112xi32, #tpu.memory_space<vmem>>) semaphore(%arg8 : memref<!tpu.dma_semaphore, #tpu.memory_space<semaphore_mem>>)
      %dma_wait3A_384 = arith.constant 12 : i32
      %dma_wait3A_385 = arith.constant 0 : i32
      %dma_wait3A_386 = arith.constant 0 : i32
      %dma_wait3A_387 = arith.constant 0 : i32
      %dma_wait3A_388 = tpu.memref_slice %arg6[%dma_wait3A_385, %dma_wait3A_386, %dma_wait3A_387] : memref<6x112x128xf32, #tpu.memory_space<vmem>> -> memref<1x112x128xf32, #tpu.memory_space<vmem>>
      %dma_wait3A_389 = tpu.memref_squeeze %dma_wait3A_388 : memref<1x112x128xf32, #tpu.memory_space<vmem>> -> memref<112x128xf32, #tpu.memory_space<vmem>>
      %dma_wait3A_390 = arith.constant 0 : i32
      %dma_wait3A_391 = tpu.memref_slice %arg5[%dma_wait3A_384, %dma_wait3A_390] : memref<27x112xi32, #tpu.memory_space<vmem>> -> memref<1x112xi32, #tpu.memory_space<vmem>>
      %dma_wait3A_392 = tpu.memref_squeeze %dma_wait3A_391 : memref<1x112xi32, #tpu.memory_space<vmem>> -> memref<112xi32, #tpu.memory_space<vmem>>
      %dma_wait3A_393 = arith.constant 0 : i32
      %dma_wait3A_394 = arith.constant 0 : i32
      %dma_wait3A_395 = tpu.memref_slice %arg2[%dma_wait3A_393, %dma_wait3A_394] : memref<1354752x128xf32, #tpu.memory_space<hbm>> -> memref<1354752x128xf32, #tpu.memory_space<hbm>>
      tpu.wait_indirect_dma semaphore(%arg8 : memref<!tpu.dma_semaphore, #tpu.memory_space<semaphore_mem>>) src(%dma_wait3A_395 : memref<1354752x128xf32, #tpu.memory_space<hbm>>) dst(%dma_wait3A_389 : memref<112x128xf32, #tpu.memory_space<vmem>>)
      %dma_wait3A_396 = arith.constant 13 : i32
      %dma_wait3A_397 = arith.constant 1 : i32
      %dma_wait3A_398 = arith.constant 0 : i32
      %dma_wait3A_399 = arith.constant 0 : i32
      %dma_wait3A_400 = tpu.memref_slice %arg6[%dma_wait3A_397, %dma_wait3A_398, %dma_wait3A_399] : memref<6x112x128xf32, #tpu.memory_space<vmem>> -> memref<1x112x128xf32, #tpu.memory_space<vmem>>
      %dma_wait3A_401 = tpu.memref_squeeze %dma_wait3A_400 : memref<1x112x128xf32, #tpu.memory_space<vmem>> -> memref<112x128xf32, #tpu.memory_space<vmem>>
      %dma_wait3A_402 = arith.constant 0 : i32
      %dma_wait3A_403 = tpu.memref_slice %arg5[%dma_wait3A_396, %dma_wait3A_402] : memref<27x112xi32, #tpu.memory_space<vmem>> -> memref<1x112xi32, #tpu.memory_space<vmem>>
      %dma_wait3A_404 = tpu.memref_squeeze %dma_wait3A_403 : memref<1x112xi32, #tpu.memory_space<vmem>> -> memref<112xi32, #tpu.memory_space<vmem>>
      %dma_wait3A_405 = arith.constant 0 : i32
      %dma_wait3A_406 = arith.constant 0 : i32
      %dma_wait3A_407 = tpu.memref_slice %arg2[%dma_wait3A_405, %dma_wait3A_406] : memref<1354752x128xf32, #tpu.memory_space<hbm>> -> memref<1354752x128xf32, #tpu.memory_space<hbm>>
      tpu.wait_indirect_dma semaphore(%arg8 : memref<!tpu.dma_semaphore, #tpu.memory_space<semaphore_mem>>) src(%dma_wait3A_407 : memref<1354752x128xf32, #tpu.memory_space<hbm>>) dst(%dma_wait3A_401 : memref<112x128xf32, #tpu.memory_space<vmem>>)
      %dma_wait3A_408 = arith.constant 14 : i32
      %dma_wait3A_409 = arith.constant 2 : i32
      %dma_wait3A_410 = arith.constant 0 : i32
      %dma_wait3A_411 = arith.constant 0 : i32
      %dma_wait3A_412 = tpu.memref_slice %arg6[%dma_wait3A_409, %dma_wait3A_410, %dma_wait3A_411] : memref<6x112x128xf32, #tpu.memory_space<vmem>> -> memref<1x112x128xf32, #tpu.memory_space<vmem>>
      %dma_wait3A_413 = tpu.memref_squeeze %dma_wait3A_412 : memref<1x112x128xf32, #tpu.memory_space<vmem>> -> memref<112x128xf32, #tpu.memory_space<vmem>>
      %dma_wait3A_414 = arith.constant 0 : i32
      %dma_wait3A_415 = tpu.memref_slice %arg5[%dma_wait3A_408, %dma_wait3A_414] : memref<27x112xi32, #tpu.memory_space<vmem>> -> memref<1x112xi32, #tpu.memory_space<vmem>>
      %dma_wait3A_416 = tpu.memref_squeeze %dma_wait3A_415 : memref<1x112xi32, #tpu.memory_space<vmem>> -> memref<112xi32, #tpu.memory_space<vmem>>
      %dma_wait3A_417 = arith.constant 0 : i32
      %dma_wait3A_418 = arith.constant 0 : i32
      %dma_wait3A_419 = tpu.memref_slice %arg2[%dma_wait3A_417, %dma_wait3A_418] : memref<1354752x128xf32, #tpu.memory_space<hbm>> -> memref<1354752x128xf32, #tpu.memory_space<hbm>>
      tpu.wait_indirect_dma semaphore(%arg8 : memref<!tpu.dma_semaphore, #tpu.memory_space<semaphore_mem>>) src(%dma_wait3A_419 : memref<1354752x128xf32, #tpu.memory_space<hbm>>) dst(%dma_wait3A_413 : memref<112x128xf32, #tpu.memory_space<vmem>>)
      %parallel_loop3A_420 = arith.constant 0 : i32
      %parallel_loop3A_421 = arith.constant 896 : i32
      %parallel_loop3A_422 = arith.constant 1 : i32
      scf.for %parallel_loop3A_687 = %parallel_loop3A_420 to %parallel_loop3A_421 step %parallel_loop3A_422  : i32 {
        %parallel_loop3A_688 = arith.constant 8 : i32
        %parallel_loop3A_689 = arith.divsi %parallel_loop3A_687, %parallel_loop3A_688 : i32
        %parallel_loop3A_690 = arith.constant 0 : i32
        %parallel_loop3A_691 = arith.cmpi sgt, %parallel_loop3A_687, %parallel_loop3A_690 : i32
        %parallel_loop3A_692 = arith.extui %parallel_loop3A_691 : i1 to i32
        %parallel_loop3A_693 = arith.constant 0 : i32
        %parallel_loop3A_694 = arith.cmpi slt, %parallel_loop3A_687, %parallel_loop3A_693 : i32
        %parallel_loop3A_695 = arith.extui %parallel_loop3A_694 : i1 to i32
        %parallel_loop3A_696 = arith.subi %parallel_loop3A_692, %parallel_loop3A_695 : i32
        %parallel_loop3A_697 = arith.constant 0 : i32
        %parallel_loop3A_698 = arith.cmpi sgt, %parallel_loop3A_688, %parallel_loop3A_697 : i32
        %parallel_loop3A_699 = arith.extui %parallel_loop3A_698 : i1 to i32
        %parallel_loop3A_700 = arith.constant 0 : i32
        %parallel_loop3A_701 = arith.cmpi slt, %parallel_loop3A_688, %parallel_loop3A_700 : i32
        %parallel_loop3A_702 = arith.extui %parallel_loop3A_701 : i1 to i32
        %parallel_loop3A_703 = arith.subi %parallel_loop3A_699, %parallel_loop3A_702 : i32
        %parallel_loop3A_704 = arith.cmpi ne, %parallel_loop3A_696, %parallel_loop3A_703 : i32
        %parallel_loop3A_705 = arith.remsi %parallel_loop3A_687, %parallel_loop3A_688 : i32
        %parallel_loop3A_706 = arith.constant 0 : i32
        %parallel_loop3A_707 = arith.cmpi ne, %parallel_loop3A_705, %parallel_loop3A_706 : i32
        %parallel_loop3A_708 = arith.andi %parallel_loop3A_704, %parallel_loop3A_707 : i1
        %parallel_loop3A_709 = arith.constant 1 : i32
        %parallel_loop3A_710 = arith.subi %parallel_loop3A_689, %parallel_loop3A_709 : i32
        %parallel_loop3A_711 = arith.select %parallel_loop3A_708, %parallel_loop3A_710, %parallel_loop3A_689 : i32
        %parallel_loop3A_712 = arith.constant 8 : i32
        %parallel_loop3A_713 = arith.constant 0 : i32
        %parallel_loop3A_714 = arith.cmpi eq, %parallel_loop3A_712, %parallel_loop3A_713 : i32
        %parallel_loop3A_715 = arith.constant 1 : i32
        %parallel_loop3A_716 = arith.select %parallel_loop3A_714, %parallel_loop3A_715, %parallel_loop3A_712 : i32
        %parallel_loop3A_717 = arith.remsi %parallel_loop3A_687, %parallel_loop3A_716 : i32
        %parallel_loop3A_718 = arith.constant 0 : i32
        %parallel_loop3A_719 = arith.cmpi ne, %parallel_loop3A_717, %parallel_loop3A_718 : i32
        %parallel_loop3A_720 = arith.constant 0 : i32
        %parallel_loop3A_721 = arith.cmpi slt, %parallel_loop3A_717, %parallel_loop3A_720 : i32
        %parallel_loop3A_722 = arith.constant 0 : i32
        %parallel_loop3A_723 = arith.cmpi slt, %parallel_loop3A_716, %parallel_loop3A_722 : i32
        %parallel_loop3A_724 = arith.xori %parallel_loop3A_721, %parallel_loop3A_723 : i1
        %parallel_loop3A_725 = arith.andi %parallel_loop3A_724, %parallel_loop3A_719 : i1
        %parallel_loop3A_726 = arith.addi %parallel_loop3A_717, %parallel_loop3A_716 : i32
        %parallel_loop3A_727 = arith.select %parallel_loop3A_725, %parallel_loop3A_726, %parallel_loop3A_717 : i32
        %parallel_loop3A_728 = arith.constant 16 : i32
        %parallel_loop3A_729 = arith.muli %parallel_loop3A_727, %parallel_loop3A_728 : i32
        %parallel_loop3A_730 = arith.constant 0 : i32
        %parallel_loop3A_731 = arith.index_cast %parallel_loop3A_730 : i32 to index
        %parallel_loop3A_732 = arith.index_cast %parallel_loop3A_711 : i32 to index
        %parallel_loop3A_733 = arith.index_cast %parallel_loop3A_729 : i32 to index
        %parallel_loop3A_734 = tpu.vector_load %arg6[%parallel_loop3A_731, %parallel_loop3A_732, %parallel_loop3A_733] {strides = array<i32>} : memref<6x112x128xf32, #tpu.memory_space<vmem>>, vector<1x1x16xf32>,
        %parallel_loop3A_735 = vector.shape_cast %parallel_loop3A_734 : vector<1x1x16xf32> to vector<16xf32>
        %parallel_loop3A_736 = arith.constant 1 : i32
        %parallel_loop3A_737 = arith.index_cast %parallel_loop3A_736 : i32 to index
        %parallel_loop3A_738 = arith.index_cast %parallel_loop3A_711 : i32 to index
        %parallel_loop3A_739 = arith.index_cast %parallel_loop3A_729 : i32 to index
        %parallel_loop3A_740 = tpu.vector_load %arg6[%parallel_loop3A_737, %parallel_loop3A_738, %parallel_loop3A_739] {strides = array<i32>} : memref<6x112x128xf32, #tpu.memory_space<vmem>>, vector<1x1x16xf32>,
        %parallel_loop3A_741 = vector.shape_cast %parallel_loop3A_740 : vector<1x1x16xf32> to vector<16xf32>
        %parallel_loop3A_742 = arith.addf %parallel_loop3A_735, %parallel_loop3A_741 : vector<16xf32>
        %parallel_loop3A_743 = arith.constant 2 : i32
        %parallel_loop3A_744 = arith.index_cast %parallel_loop3A_743 : i32 to index
        %parallel_loop3A_745 = arith.index_cast %parallel_loop3A_711 : i32 to index
        %parallel_loop3A_746 = arith.index_cast %parallel_loop3A_729 : i32 to index
        %parallel_loop3A_747 = tpu.vector_load %arg6[%parallel_loop3A_744, %parallel_loop3A_745, %parallel_loop3A_746] {strides = array<i32>} : memref<6x112x128xf32, #tpu.memory_space<vmem>>, vector<1x1x16xf32>,
        %parallel_loop3A_748 = vector.shape_cast %parallel_loop3A_747 : vector<1x1x16xf32> to vector<16xf32>
        %parallel_loop3A_749 = arith.addf %parallel_loop3A_742, %parallel_loop3A_748 : vector<16xf32>
        %parallel_loop3A_750 = arith.index_cast %parallel_loop3A_711 : i32 to index
        %parallel_loop3A_751 = arith.index_cast %parallel_loop3A_729 : i32 to index
        %parallel_loop3A_752 = tpu.vector_load %arg7[%parallel_loop3A_750, %parallel_loop3A_751] {strides = array<i32>} : memref<112x128xf32, #tpu.memory_space<vmem>>, vector<1x16xf32>,
        %parallel_loop3A_753 = vector.shape_cast %parallel_loop3A_752 : vector<1x16xf32> to vector<16xf32>
        %parallel_loop3A_754 = vector.shape_cast %parallel_loop3A_749 : vector<16xf32> to vector<1x16xf32>
        tpu.vector_store %arg7[%parallel_loop3A_750, %parallel_loop3A_751], %parallel_loop3A_754 {add = true, strides = array<i32>} : memref<112x128xf32, #tpu.memory_space<vmem>>, vector<1x16xf32>,
      } {sc.loop_unroll_factor = 4 : i64, sc.parallel_access}
      %dma_start3A_423 = arith.constant 18 : i32
      %dma_start3A_424 = arith.constant 0 : i32
      %dma_start3A_425 = arith.constant 0 : i32
      %dma_start3A_426 = arith.constant 0 : i32
      %dma_start3A_427 = tpu.memref_slice %arg6[%dma_start3A_424, %dma_start3A_425, %dma_start3A_426] : memref<6x112x128xf32, #tpu.memory_space<vmem>> -> memref<1x112x128xf32, #tpu.memory_space<vmem>>
      %dma_start3A_428 = tpu.memref_squeeze %dma_start3A_427 : memref<1x112x128xf32, #tpu.memory_space<vmem>> -> memref<112x128xf32, #tpu.memory_space<vmem>>
      %dma_start3A_429 = arith.constant 0 : i32
      %dma_start3A_430 = tpu.memref_slice %arg5[%dma_start3A_423, %dma_start3A_429] : memref<27x112xi32, #tpu.memory_space<vmem>> -> memref<1x112xi32, #tpu.memory_space<vmem>>
      %dma_start3A_431 = tpu.memref_squeeze %dma_start3A_430 : memref<1x112xi32, #tpu.memory_space<vmem>> -> memref<112xi32, #tpu.memory_space<vmem>>
      %dma_start3A_432 = arith.constant 0 : i32
      %dma_start3A_433 = arith.constant 0 : i32
      %dma_start3A_434 = tpu.memref_slice %arg2[%dma_start3A_432, %dma_start3A_433] : memref<1354752x128xf32, #tpu.memory_space<hbm>> -> memref<1354752x128xf32, #tpu.memory_space<hbm>>
      tpu.enqueue_indirect_dma source(%dma_start3A_434 : memref<1354752x128xf32, #tpu.memory_space<hbm>>) target(%dma_start3A_428 : memref<112x128xf32, #tpu.memory_space<vmem>>) offsets(%dma_start3A_431 : memref<112xi32, #tpu.memory_space<vmem>>) semaphore(%arg8 : memref<!tpu.dma_semaphore, #tpu.memory_space<semaphore_mem>>)
      %dma_start3A_435 = arith.constant 19 : i32
      %dma_start3A_436 = arith.constant 1 : i32
      %dma_start3A_437 = arith.constant 0 : i32
      %dma_start3A_438 = arith.constant 0 : i32
      %dma_start3A_439 = tpu.memref_slice %arg6[%dma_start3A_436, %dma_start3A_437, %dma_start3A_438] : memref<6x112x128xf32, #tpu.memory_space<vmem>> -> memref<1x112x128xf32, #tpu.memory_space<vmem>>
      %dma_start3A_440 = tpu.memref_squeeze %dma_start3A_439 : memref<1x112x128xf32, #tpu.memory_space<vmem>> -> memref<112x128xf32, #tpu.memory_space<vmem>>
      %dma_start3A_441 = arith.constant 0 : i32
      %dma_start3A_442 = tpu.memref_slice %arg5[%dma_start3A_435, %dma_start3A_441] : memref<27x112xi32, #tpu.memory_space<vmem>> -> memref<1x112xi32, #tpu.memory_space<vmem>>
      %dma_start3A_443 = tpu.memref_squeeze %dma_start3A_442 : memref<1x112xi32, #tpu.memory_space<vmem>> -> memref<112xi32, #tpu.memory_space<vmem>>
      %dma_start3A_444 = arith.constant 0 : i32
      %dma_start3A_445 = arith.constant 0 : i32
      %dma_start3A_446 = tpu.memref_slice %arg2[%dma_start3A_444, %dma_start3A_445] : memref<1354752x128xf32, #tpu.memory_space<hbm>> -> memref<1354752x128xf32, #tpu.memory_space<hbm>>
      tpu.enqueue_indirect_dma source(%dma_start3A_446 : memref<1354752x128xf32, #tpu.memory_space<hbm>>) target(%dma_start3A_440 : memref<112x128xf32, #tpu.memory_space<vmem>>) offsets(%dma_start3A_443 : memref<112xi32, #tpu.memory_space<vmem>>) semaphore(%arg8 : memref<!tpu.dma_semaphore, #tpu.memory_space<semaphore_mem>>)
      %dma_start3A_447 = arith.constant 20 : i32
      %dma_start3A_448 = arith.constant 2 : i32
      %dma_start3A_449 = arith.constant 0 : i32
      %dma_start3A_450 = arith.constant 0 : i32
      %dma_start3A_451 = tpu.memref_slice %arg6[%dma_start3A_448, %dma_start3A_449, %dma_start3A_450] : memref<6x112x128xf32, #tpu.memory_space<vmem>> -> memref<1x112x128xf32, #tpu.memory_space<vmem>>
      %dma_start3A_452 = tpu.memref_squeeze %dma_start3A_451 : memref<1x112x128xf32, #tpu.memory_space<vmem>> -> memref<112x128xf32, #tpu.memory_space<vmem>>
      %dma_start3A_453 = arith.constant 0 : i32
      %dma_start3A_454 = tpu.memref_slice %arg5[%dma_start3A_447, %dma_start3A_453] : memref<27x112xi32, #tpu.memory_space<vmem>> -> memref<1x112xi32, #tpu.memory_space<vmem>>
      %dma_start3A_455 = tpu.memref_squeeze %dma_start3A_454 : memref<1x112xi32, #tpu.memory_space<vmem>> -> memref<112xi32, #tpu.memory_space<vmem>>
      %dma_start3A_456 = arith.constant 0 : i32
      %dma_start3A_457 = arith.constant 0 : i32
      %dma_start3A_458 = tpu.memref_slice %arg2[%dma_start3A_456, %dma_start3A_457] : memref<1354752x128xf32, #tpu.memory_space<hbm>> -> memref<1354752x128xf32, #tpu.memory_space<hbm>>
      tpu.enqueue_indirect_dma source(%dma_start3A_458 : memref<1354752x128xf32, #tpu.memory_space<hbm>>) target(%dma_start3A_452 : memref<112x128xf32, #tpu.memory_space<vmem>>) offsets(%dma_start3A_455 : memref<112xi32, #tpu.memory_space<vmem>>) semaphore(%arg8 : memref<!tpu.dma_semaphore, #tpu.memory_space<semaphore_mem>>)
      %dma_wait3A_459 = arith.constant 15 : i32
      %dma_wait3A_460 = arith.constant 3 : i32
      %dma_wait3A_461 = arith.constant 0 : i32
      %dma_wait3A_462 = arith.constant 0 : i32
      %dma_wait3A_463 = tpu.memref_slice %arg6[%dma_wait3A_460, %dma_wait3A_461, %dma_wait3A_462] : memref<6x112x128xf32, #tpu.memory_space<vmem>> -> memref<1x112x128xf32, #tpu.memory_space<vmem>>
      %dma_wait3A_464 = tpu.memref_squeeze %dma_wait3A_463 : memref<1x112x128xf32, #tpu.memory_space<vmem>> -> memref<112x128xf32, #tpu.memory_space<vmem>>
      %dma_wait3A_465 = arith.constant 0 : i32
      %dma_wait3A_466 = tpu.memref_slice %arg5[%dma_wait3A_459, %dma_wait3A_465] : memref<27x112xi32, #tpu.memory_space<vmem>> -> memref<1x112xi32, #tpu.memory_space<vmem>>
      %dma_wait3A_467 = tpu.memref_squeeze %dma_wait3A_466 : memref<1x112xi32, #tpu.memory_space<vmem>> -> memref<112xi32, #tpu.memory_space<vmem>>
      %dma_wait3A_468 = arith.constant 0 : i32
      %dma_wait3A_469 = arith.constant 0 : i32
      %dma_wait3A_470 = tpu.memref_slice %arg2[%dma_wait3A_468, %dma_wait3A_469] : memref<1354752x128xf32, #tpu.memory_space<hbm>> -> memref<1354752x128xf32, #tpu.memory_space<hbm>>
      tpu.wait_indirect_dma semaphore(%arg8 : memref<!tpu.dma_semaphore, #tpu.memory_space<semaphore_mem>>) src(%dma_wait3A_470 : memref<1354752x128xf32, #tpu.memory_space<hbm>>) dst(%dma_wait3A_464 : memref<112x128xf32, #tpu.memory_space<vmem>>)
      %dma_wait3A_471 = arith.constant 16 : i32
      %dma_wait3A_472 = arith.constant 4 : i32
      %dma_wait3A_473 = arith.constant 0 : i32
      %dma_wait3A_474 = arith.constant 0 : i32
      %dma_wait3A_475 = tpu.memref_slice %arg6[%dma_wait3A_472, %dma_wait3A_473, %dma_wait3A_474] : memref<6x112x128xf32, #tpu.memory_space<vmem>> -> memref<1x112x128xf32, #tpu.memory_space<vmem>>
      %dma_wait3A_476 = tpu.memref_squeeze %dma_wait3A_475 : memref<1x112x128xf32, #tpu.memory_space<vmem>> -> memref<112x128xf32, #tpu.memory_space<vmem>>
      %dma_wait3A_477 = arith.constant 0 : i32
      %dma_wait3A_478 = tpu.memref_slice %arg5[%dma_wait3A_471, %dma_wait3A_477] : memref<27x112xi32, #tpu.memory_space<vmem>> -> memref<1x112xi32, #tpu.memory_space<vmem>>
      %dma_wait3A_479 = tpu.memref_squeeze %dma_wait3A_478 : memref<1x112xi32, #tpu.memory_space<vmem>> -> memref<112xi32, #tpu.memory_space<vmem>>
      %dma_wait3A_480 = arith.constant 0 : i32
      %dma_wait3A_481 = arith.constant 0 : i32
      %dma_wait3A_482 = tpu.memref_slice %arg2[%dma_wait3A_480, %dma_wait3A_481] : memref<1354752x128xf32, #tpu.memory_space<hbm>> -> memref<1354752x128xf32, #tpu.memory_space<hbm>>
      tpu.wait_indirect_dma semaphore(%arg8 : memref<!tpu.dma_semaphore, #tpu.memory_space<semaphore_mem>>) src(%dma_wait3A_482 : memref<1354752x128xf32, #tpu.memory_space<hbm>>) dst(%dma_wait3A_476 : memref<112x128xf32, #tpu.memory_space<vmem>>)
      %dma_wait3A_483 = arith.constant 17 : i32
      %dma_wait3A_484 = arith.constant 5 : i32
      %dma_wait3A_485 = arith.constant 0 : i32
      %dma_wait3A_486 = arith.constant 0 : i32
      %dma_wait3A_487 = tpu.memref_slice %arg6[%dma_wait3A_484, %dma_wait3A_485, %dma_wait3A_486] : memref<6x112x128xf32, #tpu.memory_space<vmem>> -> memref<1x112x128xf32, #tpu.memory_space<vmem>>
      %dma_wait3A_488 = tpu.memref_squeeze %dma_wait3A_487 : memref<1x112x128xf32, #tpu.memory_space<vmem>> -> memref<112x128xf32, #tpu.memory_space<vmem>>
      %dma_wait3A_489 = arith.constant 0 : i32
      %dma_wait3A_490 = tpu.memref_slice %arg5[%dma_wait3A_483, %dma_wait3A_489] : memref<27x112xi32, #tpu.memory_space<vmem>> -> memref<1x112xi32, #tpu.memory_space<vmem>>
      %dma_wait3A_491 = tpu.memref_squeeze %dma_wait3A_490 : memref<1x112xi32, #tpu.memory_space<vmem>> -> memref<112xi32, #tpu.memory_space<vmem>>
      %dma_wait3A_492 = arith.constant 0 : i32
      %dma_wait3A_493 = arith.constant 0 : i32
      %dma_wait3A_494 = tpu.memref_slice %arg2[%dma_wait3A_492, %dma_wait3A_493] : memref<1354752x128xf32, #tpu.memory_space<hbm>> -> memref<1354752x128xf32, #tpu.memory_space<hbm>>
      tpu.wait_indirect_dma semaphore(%arg8 : memref<!tpu.dma_semaphore, #tpu.memory_space<semaphore_mem>>) src(%dma_wait3A_494 : memref<1354752x128xf32, #tpu.memory_space<hbm>>) dst(%dma_wait3A_488 : memref<112x128xf32, #tpu.memory_space<vmem>>)
      %parallel_loop3A_495 = arith.constant 0 : i32
      %parallel_loop3A_496 = arith.constant 896 : i32
      %parallel_loop3A_497 = arith.constant 1 : i32
      scf.for %parallel_loop3A_687 = %parallel_loop3A_495 to %parallel_loop3A_496 step %parallel_loop3A_497  : i32 {
        %parallel_loop3A_688 = arith.constant 8 : i32
        %parallel_loop3A_689 = arith.divsi %parallel_loop3A_687, %parallel_loop3A_688 : i32
        %parallel_loop3A_690 = arith.constant 0 : i32
        %parallel_loop3A_691 = arith.cmpi sgt, %parallel_loop3A_687, %parallel_loop3A_690 : i32
        %parallel_loop3A_692 = arith.extui %parallel_loop3A_691 : i1 to i32
        %parallel_loop3A_693 = arith.constant 0 : i32
        %parallel_loop3A_694 = arith.cmpi slt, %parallel_loop3A_687, %parallel_loop3A_693 : i32
        %parallel_loop3A_695 = arith.extui %parallel_loop3A_694 : i1 to i32
        %parallel_loop3A_696 = arith.subi %parallel_loop3A_692, %parallel_loop3A_695 : i32
        %parallel_loop3A_697 = arith.constant 0 : i32
        %parallel_loop3A_698 = arith.cmpi sgt, %parallel_loop3A_688, %parallel_loop3A_697 : i32
        %parallel_loop3A_699 = arith.extui %parallel_loop3A_698 : i1 to i32
        %parallel_loop3A_700 = arith.constant 0 : i32
        %parallel_loop3A_701 = arith.cmpi slt, %parallel_loop3A_688, %parallel_loop3A_700 : i32
        %parallel_loop3A_702 = arith.extui %parallel_loop3A_701 : i1 to i32
        %parallel_loop3A_703 = arith.subi %parallel_loop3A_699, %parallel_loop3A_702 : i32
        %parallel_loop3A_704 = arith.cmpi ne, %parallel_loop3A_696, %parallel_loop3A_703 : i32
        %parallel_loop3A_705 = arith.remsi %parallel_loop3A_687, %parallel_loop3A_688 : i32
        %parallel_loop3A_706 = arith.constant 0 : i32
        %parallel_loop3A_707 = arith.cmpi ne, %parallel_loop3A_705, %parallel_loop3A_706 : i32
        %parallel_loop3A_708 = arith.andi %parallel_loop3A_704, %parallel_loop3A_707 : i1
        %parallel_loop3A_709 = arith.constant 1 : i32
        %parallel_loop3A_710 = arith.subi %parallel_loop3A_689, %parallel_loop3A_709 : i32
        %parallel_loop3A_711 = arith.select %parallel_loop3A_708, %parallel_loop3A_710, %parallel_loop3A_689 : i32
        %parallel_loop3A_712 = arith.constant 8 : i32
        %parallel_loop3A_713 = arith.constant 0 : i32
        %parallel_loop3A_714 = arith.cmpi eq, %parallel_loop3A_712, %parallel_loop3A_713 : i32
        %parallel_loop3A_715 = arith.constant 1 : i32
        %parallel_loop3A_716 = arith.select %parallel_loop3A_714, %parallel_loop3A_715, %parallel_loop3A_712 : i32
        %parallel_loop3A_717 = arith.remsi %parallel_loop3A_687, %parallel_loop3A_716 : i32
        %parallel_loop3A_718 = arith.constant 0 : i32
        %parallel_loop3A_719 = arith.cmpi ne, %parallel_loop3A_717, %parallel_loop3A_718 : i32
        %parallel_loop3A_720 = arith.constant 0 : i32
        %parallel_loop3A_721 = arith.cmpi slt, %parallel_loop3A_717, %parallel_loop3A_720 : i32
        %parallel_loop3A_722 = arith.constant 0 : i32
        %parallel_loop3A_723 = arith.cmpi slt, %parallel_loop3A_716, %parallel_loop3A_722 : i32
        %parallel_loop3A_724 = arith.xori %parallel_loop3A_721, %parallel_loop3A_723 : i1
        %parallel_loop3A_725 = arith.andi %parallel_loop3A_724, %parallel_loop3A_719 : i1
        %parallel_loop3A_726 = arith.addi %parallel_loop3A_717, %parallel_loop3A_716 : i32
        %parallel_loop3A_727 = arith.select %parallel_loop3A_725, %parallel_loop3A_726, %parallel_loop3A_717 : i32
        %parallel_loop3A_728 = arith.constant 16 : i32
        %parallel_loop3A_729 = arith.muli %parallel_loop3A_727, %parallel_loop3A_728 : i32
        %parallel_loop3A_730 = arith.constant 3 : i32
        %parallel_loop3A_731 = arith.index_cast %parallel_loop3A_730 : i32 to index
        %parallel_loop3A_732 = arith.index_cast %parallel_loop3A_711 : i32 to index
        %parallel_loop3A_733 = arith.index_cast %parallel_loop3A_729 : i32 to index
        %parallel_loop3A_734 = tpu.vector_load %arg6[%parallel_loop3A_731, %parallel_loop3A_732, %parallel_loop3A_733] {strides = array<i32>} : memref<6x112x128xf32, #tpu.memory_space<vmem>>, vector<1x1x16xf32>,
        %parallel_loop3A_735 = vector.shape_cast %parallel_loop3A_734 : vector<1x1x16xf32> to vector<16xf32>
        %parallel_loop3A_736 = arith.constant 4 : i32
        %parallel_loop3A_737 = arith.index_cast %parallel_loop3A_736 : i32 to index
        %parallel_loop3A_738 = arith.index_cast %parallel_loop3A_711 : i32 to index
        %parallel_loop3A_739 = arith.index_cast %parallel_loop3A_729 : i32 to index
        %parallel_loop3A_740 = tpu.vector_load %arg6[%parallel_loop3A_737, %parallel_loop3A_738, %parallel_loop3A_739] {strides = array<i32>} : memref<6x112x128xf32, #tpu.memory_space<vmem>>, vector<1x1x16xf32>,
        %parallel_loop3A_741 = vector.shape_cast %parallel_loop3A_740 : vector<1x1x16xf32> to vector<16xf32>
        %parallel_loop3A_742 = arith.addf %parallel_loop3A_735, %parallel_loop3A_741 : vector<16xf32>
        %parallel_loop3A_743 = arith.constant 5 : i32
        %parallel_loop3A_744 = arith.index_cast %parallel_loop3A_743 : i32 to index
        %parallel_loop3A_745 = arith.index_cast %parallel_loop3A_711 : i32 to index
        %parallel_loop3A_746 = arith.index_cast %parallel_loop3A_729 : i32 to index
        %parallel_loop3A_747 = tpu.vector_load %arg6[%parallel_loop3A_744, %parallel_loop3A_745, %parallel_loop3A_746] {strides = array<i32>} : memref<6x112x128xf32, #tpu.memory_space<vmem>>, vector<1x1x16xf32>,
        %parallel_loop3A_748 = vector.shape_cast %parallel_loop3A_747 : vector<1x1x16xf32> to vector<16xf32>
        %parallel_loop3A_749 = arith.addf %parallel_loop3A_742, %parallel_loop3A_748 : vector<16xf32>
        %parallel_loop3A_750 = arith.index_cast %parallel_loop3A_711 : i32 to index
        %parallel_loop3A_751 = arith.index_cast %parallel_loop3A_729 : i32 to index
        %parallel_loop3A_752 = tpu.vector_load %arg7[%parallel_loop3A_750, %parallel_loop3A_751] {strides = array<i32>} : memref<112x128xf32, #tpu.memory_space<vmem>>, vector<1x16xf32>,
        %parallel_loop3A_753 = vector.shape_cast %parallel_loop3A_752 : vector<1x16xf32> to vector<16xf32>
        %parallel_loop3A_754 = vector.shape_cast %parallel_loop3A_749 : vector<16xf32> to vector<1x16xf32>
        tpu.vector_store %arg7[%parallel_loop3A_750, %parallel_loop3A_751], %parallel_loop3A_754 {add = true, strides = array<i32>} : memref<112x128xf32, #tpu.memory_space<vmem>>, vector<1x16xf32>,
      } {sc.loop_unroll_factor = 4 : i64, sc.parallel_access}
      %dma_start3A_498 = arith.constant 21 : i32
      %dma_start3A_499 = arith.constant 3 : i32
      %dma_start3A_500 = arith.constant 0 : i32
      %dma_start3A_501 = arith.constant 0 : i32
      %dma_start3A_502 = tpu.memref_slice %arg6[%dma_start3A_499, %dma_start3A_500, %dma_start3A_501] : memref<6x112x128xf32, #tpu.memory_space<vmem>> -> memref<1x112x128xf32, #tpu.memory_space<vmem>>
      %dma_start3A_503 = tpu.memref_squeeze %dma_start3A_502 : memref<1x112x128xf32, #tpu.memory_space<vmem>> -> memref<112x128xf32, #tpu.memory_space<vmem>>
      %dma_start3A_504 = arith.constant 0 : i32
      %dma_start3A_505 = tpu.memref_slice %arg5[%dma_start3A_498, %dma_start3A_504] : memref<27x112xi32, #tpu.memory_space<vmem>> -> memref<1x112xi32, #tpu.memory_space<vmem>>
      %dma_start3A_506 = tpu.memref_squeeze %dma_start3A_505 : memref<1x112xi32, #tpu.memory_space<vmem>> -> memref<112xi32, #tpu.memory_space<vmem>>
      %dma_start3A_507 = arith.constant 0 : i32
      %dma_start3A_508 = arith.constant 0 : i32
      %dma_start3A_509 = tpu.memref_slice %arg2[%dma_start3A_507, %dma_start3A_508] : memref<1354752x128xf32, #tpu.memory_space<hbm>> -> memref<1354752x128xf32, #tpu.memory_space<hbm>>
      tpu.enqueue_indirect_dma source(%dma_start3A_509 : memref<1354752x128xf32, #tpu.memory_space<hbm>>) target(%dma_start3A_503 : memref<112x128xf32, #tpu.memory_space<vmem>>) offsets(%dma_start3A_506 : memref<112xi32, #tpu.memory_space<vmem>>) semaphore(%arg8 : memref<!tpu.dma_semaphore, #tpu.memory_space<semaphore_mem>>)
      %dma_start3A_510 = arith.constant 22 : i32
      %dma_start3A_511 = arith.constant 4 : i32
      %dma_start3A_512 = arith.constant 0 : i32
      %dma_start3A_513 = arith.constant 0 : i32
      %dma_start3A_514 = tpu.memref_slice %arg6[%dma_start3A_511, %dma_start3A_512, %dma_start3A_513] : memref<6x112x128xf32, #tpu.memory_space<vmem>> -> memref<1x112x128xf32, #tpu.memory_space<vmem>>
      %dma_start3A_515 = tpu.memref_squeeze %dma_start3A_514 : memref<1x112x128xf32, #tpu.memory_space<vmem>> -> memref<112x128xf32, #tpu.memory_space<vmem>>
      %dma_start3A_516 = arith.constant 0 : i32
      %dma_start3A_517 = tpu.memref_slice %arg5[%dma_start3A_510, %dma_start3A_516] : memref<27x112xi32, #tpu.memory_space<vmem>> -> memref<1x112xi32, #tpu.memory_space<vmem>>
      %dma_start3A_518 = tpu.memref_squeeze %dma_start3A_517 : memref<1x112xi32, #tpu.memory_space<vmem>> -> memref<112xi32, #tpu.memory_space<vmem>>
      %dma_start3A_519 = arith.constant 0 : i32
      %dma_start3A_520 = arith.constant 0 : i32
      %dma_start3A_521 = tpu.memref_slice %arg2[%dma_start3A_519, %dma_start3A_520] : memref<1354752x128xf32, #tpu.memory_space<hbm>> -> memref<1354752x128xf32, #tpu.memory_space<hbm>>
      tpu.enqueue_indirect_dma source(%dma_start3A_521 : memref<1354752x128xf32, #tpu.memory_space<hbm>>) target(%dma_start3A_515 : memref<112x128xf32, #tpu.memory_space<vmem>>) offsets(%dma_start3A_518 : memref<112xi32, #tpu.memory_space<vmem>>) semaphore(%arg8 : memref<!tpu.dma_semaphore, #tpu.memory_space<semaphore_mem>>)
      %dma_start3A_522 = arith.constant 23 : i32
      %dma_start3A_523 = arith.constant 5 : i32
      %dma_start3A_524 = arith.constant 0 : i32
      %dma_start3A_525 = arith.constant 0 : i32
      %dma_start3A_526 = tpu.memref_slice %arg6[%dma_start3A_523, %dma_start3A_524, %dma_start3A_525] : memref<6x112x128xf32, #tpu.memory_space<vmem>> -> memref<1x112x128xf32, #tpu.memory_space<vmem>>
      %dma_start3A_527 = tpu.memref_squeeze %dma_start3A_526 : memref<1x112x128xf32, #tpu.memory_space<vmem>> -> memref<112x128xf32, #tpu.memory_space<vmem>>
      %dma_start3A_528 = arith.constant 0 : i32
      %dma_start3A_529 = tpu.memref_slice %arg5[%dma_start3A_522, %dma_start3A_528] : memref<27x112xi32, #tpu.memory_space<vmem>> -> memref<1x112xi32, #tpu.memory_space<vmem>>
      %dma_start3A_530 = tpu.memref_squeeze %dma_start3A_529 : memref<1x112xi32, #tpu.memory_space<vmem>> -> memref<112xi32, #tpu.memory_space<vmem>>
      %dma_start3A_531 = arith.constant 0 : i32
      %dma_start3A_532 = arith.constant 0 : i32
      %dma_start3A_533 = tpu.memref_slice %arg2[%dma_start3A_531, %dma_start3A_532] : memref<1354752x128xf32, #tpu.memory_space<hbm>> -> memref<1354752x128xf32, #tpu.memory_space<hbm>>
      tpu.enqueue_indirect_dma source(%dma_start3A_533 : memref<1354752x128xf32, #tpu.memory_space<hbm>>) target(%dma_start3A_527 : memref<112x128xf32, #tpu.memory_space<vmem>>) offsets(%dma_start3A_530 : memref<112xi32, #tpu.memory_space<vmem>>) semaphore(%arg8 : memref<!tpu.dma_semaphore, #tpu.memory_space<semaphore_mem>>)
      %dma_wait3A_534 = arith.constant 18 : i32
      %dma_wait3A_535 = arith.constant 0 : i32
      %dma_wait3A_536 = arith.constant 0 : i32
      %dma_wait3A_537 = arith.constant 0 : i32
      %dma_wait3A_538 = tpu.memref_slice %arg6[%dma_wait3A_535, %dma_wait3A_536, %dma_wait3A_537] : memref<6x112x128xf32, #tpu.memory_space<vmem>> -> memref<1x112x128xf32, #tpu.memory_space<vmem>>
      %dma_wait3A_539 = tpu.memref_squeeze %dma_wait3A_538 : memref<1x112x128xf32, #tpu.memory_space<vmem>> -> memref<112x128xf32, #tpu.memory_space<vmem>>
      %dma_wait3A_540 = arith.constant 0 : i32
      %dma_wait3A_541 = tpu.memref_slice %arg5[%dma_wait3A_534, %dma_wait3A_540] : memref<27x112xi32, #tpu.memory_space<vmem>> -> memref<1x112xi32, #tpu.memory_space<vmem>>
      %dma_wait3A_542 = tpu.memref_squeeze %dma_wait3A_541 : memref<1x112xi32, #tpu.memory_space<vmem>> -> memref<112xi32, #tpu.memory_space<vmem>>
      %dma_wait3A_543 = arith.constant 0 : i32
      %dma_wait3A_544 = arith.constant 0 : i32
      %dma_wait3A_545 = tpu.memref_slice %arg2[%dma_wait3A_543, %dma_wait3A_544] : memref<1354752x128xf32, #tpu.memory_space<hbm>> -> memref<1354752x128xf32, #tpu.memory_space<hbm>>
      tpu.wait_indirect_dma semaphore(%arg8 : memref<!tpu.dma_semaphore, #tpu.memory_space<semaphore_mem>>) src(%dma_wait3A_545 : memref<1354752x128xf32, #tpu.memory_space<hbm>>) dst(%dma_wait3A_539 : memref<112x128xf32, #tpu.memory_space<vmem>>)
      %dma_wait3A_546 = arith.constant 19 : i32
      %dma_wait3A_547 = arith.constant 1 : i32
      %dma_wait3A_548 = arith.constant 0 : i32
      %dma_wait3A_549 = arith.constant 0 : i32
      %dma_wait3A_550 = tpu.memref_slice %arg6[%dma_wait3A_547, %dma_wait3A_548, %dma_wait3A_549] : memref<6x112x128xf32, #tpu.memory_space<vmem>> -> memref<1x112x128xf32, #tpu.memory_space<vmem>>
      %dma_wait3A_551 = tpu.memref_squeeze %dma_wait3A_550 : memref<1x112x128xf32, #tpu.memory_space<vmem>> -> memref<112x128xf32, #tpu.memory_space<vmem>>
      %dma_wait3A_552 = arith.constant 0 : i32
      %dma_wait3A_553 = tpu.memref_slice %arg5[%dma_wait3A_546, %dma_wait3A_552] : memref<27x112xi32, #tpu.memory_space<vmem>> -> memref<1x112xi32, #tpu.memory_space<vmem>>
      %dma_wait3A_554 = tpu.memref_squeeze %dma_wait3A_553 : memref<1x112xi32, #tpu.memory_space<vmem>> -> memref<112xi32, #tpu.memory_space<vmem>>
      %dma_wait3A_555 = arith.constant 0 : i32
      %dma_wait3A_556 = arith.constant 0 : i32
      %dma_wait3A_557 = tpu.memref_slice %arg2[%dma_wait3A_555, %dma_wait3A_556] : memref<1354752x128xf32, #tpu.memory_space<hbm>> -> memref<1354752x128xf32, #tpu.memory_space<hbm>>
      tpu.wait_indirect_dma semaphore(%arg8 : memref<!tpu.dma_semaphore, #tpu.memory_space<semaphore_mem>>) src(%dma_wait3A_557 : memref<1354752x128xf32, #tpu.memory_space<hbm>>) dst(%dma_wait3A_551 : memref<112x128xf32, #tpu.memory_space<vmem>>)
      %dma_wait3A_558 = arith.constant 20 : i32
      %dma_wait3A_559 = arith.constant 2 : i32
      %dma_wait3A_560 = arith.constant 0 : i32
      %dma_wait3A_561 = arith.constant 0 : i32
      %dma_wait3A_562 = tpu.memref_slice %arg6[%dma_wait3A_559, %dma_wait3A_560, %dma_wait3A_561] : memref<6x112x128xf32, #tpu.memory_space<vmem>> -> memref<1x112x128xf32, #tpu.memory_space<vmem>>
      %dma_wait3A_563 = tpu.memref_squeeze %dma_wait3A_562 : memref<1x112x128xf32, #tpu.memory_space<vmem>> -> memref<112x128xf32, #tpu.memory_space<vmem>>
      %dma_wait3A_564 = arith.constant 0 : i32
      %dma_wait3A_565 = tpu.memref_slice %arg5[%dma_wait3A_558, %dma_wait3A_564] : memref<27x112xi32, #tpu.memory_space<vmem>> -> memref<1x112xi32, #tpu.memory_space<vmem>>
      %dma_wait3A_566 = tpu.memref_squeeze %dma_wait3A_565 : memref<1x112xi32, #tpu.memory_space<vmem>> -> memref<112xi32, #tpu.memory_space<vmem>>
      %dma_wait3A_567 = arith.constant 0 : i32
      %dma_wait3A_568 = arith.constant 0 : i32
      %dma_wait3A_569 = tpu.memref_slice %arg2[%dma_wait3A_567, %dma_wait3A_568] : memref<1354752x128xf32, #tpu.memory_space<hbm>> -> memref<1354752x128xf32, #tpu.memory_space<hbm>>
      tpu.wait_indirect_dma semaphore(%arg8 : memref<!tpu.dma_semaphore, #tpu.memory_space<semaphore_mem>>) src(%dma_wait3A_569 : memref<1354752x128xf32, #tpu.memory_space<hbm>>) dst(%dma_wait3A_563 : memref<112x128xf32, #tpu.memory_space<vmem>>)
      %parallel_loop3A_570 = arith.constant 0 : i32
      %parallel_loop3A_571 = arith.constant 896 : i32
      %parallel_loop3A_572 = arith.constant 1 : i32
      scf.for %parallel_loop3A_687 = %parallel_loop3A_570 to %parallel_loop3A_571 step %parallel_loop3A_572  : i32 {
        %parallel_loop3A_688 = arith.constant 8 : i32
        %parallel_loop3A_689 = arith.divsi %parallel_loop3A_687, %parallel_loop3A_688 : i32
        %parallel_loop3A_690 = arith.constant 0 : i32
        %parallel_loop3A_691 = arith.cmpi sgt, %parallel_loop3A_687, %parallel_loop3A_690 : i32
        %parallel_loop3A_692 = arith.extui %parallel_loop3A_691 : i1 to i32
        %parallel_loop3A_693 = arith.constant 0 : i32
        %parallel_loop3A_694 = arith.cmpi slt, %parallel_loop3A_687, %parallel_loop3A_693 : i32
        %parallel_loop3A_695 = arith.extui %parallel_loop3A_694 : i1 to i32
        %parallel_loop3A_696 = arith.subi %parallel_loop3A_692, %parallel_loop3A_695 : i32
        %parallel_loop3A_697 = arith.constant 0 : i32
        %parallel_loop3A_698 = arith.cmpi sgt, %parallel_loop3A_688, %parallel_loop3A_697 : i32
        %parallel_loop3A_699 = arith.extui %parallel_loop3A_698 : i1 to i32
        %parallel_loop3A_700 = arith.constant 0 : i32
        %parallel_loop3A_701 = arith.cmpi slt, %parallel_loop3A_688, %parallel_loop3A_700 : i32
        %parallel_loop3A_702 = arith.extui %parallel_loop3A_701 : i1 to i32
        %parallel_loop3A_703 = arith.subi %parallel_loop3A_699, %parallel_loop3A_702 : i32
        %parallel_loop3A_704 = arith.cmpi ne, %parallel_loop3A_696, %parallel_loop3A_703 : i32
        %parallel_loop3A_705 = arith.remsi %parallel_loop3A_687, %parallel_loop3A_688 : i32
        %parallel_loop3A_706 = arith.constant 0 : i32
        %parallel_loop3A_707 = arith.cmpi ne, %parallel_loop3A_705, %parallel_loop3A_706 : i32
        %parallel_loop3A_708 = arith.andi %parallel_loop3A_704, %parallel_loop3A_707 : i1
        %parallel_loop3A_709 = arith.constant 1 : i32
        %parallel_loop3A_710 = arith.subi %parallel_loop3A_689, %parallel_loop3A_709 : i32
        %parallel_loop3A_711 = arith.select %parallel_loop3A_708, %parallel_loop3A_710, %parallel_loop3A_689 : i32
        %parallel_loop3A_712 = arith.constant 8 : i32
        %parallel_loop3A_713 = arith.constant 0 : i32
        %parallel_loop3A_714 = arith.cmpi eq, %parallel_loop3A_712, %parallel_loop3A_713 : i32
        %parallel_loop3A_715 = arith.constant 1 : i32
        %parallel_loop3A_716 = arith.select %parallel_loop3A_714, %parallel_loop3A_715, %parallel_loop3A_712 : i32
        %parallel_loop3A_717 = arith.remsi %parallel_loop3A_687, %parallel_loop3A_716 : i32
        %parallel_loop3A_718 = arith.constant 0 : i32
        %parallel_loop3A_719 = arith.cmpi ne, %parallel_loop3A_717, %parallel_loop3A_718 : i32
        %parallel_loop3A_720 = arith.constant 0 : i32
        %parallel_loop3A_721 = arith.cmpi slt, %parallel_loop3A_717, %parallel_loop3A_720 : i32
        %parallel_loop3A_722 = arith.constant 0 : i32
        %parallel_loop3A_723 = arith.cmpi slt, %parallel_loop3A_716, %parallel_loop3A_722 : i32
        %parallel_loop3A_724 = arith.xori %parallel_loop3A_721, %parallel_loop3A_723 : i1
        %parallel_loop3A_725 = arith.andi %parallel_loop3A_724, %parallel_loop3A_719 : i1
        %parallel_loop3A_726 = arith.addi %parallel_loop3A_717, %parallel_loop3A_716 : i32
        %parallel_loop3A_727 = arith.select %parallel_loop3A_725, %parallel_loop3A_726, %parallel_loop3A_717 : i32
        %parallel_loop3A_728 = arith.constant 16 : i32
        %parallel_loop3A_729 = arith.muli %parallel_loop3A_727, %parallel_loop3A_728 : i32
        %parallel_loop3A_730 = arith.constant 0 : i32
        %parallel_loop3A_731 = arith.index_cast %parallel_loop3A_730 : i32 to index
        %parallel_loop3A_732 = arith.index_cast %parallel_loop3A_711 : i32 to index
        %parallel_loop3A_733 = arith.index_cast %parallel_loop3A_729 : i32 to index
        %parallel_loop3A_734 = tpu.vector_load %arg6[%parallel_loop3A_731, %parallel_loop3A_732, %parallel_loop3A_733] {strides = array<i32>} : memref<6x112x128xf32, #tpu.memory_space<vmem>>, vector<1x1x16xf32>,
        %parallel_loop3A_735 = vector.shape_cast %parallel_loop3A_734 : vector<1x1x16xf32> to vector<16xf32>
        %parallel_loop3A_736 = arith.constant 1 : i32
        %parallel_loop3A_737 = arith.index_cast %parallel_loop3A_736 : i32 to index
        %parallel_loop3A_738 = arith.index_cast %parallel_loop3A_711 : i32 to index
        %parallel_loop3A_739 = arith.index_cast %parallel_loop3A_729 : i32 to index
        %parallel_loop3A_740 = tpu.vector_load %arg6[%parallel_loop3A_737, %parallel_loop3A_738, %parallel_loop3A_739] {strides = array<i32>} : memref<6x112x128xf32, #tpu.memory_space<vmem>>, vector<1x1x16xf32>,
        %parallel_loop3A_741 = vector.shape_cast %parallel_loop3A_740 : vector<1x1x16xf32> to vector<16xf32>
        %parallel_loop3A_742 = arith.addf %parallel_loop3A_735, %parallel_loop3A_741 : vector<16xf32>
        %parallel_loop3A_743 = arith.constant 2 : i32
        %parallel_loop3A_744 = arith.index_cast %parallel_loop3A_743 : i32 to index
        %parallel_loop3A_745 = arith.index_cast %parallel_loop3A_711 : i32 to index
        %parallel_loop3A_746 = arith.index_cast %parallel_loop3A_729 : i32 to index
        %parallel_loop3A_747 = tpu.vector_load %arg6[%parallel_loop3A_744, %parallel_loop3A_745, %parallel_loop3A_746] {strides = array<i32>} : memref<6x112x128xf32, #tpu.memory_space<vmem>>, vector<1x1x16xf32>,
        %parallel_loop3A_748 = vector.shape_cast %parallel_loop3A_747 : vector<1x1x16xf32> to vector<16xf32>
        %parallel_loop3A_749 = arith.addf %parallel_loop3A_742, %parallel_loop3A_748 : vector<16xf32>
        %parallel_loop3A_750 = arith.index_cast %parallel_loop3A_711 : i32 to index
        %parallel_loop3A_751 = arith.index_cast %parallel_loop3A_729 : i32 to index
        %parallel_loop3A_752 = tpu.vector_load %arg7[%parallel_loop3A_750, %parallel_loop3A_751] {strides = array<i32>} : memref<112x128xf32, #tpu.memory_space<vmem>>, vector<1x16xf32>,
        %parallel_loop3A_753 = vector.shape_cast %parallel_loop3A_752 : vector<1x16xf32> to vector<16xf32>
        %parallel_loop3A_754 = vector.shape_cast %parallel_loop3A_749 : vector<16xf32> to vector<1x16xf32>
        tpu.vector_store %arg7[%parallel_loop3A_750, %parallel_loop3A_751], %parallel_loop3A_754 {add = true, strides = array<i32>} : memref<112x128xf32, #tpu.memory_space<vmem>>, vector<1x16xf32>,
      } {sc.loop_unroll_factor = 4 : i64, sc.parallel_access}
      %dma_start3A_573 = arith.constant 24 : i32
      %dma_start3A_574 = arith.constant 0 : i32
      %dma_start3A_575 = arith.constant 0 : i32
      %dma_start3A_576 = arith.constant 0 : i32
      %dma_start3A_577 = tpu.memref_slice %arg6[%dma_start3A_574, %dma_start3A_575, %dma_start3A_576] : memref<6x112x128xf32, #tpu.memory_space<vmem>> -> memref<1x112x128xf32, #tpu.memory_space<vmem>>
      %dma_start3A_578 = tpu.memref_squeeze %dma_start3A_577 : memref<1x112x128xf32, #tpu.memory_space<vmem>> -> memref<112x128xf32, #tpu.memory_space<vmem>>
      %dma_start3A_579 = arith.constant 0 : i32
      %dma_start3A_580 = tpu.memref_slice %arg5[%dma_start3A_573, %dma_start3A_579] : memref<27x112xi32, #tpu.memory_space<vmem>> -> memref<1x112xi32, #tpu.memory_space<vmem>>
      %dma_start3A_581 = tpu.memref_squeeze %dma_start3A_580 : memref<1x112xi32, #tpu.memory_space<vmem>> -> memref<112xi32, #tpu.memory_space<vmem>>
      %dma_start3A_582 = arith.constant 0 : i32
      %dma_start3A_583 = arith.constant 0 : i32
      %dma_start3A_584 = tpu.memref_slice %arg2[%dma_start3A_582, %dma_start3A_583] : memref<1354752x128xf32, #tpu.memory_space<hbm>> -> memref<1354752x128xf32, #tpu.memory_space<hbm>>
      tpu.enqueue_indirect_dma source(%dma_start3A_584 : memref<1354752x128xf32, #tpu.memory_space<hbm>>) target(%dma_start3A_578 : memref<112x128xf32, #tpu.memory_space<vmem>>) offsets(%dma_start3A_581 : memref<112xi32, #tpu.memory_space<vmem>>) semaphore(%arg8 : memref<!tpu.dma_semaphore, #tpu.memory_space<semaphore_mem>>)
      %dma_start3A_585 = arith.constant 25 : i32
      %dma_start3A_586 = arith.constant 1 : i32
      %dma_start3A_587 = arith.constant 0 : i32
      %dma_start3A_588 = arith.constant 0 : i32
      %dma_start3A_589 = tpu.memref_slice %arg6[%dma_start3A_586, %dma_start3A_587, %dma_start3A_588] : memref<6x112x128xf32, #tpu.memory_space<vmem>> -> memref<1x112x128xf32, #tpu.memory_space<vmem>>
      %dma_start3A_590 = tpu.memref_squeeze %dma_start3A_589 : memref<1x112x128xf32, #tpu.memory_space<vmem>> -> memref<112x128xf32, #tpu.memory_space<vmem>>
      %dma_start3A_591 = arith.constant 0 : i32
      %dma_start3A_592 = tpu.memref_slice %arg5[%dma_start3A_585, %dma_start3A_591] : memref<27x112xi32, #tpu.memory_space<vmem>> -> memref<1x112xi32, #tpu.memory_space<vmem>>
      %dma_start3A_593 = tpu.memref_squeeze %dma_start3A_592 : memref<1x112xi32, #tpu.memory_space<vmem>> -> memref<112xi32, #tpu.memory_space<vmem>>
      %dma_start3A_594 = arith.constant 0 : i32
      %dma_start3A_595 = arith.constant 0 : i32
      %dma_start3A_596 = tpu.memref_slice %arg2[%dma_start3A_594, %dma_start3A_595] : memref<1354752x128xf32, #tpu.memory_space<hbm>> -> memref<1354752x128xf32, #tpu.memory_space<hbm>>
      tpu.enqueue_indirect_dma source(%dma_start3A_596 : memref<1354752x128xf32, #tpu.memory_space<hbm>>) target(%dma_start3A_590 : memref<112x128xf32, #tpu.memory_space<vmem>>) offsets(%dma_start3A_593 : memref<112xi32, #tpu.memory_space<vmem>>) semaphore(%arg8 : memref<!tpu.dma_semaphore, #tpu.memory_space<semaphore_mem>>)
      %dma_start3A_597 = arith.constant 26 : i32
      %dma_start3A_598 = arith.constant 2 : i32
      %dma_start3A_599 = arith.constant 0 : i32
      %dma_start3A_600 = arith.constant 0 : i32
      %dma_start3A_601 = tpu.memref_slice %arg6[%dma_start3A_598, %dma_start3A_599, %dma_start3A_600] : memref<6x112x128xf32, #tpu.memory_space<vmem>> -> memref<1x112x128xf32, #tpu.memory_space<vmem>>
      %dma_start3A_602 = tpu.memref_squeeze %dma_start3A_601 : memref<1x112x128xf32, #tpu.memory_space<vmem>> -> memref<112x128xf32, #tpu.memory_space<vmem>>
      %dma_start3A_603 = arith.constant 0 : i32
      %dma_start3A_604 = tpu.memref_slice %arg5[%dma_start3A_597, %dma_start3A_603] : memref<27x112xi32, #tpu.memory_space<vmem>> -> memref<1x112xi32, #tpu.memory_space<vmem>>
      %dma_start3A_605 = tpu.memref_squeeze %dma_start3A_604 : memref<1x112xi32, #tpu.memory_space<vmem>> -> memref<112xi32, #tpu.memory_space<vmem>>
      %dma_start3A_606 = arith.constant 0 : i32
      %dma_start3A_607 = arith.constant 0 : i32
      %dma_start3A_608 = tpu.memref_slice %arg2[%dma_start3A_606, %dma_start3A_607] : memref<1354752x128xf32, #tpu.memory_space<hbm>> -> memref<1354752x128xf32, #tpu.memory_space<hbm>>
      tpu.enqueue_indirect_dma source(%dma_start3A_608 : memref<1354752x128xf32, #tpu.memory_space<hbm>>) target(%dma_start3A_602 : memref<112x128xf32, #tpu.memory_space<vmem>>) offsets(%dma_start3A_605 : memref<112xi32, #tpu.memory_space<vmem>>) semaphore(%arg8 : memref<!tpu.dma_semaphore, #tpu.memory_space<semaphore_mem>>)
      %dma_wait3A_609 = arith.constant 21 : i32
      %dma_wait3A_610 = arith.constant 3 : i32
      %dma_wait3A_611 = arith.constant 0 : i32
      %dma_wait3A_612 = arith.constant 0 : i32
      %dma_wait3A_613 = tpu.memref_slice %arg6[%dma_wait3A_610, %dma_wait3A_611, %dma_wait3A_612] : memref<6x112x128xf32, #tpu.memory_space<vmem>> -> memref<1x112x128xf32, #tpu.memory_space<vmem>>
      %dma_wait3A_614 = tpu.memref_squeeze %dma_wait3A_613 : memref<1x112x128xf32, #tpu.memory_space<vmem>> -> memref<112x128xf32, #tpu.memory_space<vmem>>
      %dma_wait3A_615 = arith.constant 0 : i32
      %dma_wait3A_616 = tpu.memref_slice %arg5[%dma_wait3A_609, %dma_wait3A_615] : memref<27x112xi32, #tpu.memory_space<vmem>> -> memref<1x112xi32, #tpu.memory_space<vmem>>
      %dma_wait3A_617 = tpu.memref_squeeze %dma_wait3A_616 : memref<1x112xi32, #tpu.memory_space<vmem>> -> memref<112xi32, #tpu.memory_space<vmem>>
      %dma_wait3A_618 = arith.constant 0 : i32
      %dma_wait3A_619 = arith.constant 0 : i32
      %dma_wait3A_620 = tpu.memref_slice %arg2[%dma_wait3A_618, %dma_wait3A_619] : memref<1354752x128xf32, #tpu.memory_space<hbm>> -> memref<1354752x128xf32, #tpu.memory_space<hbm>>
      tpu.wait_indirect_dma semaphore(%arg8 : memref<!tpu.dma_semaphore, #tpu.memory_space<semaphore_mem>>) src(%dma_wait3A_620 : memref<1354752x128xf32, #tpu.memory_space<hbm>>) dst(%dma_wait3A_614 : memref<112x128xf32, #tpu.memory_space<vmem>>)
      %dma_wait3A_621 = arith.constant 22 : i32
      %dma_wait3A_622 = arith.constant 4 : i32
      %dma_wait3A_623 = arith.constant 0 : i32
      %dma_wait3A_624 = arith.constant 0 : i32
      %dma_wait3A_625 = tpu.memref_slice %arg6[%dma_wait3A_622, %dma_wait3A_623, %dma_wait3A_624] : memref<6x112x128xf32, #tpu.memory_space<vmem>> -> memref<1x112x128xf32, #tpu.memory_space<vmem>>
      %dma_wait3A_626 = tpu.memref_squeeze %dma_wait3A_625 : memref<1x112x128xf32, #tpu.memory_space<vmem>> -> memref<112x128xf32, #tpu.memory_space<vmem>>
      %dma_wait3A_627 = arith.constant 0 : i32
      %dma_wait3A_628 = tpu.memref_slice %arg5[%dma_wait3A_621, %dma_wait3A_627] : memref<27x112xi32, #tpu.memory_space<vmem>> -> memref<1x112xi32, #tpu.memory_space<vmem>>
      %dma_wait3A_629 = tpu.memref_squeeze %dma_wait3A_628 : memref<1x112xi32, #tpu.memory_space<vmem>> -> memref<112xi32, #tpu.memory_space<vmem>>
      %dma_wait3A_630 = arith.constant 0 : i32
      %dma_wait3A_631 = arith.constant 0 : i32
      %dma_wait3A_632 = tpu.memref_slice %arg2[%dma_wait3A_630, %dma_wait3A_631] : memref<1354752x128xf32, #tpu.memory_space<hbm>> -> memref<1354752x128xf32, #tpu.memory_space<hbm>>
      tpu.wait_indirect_dma semaphore(%arg8 : memref<!tpu.dma_semaphore, #tpu.memory_space<semaphore_mem>>) src(%dma_wait3A_632 : memref<1354752x128xf32, #tpu.memory_space<hbm>>) dst(%dma_wait3A_626 : memref<112x128xf32, #tpu.memory_space<vmem>>)
      %dma_wait3A_633 = arith.constant 23 : i32
      %dma_wait3A_634 = arith.constant 5 : i32
      %dma_wait3A_635 = arith.constant 0 : i32
      %dma_wait3A_636 = arith.constant 0 : i32
      %dma_wait3A_637 = tpu.memref_slice %arg6[%dma_wait3A_634, %dma_wait3A_635, %dma_wait3A_636] : memref<6x112x128xf32, #tpu.memory_space<vmem>> -> memref<1x112x128xf32, #tpu.memory_space<vmem>>
      %dma_wait3A_638 = tpu.memref_squeeze %dma_wait3A_637 : memref<1x112x128xf32, #tpu.memory_space<vmem>> -> memref<112x128xf32, #tpu.memory_space<vmem>>
      %dma_wait3A_639 = arith.constant 0 : i32
      %dma_wait3A_640 = tpu.memref_slice %arg5[%dma_wait3A_633, %dma_wait3A_639] : memref<27x112xi32, #tpu.memory_space<vmem>> -> memref<1x112xi32, #tpu.memory_space<vmem>>
      %dma_wait3A_641 = tpu.memref_squeeze %dma_wait3A_640 : memref<1x112xi32, #tpu.memory_space<vmem>> -> memref<112xi32, #tpu.memory_space<vmem>>
      %dma_wait3A_642 = arith.constant 0 : i32
      %dma_wait3A_643 = arith.constant 0 : i32
      %dma_wait3A_644 = tpu.memref_slice %arg2[%dma_wait3A_642, %dma_wait3A_643] : memref<1354752x128xf32, #tpu.memory_space<hbm>> -> memref<1354752x128xf32, #tpu.memory_space<hbm>>
      tpu.wait_indirect_dma semaphore(%arg8 : memref<!tpu.dma_semaphore, #tpu.memory_space<semaphore_mem>>) src(%dma_wait3A_644 : memref<1354752x128xf32, #tpu.memory_space<hbm>>) dst(%dma_wait3A_638 : memref<112x128xf32, #tpu.memory_space<vmem>>)
      %parallel_loop3A_645 = arith.constant 0 : i32
      %parallel_loop3A_646 = arith.constant 896 : i32
      %parallel_loop3A_647 = arith.constant 1 : i32
      scf.for %parallel_loop3A_687 = %parallel_loop3A_645 to %parallel_loop3A_646 step %parallel_loop3A_647  : i32 {
        %parallel_loop3A_688 = arith.constant 8 : i32
        %parallel_loop3A_689 = arith.divsi %parallel_loop3A_687, %parallel_loop3A_688 : i32
        %parallel_loop3A_690 = arith.constant 0 : i32
        %parallel_loop3A_691 = arith.cmpi sgt, %parallel_loop3A_687, %parallel_loop3A_690 : i32
        %parallel_loop3A_692 = arith.extui %parallel_loop3A_691 : i1 to i32
        %parallel_loop3A_693 = arith.constant 0 : i32
        %parallel_loop3A_694 = arith.cmpi slt, %parallel_loop3A_687, %parallel_loop3A_693 : i32
        %parallel_loop3A_695 = arith.extui %parallel_loop3A_694 : i1 to i32
        %parallel_loop3A_696 = arith.subi %parallel_loop3A_692, %parallel_loop3A_695 : i32
        %parallel_loop3A_697 = arith.constant 0 : i32
        %parallel_loop3A_698 = arith.cmpi sgt, %parallel_loop3A_688, %parallel_loop3A_697 : i32
        %parallel_loop3A_699 = arith.extui %parallel_loop3A_698 : i1 to i32
        %parallel_loop3A_700 = arith.constant 0 : i32
        %parallel_loop3A_701 = arith.cmpi slt, %parallel_loop3A_688, %parallel_loop3A_700 : i32
        %parallel_loop3A_702 = arith.extui %parallel_loop3A_701 : i1 to i32
        %parallel_loop3A_703 = arith.subi %parallel_loop3A_699, %parallel_loop3A_702 : i32
        %parallel_loop3A_704 = arith.cmpi ne, %parallel_loop3A_696, %parallel_loop3A_703 : i32
        %parallel_loop3A_705 = arith.remsi %parallel_loop3A_687, %parallel_loop3A_688 : i32
        %parallel_loop3A_706 = arith.constant 0 : i32
        %parallel_loop3A_707 = arith.cmpi ne, %parallel_loop3A_705, %parallel_loop3A_706 : i32
        %parallel_loop3A_708 = arith.andi %parallel_loop3A_704, %parallel_loop3A_707 : i1
        %parallel_loop3A_709 = arith.constant 1 : i32
        %parallel_loop3A_710 = arith.subi %parallel_loop3A_689, %parallel_loop3A_709 : i32
        %parallel_loop3A_711 = arith.select %parallel_loop3A_708, %parallel_loop3A_710, %parallel_loop3A_689 : i32
        %parallel_loop3A_712 = arith.constant 8 : i32
        %parallel_loop3A_713 = arith.constant 0 : i32
        %parallel_loop3A_714 = arith.cmpi eq, %parallel_loop3A_712, %parallel_loop3A_713 : i32
        %parallel_loop3A_715 = arith.constant 1 : i32
        %parallel_loop3A_716 = arith.select %parallel_loop3A_714, %parallel_loop3A_715, %parallel_loop3A_712 : i32
        %parallel_loop3A_717 = arith.remsi %parallel_loop3A_687, %parallel_loop3A_716 : i32
        %parallel_loop3A_718 = arith.constant 0 : i32
        %parallel_loop3A_719 = arith.cmpi ne, %parallel_loop3A_717, %parallel_loop3A_718 : i32
        %parallel_loop3A_720 = arith.constant 0 : i32
        %parallel_loop3A_721 = arith.cmpi slt, %parallel_loop3A_717, %parallel_loop3A_720 : i32
        %parallel_loop3A_722 = arith.constant 0 : i32
        %parallel_loop3A_723 = arith.cmpi slt, %parallel_loop3A_716, %parallel_loop3A_722 : i32
        %parallel_loop3A_724 = arith.xori %parallel_loop3A_721, %parallel_loop3A_723 : i1
        %parallel_loop3A_725 = arith.andi %parallel_loop3A_724, %parallel_loop3A_719 : i1
        %parallel_loop3A_726 = arith.addi %parallel_loop3A_717, %parallel_loop3A_716 : i32
        %parallel_loop3A_727 = arith.select %parallel_loop3A_725, %parallel_loop3A_726, %parallel_loop3A_717 : i32
        %parallel_loop3A_728 = arith.constant 16 : i32
        %parallel_loop3A_729 = arith.muli %parallel_loop3A_727, %parallel_loop3A_728 : i32
        %parallel_loop3A_730 = arith.constant 3 : i32
        %parallel_loop3A_731 = arith.index_cast %parallel_loop3A_730 : i32 to index
        %parallel_loop3A_732 = arith.index_cast %parallel_loop3A_711 : i32 to index
        %parallel_loop3A_733 = arith.index_cast %parallel_loop3A_729 : i32 to index
        %parallel_loop3A_734 = tpu.vector_load %arg6[%parallel_loop3A_731, %parallel_loop3A_732, %parallel_loop3A_733] {strides = array<i32>} : memref<6x112x128xf32, #tpu.memory_space<vmem>>, vector<1x1x16xf32>,
        %parallel_loop3A_735 = vector.shape_cast %parallel_loop3A_734 : vector<1x1x16xf32> to vector<16xf32>
        %parallel_loop3A_736 = arith.constant 4 : i32
        %parallel_loop3A_737 = arith.index_cast %parallel_loop3A_736 : i32 to index
        %parallel_loop3A_738 = arith.index_cast %parallel_loop3A_711 : i32 to index
        %parallel_loop3A_739 = arith.index_cast %parallel_loop3A_729 : i32 to index
        %parallel_loop3A_740 = tpu.vector_load %arg6[%parallel_loop3A_737, %parallel_loop3A_738, %parallel_loop3A_739] {strides = array<i32>} : memref<6x112x128xf32, #tpu.memory_space<vmem>>, vector<1x1x16xf32>,
        %parallel_loop3A_741 = vector.shape_cast %parallel_loop3A_740 : vector<1x1x16xf32> to vector<16xf32>
        %parallel_loop3A_742 = arith.addf %parallel_loop3A_735, %parallel_loop3A_741 : vector<16xf32>
        %parallel_loop3A_743 = arith.constant 5 : i32
        %parallel_loop3A_744 = arith.index_cast %parallel_loop3A_743 : i32 to index
        %parallel_loop3A_745 = arith.index_cast %parallel_loop3A_711 : i32 to index
        %parallel_loop3A_746 = arith.index_cast %parallel_loop3A_729 : i32 to index
        %parallel_loop3A_747 = tpu.vector_load %arg6[%parallel_loop3A_744, %parallel_loop3A_745, %parallel_loop3A_746] {strides = array<i32>} : memref<6x112x128xf32, #tpu.memory_space<vmem>>, vector<1x1x16xf32>,
        %parallel_loop3A_748 = vector.shape_cast %parallel_loop3A_747 : vector<1x1x16xf32> to vector<16xf32>
        %parallel_loop3A_749 = arith.addf %parallel_loop3A_742, %parallel_loop3A_748 : vector<16xf32>
        %parallel_loop3A_750 = arith.index_cast %parallel_loop3A_711 : i32 to index
        %parallel_loop3A_751 = arith.index_cast %parallel_loop3A_729 : i32 to index
        %parallel_loop3A_752 = tpu.vector_load %arg7[%parallel_loop3A_750, %parallel_loop3A_751] {strides = array<i32>} : memref<112x128xf32, #tpu.memory_space<vmem>>, vector<1x16xf32>,
        %parallel_loop3A_753 = vector.shape_cast %parallel_loop3A_752 : vector<1x16xf32> to vector<16xf32>
        %parallel_loop3A_754 = vector.shape_cast %parallel_loop3A_749 : vector<16xf32> to vector<1x16xf32>
        tpu.vector_store %arg7[%parallel_loop3A_750, %parallel_loop3A_751], %parallel_loop3A_754 {add = true, strides = array<i32>} : memref<112x128xf32, #tpu.memory_space<vmem>>, vector<1x16xf32>,
      } {sc.loop_unroll_factor = 4 : i64, sc.parallel_access}
      %dma_wait3A_648 = arith.constant 24 : i32
      %dma_wait3A_649 = arith.constant 0 : i32
      %dma_wait3A_650 = arith.constant 0 : i32
      %dma_wait3A_651 = arith.constant 0 : i32
      %dma_wait3A_652 = tpu.memref_slice %arg6[%dma_wait3A_649, %dma_wait3A_650, %dma_wait3A_651] : memref<6x112x128xf32, #tpu.memory_space<vmem>> -> memref<1x112x128xf32, #tpu.memory_space<vmem>>
      %dma_wait3A_653 = tpu.memref_squeeze %dma_wait3A_652 : memref<1x112x128xf32, #tpu.memory_space<vmem>> -> memref<112x128xf32, #tpu.memory_space<vmem>>
      %dma_wait3A_654 = arith.constant 0 : i32
      %dma_wait3A_655 = tpu.memref_slice %arg5[%dma_wait3A_648, %dma_wait3A_654] : memref<27x112xi32, #tpu.memory_space<vmem>> -> memref<1x112xi32, #tpu.memory_space<vmem>>
      %dma_wait3A_656 = tpu.memref_squeeze %dma_wait3A_655 : memref<1x112xi32, #tpu.memory_space<vmem>> -> memref<112xi32, #tpu.memory_space<vmem>>
      %dma_wait3A_657 = arith.constant 0 : i32
      %dma_wait3A_658 = arith.constant 0 : i32
      %dma_wait3A_659 = tpu.memref_slice %arg2[%dma_wait3A_657, %dma_wait3A_658] : memref<1354752x128xf32, #tpu.memory_space<hbm>> -> memref<1354752x128xf32, #tpu.memory_space<hbm>>
      tpu.wait_indirect_dma semaphore(%arg8 : memref<!tpu.dma_semaphore, #tpu.memory_space<semaphore_mem>>) src(%dma_wait3A_659 : memref<1354752x128xf32, #tpu.memory_space<hbm>>) dst(%dma_wait3A_653 : memref<112x128xf32, #tpu.memory_space<vmem>>)
      %dma_wait3A_660 = arith.constant 25 : i32
      %dma_wait3A_661 = arith.constant 1 : i32
      %dma_wait3A_662 = arith.constant 0 : i32
      %dma_wait3A_663 = arith.constant 0 : i32
      %dma_wait3A_664 = tpu.memref_slice %arg6[%dma_wait3A_661, %dma_wait3A_662, %dma_wait3A_663] : memref<6x112x128xf32, #tpu.memory_space<vmem>> -> memref<1x112x128xf32, #tpu.memory_space<vmem>>
      %dma_wait3A_665 = tpu.memref_squeeze %dma_wait3A_664 : memref<1x112x128xf32, #tpu.memory_space<vmem>> -> memref<112x128xf32, #tpu.memory_space<vmem>>
      %dma_wait3A_666 = arith.constant 0 : i32
      %dma_wait3A_667 = tpu.memref_slice %arg5[%dma_wait3A_660, %dma_wait3A_666] : memref<27x112xi32, #tpu.memory_space<vmem>> -> memref<1x112xi32, #tpu.memory_space<vmem>>
      %dma_wait3A_668 = tpu.memref_squeeze %dma_wait3A_667 : memref<1x112xi32, #tpu.memory_space<vmem>> -> memref<112xi32, #tpu.memory_space<vmem>>
      %dma_wait3A_669 = arith.constant 0 : i32
      %dma_wait3A_670 = arith.constant 0 : i32
      %dma_wait3A_671 = tpu.memref_slice %arg2[%dma_wait3A_669, %dma_wait3A_670] : memref<1354752x128xf32, #tpu.memory_space<hbm>> -> memref<1354752x128xf32, #tpu.memory_space<hbm>>
      tpu.wait_indirect_dma semaphore(%arg8 : memref<!tpu.dma_semaphore, #tpu.memory_space<semaphore_mem>>) src(%dma_wait3A_671 : memref<1354752x128xf32, #tpu.memory_space<hbm>>) dst(%dma_wait3A_665 : memref<112x128xf32, #tpu.memory_space<vmem>>)
      %dma_wait3A_672 = arith.constant 26 : i32
      %dma_wait3A_673 = arith.constant 2 : i32
      %dma_wait3A_674 = arith.constant 0 : i32
      %dma_wait3A_675 = arith.constant 0 : i32
      %dma_wait3A_676 = tpu.memref_slice %arg6[%dma_wait3A_673, %dma_wait3A_674, %dma_wait3A_675] : memref<6x112x128xf32, #tpu.memory_space<vmem>> -> memref<1x112x128xf32, #tpu.memory_space<vmem>>
      %dma_wait3A_677 = tpu.memref_squeeze %dma_wait3A_676 : memref<1x112x128xf32, #tpu.memory_space<vmem>> -> memref<112x128xf32, #tpu.memory_space<vmem>>
      %dma_wait3A_678 = arith.constant 0 : i32
      %dma_wait3A_679 = tpu.memref_slice %arg5[%dma_wait3A_672, %dma_wait3A_678] : memref<27x112xi32, #tpu.memory_space<vmem>> -> memref<1x112xi32, #tpu.memory_space<vmem>>
      %dma_wait3A_680 = tpu.memref_squeeze %dma_wait3A_679 : memref<1x112xi32, #tpu.memory_space<vmem>> -> memref<112xi32, #tpu.memory_space<vmem>>
      %dma_wait3A_681 = arith.constant 0 : i32
      %dma_wait3A_682 = arith.constant 0 : i32
      %dma_wait3A_683 = tpu.memref_slice %arg2[%dma_wait3A_681, %dma_wait3A_682] : memref<1354752x128xf32, #tpu.memory_space<hbm>> -> memref<1354752x128xf32, #tpu.memory_space<hbm>>
      tpu.wait_indirect_dma semaphore(%arg8 : memref<!tpu.dma_semaphore, #tpu.memory_space<semaphore_mem>>) src(%dma_wait3A_683 : memref<1354752x128xf32, #tpu.memory_space<hbm>>) dst(%dma_wait3A_677 : memref<112x128xf32, #tpu.memory_space<vmem>>)
      %parallel_loop3A_684 = arith.constant 0 : i32
      %parallel_loop3A_685 = arith.constant 896 : i32
      %parallel_loop3A_686 = arith.constant 1 : i32
      scf.for %parallel_loop3A_687 = %parallel_loop3A_684 to %parallel_loop3A_685 step %parallel_loop3A_686  : i32 {
        %parallel_loop3A_688 = arith.constant 8 : i32
        %parallel_loop3A_689 = arith.divsi %parallel_loop3A_687, %parallel_loop3A_688 : i32
        %parallel_loop3A_690 = arith.constant 0 : i32
        %parallel_loop3A_691 = arith.cmpi sgt, %parallel_loop3A_687, %parallel_loop3A_690 : i32
        %parallel_loop3A_692 = arith.extui %parallel_loop3A_691 : i1 to i32
        %parallel_loop3A_693 = arith.constant 0 : i32
        %parallel_loop3A_694 = arith.cmpi slt, %parallel_loop3A_687, %parallel_loop3A_693 : i32
        %parallel_loop3A_695 = arith.extui %parallel_loop3A_694 : i1 to i32
        %parallel_loop3A_696 = arith.subi %parallel_loop3A_692, %parallel_loop3A_695 : i32
        %parallel_loop3A_697 = arith.constant 0 : i32
        %parallel_loop3A_698 = arith.cmpi sgt, %parallel_loop3A_688, %parallel_loop3A_697 : i32
        %parallel_loop3A_699 = arith.extui %parallel_loop3A_698 : i1 to i32
        %parallel_loop3A_700 = arith.constant 0 : i32
        %parallel_loop3A_701 = arith.cmpi slt, %parallel_loop3A_688, %parallel_loop3A_700 : i32
        %parallel_loop3A_702 = arith.extui %parallel_loop3A_701 : i1 to i32
        %parallel_loop3A_703 = arith.subi %parallel_loop3A_699, %parallel_loop3A_702 : i32
        %parallel_loop3A_704 = arith.cmpi ne, %parallel_loop3A_696, %parallel_loop3A_703 : i32
        %parallel_loop3A_705 = arith.remsi %parallel_loop3A_687, %parallel_loop3A_688 : i32
        %parallel_loop3A_706 = arith.constant 0 : i32
        %parallel_loop3A_707 = arith.cmpi ne, %parallel_loop3A_705, %parallel_loop3A_706 : i32
        %parallel_loop3A_708 = arith.andi %parallel_loop3A_704, %parallel_loop3A_707 : i1
        %parallel_loop3A_709 = arith.constant 1 : i32
        %parallel_loop3A_710 = arith.subi %parallel_loop3A_689, %parallel_loop3A_709 : i32
        %parallel_loop3A_711 = arith.select %parallel_loop3A_708, %parallel_loop3A_710, %parallel_loop3A_689 : i32
        %parallel_loop3A_712 = arith.constant 8 : i32
        %parallel_loop3A_713 = arith.constant 0 : i32
        %parallel_loop3A_714 = arith.cmpi eq, %parallel_loop3A_712, %parallel_loop3A_713 : i32
        %parallel_loop3A_715 = arith.constant 1 : i32
        %parallel_loop3A_716 = arith.select %parallel_loop3A_714, %parallel_loop3A_715, %parallel_loop3A_712 : i32
        %parallel_loop3A_717 = arith.remsi %parallel_loop3A_687, %parallel_loop3A_716 : i32
        %parallel_loop3A_718 = arith.constant 0 : i32
        %parallel_loop3A_719 = arith.cmpi ne, %parallel_loop3A_717, %parallel_loop3A_718 : i32
        %parallel_loop3A_720 = arith.constant 0 : i32
        %parallel_loop3A_721 = arith.cmpi slt, %parallel_loop3A_717, %parallel_loop3A_720 : i32
        %parallel_loop3A_722 = arith.constant 0 : i32
        %parallel_loop3A_723 = arith.cmpi slt, %parallel_loop3A_716, %parallel_loop3A_722 : i32
        %parallel_loop3A_724 = arith.xori %parallel_loop3A_721, %parallel_loop3A_723 : i1
        %parallel_loop3A_725 = arith.andi %parallel_loop3A_724, %parallel_loop3A_719 : i1
        %parallel_loop3A_726 = arith.addi %parallel_loop3A_717, %parallel_loop3A_716 : i32
        %parallel_loop3A_727 = arith.select %parallel_loop3A_725, %parallel_loop3A_726, %parallel_loop3A_717 : i32
        %parallel_loop3A_728 = arith.constant 16 : i32
        %parallel_loop3A_729 = arith.muli %parallel_loop3A_727, %parallel_loop3A_728 : i32
        %parallel_loop3A_730 = arith.constant 0 : i32
        %parallel_loop3A_731 = arith.index_cast %parallel_loop3A_730 : i32 to index
        %parallel_loop3A_732 = arith.index_cast %parallel_loop3A_711 : i32 to index
        %parallel_loop3A_733 = arith.index_cast %parallel_loop3A_729 : i32 to index
        %parallel_loop3A_734 = tpu.vector_load %arg6[%parallel_loop3A_731, %parallel_loop3A_732, %parallel_loop3A_733] {strides = array<i32>} : memref<6x112x128xf32, #tpu.memory_space<vmem>>, vector<1x1x16xf32>,
        %parallel_loop3A_735 = vector.shape_cast %parallel_loop3A_734 : vector<1x1x16xf32> to vector<16xf32>
        %parallel_loop3A_736 = arith.constant 1 : i32
        %parallel_loop3A_737 = arith.index_cast %parallel_loop3A_736 : i32 to index
        %parallel_loop3A_738 = arith.index_cast %parallel_loop3A_711 : i32 to index
        %parallel_loop3A_739 = arith.index_cast %parallel_loop3A_729 : i32 to index
        %parallel_loop3A_740 = tpu.vector_load %arg6[%parallel_loop3A_737, %parallel_loop3A_738, %parallel_loop3A_739] {strides = array<i32>} : memref<6x112x128xf32, #tpu.memory_space<vmem>>, vector<1x1x16xf32>,
        %parallel_loop3A_741 = vector.shape_cast %parallel_loop3A_740 : vector<1x1x16xf32> to vector<16xf32>
        %parallel_loop3A_742 = arith.addf %parallel_loop3A_735, %parallel_loop3A_741 : vector<16xf32>
        %parallel_loop3A_743 = arith.constant 2 : i32
        %parallel_loop3A_744 = arith.index_cast %parallel_loop3A_743 : i32 to index
        %parallel_loop3A_745 = arith.index_cast %parallel_loop3A_711 : i32 to index
        %parallel_loop3A_746 = arith.index_cast %parallel_loop3A_729 : i32 to index
        %parallel_loop3A_747 = tpu.vector_load %arg6[%parallel_loop3A_744, %parallel_loop3A_745, %parallel_loop3A_746] {strides = array<i32>} : memref<6x112x128xf32, #tpu.memory_space<vmem>>, vector<1x1x16xf32>,
        %parallel_loop3A_748 = vector.shape_cast %parallel_loop3A_747 : vector<1x1x16xf32> to vector<16xf32>
        %parallel_loop3A_749 = arith.addf %parallel_loop3A_742, %parallel_loop3A_748 : vector<16xf32>
        %parallel_loop3A_750 = arith.index_cast %parallel_loop3A_711 : i32 to index
        %parallel_loop3A_751 = arith.index_cast %parallel_loop3A_729 : i32 to index
        %parallel_loop3A_752 = tpu.vector_load %arg7[%parallel_loop3A_750, %parallel_loop3A_751] {strides = array<i32>} : memref<112x128xf32, #tpu.memory_space<vmem>>, vector<1x16xf32>,
        %parallel_loop3A_753 = vector.shape_cast %parallel_loop3A_752 : vector<1x16xf32> to vector<16xf32>
        %parallel_loop3A_754 = vector.shape_cast %parallel_loop3A_749 : vector<16xf32> to vector<1x16xf32>
        tpu.vector_store %arg7[%parallel_loop3A_750, %parallel_loop3A_751], %parallel_loop3A_754 {add = true, strides = array<i32>} : memref<112x128xf32, #tpu.memory_space<vmem>>, vector<1x16xf32>,
      } {sc.loop_unroll_factor = 4 : i64, sc.parallel_access}
      "tpu.region"() ({
        %run_scoped3A = tpu.sem_alloc : memref<!tpu.dma_semaphore, #tpu.memory_space<semaphore_mem>>
        %dma_start3A_687 = arith.constant 0 : i32
        %dma_start3A_688 = tpu.memref_slice %arg4[%add3A_11, %dma_start3A_687] : memref<50176x128xf32, #tpu.memory_space<hbm>> -> memref<112x128xf32, #tpu.memory_space<hbm>>
        %dma_start3A_689 = arith.constant 0 : i32
        %dma_start3A_690 = tpu.memref_slice %arg4[%add3A_11, %dma_start3A_689] : memref<50176x128xf32, #tpu.memory_space<hbm>> -> memref<112x128xf32, #tpu.memory_space<hbm>>
        tpu.enqueue_dma source(%arg7 : memref<112x128xf32, #tpu.memory_space<vmem>>) target(%dma_start3A_690 : memref<112x128xf32, #tpu.memory_space<hbm>>) target_semaphore(%run_scoped3A : memref<!tpu.dma_semaphore, #tpu.memory_space<semaphore_mem>>)
        %dma_wait3A_691 = arith.constant 0 : i32
        %dma_wait3A_692 = tpu.memref_slice %arg4[%add3A_11, %dma_wait3A_691] : memref<50176x128xf32, #tpu.memory_space<hbm>> -> memref<112x128xf32, #tpu.memory_space<hbm>>
        %dma_wait3A_693 = arith.constant 0 : i32
        %dma_wait3A_694 = tpu.memref_slice %arg4[%add3A_11, %dma_wait3A_693] : memref<50176x128xf32, #tpu.memory_space<hbm>> -> memref<112x128xf32, #tpu.memory_space<hbm>>
        tpu.wait_dma2 semaphore(%run_scoped3A : memref<!tpu.dma_semaphore, #tpu.memory_space<semaphore_mem>>) src(%arg7 : memref<112x128xf32, #tpu.memory_space<vmem>>) dst(%dma_wait3A_694 : memref<112x128xf32, #tpu.memory_space<hbm>>)
        tpu.yield
      }) : () -> ()
    }
    %scan3A_7 = arith.constant 14 : i32
    return
  }
}

module attributes {stable_mosaic.version = 14 : i64} {
  func.func @_gemm_body(%arg0: i32, %arg1: i32, %arg2: memref<12544x128xf32, #tpu.memory_space<vmem>>, %arg3: memref<1x128x128xf32, #tpu.memory_space<vmem>>, %arg4: memref<12544x128xf32, #tpu.memory_space<vmem>>) attributes {dimension_semantics = [#tpu.dimension_semantics<arbitrary>, #tpu.dimension_semantics<arbitrary>], iteration_bounds = array<i64: 4, 27>, scalar_prefetch = 0 : i64, scratch_operands = 0 : i64, tpu.core_type = #tpu.core_type<tc>, window_params = [{transform_indices = @transform_0, window_bounds = array<i64: 12544, 128>}, {transform_indices = @transform_1, window_bounds = array<i64: 1, 128, 128>}, {transform_indices = @transform_2, window_bounds = array<i64: 12544, 128>}]} {
    %get3A = arith.constant 0 : index
    %get3A_0 = arith.constant 0 : index
    %get3A_1 = vector.load %arg2[%get3A, %get3A_0] : memref<12544x128xf32, #tpu.memory_space<vmem>>, vector<12544x128xf32>
    %convert_element_type3A = arith.truncf %get3A_1 : vector<12544x128xf32> to vector<12544x128xbf16>
    %get3A_2 = arith.constant 0 : index
    %get3A_3 = arith.constant 0 : index
    %get3A_4 = arith.constant 0 : index
    %get3A_5 = vector.load %arg3[%get3A_2, %get3A_3, %get3A_4] : memref<1x128x128xf32, #tpu.memory_space<vmem>>, vector<1x128x128xf32>
    %get3A_6 = vector.shape_cast %get3A_5 : vector<1x128x128xf32> to vector<128x128xf32>
    %convert_element_type3A_7 = arith.truncf %get3A_6 : vector<128x128xf32> to vector<128x128xbf16>
    %dot_general3A = arith.constant dense<0.000000e+00> : vector<12544x128xf32>
    %dot_general3A_8 = tpu.matmul %convert_element_type3A, %convert_element_type3A_7, %dot_general3A {dimension_numbers = #tpu.dot_dimension_numbers<[1], [0], [0], [1], [0, 0, 1, 1], [], []>, transpose_lhs_hint = false} : vector<12544x128xbf16>, vector<128x128xbf16>, vector<12544x128xf32> -> vector<12544x128xf32>
    %swap3A = arith.constant 0 : index
    %swap3A_9 = arith.constant 0 : index
    %swap3A_10 = vector.load %arg4[%swap3A, %swap3A_9] : memref<12544x128xf32, #tpu.memory_space<vmem>>, vector<12544x128xf32>
    tpu.vector_store %arg4[%swap3A, %swap3A_9], %dot_general3A_8 {strides = array<i32>} : memref<12544x128xf32, #tpu.memory_space<vmem>>, vector<12544x128xf32>,
    return
  }
  func.func @transform_0(%arg0: i32, %arg1: i32) -> (i32, i32) {
    %c0_i32 = arith.constant 0 : i32
    %c0_i32_0 = arith.constant 0 : i32
    return %arg0, %c0_i32 : i32, i32
  }
  func.func @transform_1(%arg0: i32, %arg1: i32) -> (i32, i32, i32) {
    %c0_i32 = arith.constant 0 : i32
    %c0_i32_0 = arith.constant 0 : i32
    %c0_i32_1 = arith.constant 0 : i32
    return %arg1, %c0_i32, %c0_i32_0 : i32, i32, i32
  }
  func.func @transform_2(%arg0: i32, %arg1: i32) -> (i32, i32) {
    %mul3A = arith.constant 4 : i32
    %mul3A_0 = arith.muli %arg1, %mul3A : i32
    %add3A = arith.addi %mul3A_0, %arg0 : i32
    %c0_i32 = arith.constant 0 : i32
    %c0_i32_1 = arith.constant 0 : i32
    return %add3A, %c0_i32 : i32, i32
  }
}

module attributes {stable_mosaic.version = 14 : i64} {
  func.func @_stats_body(%arg0: i32, %arg1: memref<12544x128xf32, #tpu.memory_space<vmem>>, %arg2: memref<8x128xf32, #tpu.memory_space<vmem>>) attributes {dimension_semantics = [#tpu.dimension_semantics<arbitrary>], iteration_bounds = array<i64: 4>, scalar_prefetch = 0 : i64, scratch_operands = 0 : i64, tpu.core_type = #tpu.core_type<tc>, window_params = [{transform_indices = @transform_0, window_bounds = array<i64: 12544, 128>}, {pipeline_mode = #tpu.pipeline_mode<synchronous>, transform_indices = @transform_1, window_bounds = array<i64: 8, 128>}]} {
    %eq3A = arith.constant 0 : i32
    %eq3A_0 = arith.cmpi eq, %arg0, %eq3A : i32
    %convert_element_type3A = arith.extui %eq3A_0 : i1 to i32
    %cond3A = arith.constant 0 : i32
    %cond3A_1 = arith.cmpi ne, %convert_element_type3A, %cond3A : i32
    scf.if %cond3A_1 {
      %broadcast_in_dim3A_20 = arith.constant 0.000000e+00 : f32
      %broadcast_in_dim3A_21 = vector.broadcast %broadcast_in_dim3A_20 : f32 to vector<8x128xf32>
      %swap3A_22 = arith.constant 0 : index
      %swap3A_23 = arith.constant 0 : index
      %swap3A_24 = vector.load %arg2[%swap3A_22, %swap3A_23] : memref<8x128xf32, #tpu.memory_space<vmem>>, vector<8x128xf32>
      tpu.vector_store %arg2[%swap3A_22, %swap3A_23], %broadcast_in_dim3A_21 {strides = array<i32>} : memref<8x128xf32, #tpu.memory_space<vmem>>, vector<8x128xf32>,
    } else {
    }
    %get3A = arith.constant 0 : index
    %get3A_2 = arith.constant 0 : index
    %get3A_3 = vector.load %arg1[%get3A, %get3A_2] : memref<12544x128xf32, #tpu.memory_space<vmem>>, vector<12544x128xf32>
    %get3A_4 = arith.constant 0 : index
    %get3A_5 = arith.constant 0 : index
    %get3A_6 = vector.load %arg2[%get3A_4, %get3A_5] : memref<8x128xf32, #tpu.memory_space<vmem>>, vector<1x128xf32>
    %reduce_sum3A = arith.constant dense<0.000000e+00> : vector<128xf32>
    %reduce_sum3A_7 = vector.multi_reduction <add>, %get3A_3, %reduce_sum3A [0] : vector<12544x128xf32> to vector<128xf32>
    %broadcast_in_dim3A = vector.shape_cast %reduce_sum3A_7 : vector<128xf32> to vector<1x128xf32>
    %add3A = arith.addf %get3A_6, %broadcast_in_dim3A : vector<1x128xf32>
    %swap3A = arith.constant 0 : index
    %swap3A_8 = arith.constant 0 : index
    %swap3A_9 = vector.load %arg2[%swap3A, %swap3A_8] : memref<8x128xf32, #tpu.memory_space<vmem>>, vector<1x128xf32>
    tpu.vector_store %arg2[%swap3A, %swap3A_8], %add3A {strides = array<i32>} : memref<8x128xf32, #tpu.memory_space<vmem>>, vector<1x128xf32>,
    %get3A_10 = arith.constant 1 : index
    %get3A_11 = arith.constant 0 : index
    %get3A_12 = vector.load %arg2[%get3A_10, %get3A_11] : memref<8x128xf32, #tpu.memory_space<vmem>>, vector<1x128xf32>
    %mul3A = arith.mulf %get3A_3, %get3A_3 : vector<12544x128xf32>
    %reduce_sum3A_13 = arith.constant dense<0.000000e+00> : vector<128xf32>
    %reduce_sum3A_14 = vector.multi_reduction <add>, %mul3A, %reduce_sum3A_13 [0] : vector<12544x128xf32> to vector<128xf32>
    %broadcast_in_dim3A_15 = vector.shape_cast %reduce_sum3A_14 : vector<128xf32> to vector<1x128xf32>
    %add3A_16 = arith.addf %get3A_12, %broadcast_in_dim3A_15 : vector<1x128xf32>
    %swap3A_17 = arith.constant 1 : index
    %swap3A_18 = arith.constant 0 : index
    %swap3A_19 = vector.load %arg2[%swap3A_17, %swap3A_18] : memref<8x128xf32, #tpu.memory_space<vmem>>, vector<1x128xf32>
    tpu.vector_store %arg2[%swap3A_17, %swap3A_18], %add3A_16 {strides = array<i32>} : memref<8x128xf32, #tpu.memory_space<vmem>>, vector<1x128xf32>,
    return
  }
  func.func @transform_0(%arg0: i32) -> (i32, i32) {
    %c0_i32 = arith.constant 0 : i32
    %c0_i32_0 = arith.constant 0 : i32
    return %arg0, %c0_i32 : i32, i32
  }
  func.func @transform_1(%arg0: i32) -> (i32, i32) {
    %c0_i32 = arith.constant 0 : i32
    %c0_i32_0 = arith.constant 0 : i32
    %c0_i32_1 = arith.constant 0 : i32
    return %c0_i32, %c0_i32_0 : i32, i32
  }
}

module attributes {stable_mosaic.version = 14 : i64} {
  func.func @_gemm_bn_body(%arg0: i32, %arg1: i32, %arg2: memref<12544x128xf32, #tpu.memory_space<vmem>>, %arg3: memref<8x128xf32, #tpu.memory_space<vmem>>, %arg4: memref<1x128xf32, #tpu.memory_space<vmem>>, %arg5: memref<1x128xf32, #tpu.memory_space<vmem>>, %arg6: memref<1x128x128xf32, #tpu.memory_space<vmem>>, %arg7: memref<12544x128xf32, #tpu.memory_space<vmem>>) attributes {dimension_semantics = [#tpu.dimension_semantics<arbitrary>, #tpu.dimension_semantics<arbitrary>], iteration_bounds = array<i64: 4, 27>, scalar_prefetch = 0 : i64, scratch_operands = 0 : i64, tpu.core_type = #tpu.core_type<tc>, window_params = [{transform_indices = @transform_0, window_bounds = array<i64: 12544, 128>}, {pipeline_mode = #tpu.pipeline_mode<synchronous>, transform_indices = @transform_1, window_bounds = array<i64: 8, 128>}, {pipeline_mode = #tpu.pipeline_mode<synchronous>, transform_indices = @transform_2, window_bounds = array<i64: 1, 128>}, {pipeline_mode = #tpu.pipeline_mode<synchronous>, transform_indices = @transform_3, window_bounds = array<i64: 1, 128>}, {transform_indices = @transform_4, window_bounds = array<i64: 1, 128, 128>}, {transform_indices = @transform_5, window_bounds = array<i64: 12544, 128>}]} {
    %get3A = arith.constant 0 : index
    %get3A_0 = arith.constant 0 : index
    %get3A_1 = vector.load %arg3[%get3A, %get3A_0] : memref<8x128xf32, #tpu.memory_space<vmem>>, vector<1x128xf32>
    %mul3A = arith.constant 2.000000e-05 : f32
    %mul3A_2 = vector.broadcast %mul3A : f32 to vector<1x128xf32>
    %mul3A_3 = arith.mulf %get3A_1, %mul3A_2 : vector<1x128xf32>
    %get3A_4 = arith.constant 1 : index
    %get3A_5 = arith.constant 0 : index
    %get3A_6 = vector.load %arg3[%get3A_4, %get3A_5] : memref<8x128xf32, #tpu.memory_space<vmem>>, vector<1x128xf32>
    %mul3A_7 = arith.constant 2.000000e-05 : f32
    %mul3A_8 = vector.broadcast %mul3A_7 : f32 to vector<1x128xf32>
    %mul3A_9 = arith.mulf %get3A_6, %mul3A_8 : vector<1x128xf32>
    %mul3A_10 = arith.mulf %mul3A_3, %mul3A_3 : vector<1x128xf32>
    %sub3A = arith.subf %mul3A_9, %mul3A_10 : vector<1x128xf32>
    %add3A = arith.constant 9.99999974E-6 : f32
    %add3A_11 = vector.broadcast %add3A : f32 to vector<1x128xf32>
    %add3A_12 = arith.addf %sub3A, %add3A_11 : vector<1x128xf32>
    %rsqrt3A = math.rsqrt %add3A_12 : vector<1x128xf32>
    %get3A_13 = arith.constant 0 : index
    %get3A_14 = arith.constant 0 : index
    %get3A_15 = vector.load %arg2[%get3A_13, %get3A_14] : memref<12544x128xf32, #tpu.memory_space<vmem>>, vector<12544x128xf32>
    %sub3A_16 = vector.broadcast %mul3A_3 : vector<1x128xf32> to vector<12544x128xf32>
    %sub3A_17 = arith.subf %get3A_15, %sub3A_16 : vector<12544x128xf32>
    %get3A_18 = arith.constant 0 : index
    %get3A_19 = arith.constant 0 : index
    %get3A_20 = vector.load %arg4[%get3A_18, %get3A_19] : memref<1x128xf32, #tpu.memory_space<vmem>>, vector<1x128xf32>
    %mul3A_21 = arith.mulf %rsqrt3A, %get3A_20 : vector<1x128xf32>
    %mul3A_22 = vector.broadcast %mul3A_21 : vector<1x128xf32> to vector<12544x128xf32>
    %mul3A_23 = arith.mulf %sub3A_17, %mul3A_22 : vector<12544x128xf32>
    %get3A_24 = arith.constant 0 : index
    %get3A_25 = arith.constant 0 : index
    %get3A_26 = vector.load %arg5[%get3A_24, %get3A_25] : memref<1x128xf32, #tpu.memory_space<vmem>>, vector<1x128xf32>
    %add3A_27 = vector.broadcast %get3A_26 : vector<1x128xf32> to vector<12544x128xf32>
    %add3A_28 = arith.addf %mul3A_23, %add3A_27 : vector<12544x128xf32>
    %max3A = arith.constant 0.000000e+00 : f32
    %max3A_29 = vector.broadcast %max3A : f32 to vector<12544x128xf32>
    %max3A_30 = arith.maximumf %add3A_28, %max3A_29 : vector<12544x128xf32>
    %mul3A_31 = arith.constant 12544 : i32
    %mul3A_32 = arith.muli %arg0, %mul3A_31 : i32
    %iota3A = tpu.iota {dimensions = array<i32: 0>} : vector<12544x1xi32>
    %add3A_33 = vector.broadcast %mul3A_32 : i32 to vector<12544x1xi32>
    %add3A_34 = arith.addi %add3A_33, %iota3A : vector<12544x1xi32>
    %lt3A = arith.constant 50000 : i32
    %lt3A_35 = vector.broadcast %lt3A : i32 to vector<12544x1xi32>
    %lt3A_36 = arith.cmpi slt, %add3A_34, %lt3A_35 : vector<12544x1xi32>
    %jit3A = arith.constant 0.000000e+00 : f32
    %broadcast_in_dim3A = vector.shape_cast %lt3A_36 : vector<12544x1xi1> to vector<12544x1xi1>
    %broadcast_in_dim3A_37 = vector.broadcast %broadcast_in_dim3A : vector<12544x1xi1> to vector<12544x128xi1>
    %broadcast_in_dim3A_38 = vector.broadcast %jit3A : f32 to vector<12544x128xf32>
    %select_n3A = arith.select %broadcast_in_dim3A_37, %max3A_30, %broadcast_in_dim3A_38 : vector<12544x128xi1>, vector<12544x128xf32>
    %convert_element_type3A = arith.truncf %select_n3A : vector<12544x128xf32> to vector<12544x128xbf16>
    %get3A_39 = arith.constant 0 : index
    %get3A_40 = arith.constant 0 : index
    %get3A_41 = arith.constant 0 : index
    %get3A_42 = vector.load %arg6[%get3A_39, %get3A_40, %get3A_41] : memref<1x128x128xf32, #tpu.memory_space<vmem>>, vector<1x128x128xf32>
    %get3A_43 = vector.shape_cast %get3A_42 : vector<1x128x128xf32> to vector<128x128xf32>
    %convert_element_type3A_44 = arith.truncf %get3A_43 : vector<128x128xf32> to vector<128x128xbf16>
    %dot_general3A = arith.constant dense<0.000000e+00> : vector<12544x128xf32>
    %dot_general3A_45 = tpu.matmul %convert_element_type3A, %convert_element_type3A_44, %dot_general3A {dimension_numbers = #tpu.dot_dimension_numbers<[1], [0], [0], [1], [0, 0, 1, 1], [], []>, transpose_lhs_hint = false} : vector<12544x128xbf16>, vector<128x128xbf16>, vector<12544x128xf32> -> vector<12544x128xf32>
    %swap3A = arith.constant 0 : index
    %swap3A_46 = arith.constant 0 : index
    %swap3A_47 = vector.load %arg7[%swap3A, %swap3A_46] : memref<12544x128xf32, #tpu.memory_space<vmem>>, vector<12544x128xf32>
    tpu.vector_store %arg7[%swap3A, %swap3A_46], %dot_general3A_45 {strides = array<i32>} : memref<12544x128xf32, #tpu.memory_space<vmem>>, vector<12544x128xf32>,
    return
  }
  func.func @transform_0(%arg0: i32, %arg1: i32) -> (i32, i32) {
    %c0_i32 = arith.constant 0 : i32
    %c0_i32_0 = arith.constant 0 : i32
    return %arg0, %c0_i32 : i32, i32
  }
  func.func @transform_1(%arg0: i32, %arg1: i32) -> (i32, i32) {
    %c0_i32 = arith.constant 0 : i32
    %c0_i32_0 = arith.constant 0 : i32
    %c0_i32_1 = arith.constant 0 : i32
    return %c0_i32, %c0_i32_0 : i32, i32
  }
  func.func @transform_2(%arg0: i32, %arg1: i32) -> (i32, i32) {
    %c0_i32 = arith.constant 0 : i32
    %c0_i32_0 = arith.constant 0 : i32
    %c0_i32_1 = arith.constant 0 : i32
    return %c0_i32, %c0_i32_0 : i32, i32
  }
  func.func @transform_3(%arg0: i32, %arg1: i32) -> (i32, i32) {
    %c0_i32 = arith.constant 0 : i32
    %c0_i32_0 = arith.constant 0 : i32
    %c0_i32_1 = arith.constant 0 : i32
    return %c0_i32, %c0_i32_0 : i32, i32
  }
  func.func @transform_4(%arg0: i32, %arg1: i32) -> (i32, i32, i32) {
    %c0_i32 = arith.constant 0 : i32
    %c0_i32_0 = arith.constant 0 : i32
    %c0_i32_1 = arith.constant 0 : i32
    return %arg1, %c0_i32, %c0_i32_0 : i32, i32, i32
  }
  func.func @transform_5(%arg0: i32, %arg1: i32) -> (i32, i32) {
    %mul3A = arith.constant 4 : i32
    %mul3A_0 = arith.muli %arg1, %mul3A : i32
    %add3A = arith.addi %mul3A_0, %arg0 : i32
    %c0_i32 = arith.constant 0 : i32
    %c0_i32_1 = arith.constant 0 : i32
    return %add3A, %c0_i32 : i32, i32
  }
}

module attributes {stable_mosaic.version = 14 : i64} {
  func.func @_bn_relu_body(%arg0: i32, %arg1: memref<2000x128xf32, #tpu.memory_space<vmem>>, %arg2: memref<8x128xf32, #tpu.memory_space<vmem>>, %arg3: memref<1x128xf32, #tpu.memory_space<vmem>>, %arg4: memref<1x128xf32, #tpu.memory_space<vmem>>, %arg5: memref<2000x128xf32, #tpu.memory_space<vmem>>) attributes {dimension_semantics = [#tpu.dimension_semantics<arbitrary>], iteration_bounds = array<i64: 25>, scalar_prefetch = 0 : i64, scratch_operands = 0 : i64, tpu.core_type = #tpu.core_type<tc>, window_params = [{transform_indices = @transform_0, window_bounds = array<i64: 2000, 128>}, {pipeline_mode = #tpu.pipeline_mode<synchronous>, transform_indices = @transform_1, window_bounds = array<i64: 8, 128>}, {pipeline_mode = #tpu.pipeline_mode<synchronous>, transform_indices = @transform_2, window_bounds = array<i64: 1, 128>}, {pipeline_mode = #tpu.pipeline_mode<synchronous>, transform_indices = @transform_3, window_bounds = array<i64: 1, 128>}, {transform_indices = @transform_4, window_bounds = array<i64: 2000, 128>}]} {
    %get3A = arith.constant 0 : index
    %get3A_0 = arith.constant 0 : index
    %get3A_1 = vector.load %arg2[%get3A, %get3A_0] : memref<8x128xf32, #tpu.memory_space<vmem>>, vector<1x128xf32>
    %mul3A = arith.constant 2.000000e-05 : f32
    %mul3A_2 = vector.broadcast %mul3A : f32 to vector<1x128xf32>
    %mul3A_3 = arith.mulf %get3A_1, %mul3A_2 : vector<1x128xf32>
    %get3A_4 = arith.constant 1 : index
    %get3A_5 = arith.constant 0 : index
    %get3A_6 = vector.load %arg2[%get3A_4, %get3A_5] : memref<8x128xf32, #tpu.memory_space<vmem>>, vector<1x128xf32>
    %mul3A_7 = arith.constant 2.000000e-05 : f32
    %mul3A_8 = vector.broadcast %mul3A_7 : f32 to vector<1x128xf32>
    %mul3A_9 = arith.mulf %get3A_6, %mul3A_8 : vector<1x128xf32>
    %mul3A_10 = arith.mulf %mul3A_3, %mul3A_3 : vector<1x128xf32>
    %sub3A = arith.subf %mul3A_9, %mul3A_10 : vector<1x128xf32>
    %add3A = arith.constant 9.99999974E-6 : f32
    %add3A_11 = vector.broadcast %add3A : f32 to vector<1x128xf32>
    %add3A_12 = arith.addf %sub3A, %add3A_11 : vector<1x128xf32>
    %rsqrt3A = math.rsqrt %add3A_12 : vector<1x128xf32>
    %get3A_13 = arith.constant 0 : index
    %get3A_14 = arith.constant 0 : index
    %get3A_15 = vector.load %arg1[%get3A_13, %get3A_14] : memref<2000x128xf32, #tpu.memory_space<vmem>>, vector<2000x128xf32>
    %sub3A_16 = vector.broadcast %mul3A_3 : vector<1x128xf32> to vector<2000x128xf32>
    %sub3A_17 = arith.subf %get3A_15, %sub3A_16 : vector<2000x128xf32>
    %get3A_18 = arith.constant 0 : index
    %get3A_19 = arith.constant 0 : index
    %get3A_20 = vector.load %arg3[%get3A_18, %get3A_19] : memref<1x128xf32, #tpu.memory_space<vmem>>, vector<1x128xf32>
    %mul3A_21 = arith.mulf %rsqrt3A, %get3A_20 : vector<1x128xf32>
    %mul3A_22 = vector.broadcast %mul3A_21 : vector<1x128xf32> to vector<2000x128xf32>
    %mul3A_23 = arith.mulf %sub3A_17, %mul3A_22 : vector<2000x128xf32>
    %get3A_24 = arith.constant 0 : index
    %get3A_25 = arith.constant 0 : index
    %get3A_26 = vector.load %arg4[%get3A_24, %get3A_25] : memref<1x128xf32, #tpu.memory_space<vmem>>, vector<1x128xf32>
    %add3A_27 = vector.broadcast %get3A_26 : vector<1x128xf32> to vector<2000x128xf32>
    %add3A_28 = arith.addf %mul3A_23, %add3A_27 : vector<2000x128xf32>
    %max3A = arith.constant 0.000000e+00 : f32
    %max3A_29 = vector.broadcast %max3A : f32 to vector<2000x128xf32>
    %max3A_30 = arith.maximumf %add3A_28, %max3A_29 : vector<2000x128xf32>
    %swap3A = arith.constant 0 : index
    %swap3A_31 = arith.constant 0 : index
    %swap3A_32 = vector.load %arg5[%swap3A, %swap3A_31] : memref<2000x128xf32, #tpu.memory_space<vmem>>, vector<2000x128xf32>
    tpu.vector_store %arg5[%swap3A, %swap3A_31], %max3A_30 {strides = array<i32>} : memref<2000x128xf32, #tpu.memory_space<vmem>>, vector<2000x128xf32>,
    return
  }
  func.func @transform_0(%arg0: i32) -> (i32, i32) {
    %c0_i32 = arith.constant 0 : i32
    %c0_i32_0 = arith.constant 0 : i32
    return %arg0, %c0_i32 : i32, i32
  }
  func.func @transform_1(%arg0: i32) -> (i32, i32) {
    %c0_i32 = arith.constant 0 : i32
    %c0_i32_0 = arith.constant 0 : i32
    %c0_i32_1 = arith.constant 0 : i32
    return %c0_i32, %c0_i32_0 : i32, i32
  }
  func.func @transform_2(%arg0: i32) -> (i32, i32) {
    %c0_i32 = arith.constant 0 : i32
    %c0_i32_0 = arith.constant 0 : i32
    %c0_i32_1 = arith.constant 0 : i32
    return %c0_i32, %c0_i32_0 : i32, i32
  }
  func.func @transform_3(%arg0: i32) -> (i32, i32) {
    %c0_i32 = arith.constant 0 : i32
    %c0_i32_0 = arith.constant 0 : i32
    %c0_i32_1 = arith.constant 0 : i32
    return %c0_i32, %c0_i32_0 : i32, i32
  }
  func.func @transform_4(%arg0: i32) -> (i32, i32) {
    %c0_i32 = arith.constant 0 : i32
    %c0_i32_0 = arith.constant 0 : i32
    return %arg0, %c0_i32 : i32, i32
  }
}

</mosaic_0001>

<sc_bundles>
// kernel: kernel.12.cloned.1.call-start
scs
__scs_entry_jumppad:
0x0: {  	(pc) =	sbr.rel $0x88, $3  }
0x1: {  	(tag) =	ssettag $0x0;
	lr =	simm.s32 $0x1  }
0x2: {  	[smem:$0x3F98] =	sst lr;
	_ =	strace $0xD0000000  }
0x3: {  	_ = 	snop  }
0x4: {  	_ = 	snop  }
0x5: {  	_ = 	snop  }
0x6: {  	_ = 	snop  }
0x7: {  	_ = 	snop  }
__scs_overlays_trampoline_lowered:
0x8: {  	[smem:$0x3FA7] =	sst s0  }
0x9: {  	[smem:$0x3FA8] =	sst s1  }
0xa: {  	[smem:$0x3FA9] =	sst s2  }
0xb: {  	[smem:$0x3FAA] =	sst s3  }
0xc: {  	[smem:$0x3FAB] =	sst s4  }
0xd: {  	[smem:$0x3FAC] =	sst s5  }
0xe: {  	[smem:$0x3FAD] =	sst s6  }
0xf: {  	[smem:$0x3FAE] =	sst s7  }
0x10: {  	[smem:$0x3FAF] =	sst s8  }
0x11: {  	[smem:$0x3FB0] =	sst s9;
	s0 =	simm.s32 @!p0 $0x0  }
0x12: {  	s1 =	sld [smem:$0x3F96];
	s0 =	simm.s32 @p0 $0x1  }
0x13: {  	[smem:$0x3FB1] =	sst s0;
	s0 =	simm.s32 @!p1 $0x0  }
0x14: {  	s2 =	sld [smem:$0x3F95];
	s0 =	simm.s32 @p1 $0x1  }
0x15: {  	[smem:$0x3FB2] =	sst s0;
	s0 =	simm.s32 @!p2 $0x0  }
0x16: {  	s3 =	sld [smem:$0x3FDB];
	s0 =	simm.s32 @p2 $0x1  }
0x17: {  	s4 =	simm.s32 $0x1BF5;
	[smem:$0x3FB4] =	sst s0  }
0x18: {  	s0 =	sld [smem:$0x3F97];
	_ =	swait.ge [sflag:s4], $0x0  }
0x19: {  	s7 =	sld [smem:$0x3F98]  }
0x1a: {  	s8 =	sadd.s32 $0xFFFFE003, lr  }
0x1b: {  	s9 =	sadd.s32 $0xFFFFFEF7, lr;
	s5 =	simm.s32 $0xFFFFFFFF;
	p2 =	slt.u32 s8, $0xFFFFF086  }
0x1c: {  	p1 =	slt.u32 s9, $0xF7A;
	s5 =	simm.s32 @!p2 $0x0  }
0x1d: {  	s5 =	simm.s32 @p1 $0x1;
	p0 =	seq.s32 s7, s2  }
0x1e: {  	s7 =	smul.u32 @!p0 $0xF7A, s2;
	p2 =	seq.s32 @!p0 s5, $0x0  }
0x1f: {  	s9 =	smul.u32 $0xF7A, s1;
	s8 =	simm.s32 @!p0 $0x1BF5;
	p2 =	por !p2, p0  }
0x20: {  	[sflag:s8] =	ssyncset.s32 @!p0 $0xFFFFF086;
	s6 =	sadd.s32 @!p0 s3, s7;
	s7 =	simm.s32 @!p0 $0x108  }
0x21: {  	s3 =	sadd.s32 s3, s9;
	s6 =	sadd.s32 @!p0 $0x88, s6;
	s7 =	simm.s32 @p2 $0x1082  }
0x22: {  	[simem:s7], [sflag:s8] =	dma.local @!p0 [hbm:s6], $0xF7A  }
0x23: {  	s9 =	sor.u32 $0xD0000000, s2;
	s6 =	simm.s32 $0x108;
	_ =	swait.ge @!p0 [sflag:s8], $0x0  }
0x24: {  	s3 =	sadd.s32 $0x88, s3;
	s6 =	simm.s32 @!p1 $0x1082;
	[sflag:s4] =	ssyncset.s32 $0xFFFFF086  }
0x25: {  	[simem:s6], [sflag:s4] =	dma.local [hbm:s3], $0xF7A  }
0x26: {  	[smem:$0x3F98] =	sst s1;
	(tag) =	ssettag s2;
	_ =	strace s9  }
0x27: {  	s1 =	sld [smem:$0x3FA8]  }
0x28: {  	s2 =	sld [smem:$0x3FA9]  }
0x29: {  	s4 =	sld [smem:$0x3FAB]  }
0x2a: {  	p0 =	seq.s32 s5, $0x0;
	s5 =	sld [smem:$0x3FAC]  }
0x2b: {  	s6 =	sld [smem:$0x3FAD]  }
0x2c: {  	s7 =	sld [smem:$0x3FAE]  }
0x2d: {  	s3 =	simm.s32 $0x108;
	s8 =	sld [smem:$0x3FAF]  }
0x2e: {  	s3 =	simm.s32 @!p0 $0x1082;
	s9 =	sld [smem:$0x3FB0]  }
0x2f: {  	lr =	sadd.s32 s0, s3;
	s0 =	sld [smem:$0x3FA7]  }
0x30: {  	s3 =	sld [smem:$0x3FAA]  }
0x31: {  	[smem:$0x3FB3] =	sst s10  }
0x32: {  	s10 =	sld [smem:$0x3FB1];
	_ =	sdelay $0x3  }
0x33: {  	p0 =	seq.s32 s10, $0x1;
	s10 =	sld [smem:$0x3FB3];
	_ =	sdelay $0x3  }
0x34: {  	[smem:$0x3FB3] =	sst s10  }
0x35: {  	s10 =	sld [smem:$0x3FB2];
	_ =	sdelay $0x3  }
0x36: {  	p1 =	seq.s32 s10, $0x1;
	s10 =	sld [smem:$0x3FB3];
	_ =	sdelay $0x3  }
0x37: {  	[smem:$0x3FB3] =	sst s10  }
0x38: {  	s10 =	sld [smem:$0x3FB4]  }
0x39: {  	_ = 	snop;
	(pc) =	sbr.ind lr, $3  }
0x3a: {  	_ = 	snop  }
0x3b: {  	_ = 	snop  }
0x3c: {  	p2 =	seq.s32 s10, $0x1;
	s10 =	sld [smem:$0x3FB3]  }
0x3d: {  	_ =	shalt  }
0x3e: {  	_ =	shalt  }
0x3f: {  	_ =	shalt  }
0x40: {  	_ =	shalt  }
0x41: {  	_ =	shalt  }
0x42: {  	_ =	shalt  }
0x43: {  	_ =	shalt  }
0x44: {  	_ =	shalt  }
0x45: {  	_ =	shalt  }
0x46: {  	_ =	shalt  }
0x47: {  	_ =	shalt  }
0x48: {  	_ =	shalt  }
0x49: {  	_ =	shalt  }
0x4a: {  	_ =	shalt  }
0x4b: {  	_ =	shalt  }
0x4c: {  	_ =	shalt  }
0x4d: {  	_ =	shalt  }
0x4e: {  	_ =	shalt  }
0x4f: {  	_ =	shalt  }
0x50: {  	_ =	shalt  }
0x51: {  	_ =	shalt  }
0x52: {  	_ =	shalt  }
0x53: {  	_ =	shalt  }
0x54: {  	_ =	shalt  }
0x55: {  	_ =	shalt  }
0x56: {  	_ =	shalt  }
0x57: {  	_ =	shalt  }
0x58: {  	_ =	shalt  }
0x59: {  	_ =	shalt  }
0x5a: {  	_ =	shalt  }
0x5b: {  	_ =	shalt  }
0x5c: {  	_ =	shalt  }
0x5d: {  	_ =	shalt  }
0x5e: {  	_ =	shalt  }
0x5f: {  	_ =	shalt  }
0x60: {  	_ =	shalt  }
0x61: {  	_ =	shalt  }
0x62: {  	_ =	shalt  }
0x63: {  	_ =	shalt  }
0x64: {  	_ =	shalt  }
0x65: {  	_ =	shalt  }
0x66: {  	_ =	shalt  }
0x67: {  	_ =	shalt  }
0x68: {  	_ =	shalt  }
0x69: {  	_ =	shalt  }
0x6a: {  	_ =	shalt  }
0x6b: {  	_ =	shalt  }
0x6c: {  	_ =	shalt  }
0x6d: {  	_ =	shalt  }
0x6e: {  	_ =	shalt  }
0x6f: {  	_ =	shalt  }
0x70: {  	_ =	shalt  }
0x71: {  	_ =	shalt  }
0x72: {  	_ =	shalt  }
0x73: {  	_ =	shalt  }
0x74: {  	_ =	shalt  }
0x75: {  	_ =	shalt  }
0x76: {  	_ =	shalt  }
0x77: {  	_ =	shalt  }
0x78: {  	_ =	shalt  }
0x79: {  	_ =	shalt  }
0x7a: {  	_ =	shalt  }
0x7b: {  	_ =	shalt  }
0x7c: {  	_ =	shalt  }
0x7d: {  	_ =	shalt  }
0x7e: {  	_ =	shalt  }
0x7f: {  	_ =	shalt  }
0x80: {  	_ =	shalt  }
0x81: {  	_ =	shalt  }
0x82: {  	_ =	shalt  }
0x83: {  	_ =	shalt  }
0x84: {  	_ =	shalt  }
0x85: {  	_ =	shalt  }
0x86: {  	_ =	shalt  }
0x87: {  	_ =	shalt  }
.Lfunc_end0:
.L_simem_size_0:
called_computation.1_lowered:
.L_overlay_start_0:
0x88: {  	s2 =	sld [smem:$0x3FD9]  }
0x89: {  	s3 =	sld [smem:$0x3FFE];
	_ =	sdelay $0x1  }
0x8a: {  	s1 =	srdreg.scid  }
0x8b: {  	s0 =	sand.u32 $0x1, s1  }
0x8c: {  	s17 =	sshll.u32 s0, $0xA;
	s2 =	sadd.s32 s3, s2  }
0x8d: {  	s2 =	sadd.s32 s2, s17  }
0x8e: {  	[smem:$0x3FBF] =	sst s2  }
0x8f: {  	_ = 	snop  }
0x90: {  	s2 =	sld [smem:$0x3FD0];
	(tm) =	ssettm $0x1  }
0x91: {  	s18 =	sld [smem:$0x3FFB];
	_ =	sdelay $0x3  }
0x92: {  	_ =	strace s18  }
0x93: {  	s3 =	sld [smem:$0x3FFC];
	_ =	sdelay $0x3  }
0x94: {  	_ =	strace s3  }
0x95: {  	s3 =	sld [smem:$0x3FFD];
	_ =	sdelay $0x3  }
0x96: {  	_ =	strace s3  }
0x97: {  	_ =	strace $0x8FFFFFFF  }
0x98: {  	s19 =	sld [smem:$0x3FDB];
	_ =	sdelay $0x1  }
0x99: {  	s4 =	simm.s32 $_scs_section_size  }
0x9a: {  	s5 =	simm.s32 $_size__tile_overlayer_lowered;
	s6 =	simm.s32 $_tile_overlayer_lowered  }
0x9b: {  	s22 =	simm.s32 $0x1BFF;
	s21 =	sshll.u32 s6, $0x1;
	s3 =	sadd.s32 s4, s19  }
0x9c: {  	s7 =	simm.s32 $0x0;
	s20 =	sshll.u32 s5, $0x1;
	s5 =	sadd.s32 s21, s3  }
0x9d: {  	[timem:s7], [sflag:s22] =	dma.local [hbm:s5], s20  }
0x9e: {  	_ =	swait.ge [sflag:s22], s20  }
0x9f: {  	s4 =	ssub.s32 $0x0, s20;
	[sflag:s22] =	ssyncset.done $0x0  }
0xa0: {  	[sflag:s22] =	ssyncadd.s32 s4;
	_ =	sdelay $0x1  }
0xa1: {  	s23 =	simm.s32 $0x1B8B  }
0xa2: {  	_ =	swait.ge [sflag:s23], $0x1  }
0xa3: {  	[sflag:s23] =	ssyncset.done $0x0  }
0xa4: {  	s25 =	simm.s32 $0x1B8E;
	s24 =	sld [smem:$0x3FFE];
	[sflag:s23] =	ssyncadd.s32 $0xFFFFFFFF  }
0xa5: {  	s26 =	simm.s32 $execute0_lowered;
	[smem:$0x3FD2] =	sst s25  }
0xa6: {  	s5 =	sshll.u32 s26, $0x1;
	_ =	strace $0x80000049;
	[dreg:$0x1] =	wrdreg $0xFFFFFFFF  }
0xa7: {  	s28 =	simm.s32 $_size_execute0_lowered;
	s3 =	sadd.s32 s3, s5;
	[dreg:$0x0] =	wrdreg $0x0  }
0xa8: {  	s5 =	sshll.u32 s28, $0x1;
	[dreg:$0x2] =	wrdreg s3  }
0xa9: {  	[dreg:$0x3] =	wrdreg s5  }
0xaa: {  	[dreg:$0x4] =	wrdreg $0xC0  }
0xab: {  	_ =	task [dreg:s7], $0x5FFFF  }
0xac: {  	[dreg:$0x1] =	wrdreg $0xFFFFFFFF  }
0xad: {  	[dreg:$0x0] =	wrdreg $0x60  }
0xae: {  	[dreg:$0x2] =	wrdreg s24  }
0xaf: {  	[dreg:$0x3] =	wrdreg s2  }
0xb0: {  	[dreg:$0x4] =	wrdreg $0x9  }
0xb1: {  	_ =	task.clear_ibuf [dreg:s7], $0x5FFFF;
	_ =	strace $0x90000049  }
0xb2: {  	s29 =	simm.s32 $0x9;
	_ =	strace $0x8000004B  }
0xb3: {  	_ =	swait.ge [sflag:s29], $0x1  }
0xb4: {  	[sflag:s29] =	ssyncadd.s32 $0xFFFFFFFF  }
0xb5: {  	_ =	strace $0x9000004B  }
0xb6: {  	_ =	sfence  }
0xb7: {  	s30 =	sld [smem:$0x0];
	_ =	sdelay $0x2  }
0xb8: {  	s31 =	sshll.u32 s1, $0xD;
	s1 =	sshrl.u32 s1, $0x2  }
0xb9: {  	s3 =	sand.u32 $0x4000, s31;
	s1 =	sadd.s32 s1, s30  }
0xba: {  	s0 =	sor.u32 s3, s0;
	s1 =	sshll.u32 s1, $0x11  }
0xbb: {  	s0 =	sor.u32 s1, s0  }
0xbc: {  	s0 =	sadd.s32 $0x8F2B, s0  }
0xbd: {  	[sflag:s0] =	ssyncadd.remote.s32 $0x1  }
0xbe: {  	_ =	sfence.sel $0xFFFF  }
0xbf: {  	[dreg:$0x0] =	wrdreg $0xFFFFFFFF;
	(pc) =	sbr.abs _section_cstart, $3  }
0xc0: {  	[dreg:$0x1] =	wrdreg $0xFFFFFFFF  }
0xc1: {  	_ =	task.clear_ibuf [dreg:s7], $0x2FFFF;
	_ =	strace $0x9FFFFFFF  }
0xc2: {  	(tm) =	ssettm $0x7FFFFFFF  }
0xc3: {  	_ =	shalt  }
tec
execute0_lowered:
.L_overlay_start_1:
0x0: {  	(tag) =	ssettag $0x1  }
0x1: {  	s0 =	rddreg [dreg:$0x0];
	s2 =	simm.s32 $0x0;
	s1 =	srdreg.scid  }
0x2: {  	s3 =	stileid.u32;
	s9 =	simm.s32 $0x2;
	s10 =	simm.s32 $0x70  }
0x3: {  	s12 =	simm.s32 $0x4800;
	s14 =	simm.s32 $0x8000;
	s16 =	simm.s32 $0xB800  }
0x4: {  	s18 =	simm.s32 $0xF000;
	s20 =	simm.s32 $0x12800;
	s21 =	simm.s32 $0x1  }
0x5: {  	[smem:$0x7FF] =	sst s2;
	s1 =	sand.u32 $0x1, s1;
	s3 =	sshll.u32 s3, $0x1  }
0x6: {  	s4 =	sadd.s32 $0xC7000, s0;
	s29 =	ssub.s32 $0x2, s1;
	s1 =	sor.u32 s1, s3  }
0x7: {  	s0 =	sadd.s32 $0x3000, s0;
	s6 =	sshrl.u32 s29, $0x1;
	s31 =	smul.u32 $0x620, s1  }
0x8: {  	_ =	strace $0x8000004A;
	[dreg:$0x3] =	wrdreg s0;
	s30 =	ssub.s32 s29, s6  }
0x9: {  	s23 =	simm.s32 $0x1000;
	[dreg:$0x4] =	wrdreg s31;
	s0 =	smax.u32 s30, $0x1  }
0xa: {  	s7 =	smul.u32 $0xE, s1;
	s1 =	simm.s32 $0x0;
	[dreg:$0x5] =	wrdreg s0  }
.LBB2_1:
0xb: {  	[dreg:$0x6] =	wrdreg s1;
	s28 =	simm.s32 $0x0  }
.LBB2_2:
0xc: {  	s0 =	sadd.s32 s7, s28  }
0xd: {  	s1 =	rddreg [dreg:$0x1];
	s0 =	sshll.u32 s0, $0x9  }
0xe: {  	s3 =	simm.s32 $0x0;
	s0 =	sadd.s32 s1, s0  }
0xf: {  	[tilespmem:s3], [sflag:$0x2] =	stream.linear.gather [hbm4b:s0+s3], $0xD80, $0x38;
	[tilespmem:$0x19800] =	vst v63  }
0x10: {  	_ =	swait.ge [sflag:s9], $0xD80  }
0x11: {  	[sflag:s9] =	ssyncset.done $0x0  }
0x12: {  	s5 =	simm.s32 $0x1000;
	[sflag:s9] =	ssyncadd.s32 $0xFFFFF280  }
0x13: {  	[tilespmem:s5], [sflag:$0x1] =	stream.indirect.gather [hbm4b:s4+s10], $0x80, s3, s10, $0xb8;
	[tilespmem:$0x19800] =	vst v63  }
0x14: {  	s2 =	simm.s32 $0x80  }
0x15: {  	[tilespmem:s12], [sflag:$0x1] =	stream.indirect.gather [hbm4b:s4+s10], $0x80, s2, s10, $0xb8;
	[tilespmem:$0x19800] =	vst v63  }
0x16: {  	s6 =	simm.s32 $0x100  }
0x17: {  	[tilespmem:s14], [sflag:$0x1] =	stream.indirect.gather [hbm4b:s4+s10], $0x80, s6, s10, $0xb8;
	[tilespmem:$0x19800] =	vst v63  }
0x18: {  	s8 =	simm.s32 $0x180  }
0x19: {  	[tilespmem:s16], [sflag:$0x1] =	stream.indirect.gather [hbm4b:s4+s10], $0x80, s8, s10, $0xb8;
	[tilespmem:$0x19800] =	vst v63  }
0x1a: {  	s11 =	simm.s32 $0x200  }
0x1b: {  	[tilespmem:s18], [sflag:$0x1] =	stream.indirect.gather [hbm4b:s4+s10], $0x80, s11, s10, $0xb8;
	[tilespmem:$0x19800] =	vst v63  }
0x1c: {  	s13 =	simm.s32 $0x280  }
0x1d: {  	[tilespmem:s20], [sflag:$0x1] =	stream.indirect.gather [hbm4b:s4+s10], $0x80, s13, s10, $0xb8;
	[tilespmem:$0x19800] =	vst v63  }
0x1e: {  	_ =	swait.ge [sflag:s21], $0x3800  }
0x1f: {  	[sflag:s21] =	ssyncset.done $0x0  }
0x20: {  	[sflag:s21] =	ssyncadd.s32 $0xFFFFC800  }
0x21: {  	_ =	swait.ge [sflag:s21], $0x3800  }
0x22: {  	[sflag:s21] =	ssyncset.done $0x0  }
0x23: {  	[sflag:s21] =	ssyncadd.s32 $0xFFFFC800  }
0x24: {  	_ =	swait.ge [sflag:s21], $0x3800  }
0x25: {  	s15 =	sand.u32 $0x40, s3;
	[sflag:s21] =	ssyncset.done $0x0  }
0x26: {  	s1 =	sand.u32 $0x3F80, s3;
	s3 =	sor.u32 $0x30, s15;
	[sflag:s21] =	ssyncadd.s32 $0xFFFFC800  }
0x27: {  	s17 =	sadd.s32 $0x4800, s1;
	s8 =	sor.u32 s1, s3;
	v1 =	vld [tilespmem:s5+$0x0]  }
0x28: {  	s11 =	sor.u32 s3, s17;
	v0 =	vld [tilespmem:s8+$0x1000]  }
0x29: {  	s30 =	sor.u32 $0x8000, s1;
	s29 =	sor.u32 s15, s17;
	v2 =	vld [tilespmem:s11+$0x0]  }
0x2a: {  	s19 =	sor.u32 $0x10, s15;
	s3 =	sor.u32 s3, s30;
	v3 =	vld [tilespmem:s29+$0x0]  }
0x2b: {  	s22 =	sor.u32 $0x20, s15;
	s31 =	sor.u32 s1, s19;
	v4 =	vld [tilespmem:s3+$0x0]  }
0x2c: {  	s1 =	sor.u32 s1, s22;
	v5 =	vld [tilespmem:s31+$0x1000]  }
0x2d: {  	s0 =	sor.u32 s22, s17;
	v7 =	vld [tilespmem:s1+$0x1000]  }
0x2e: {  	s2 =	sor.u32 s15, s30;
	v8 =	vld [tilespmem:s0+$0x0]  }
0x2f: {  	s25 =	simm.s32 $0x40;
	s24 =	sor.u32 s19, s30;
	v9 =	vld [tilespmem:s2+$0x0]  }
0x30: {  	s26 =	sand.u32 $0x40, s25;
	s29 =	sor.u32 s19, s17;
	v10 =	vld [tilespmem:s24+$0x0]  }
0x31: {  	s3 =	sor.u32 s22, s30;
	s2 =	sand.u32 $0x3F80, s25;
	s5 =	sor.u32 $0x30, s26;
	v6 =	vld [tilespmem:s29+$0x0]  }
0x32: {  	v11 =	vld [tilespmem:s3+$0x0];
	s6 =	sadd.s32 $0x4800, s2;
	s30 =	sor.u32 s2, s5  }
0x33: {  	v13 =	vld [tilespmem:s30+$0x1000];
	s13 =	sor.u32 s5, s6  }
0x34: {  	s29 =	simm.s32 $0x1040;
	s17 =	sor.u32 $0x8000, s2;
	v0 =	vadd.f32 v2, v0;
	v2 =	vld [tilespmem:s13+$0x0]  }
0x35: {  	v12 =	vld [tilespmem:s29+$0x0];
	s0 =	sor.u32 s5, s17  }
0x36: {  	s19 =	sor.u32 $0x10, s26;
	s15 =	sor.u32 s26, s6;
	v7 =	vadd.f32 v8, v7;
	v8 =	vld [tilespmem:s0+$0x0];
	v5 =	vadd.f32 v6, v5  }
0x37: {  	s24 =	sor.u32 s19, s6;
	v6 =	vld [tilespmem:s15+$0x0];
	v4 =	vadd.f32 v4, v0  }
0x38: {  	s22 =	sor.u32 $0x20, s26;
	v3 =	vadd.f32 v3, v1;
	s0 =	sor.u32 s2, s19;
	v0 =	vld [tilespmem:s24+$0x0];
	v5 =	vadd.f32 v10, v5  }
0x39: {  	s25 =	sor.u32 s22, s6;
	[tilespmem:s8+$0x16000] =	vst v4;
	v4 =	vadd.f32 v11, v7;
	v7 =	vadd.f32 v2, v13;
	v2 =	vld [tilespmem:s0+$0x1000]  }
0x3a: {  	v1 =	vld [tilespmem:s25+$0x0];
	s2 =	sor.u32 s2, s22;
	[tilespmem:s31+$0x16000] =	vst v5;
	v5 =	vadd.f32 v9, v3  }
0x3b: {  	s3 =	simm.s32 $0x80;
	s26 =	sor.u32 s26, s17;
	s31 =	simm.s32 $0x16000;
	v3 =	vld [tilespmem:s2+$0x1000];
	[tilespmem:s1+$0x16000] =	vst v4  }
0x3c: {  	s11 =	sor.u32 s22, s17;
	s8 =	sor.u32 s19, s17;
	s1 =	simm.s32 $0x4;
	v4 =	vadd.f32 v6, v12;
	[tilespmem:s31+$0x0] =	vst v5;
	v5 =	vld [tilespmem:s26+$0x0];
	v6 =	vadd.f32 v8, v7  }
.LBB2_3:
0x3d: {  	s13 =	sand.u32 $0x40, s3;
	v7 =	vld [tilespmem:s8+$0x0];
	s29 =	sadd.s32 $0x40, s29;
	s31 =	sadd.s32 $0x40, s31  }
0x3e: {  	s8 =	sand.u32 $0x3F80, s3;
	s1 =	sadd.s32 $0x4, s1;
	s15 =	sor.u32 $0x30, s13;
	v0 =	vadd.f32 v0, v2;
	v2 =	vld [tilespmem:s11+$0x0];
	[tilespmem:s30+$0x16000] =	vst v6  }
0x3f: {  	s11 =	sadd.s32 $0x4800, s8;
	p0 =	slt.u32 s1, $0x37C;
	v6 =	vld [tilespmem:s29+$0x0];
	s30 =	sor.u32 s8, s15  }
0x40: {  	s17 =	sor.u32 $0x10, s13;
	s19 =	sor.u32 $0x20, s13;
	s22 =	sor.u32 s15, s11;
	v8 =	vld [tilespmem:s30+$0x1000];
	v1 =	vadd.f32 v1, v3  }
0x41: {  	s25 =	sor.u32 $0x8000, s8;
	s24 =	sor.u32 s13, s11;
	s26 =	sor.u32 s8, s17;
	v9 =	vld [tilespmem:s22+$0x0];
	v3 =	vadd.f32 v5, v4  }
0x42: {  	s15 =	sor.u32 s15, s25;
	s22 =	sor.u32 s17, s11;
	v4 =	vld [tilespmem:s24+$0x0];
	s24 =	sor.u32 s8, s19;
	v0 =	vadd.f32 v7, v0  }
0x43: {  	s13 =	sor.u32 s13, s25;
	s8 =	sor.u32 s17, s25;
	s17 =	sor.u32 s19, s11;
	v7 =	vld [tilespmem:s15+$0x0];
	[tilespmem:s31+$0x0] =	vst v3;
	v1 =	vadd.f32 v2, v1  }
.Ltmp0:
0x44: {  	s11 =	sor.u32 s19, s25;
	v2 =	vld [tilespmem:s26+$0x1000];
	[tilespmem:s0+$0x16000] =	vst v0;
	s0 =	smov.u32 s26;
	(pc) =	sbr.rel @p0 .LBB2_3-.Ltmp0, $4  }
0x45: {  	v0 =	vld [tilespmem:s22+$0x0];
	[tilespmem:s2+$0x16000] =	vst v1;
	s2 =	smov.u32 s24  }
0x46: {  	v3 =	vld [tilespmem:s2+$0x1000];
	v8 =	vadd.f32 v9, v8  }
0x47: {  	v4 =	vadd.f32 v4, v6;
	v1 =	vld [tilespmem:s17+$0x0]  }
0x48: {  	s3 =	sadd.s32 $0x40, s3;
	v5 =	vld [tilespmem:s13+$0x0];
	v6 =	vadd.f32 v7, v8  }
0x49: {  	v7 =	vld [tilespmem:s8+$0x0]  }
0x4a: {  	v8 =	vld [tilespmem:s11+$0x0];
	_ =	sdelay $0x1  }
0x4b: {  	v0 =	vadd.f32 v0, v2  }
0x4c: {  	v1 =	vadd.f32 v1, v3;
	v2 =	vadd.f32 v5, v4  }
0x4d: {  	s1 =	sadd.s32 $0x40, s31;
	[tilespmem:s30+$0x16000] =	vst v6;
	v0 =	vadd.f32 v7, v0  }
0x4e: {  	v1 =	vadd.f32 v8, v1;
	[tilespmem:s1+$0x0] =	vst v2  }
0x4f: {  	[tilespmem:s0+$0x16000] =	vst v0  }
0x50: {  	s31 =	simm.s32 $0x300;
	[tilespmem:s2+$0x16000] =	vst v1  }
0x51: {  	[tilespmem:s23], [sflag:$0x1] =	stream.indirect.gather [hbm4b:s4+s10], $0x80, s31, s10, $0xb8;
	[tilespmem:$0x19800] =	vst v63  }
0x52: {  	s1 =	simm.s32 $0x380  }
0x53: {  	[tilespmem:s12], [sflag:$0x1] =	stream.indirect.gather [hbm4b:s4+s10], $0x80, s1, s10, $0xb8;
	[tilespmem:$0x19800] =	vst v63  }
0x54: {  	s2 =	simm.s32 $0x400  }
0x55: {  	[tilespmem:s14], [sflag:$0x1] =	stream.indirect.gather [hbm4b:s4+s10], $0x80, s2, s10, $0xb8;
	[tilespmem:$0x19800] =	vst v63  }
0x56: {  	_ =	swait.ge [sflag:s21], $0x3800  }
0x57: {  	[sflag:s21] =	ssyncset.done $0x0  }
0x58: {  	[sflag:s21] =	ssyncadd.s32 $0xFFFFC800  }
0x59: {  	_ =	swait.ge [sflag:s21], $0x3800  }
0x5a: {  	[sflag:s21] =	ssyncset.done $0x0  }
0x5b: {  	s3 =	simm.s32 $0x0;
	[sflag:s21] =	ssyncadd.s32 $0xFFFFC800  }
0x5c: {  	s0 =	sand.u32 $0x40, s3;
	s1 =	sand.u32 $0x3F80, s3;
	_ =	swait.ge [sflag:s21], $0x3800  }
0x5d: {  	s3 =	sor.u32 $0x30, s0;
	s5 =	sadd.s32 $0xB800, s1;
	[sflag:s21] =	ssyncset.done $0x0  }
0x5e: {  	s6 =	sadd.s32 $0xF000, s1;
	s22 =	sor.u32 s3, s5;
	[sflag:s21] =	ssyncadd.s32 $0xFFFFC800  }
0x5f: {  	s24 =	sor.u32 s3, s6;
	v0 =	vld [tilespmem:s22+$0x0]  }
0x60: {  	s15 =	sadd.s32 $0x12800, s1;
	s13 =	sor.u32 s0, s5;
	v1 =	vld [tilespmem:s24+$0x0]  }
0x61: {  	s25 =	sor.u32 s3, s15;
	v2 =	vld [tilespmem:s13+$0x0]  }
0x62: {  	s17 =	sor.u32 s0, s6;
	v3 =	vld [tilespmem:s25+$0x0]  }
0x63: {  	s13 =	sor.u32 $0x10, s0;
	v4 =	vld [tilespmem:s17+$0x0];
	s25 =	sor.u32 s0, s15  }
0x64: {  	s26 =	sor.u32 s13, s5;
	v10 =	vld [tilespmem:s25+$0x0]  }
0x65: {  	s17 =	sor.u32 $0x20, s0;
	s19 =	sor.u32 s13, s6;
	v5 =	vld [tilespmem:s26+$0x0]  }
0x66: {  	s31 =	simm.s32 $0x40;
	s2 =	sor.u32 s17, s5;
	v6 =	vld [tilespmem:s19+$0x0]  }
0x67: {  	s11 =	sand.u32 $0x3F80, s31;
	s8 =	sor.u32 s17, s6;
	s19 =	sand.u32 $0x40, s31;
	v7 =	vld [tilespmem:s2+$0x0]  }
0x68: {  	s25 =	sor.u32 s13, s15;
	s2 =	sadd.s32 $0xB800, s11;
	v8 =	vld [tilespmem:s8+$0x0];
	s22 =	sor.u32 $0x30, s19  }
0x69: {  	s8 =	sadd.s32 $0xF000, s11;
	v11 =	vld [tilespmem:s25+$0x0];
	s24 =	sor.u32 s22, s2  }
0x6a: {  	s5 =	sor.u32 s22, s8;
	v0 =	vadd.f32 v1, v0;
	v1 =	vld [tilespmem:s24+$0x0]  }
0x6b: {  	s26 =	sadd.s32 $0x12800, s11;
	s31 =	sor.u32 s17, s15;
	v9 =	vld [tilespmem:s5+$0x0]  }
0x6c: {  	v12 =	vld [tilespmem:s31+$0x0];
	s15 =	sor.u32 $0x10, s19;
	s6 =	sor.u32 s22, s26  }
0x6d: {  	s25 =	sor.u32 s15, s2;
	v0 =	vadd.f32 v3, v0;
	v3 =	vld [tilespmem:s6+$0x0]  }
0x6e: {  	s1 =	sadd.s32 $0x16000, s1;
	v14 =	vld [tilespmem:s25+$0x0];
	s6 =	sor.u32 s19, s8  }
0x6f: {  	s3 =	sor.u32 s3, s1;
	v13 =	vld [tilespmem:s6+$0x0]  }
0x70: {  	s5 =	sor.u32 s19, s2;
	[tilespmem:s3+$0x0] =	vst.add.f32.msk $0xffff, v0;
	v0 =	vadd.f32 v9, v1  }
0x71: {  	s6 =	sor.u32 s15, s8;
	v9 =	vld [tilespmem:s5+$0x0];
	s5 =	sor.u32 $0x20, s19  }
0x72: {  	s24 =	sadd.s32 $0x16000, s11;
	v15 =	vld [tilespmem:s6+$0x0];
	s2 =	sor.u32 s5, s2;
	v0 =	vadd.f32 v3, v0  }
0x73: {  	s31 =	sor.u32 s22, s24;
	v3 =	vld [tilespmem:s2+$0x0]  }
0x74: {  	s8 =	sor.u32 s5, s8;
	[tilespmem:s31+$0x0] =	vst.add.f32.msk $0xffff, v0  }
0x75: {  	s11 =	sor.u32 s19, s26;
	v1 =	vadd.f32 v6, v5;
	v0 =	vadd.f32 v4, v2;
	v4 =	vld [tilespmem:s8+$0x0]  }
0x76: {  	s29 =	simm.s32 $0x80;
	v5 =	vld [tilespmem:s11+$0x0]  }
0x77: {  	s0 =	sor.u32 s0, s1;
	s25 =	sor.u32 s15, s26;
	s3 =	sor.u32 s13, s1;
	v1 =	vadd.f32 v11, v1;
	v2 =	vadd.f32 v8, v7  }
0x78: {  	s1 =	sor.u32 s17, s1;
	s11 =	sor.u32 s19, s24;
	v6 =	vld [tilespmem:s25+$0x0];
	s31 =	sor.u32 s5, s26;
	v8 =	vadd.f32 v15, v14;
	v0 =	vadd.f32 v10, v0  }
0x79: {  	s30 =	sor.u32 s5, s24;
	s2 =	simm.s32 $0x4;
	s8 =	sor.u32 s15, s24;
	v9 =	vadd.f32 v13, v9;
	v7 =	vld [tilespmem:s31+$0x0];
	v2 =	vadd.f32 v12, v2  }
.LBB2_5:
0x7a: {  	s13 =	sand.u32 $0x40, s29;
	s15 =	sand.u32 $0x3F80, s29;
	v3 =	vadd.f32 v4, v3;
	[tilespmem:s0+$0x0] =	vst.add.f32.msk $0xffff, v0;
	s0 =	smov.u32 s11  }
0x7b: {  	s2 =	sadd.s32 $0x4, s2;
	s11 =	sadd.s32 $0xB800, s15;
	s17 =	sor.u32 $0x30, s13;
	v0 =	vadd.f32 v5, v9;
	[tilespmem:s3+$0x0] =	vst.add.f32.msk $0xffff, v1  }
0x7c: {  	s3 =	sadd.s32 $0xF000, s15;
	p0 =	slt.u32 s2, $0x37C;
	s19 =	sor.u32 s17, s11;
	[tilespmem:s1+$0x0] =	vst.add.f32.msk $0xffff, v2  }
0x7d: {  	s22 =	sor.u32 $0x10, s13;
	s24 =	sor.u32 $0x20, s13;
	s1 =	sor.u32 s17, s3;
	v4 =	vld [tilespmem:s19+$0x0];
	v1 =	vadd.f32 v6, v8  }
0x7e: {  	s26 =	sadd.s32 $0x12800, s15;
	s25 =	sor.u32 s13, s3;
	s19 =	sor.u32 s13, s11;
	v5 =	vld [tilespmem:s1+$0x0];
	v2 =	vadd.f32 v7, v3  }
0x7f: {  	s31 =	sor.u32 s17, s26;
	s1 =	sor.u32 s22, s11;
	v6 =	vld [tilespmem:s19+$0x0];
	s19 =	sor.u32 s22, s3  }
0x80: {  	s5 =	sor.u32 s13, s26;
	s6 =	sor.u32 s24, s3;
	s11 =	sor.u32 s24, s11;
	v7 =	vld [tilespmem:s31+$0x0]  }
0x81: {  	s3 =	smov.u32 s8;
	v8 =	vld [tilespmem:s25+$0x0];
	s25 =	sor.u32 s22, s26;
	s26 =	sor.u32 s24, s26  }
0x82: {  	v10 =	vld [tilespmem:s1+$0x0];
	s1 =	smov.u32 s30  }
0x83: {  	v11 =	vld [tilespmem:s19+$0x0];
	v5 =	vadd.f32 v5, v4  }
0x84: {  	v3 =	vld [tilespmem:s11+$0x0]  }
.Ltmp1:
0x85: {  	s15 =	sadd.s32 $0x16000, s15;
	v4 =	vld [tilespmem:s6+$0x0];
	v7 =	vadd.f32 v7, v5;
	(pc) =	sbr.rel @p0 .LBB2_5-.Ltmp1, $4  }
0x86: {  	s8 =	sor.u32 s22, s15;
	s11 =	sor.u32 s13, s15;
	v9 =	vadd.f32 v8, v6;
	v5 =	vld [tilespmem:s5+$0x0];
	s5 =	sor.u32 s17, s15  }
0x87: {  	s30 =	sor.u32 s24, s15;
	[tilespmem:s5+$0x0] =	vst.add.f32.msk $0xffff, v7  }
0x88: {  	v8 =	vadd.f32 v11, v10;
	v6 =	vld [tilespmem:s25+$0x0]  }
0x89: {  	s29 =	sadd.s32 $0x40, s29;
	v7 =	vld [tilespmem:s26+$0x0]  }
0x8a: {  	_ = 	snop  }
0x8b: {  	[tilespmem:s0+$0x0] =	vst.add.f32.msk $0xffff, v0  }
0x8c: {  	v0 =	vadd.f32 v4, v3;
	[tilespmem:s3+$0x0] =	vst.add.f32.msk $0xffff, v1;
	v3 =	vadd.f32 v5, v9  }
0x8d: {  	[tilespmem:s1+$0x0] =	vst.add.f32.msk $0xffff, v2;
	v1 =	vadd.f32 v6, v8  }
0x8e: {  	[tilespmem:s11+$0x0] =	vst.add.f32.msk $0xffff, v3;
	v0 =	vadd.f32 v7, v0  }
0x8f: {  	[tilespmem:s8+$0x0] =	vst.add.f32.msk $0xffff, v1  }
0x90: {  	s19 =	simm.s32 $0x480;
	[tilespmem:s30+$0x0] =	vst.add.f32.msk $0xffff, v0  }
0x91: {  	[tilespmem:s16], [sflag:$0x1] =	stream.indirect.gather [hbm4b:s4+s10], $0x80, s19, s10, $0xb8;
	[tilespmem:$0x19800] =	vst v63  }
0x92: {  	s22 =	simm.s32 $0x500  }
0x93: {  	[tilespmem:s18], [sflag:$0x1] =	stream.indirect.gather [hbm4b:s4+s10], $0x80, s22, s10, $0xb8;
	[tilespmem:$0x19800] =	vst v63  }
0x94: {  	s24 =	simm.s32 $0x580  }
0x95: {  	[tilespmem:s20], [sflag:$0x1] =	stream.indirect.gather [hbm4b:s4+s10], $0x80, s24, s10, $0xb8;
	[tilespmem:$0x19800] =	vst v63  }
0x96: {  	_ =	swait.ge [sflag:s21], $0x3800  }
0x97: {  	[sflag:s21] =	ssyncset.done $0x0  }
0x98: {  	[sflag:s21] =	ssyncadd.s32 $0xFFFFC800  }
0x99: {  	_ =	swait.ge [sflag:s21], $0x3800  }
0x9a: {  	[sflag:s21] =	ssyncset.done $0x0  }
0x9b: {  	[sflag:s21] =	ssyncadd.s32 $0xFFFFC800  }
0x9c: {  	s25 =	simm.s32 $0x0;
	_ =	swait.ge [sflag:s21], $0x3800  }
0x9d: {  	s2 =	simm.s32 $0x1000;
	s26 =	sand.u32 $0x40, s25;
	[sflag:s21] =	ssyncset.done $0x0  }
0x9e: {  	s0 =	sand.u32 $0x3F80, s25;
	s11 =	sor.u32 $0x30, s26;
	[sflag:s21] =	ssyncadd.s32 $0xFFFFC800  }
0x9f: {  	s5 =	sadd.s32 $0x4800, s0;
	s6 =	sor.u32 s0, s11;
	v0 =	vld [tilespmem:s2+$0x0]  }
0xa0: {  	s15 =	sor.u32 s11, s5;
	v1 =	vld [tilespmem:s6+$0x1000]  }
0xa1: {  	s17 =	sor.u32 s26, s5;
	s19 =	sor.u32 $0x8000, s0;
	v2 =	vld [tilespmem:s15+$0x0]  }
0xa2: {  	s13 =	sor.u32 $0x10, s26;
	s22 =	sor.u32 s11, s19;
	v3 =	vld [tilespmem:s17+$0x0]  }
0xa3: {  	s3 =	sor.u32 s0, s13;
	v4 =	vld [tilespmem:s22+$0x0]  }
0xa4: {  	s1 =	sor.u32 s26, s19;
	s24 =	sor.u32 $0x20, s26;
	s26 =	sor.u32 s13, s19;
	v5 =	vld [tilespmem:s3+$0x1000]  }
0xa5: {  	s25 =	sor.u32 s24, s5;
	s15 =	sor.u32 s13, s5;
	v8 =	vld [tilespmem:s1+$0x0];
	s5 =	simm.s32 $0x40  }
0xa6: {  	v62 =	vld [tilespmem:s26+$0x0];
	s13 =	sand.u32 $0x40, s5  }
0xa7: {  	s2 =	sor.u32 s0, s24;
	v6 =	vld [tilespmem:s15+$0x0];
	s1 =	sand.u32 $0x3F80, s5;
	s15 =	sor.u32 $0x10, s13  }
0xa8: {  	v7 =	vld [tilespmem:s2+$0x1000];
	s31 =	sor.u32 s1, s15  }
0xa9: {  	s17 =	sor.u32 s24, s19;
	s19 =	sor.u32 $0x30, s13;
	v12 =	vld [tilespmem:s31+$0x1000]  }
0xaa: {  	s22 =	sadd.s32 $0x4800, s1;
	s24 =	sor.u32 s1, s19;
	v1 =	vadd.f32 v2, v1;
	v2 =	vld [tilespmem:s25+$0x0]  }
0xab: {  	v0 =	vadd.f32 v3, v0;
	v3 =	vld [tilespmem:s24+$0x1000];
	s25 =	sor.u32 s19, s22  }
0xac: {  	s29 =	simm.s32 $0x1040;
	v1 =	vadd.f32 v4, v1;
	v4 =	vld [tilespmem:s25+$0x0]  }
0xad: {  	s26 =	sor.u32 $0x8000, s1;
	v0 =	vadd.f32 v8, v0;
	v8 =	vld [tilespmem:s29+$0x0]  }
0xae: {  	[tilespmem:s6+$0x16000] =	vst.add.f32.msk $0xffff, v1;
	s6 =	sor.u32 s19, s26  }
0xaf: {  	v10 =	vld [tilespmem:s6+$0x0]  }
0xb0: {  	s30 =	simm.s32 $0x16000;
	v1 =	vld [tilespmem:s17+$0x0]  }
0xb1: {  	[tilespmem:s30+$0x0] =	vst.add.f32.msk $0xffff, v0;
	s17 =	sor.u32 s13, s22;
	s19 =	sor.u32 $0x20, s13  }
0xb2: {  	v11 =	vld [tilespmem:s17+$0x0];
	s0 =	sor.u32 s1, s19;
	v0 =	vadd.f32 v4, v3  }
0xb3: {  	s17 =	sor.u32 s15, s22;
	s22 =	sor.u32 s19, s22;
	v13 =	vld [tilespmem:s0+$0x1000]  }
0xb4: {  	v63 =	vld [tilespmem:s22+$0x0];
	v0 =	vadd.f32 v10, v0  }
0xb5: {  	v3 =	vld [tilespmem:s17+$0x0]  }
0xb6: {  	[tilespmem:s24+$0x16000] =	vst.add.f32.msk $0xffff, v0;
	s24 =	sor.u32 s13, s26  }
0xb7: {  	v5 =	vadd.f32 v6, v5;
	s25 =	sor.u32 s15, s26;
	v4 =	vld [tilespmem:s24+$0x0]  }
0xb8: {  	v0 =	vadd.f32 v2, v7;
	v2 =	vld [tilespmem:s25+$0x0]  }
0xb9: {  	v7 =	vadd.f32 v62, v5;
	s26 =	sor.u32 s19, s26  }
0xba: {  	v6 =	vadd.f32 v11, v8;
	v0 =	vadd.f32 v1, v0;
	v1 =	vld [tilespmem:s26+$0x0]  }
0xbb: {  	s8 =	simm.s32 $0x4;
	s1 =	simm.s32 $0x80;
	v5 =	vadd.f32 v3, v12;
	v3 =	vadd.f32 v63, v13;
	[tilespmem:s3+$0x16000] =	vst.add.f32.msk $0xffff, v7  }
.LBB2_7:
0xbc: {  	s3 =	sand.u32 $0x40, s1;
	v4 =	vadd.f32 v4, v6;
	s29 =	sadd.s32 $0x40, s29;
	[tilespmem:s2+$0x16000] =	vst.add.f32.msk $0xffff, v0;
	s30 =	sadd.s32 $0x40, s30  }
0xbd: {  	s2 =	sand.u32 $0x3F80, s1;
	s8 =	sadd.s32 $0x4, s8;
	v6 =	vld [tilespmem:s29+$0x0];
	s5 =	sor.u32 $0x30, s3;
	v7 =	vadd.f32 v2, v5  }
0xbe: {  	s6 =	sadd.s32 $0x4800, s2;
	p0 =	slt.u32 s8, $0x37C;
	s11 =	sor.u32 s2, s5;
	[tilespmem:s30+$0x0] =	vst.add.f32.msk $0xffff, v4  }
0xbf: {  	s13 =	sor.u32 $0x10, s3;
	s15 =	sor.u32 $0x20, s3;
	s17 =	sor.u32 s5, s6;
	v2 =	vld [tilespmem:s11+$0x1000];
	v0 =	vadd.f32 v1, v3  }
0xc0: {  	s22 =	sor.u32 $0x8000, s2;
	s19 =	sor.u32 s3, s6;
	s24 =	sor.u32 s2, s13;
	v1 =	vld [tilespmem:s17+$0x0]  }
0xc1: {  	s17 =	sor.u32 s13, s6;
	v3 =	vld [tilespmem:s19+$0x0];
	s19 =	sor.u32 s2, s15;
	s2 =	sor.u32 s5, s22  }
0xc2: {  	s3 =	sor.u32 s3, s22;
	s6 =	sor.u32 s15, s6;
	s5 =	sor.u32 s13, s22;
	v5 =	vld [tilespmem:s2+$0x0]  }
0xc3: {  	s13 =	sor.u32 s15, s22;
	s2 =	smov.u32 s0;
	s0 =	smov.u32 s19;
	v8 =	vld [tilespmem:s24+$0x1000]  }
0xc4: {  	v9 =	vld [tilespmem:s17+$0x0]  }
0xc5: {  	v10 =	vld [tilespmem:s0+$0x1000];
	v1 =	vadd.f32 v1, v2  }
0xc6: {  	v6 =	vadd.f32 v3, v6;
	v3 =	vld [tilespmem:s6+$0x0]  }
.Ltmp2:
0xc7: {  	v4 =	vld [tilespmem:s3+$0x0];
	v1 =	vadd.f32 v5, v1;
	(pc) =	sbr.rel @p0 .LBB2_7-.Ltmp2, $4  }
0xc8: {  	v2 =	vld [tilespmem:s5+$0x0]  }
0xc9: {  	v5 =	vadd.f32 v9, v8;
	[tilespmem:s11+$0x16000] =	vst.add.f32.msk $0xffff, v1  }
0xca: {  	v1 =	vld [tilespmem:s13+$0x0]  }
0xcb: {  	s1 =	sadd.s32 $0x40, s1;
	v3 =	vadd.f32 v3, v10;
	[tilespmem:s31+$0x16000] =	vst.add.f32.msk $0xffff, v7;
	s31 =	smov.u32 s24  }
0xcc: {  	_ = 	snop  }
0xcd: {  	v4 =	vadd.f32 v4, v6  }
0xce: {  	[tilespmem:s2+$0x16000] =	vst.add.f32.msk $0xffff, v0;
	s1 =	sadd.s32 $0x40, s30;
	v0 =	vadd.f32 v2, v5  }
0xcf: {  	[tilespmem:s1+$0x0] =	vst.add.f32.msk $0xffff, v4;
	v1 =	vadd.f32 v1, v3  }
0xd0: {  	[tilespmem:s31+$0x16000] =	vst.add.f32.msk $0xffff, v0  }
0xd1: {  	s11 =	simm.s32 $0x600;
	[tilespmem:s0+$0x16000] =	vst.add.f32.msk $0xffff, v1  }
0xd2: {  	[tilespmem:s23], [sflag:$0x1] =	stream.indirect.gather [hbm4b:s4+s10], $0x80, s11, s10, $0xb8;
	[tilespmem:$0x19800] =	vst v63  }
0xd3: {  	s13 =	simm.s32 $0x680  }
0xd4: {  	[tilespmem:s12], [sflag:$0x1] =	stream.indirect.gather [hbm4b:s4+s10], $0x80, s13, s10, $0xb8;
	[tilespmem:$0x19800] =	vst v63  }
0xd5: {  	s15 =	simm.s32 $0x700  }
0xd6: {  	[tilespmem:s14], [sflag:$0x1] =	stream.indirect.gather [hbm4b:s4+s10], $0x80, s15, s10, $0xb8;
	[tilespmem:$0x19800] =	vst v63  }
0xd7: {  	_ =	swait.ge [sflag:s21], $0x3800  }
0xd8: {  	[sflag:s21] =	ssyncset.done $0x0  }
0xd9: {  	[sflag:s21] =	ssyncadd.s32 $0xFFFFC800  }
0xda: {  	_ =	swait.ge [sflag:s21], $0x3800  }
0xdb: {  	[sflag:s21] =	ssyncset.done $0x0  }
0xdc: {  	s17 =	simm.s32 $0x0;
	[sflag:s21] =	ssyncadd.s32 $0xFFFFC800  }
0xdd: {  	s1 =	sand.u32 $0x3F80, s17;
	s0 =	sand.u32 $0x40, s17;
	_ =	swait.ge [sflag:s21], $0x3800  }
0xde: {  	s19 =	sadd.s32 $0xB800, s1;
	s3 =	sor.u32 $0x30, s0;
	[sflag:s21] =	ssyncset.done $0x0  }
0xdf: {  	s5 =	sadd.s32 $0xF000, s1;
	s6 =	sor.u32 s3, s19;
	[sflag:s21] =	ssyncadd.s32 $0xFFFFC800  }
0xe0: {  	s22 =	sor.u32 s3, s5;
	v0 =	vld [tilespmem:s6+$0x0]  }
0xe1: {  	s8 =	sor.u32 s0, s19;
	s11 =	sadd.s32 $0x12800, s1;
	v1 =	vld [tilespmem:s22+$0x0]  }
0xe2: {  	s24 =	sor.u32 s3, s11;
	v2 =	vld [tilespmem:s8+$0x0]  }
0xe3: {  	s13 =	sor.u32 s0, s5;
	v3 =	vld [tilespmem:s24+$0x0]  }
0xe4: {  	s8 =	sor.u32 $0x10, s0;
	v4 =	vld [tilespmem:s13+$0x0];
	s22 =	sor.u32 s0, s11  }
0xe5: {  	s25 =	sor.u32 s8, s19;
	v10 =	vld [tilespmem:s22+$0x0]  }
0xe6: {  	s13 =	sor.u32 $0x20, s0;
	s15 =	sor.u32 s8, s5;
	v5 =	vld [tilespmem:s25+$0x0]  }
0xe7: {  	s26 =	simm.s32 $0x40;
	s2 =	sor.u32 s13, s19;
	v6 =	vld [tilespmem:s15+$0x0]  }
0xe8: {  	s6 =	sand.u32 $0x3F80, s26;
	s5 =	sor.u32 s13, s5;
	s15 =	sand.u32 $0x40, s26;
	v7 =	vld [tilespmem:s2+$0x0]  }
0xe9: {  	s2 =	sadd.s32 $0xB800, s6;
	v8 =	vld [tilespmem:s5+$0x0];
	s26 =	sor.u32 s8, s11;
	s17 =	sor.u32 $0x30, s15  }
0xea: {  	s5 =	sadd.s32 $0xF000, s6;
	v11 =	vld [tilespmem:s26+$0x0];
	s19 =	sor.u32 s17, s2  }
0xeb: {  	s31 =	sor.u32 s17, s5;
	v0 =	vadd.f32 v1, v0;
	v1 =	vld [tilespmem:s19+$0x0]  }
0xec: {  	s24 =	sadd.s32 $0x12800, s6;
	s22 =	sor.u32 s15, s5;
	v9 =	vld [tilespmem:s31+$0x0]  }
0xed: {  	s25 =	sor.u32 s17, s24;
	v13 =	vld [tilespmem:s22+$0x0]  }
0xee: {  	s31 =	sor.u32 s13, s11;
	s19 =	sor.u32 $0x10, s15;
	v0 =	vadd.f32 v3, v0;
	v3 =	vld [tilespmem:s25+$0x0]  }
0xef: {  	s1 =	sadd.s32 $0x16000, s1;
	v12 =	vld [tilespmem:s31+$0x0];
	s31 =	sor.u32 s19, s5  }
0xf0: {  	s3 =	sor.u32 s3, s1;
	v15 =	vld [tilespmem:s31+$0x0]  }
0xf1: {  	s6 =	sadd.s32 $0x16000, s6;
	s25 =	sor.u32 s19, s2;
	[tilespmem:s3+$0x0] =	vst.add.f32.msk $0xffff, v0;
	v0 =	vadd.f32 v9, v1  }
0xf2: {  	s26 =	sor.u32 s17, s6;
	s17 =	sor.u32 $0x20, s15;
	s11 =	sor.u32 s15, s2;
	v14 =	vld [tilespmem:s25+$0x0]  }
0xf3: {  	s2 =	sor.u32 s17, s2;
	v9 =	vld [tilespmem:s11+$0x0];
	v0 =	vadd.f32 v3, v0  }
0xf4: {  	v3 =	vld [tilespmem:s2+$0x0]  }
0xf5: {  	s22 =	sor.u32 s17, s5;
	[tilespmem:s26+$0x0] =	vst.add.f32.msk $0xffff, v0  }
0xf6: {  	s25 =	sor.u32 s15, s24;
	v1 =	vadd.f32 v6, v5;
	v0 =	vadd.f32 v4, v2;
	v4 =	vld [tilespmem:s22+$0x0]  }
0xf7: {  	s29 =	simm.s32 $0x80;
	v5 =	vld [tilespmem:s25+$0x0]  }
0xf8: {  	s0 =	sor.u32 s0, s1;
	s30 =	sor.u32 s17, s6;
	v1 =	vadd.f32 v11, v1;
	v2 =	vadd.f32 v8, v7;
	s26 =	sor.u32 s19, s24  }
0xf9: {  	s31 =	sor.u32 s17, s24;
	s3 =	sor.u32 s8, s1;
	s1 =	sor.u32 s13, s1;
	v8 =	vadd.f32 v15, v14;
	v6 =	vld [tilespmem:s26+$0x0];
	v0 =	vadd.f32 v10, v0  }
0xfa: {  	s8 =	sor.u32 s19, s6;
	s11 =	sor.u32 s15, s6;
	s2 =	simm.s32 $0x4;
	v7 =	vld [tilespmem:s31+$0x0];
	v9 =	vadd.f32 v13, v9;
	v2 =	vadd.f32 v12, v2  }
.LBB2_9:
0xfb: {  	s5 =	sand.u32 $0x40, s29;
	s6 =	sand.u32 $0x3F80, s29;
	v3 =	vadd.f32 v4, v3;
	[tilespmem:s0+$0x0] =	vst.add.f32.msk $0xffff, v0;
	s0 =	smov.u32 s11  }
0xfc: {  	s2 =	sadd.s32 $0x4, s2;
	s11 =	sadd.s32 $0xB800, s6;
	s13 =	sor.u32 $0x30, s5;
	v0 =	vadd.f32 v5, v9;
	[tilespmem:s3+$0x0] =	vst.add.f32.msk $0xffff, v1  }
0xfd: {  	s3 =	sadd.s32 $0xF000, s6;
	p0 =	slt.u32 s2, $0x37C;
	s15 =	sor.u32 s13, s11;
	[tilespmem:s1+$0x0] =	vst.add.f32.msk $0xffff, v2  }
0xfe: {  	s17 =	sor.u32 $0x10, s5;
	s19 =	sor.u32 $0x20, s5;
	s1 =	sor.u32 s13, s3;
	v4 =	vld [tilespmem:s15+$0x0];
	v1 =	vadd.f32 v6, v8  }
0xff: {  	s24 =	sadd.s32 $0x12800, s6;
	s22 =	sor.u32 s5, s3;
	s15 =	sor.u32 s5, s11;
	v5 =	vld [tilespmem:s1+$0x0];
	v2 =	vadd.f32 v7, v3  }
0x100: {  	s25 =	sor.u32 s13, s24;
	s1 =	sor.u32 s17, s11;
	v6 =	vld [tilespmem:s15+$0x0];
	s15 =	sor.u32 s17, s3  }
0x101: {  	s26 =	sor.u32 s5, s24;
	s31 =	sor.u32 s19, s3;
	s11 =	sor.u32 s19, s11;
	v7 =	vld [tilespmem:s25+$0x0]  }
0x102: {  	s3 =	smov.u32 s8;
	v8 =	vld [tilespmem:s22+$0x0];
	s22 =	sor.u32 s17, s24;
	s24 =	sor.u32 s19, s24  }
0x103: {  	v10 =	vld [tilespmem:s1+$0x0];
	s1 =	smov.u32 s30  }
0x104: {  	v11 =	vld [tilespmem:s15+$0x0];
	v5 =	vadd.f32 v5, v4  }
0x105: {  	v3 =	vld [tilespmem:s11+$0x0]  }
.Ltmp3:
0x106: {  	s6 =	sadd.s32 $0x16000, s6;
	v4 =	vld [tilespmem:s31+$0x0];
	v7 =	vadd.f32 v7, v5;
	(pc) =	sbr.rel @p0 .LBB2_9-.Ltmp3, $4  }
0x107: {  	s8 =	sor.u32 s17, s6;
	s11 =	sor.u32 s5, s6;
	s5 =	sor.u32 s13, s6;
	v9 =	vadd.f32 v8, v6;
	v5 =	vld [tilespmem:s26+$0x0]  }
0x108: {  	s30 =	sor.u32 s19, s6;
	[tilespmem:s5+$0x0] =	vst.add.f32.msk $0xffff, v7  }
0x109: {  	v8 =	vadd.f32 v11, v10;
	v6 =	vld [tilespmem:s22+$0x0]  }
0x10a: {  	s29 =	sadd.s32 $0x40, s29;
	v7 =	vld [tilespmem:s24+$0x0]  }
0x10b: {  	_ = 	snop  }
0x10c: {  	[tilespmem:s0+$0x0] =	vst.add.f32.msk $0xffff, v0  }
0x10d: {  	v0 =	vadd.f32 v4, v3;
	[tilespmem:s3+$0x0] =	vst.add.f32.msk $0xffff, v1;
	v3 =	vadd.f32 v5, v9  }
0x10e: {  	[tilespmem:s1+$0x0] =	vst.add.f32.msk $0xffff, v2;
	v1 =	vadd.f32 v6, v8  }
0x10f: {  	[tilespmem:s11+$0x0] =	vst.add.f32.msk $0xffff, v3;
	v0 =	vadd.f32 v7, v0  }
0x110: {  	[tilespmem:s8+$0x0] =	vst.add.f32.msk $0xffff, v1  }
0x111: {  	s19 =	simm.s32 $0x780;
	[tilespmem:s30+$0x0] =	vst.add.f32.msk $0xffff, v0  }
0x112: {  	[tilespmem:s16], [sflag:$0x1] =	stream.indirect.gather [hbm4b:s4+s10], $0x80, s19, s10, $0xb8;
	[tilespmem:$0x19800] =	vst v63  }
0x113: {  	s22 =	simm.s32 $0x800  }
0x114: {  	[tilespmem:s18], [sflag:$0x1] =	stream.indirect.gather [hbm4b:s4+s10], $0x80, s22, s10, $0xb8;
	[tilespmem:$0x19800] =	vst v63  }
0x115: {  	s24 =	simm.s32 $0x880  }
0x116: {  	[tilespmem:s20], [sflag:$0x1] =	stream.indirect.gather [hbm4b:s4+s10], $0x80, s24, s10, $0xb8;
	[tilespmem:$0x19800] =	vst v63  }
0x117: {  	_ =	swait.ge [sflag:s21], $0x3800  }
0x118: {  	[sflag:s21] =	ssyncset.done $0x0  }
0x119: {  	[sflag:s21] =	ssyncadd.s32 $0xFFFFC800  }
0x11a: {  	_ =	swait.ge [sflag:s21], $0x3800  }
0x11b: {  	[sflag:s21] =	ssyncset.done $0x0  }
0x11c: {  	[sflag:s21] =	ssyncadd.s32 $0xFFFFC800  }
0x11d: {  	s25 =	simm.s32 $0x0;
	_ =	swait.ge [sflag:s21], $0x3800  }
0x11e: {  	s2 =	simm.s32 $0x1000;
	s26 =	sand.u32 $0x40, s25;
	[sflag:s21] =	ssyncset.done $0x0  }
0x11f: {  	s0 =	sand.u32 $0x3F80, s25;
	s11 =	sor.u32 $0x30, s26;
	[sflag:s21] =	ssyncadd.s32 $0xFFFFC800  }
0x120: {  	s5 =	sadd.s32 $0x4800, s0;
	s6 =	sor.u32 s0, s11;
	v0 =	vld [tilespmem:s2+$0x0]  }
0x121: {  	s15 =	sor.u32 s11, s5;
	v1 =	vld [tilespmem:s6+$0x1000]  }
0x122: {  	s17 =	sor.u32 s26, s5;
	s19 =	sor.u32 $0x8000, s0;
	v2 =	vld [tilespmem:s15+$0x0]  }
0x123: {  	s13 =	sor.u32 $0x10, s26;
	s22 =	sor.u32 s11, s19;
	v3 =	vld [tilespmem:s17+$0x0]  }
0x124: {  	s3 =	sor.u32 s0, s13;
	v4 =	vld [tilespmem:s22+$0x0]  }
0x125: {  	s1 =	sor.u32 s26, s19;
	s24 =	sor.u32 $0x20, s26;
	s26 =	sor.u32 s13, s19;
	v5 =	vld [tilespmem:s3+$0x1000]  }
0x126: {  	s25 =	sor.u32 s24, s5;
	s15 =	sor.u32 s13, s5;
	v8 =	vld [tilespmem:s1+$0x0];
	s5 =	simm.s32 $0x40  }
0x127: {  	v62 =	vld [tilespmem:s26+$0x0];
	s13 =	sand.u32 $0x40, s5  }
0x128: {  	s2 =	sor.u32 s0, s24;
	v6 =	vld [tilespmem:s15+$0x0];
	s1 =	sand.u32 $0x3F80, s5;
	s15 =	sor.u32 $0x10, s13  }
0x129: {  	v7 =	vld [tilespmem:s2+$0x1000];
	s31 =	sor.u32 s1, s15  }
0x12a: {  	s17 =	sor.u32 s24, s19;
	s19 =	sor.u32 $0x30, s13;
	v12 =	vld [tilespmem:s31+$0x1000]  }
0x12b: {  	s22 =	sadd.s32 $0x4800, s1;
	s24 =	sor.u32 s1, s19;
	v1 =	vadd.f32 v2, v1;
	v2 =	vld [tilespmem:s25+$0x0]  }
0x12c: {  	v0 =	vadd.f32 v3, v0;
	v3 =	vld [tilespmem:s24+$0x1000];
	s25 =	sor.u32 s19, s22  }
0x12d: {  	s29 =	simm.s32 $0x1040;
	v1 =	vadd.f32 v4, v1;
	v4 =	vld [tilespmem:s25+$0x0]  }
0x12e: {  	s26 =	sor.u32 $0x8000, s1;
	v0 =	vadd.f32 v8, v0;
	v8 =	vld [tilespmem:s29+$0x0]  }
0x12f: {  	[tilespmem:s6+$0x16000] =	vst.add.f32.msk $0xffff, v1;
	s6 =	sor.u32 s19, s26  }
0x130: {  	v10 =	vld [tilespmem:s6+$0x0]  }
0x131: {  	s30 =	simm.s32 $0x16000;
	v1 =	vld [tilespmem:s17+$0x0]  }
0x132: {  	[tilespmem:s30+$0x0] =	vst.add.f32.msk $0xffff, v0;
	s17 =	sor.u32 s13, s22;
	s19 =	sor.u32 $0x20, s13  }
0x133: {  	v11 =	vld [tilespmem:s17+$0x0];
	s0 =	sor.u32 s1, s19;
	v0 =	vadd.f32 v4, v3  }
0x134: {  	s17 =	sor.u32 s15, s22;
	s22 =	sor.u32 s19, s22;
	v13 =	vld [tilespmem:s0+$0x1000]  }
0x135: {  	v63 =	vld [tilespmem:s22+$0x0];
	v0 =	vadd.f32 v10, v0  }
0x136: {  	v3 =	vld [tilespmem:s17+$0x0]  }
0x137: {  	[tilespmem:s24+$0x16000] =	vst.add.f32.msk $0xffff, v0;
	s24 =	sor.u32 s13, s26  }
0x138: {  	v5 =	vadd.f32 v6, v5;
	s25 =	sor.u32 s15, s26;
	v4 =	vld [tilespmem:s24+$0x0]  }
0x139: {  	v0 =	vadd.f32 v2, v7;
	v2 =	vld [tilespmem:s25+$0x0]  }
0x13a: {  	v7 =	vadd.f32 v62, v5;
	s26 =	sor.u32 s19, s26  }
0x13b: {  	v6 =	vadd.f32 v11, v8;
	v0 =	vadd.f32 v1, v0;
	v1 =	vld [tilespmem:s26+$0x0]  }
0x13c: {  	s8 =	simm.s32 $0x4;
	s1 =	simm.s32 $0x80;
	v5 =	vadd.f32 v3, v12;
	v3 =	vadd.f32 v63, v13;
	[tilespmem:s3+$0x16000] =	vst.add.f32.msk $0xffff, v7  }
.LBB2_11:
0x13d: {  	s3 =	sand.u32 $0x40, s1;
	v4 =	vadd.f32 v4, v6;
	s29 =	sadd.s32 $0x40, s29;
	[tilespmem:s2+$0x16000] =	vst.add.f32.msk $0xffff, v0;
	s30 =	sadd.s32 $0x40, s30  }
0x13e: {  	s2 =	sand.u32 $0x3F80, s1;
	s8 =	sadd.s32 $0x4, s8;
	v6 =	vld [tilespmem:s29+$0x0];
	s5 =	sor.u32 $0x30, s3;
	v7 =	vadd.f32 v2, v5  }
0x13f: {  	s6 =	sadd.s32 $0x4800, s2;
	p0 =	slt.u32 s8, $0x37C;
	s11 =	sor.u32 s2, s5;
	[tilespmem:s30+$0x0] =	vst.add.f32.msk $0xffff, v4  }
0x140: {  	s13 =	sor.u32 $0x10, s3;
	s15 =	sor.u32 $0x20, s3;
	s17 =	sor.u32 s5, s6;
	v2 =	vld [tilespmem:s11+$0x1000];
	v0 =	vadd.f32 v1, v3  }
0x141: {  	s22 =	sor.u32 $0x8000, s2;
	s19 =	sor.u32 s3, s6;
	s24 =	sor.u32 s2, s13;
	v1 =	vld [tilespmem:s17+$0x0]  }
0x142: {  	s17 =	sor.u32 s13, s6;
	v3 =	vld [tilespmem:s19+$0x0];
	s19 =	sor.u32 s2, s15;
	s2 =	sor.u32 s5, s22  }
0x143: {  	s3 =	sor.u32 s3, s22;
	s6 =	sor.u32 s15, s6;
	s5 =	sor.u32 s13, s22;
	v5 =	vld [tilespmem:s2+$0x0]  }
0x144: {  	s13 =	sor.u32 s15, s22;
	s2 =	smov.u32 s0;
	s0 =	smov.u32 s19;
	v8 =	vld [tilespmem:s24+$0x1000]  }
0x145: {  	v9 =	vld [tilespmem:s17+$0x0]  }
0x146: {  	v10 =	vld [tilespmem:s0+$0x1000];
	v1 =	vadd.f32 v1, v2  }
0x147: {  	v6 =	vadd.f32 v3, v6;
	v3 =	vld [tilespmem:s6+$0x0]  }
.Ltmp4:
0x148: {  	v4 =	vld [tilespmem:s3+$0x0];
	v1 =	vadd.f32 v5, v1;
	(pc) =	sbr.rel @p0 .LBB2_11-.Ltmp4, $4  }
0x149: {  	v2 =	vld [tilespmem:s5+$0x0]  }
0x14a: {  	v5 =	vadd.f32 v9, v8;
	[tilespmem:s11+$0x16000] =	vst.add.f32.msk $0xffff, v1  }
0x14b: {  	v1 =	vld [tilespmem:s13+$0x0]  }
0x14c: {  	s1 =	sadd.s32 $0x40, s1;
	v3 =	vadd.f32 v3, v10;
	[tilespmem:s31+$0x16000] =	vst.add.f32.msk $0xffff, v7;
	s31 =	smov.u32 s24  }
0x14d: {  	_ = 	snop  }
0x14e: {  	v4 =	vadd.f32 v4, v6  }
0x14f: {  	[tilespmem:s2+$0x16000] =	vst.add.f32.msk $0xffff, v0;
	s1 =	sadd.s32 $0x40, s30;
	v0 =	vadd.f32 v2, v5  }
0x150: {  	[tilespmem:s1+$0x0] =	vst.add.f32.msk $0xffff, v4;
	v1 =	vadd.f32 v1, v3  }
0x151: {  	[tilespmem:s31+$0x16000] =	vst.add.f32.msk $0xffff, v0  }
0x152: {  	s11 =	simm.s32 $0x900;
	[tilespmem:s0+$0x16000] =	vst.add.f32.msk $0xffff, v1  }
0x153: {  	[tilespmem:s23], [sflag:$0x1] =	stream.indirect.gather [hbm4b:s4+s10], $0x80, s11, s10, $0xb8;
	[tilespmem:$0x19800] =	vst v63  }
0x154: {  	s13 =	simm.s32 $0x980  }
0x155: {  	[tilespmem:s12], [sflag:$0x1] =	stream.indirect.gather [hbm4b:s4+s10], $0x80, s13, s10, $0xb8;
	[tilespmem:$0x19800] =	vst v63  }
0x156: {  	s15 =	simm.s32 $0xA00  }
0x157: {  	[tilespmem:s14], [sflag:$0x1] =	stream.indirect.gather [hbm4b:s4+s10], $0x80, s15, s10, $0xb8;
	[tilespmem:$0x19800] =	vst v63  }
0x158: {  	_ =	swait.ge [sflag:s21], $0x3800  }
0x159: {  	[sflag:s21] =	ssyncset.done $0x0  }
0x15a: {  	[sflag:s21] =	ssyncadd.s32 $0xFFFFC800  }
0x15b: {  	_ =	swait.ge [sflag:s21], $0x3800  }
0x15c: {  	[sflag:s21] =	ssyncset.done $0x0  }
0x15d: {  	s17 =	simm.s32 $0x0;
	[sflag:s21] =	ssyncadd.s32 $0xFFFFC800  }
0x15e: {  	s1 =	sand.u32 $0x3F80, s17;
	s0 =	sand.u32 $0x40, s17;
	_ =	swait.ge [sflag:s21], $0x3800  }
0x15f: {  	s19 =	sadd.s32 $0xB800, s1;
	s3 =	sor.u32 $0x30, s0;
	[sflag:s21] =	ssyncset.done $0x0  }
0x160: {  	s5 =	sadd.s32 $0xF000, s1;
	s6 =	sor.u32 s3, s19;
	[sflag:s21] =	ssyncadd.s32 $0xFFFFC800  }
0x161: {  	s22 =	sor.u32 s3, s5;
	v0 =	vld [tilespmem:s6+$0x0]  }
0x162: {  	s8 =	sor.u32 s0, s19;
	s11 =	sadd.s32 $0x12800, s1;
	v1 =	vld [tilespmem:s22+$0x0]  }
0x163: {  	s24 =	sor.u32 s3, s11;
	v2 =	vld [tilespmem:s8+$0x0]  }
0x164: {  	s13 =	sor.u32 s0, s5;
	v3 =	vld [tilespmem:s24+$0x0]  }
0x165: {  	s8 =	sor.u32 $0x10, s0;
	v4 =	vld [tilespmem:s13+$0x0];
	s22 =	sor.u32 s0, s11  }
0x166: {  	s25 =	sor.u32 s8, s19;
	v10 =	vld [tilespmem:s22+$0x0]  }
0x167: {  	s13 =	sor.u32 $0x20, s0;
	s15 =	sor.u32 s8, s5;
	v5 =	vld [tilespmem:s25+$0x0]  }
0x168: {  	s26 =	simm.s32 $0x40;
	s2 =	sor.u32 s13, s19;
	v6 =	vld [tilespmem:s15+$0x0]  }
0x169: {  	s6 =	sand.u32 $0x3F80, s26;
	s5 =	sor.u32 s13, s5;
	s15 =	sand.u32 $0x40, s26;
	v7 =	vld [tilespmem:s2+$0x0]  }
0x16a: {  	s2 =	sadd.s32 $0xB800, s6;
	v8 =	vld [tilespmem:s5+$0x0];
	s26 =	sor.u32 s8, s11;
	s17 =	sor.u32 $0x30, s15  }
0x16b: {  	s5 =	sadd.s32 $0xF000, s6;
	v11 =	vld [tilespmem:s26+$0x0];
	s19 =	sor.u32 s17, s2  }
0x16c: {  	s31 =	sor.u32 s17, s5;
	v0 =	vadd.f32 v1, v0;
	v1 =	vld [tilespmem:s19+$0x0]  }
0x16d: {  	s24 =	sadd.s32 $0x12800, s6;
	s22 =	sor.u32 s15, s5;
	v9 =	vld [tilespmem:s31+$0x0]  }
0x16e: {  	s25 =	sor.u32 s17, s24;
	v13 =	vld [tilespmem:s22+$0x0]  }
0x16f: {  	s31 =	sor.u32 s13, s11;
	s19 =	sor.u32 $0x10, s15;
	v0 =	vadd.f32 v3, v0;
	v3 =	vld [tilespmem:s25+$0x0]  }
0x170: {  	s1 =	sadd.s32 $0x16000, s1;
	v12 =	vld [tilespmem:s31+$0x0];
	s31 =	sor.u32 s19, s5  }
0x171: {  	s3 =	sor.u32 s3, s1;
	v15 =	vld [tilespmem:s31+$0x0]  }
0x172: {  	s6 =	sadd.s32 $0x16000, s6;
	s25 =	sor.u32 s19, s2;
	[tilespmem:s3+$0x0] =	vst.add.f32.msk $0xffff, v0;
	v0 =	vadd.f32 v9, v1  }
0x173: {  	s26 =	sor.u32 s17, s6;
	s17 =	sor.u32 $0x20, s15;
	s11 =	sor.u32 s15, s2;
	v14 =	vld [tilespmem:s25+$0x0]  }
0x174: {  	s2 =	sor.u32 s17, s2;
	v9 =	vld [tilespmem:s11+$0x0];
	v0 =	vadd.f32 v3, v0  }
0x175: {  	v3 =	vld [tilespmem:s2+$0x0]  }
0x176: {  	s22 =	sor.u32 s17, s5;
	[tilespmem:s26+$0x0] =	vst.add.f32.msk $0xffff, v0  }
0x177: {  	s25 =	sor.u32 s15, s24;
	v1 =	vadd.f32 v6, v5;
	v0 =	vadd.f32 v4, v2;
	v4 =	vld [tilespmem:s22+$0x0]  }
0x178: {  	s29 =	simm.s32 $0x80;
	v5 =	vld [tilespmem:s25+$0x0]  }
0x179: {  	s0 =	sor.u32 s0, s1;
	s30 =	sor.u32 s17, s6;
	v1 =	vadd.f32 v11, v1;
	v2 =	vadd.f32 v8, v7;
	s26 =	sor.u32 s19, s24  }
0x17a: {  	s31 =	sor.u32 s17, s24;
	s3 =	sor.u32 s8, s1;
	s1 =	sor.u32 s13, s1;
	v8 =	vadd.f32 v15, v14;
	v6 =	vld [tilespmem:s26+$0x0];
	v0 =	vadd.f32 v10, v0  }
0x17b: {  	s8 =	sor.u32 s19, s6;
	s11 =	sor.u32 s15, s6;
	s2 =	simm.s32 $0x4;
	v7 =	vld [tilespmem:s31+$0x0];
	v9 =	vadd.f32 v13, v9;
	v2 =	vadd.f32 v12, v2  }
.LBB2_13:
0x17c: {  	s5 =	sand.u32 $0x40, s29;
	s6 =	sand.u32 $0x3F80, s29;
	v3 =	vadd.f32 v4, v3;
	[tilespmem:s0+$0x0] =	vst.add.f32.msk $0xffff, v0;
	s0 =	smov.u32 s11  }
0x17d: {  	s2 =	sadd.s32 $0x4, s2;
	s11 =	sadd.s32 $0xB800, s6;
	s13 =	sor.u32 $0x30, s5;
	v0 =	vadd.f32 v5, v9;
	[tilespmem:s3+$0x0] =	vst.add.f32.msk $0xffff, v1  }
0x17e: {  	s3 =	sadd.s32 $0xF000, s6;
	p0 =	slt.u32 s2, $0x37C;
	s15 =	sor.u32 s13, s11;
	[tilespmem:s1+$0x0] =	vst.add.f32.msk $0xffff, v2  }
0x17f: {  	s17 =	sor.u32 $0x10, s5;
	s19 =	sor.u32 $0x20, s5;
	s1 =	sor.u32 s13, s3;
	v4 =	vld [tilespmem:s15+$0x0];
	v1 =	vadd.f32 v6, v8  }
0x180: {  	s24 =	sadd.s32 $0x12800, s6;
	s22 =	sor.u32 s5, s3;
	s15 =	sor.u32 s5, s11;
	v5 =	vld [tilespmem:s1+$0x0];
	v2 =	vadd.f32 v7, v3  }
0x181: {  	s25 =	sor.u32 s13, s24;
	s1 =	sor.u32 s17, s11;
	v6 =	vld [tilespmem:s15+$0x0];
	s15 =	sor.u32 s17, s3  }
0x182: {  	s26 =	sor.u32 s5, s24;
	s31 =	sor.u32 s19, s3;
	s11 =	sor.u32 s19, s11;
	v7 =	vld [tilespmem:s25+$0x0]  }
0x183: {  	s3 =	smov.u32 s8;
	v8 =	vld [tilespmem:s22+$0x0];
	s22 =	sor.u32 s17, s24;
	s24 =	sor.u32 s19, s24  }
0x184: {  	v10 =	vld [tilespmem:s1+$0x0];
	s1 =	smov.u32 s30  }
0x185: {  	v11 =	vld [tilespmem:s15+$0x0];
	v5 =	vadd.f32 v5, v4  }
0x186: {  	v3 =	vld [tilespmem:s11+$0x0]  }
.Ltmp5:
0x187: {  	s6 =	sadd.s32 $0x16000, s6;
	v4 =	vld [tilespmem:s31+$0x0];
	v7 =	vadd.f32 v7, v5;
	(pc) =	sbr.rel @p0 .LBB2_13-.Ltmp5, $4  }
0x188: {  	s8 =	sor.u32 s17, s6;
	s11 =	sor.u32 s5, s6;
	s5 =	sor.u32 s13, s6;
	v9 =	vadd.f32 v8, v6;
	v5 =	vld [tilespmem:s26+$0x0]  }
0x189: {  	s30 =	sor.u32 s19, s6;
	[tilespmem:s5+$0x0] =	vst.add.f32.msk $0xffff, v7  }
0x18a: {  	v8 =	vadd.f32 v11, v10;
	v6 =	vld [tilespmem:s22+$0x0]  }
0x18b: {  	s29 =	sadd.s32 $0x40, s29;
	v7 =	vld [tilespmem:s24+$0x0]  }
0x18c: {  	_ = 	snop  }
0x18d: {  	[tilespmem:s0+$0x0] =	vst.add.f32.msk $0xffff, v0  }
0x18e: {  	v0 =	vadd.f32 v4, v3;
	[tilespmem:s3+$0x0] =	vst.add.f32.msk $0xffff, v1;
	v3 =	vadd.f32 v5, v9  }
0x18f: {  	[tilespmem:s1+$0x0] =	vst.add.f32.msk $0xffff, v2;
	v1 =	vadd.f32 v6, v8  }
0x190: {  	[tilespmem:s11+$0x0] =	vst.add.f32.msk $0xffff, v3;
	v0 =	vadd.f32 v7, v0  }
0x191: {  	[tilespmem:s8+$0x0] =	vst.add.f32.msk $0xffff, v1  }
0x192: {  	s19 =	simm.s32 $0xA80;
	[tilespmem:s30+$0x0] =	vst.add.f32.msk $0xffff, v0  }
0x193: {  	[tilespmem:s16], [sflag:$0x1] =	stream.indirect.gather [hbm4b:s4+s10], $0x80, s19, s10, $0xb8;
	[tilespmem:$0x19800] =	vst v63  }
0x194: {  	s22 =	simm.s32 $0xB00  }
0x195: {  	[tilespmem:s18], [sflag:$0x1] =	stream.indirect.gather [hbm4b:s4+s10], $0x80, s22, s10, $0xb8;
	[tilespmem:$0x19800] =	vst v63  }
0x196: {  	s24 =	simm.s32 $0xB80  }
0x197: {  	[tilespmem:s20], [sflag:$0x1] =	stream.indirect.gather [hbm4b:s4+s10], $0x80, s24, s10, $0xb8;
	[tilespmem:$0x19800] =	vst v63  }
0x198: {  	_ =	swait.ge [sflag:s21], $0x3800  }
0x199: {  	[sflag:s21] =	ssyncset.done $0x0  }
0x19a: {  	[sflag:s21] =	ssyncadd.s32 $0xFFFFC800  }
0x19b: {  	_ =	swait.ge [sflag:s21], $0x3800  }
0x19c: {  	[sflag:s21] =	ssyncset.done $0x0  }
0x19d: {  	[sflag:s21] =	ssyncadd.s32 $0xFFFFC800  }
0x19e: {  	s25 =	simm.s32 $0x0;
	_ =	swait.ge [sflag:s21], $0x3800  }
0x19f: {  	s2 =	simm.s32 $0x1000;
	s26 =	sand.u32 $0x40, s25;
	[sflag:s21] =	ssyncset.done $0x0  }
0x1a0: {  	s0 =	sand.u32 $0x3F80, s25;
	s11 =	sor.u32 $0x30, s26;
	[sflag:s21] =	ssyncadd.s32 $0xFFFFC800  }
0x1a1: {  	s5 =	sadd.s32 $0x4800, s0;
	s6 =	sor.u32 s0, s11;
	v0 =	vld [tilespmem:s2+$0x0]  }
0x1a2: {  	s15 =	sor.u32 s11, s5;
	v1 =	vld [tilespmem:s6+$0x1000]  }
0x1a3: {  	s17 =	sor.u32 s26, s5;
	s19 =	sor.u32 $0x8000, s0;
	v2 =	vld [tilespmem:s15+$0x0]  }
0x1a4: {  	s13 =	sor.u32 $0x10, s26;
	s22 =	sor.u32 s11, s19;
	v3 =	vld [tilespmem:s17+$0x0]  }
0x1a5: {  	s3 =	sor.u32 s0, s13;
	v4 =	vld [tilespmem:s22+$0x0]  }
0x1a6: {  	s1 =	sor.u32 s26, s19;
	s24 =	sor.u32 $0x20, s26;
	s26 =	sor.u32 s13, s19;
	v5 =	vld [tilespmem:s3+$0x1000]  }
0x1a7: {  	s25 =	sor.u32 s24, s5;
	s15 =	sor.u32 s13, s5;
	v8 =	vld [tilespmem:s1+$0x0];
	s5 =	simm.s32 $0x40  }
0x1a8: {  	v62 =	vld [tilespmem:s26+$0x0];
	s13 =	sand.u32 $0x40, s5  }
0x1a9: {  	s2 =	sor.u32 s0, s24;
	v6 =	vld [tilespmem:s15+$0x0];
	s1 =	sand.u32 $0x3F80, s5;
	s15 =	sor.u32 $0x10, s13  }
0x1aa: {  	v7 =	vld [tilespmem:s2+$0x1000];
	s31 =	sor.u32 s1, s15  }
0x1ab: {  	s17 =	sor.u32 s24, s19;
	s19 =	sor.u32 $0x30, s13;
	v12 =	vld [tilespmem:s31+$0x1000]  }
0x1ac: {  	s22 =	sadd.s32 $0x4800, s1;
	s24 =	sor.u32 s1, s19;
	v1 =	vadd.f32 v2, v1;
	v2 =	vld [tilespmem:s25+$0x0]  }
0x1ad: {  	v0 =	vadd.f32 v3, v0;
	v3 =	vld [tilespmem:s24+$0x1000];
	s25 =	sor.u32 s19, s22  }
0x1ae: {  	s29 =	simm.s32 $0x1040;
	v1 =	vadd.f32 v4, v1;
	v4 =	vld [tilespmem:s25+$0x0]  }
0x1af: {  	s26 =	sor.u32 $0x8000, s1;
	v0 =	vadd.f32 v8, v0;
	v8 =	vld [tilespmem:s29+$0x0]  }
0x1b0: {  	[tilespmem:s6+$0x16000] =	vst.add.f32.msk $0xffff, v1;
	s6 =	sor.u32 s19, s26  }
0x1b1: {  	v10 =	vld [tilespmem:s6+$0x0]  }
0x1b2: {  	s30 =	simm.s32 $0x16000;
	v1 =	vld [tilespmem:s17+$0x0]  }
0x1b3: {  	[tilespmem:s30+$0x0] =	vst.add.f32.msk $0xffff, v0;
	s17 =	sor.u32 s13, s22;
	s19 =	sor.u32 $0x20, s13  }
0x1b4: {  	v11 =	vld [tilespmem:s17+$0x0];
	s0 =	sor.u32 s1, s19;
	v0 =	vadd.f32 v4, v3  }
0x1b5: {  	s17 =	sor.u32 s15, s22;
	s22 =	sor.u32 s19, s22;
	v13 =	vld [tilespmem:s0+$0x1000]  }
0x1b6: {  	v63 =	vld [tilespmem:s22+$0x0];
	v0 =	vadd.f32 v10, v0  }
0x1b7: {  	v3 =	vld [tilespmem:s17+$0x0]  }
0x1b8: {  	[tilespmem:s24+$0x16000] =	vst.add.f32.msk $0xffff, v0;
	s24 =	sor.u32 s13, s26  }
0x1b9: {  	v5 =	vadd.f32 v6, v5;
	s25 =	sor.u32 s15, s26;
	v4 =	vld [tilespmem:s24+$0x0]  }
0x1ba: {  	v0 =	vadd.f32 v2, v7;
	v2 =	vld [tilespmem:s25+$0x0]  }
0x1bb: {  	v7 =	vadd.f32 v62, v5;
	s26 =	sor.u32 s19, s26  }
0x1bc: {  	v6 =	vadd.f32 v11, v8;
	v0 =	vadd.f32 v1, v0;
	v1 =	vld [tilespmem:s26+$0x0]  }
0x1bd: {  	s8 =	simm.s32 $0x4;
	s1 =	simm.s32 $0x80;
	v5 =	vadd.f32 v3, v12;
	v3 =	vadd.f32 v63, v13;
	[tilespmem:s3+$0x16000] =	vst.add.f32.msk $0xffff, v7  }
.LBB2_15:
0x1be: {  	s3 =	sand.u32 $0x40, s1;
	v4 =	vadd.f32 v4, v6;
	s29 =	sadd.s32 $0x40, s29;
	[tilespmem:s2+$0x16000] =	vst.add.f32.msk $0xffff, v0;
	s30 =	sadd.s32 $0x40, s30  }
0x1bf: {  	s2 =	sand.u32 $0x3F80, s1;
	s8 =	sadd.s32 $0x4, s8;
	v6 =	vld [tilespmem:s29+$0x0];
	s5 =	sor.u32 $0x30, s3;
	v7 =	vadd.f32 v2, v5  }
0x1c0: {  	s6 =	sadd.s32 $0x4800, s2;
	p0 =	slt.u32 s8, $0x37C;
	s11 =	sor.u32 s2, s5;
	[tilespmem:s30+$0x0] =	vst.add.f32.msk $0xffff, v4  }
0x1c1: {  	s13 =	sor.u32 $0x10, s3;
	s15 =	sor.u32 $0x20, s3;
	s17 =	sor.u32 s5, s6;
	v2 =	vld [tilespmem:s11+$0x1000];
	v0 =	vadd.f32 v1, v3  }
0x1c2: {  	s22 =	sor.u32 $0x8000, s2;
	s19 =	sor.u32 s3, s6;
	s24 =	sor.u32 s2, s13;
	v1 =	vld [tilespmem:s17+$0x0]  }
0x1c3: {  	s17 =	sor.u32 s13, s6;
	v3 =	vld [tilespmem:s19+$0x0];
	s19 =	sor.u32 s2, s15;
	s2 =	sor.u32 s5, s22  }
0x1c4: {  	s3 =	sor.u32 s3, s22;
	s6 =	sor.u32 s15, s6;
	s5 =	sor.u32 s13, s22;
	v5 =	vld [tilespmem:s2+$0x0]  }
0x1c5: {  	s13 =	sor.u32 s15, s22;
	s2 =	smov.u32 s0;
	s0 =	smov.u32 s19;
	v8 =	vld [tilespmem:s24+$0x1000]  }
0x1c6: {  	v9 =	vld [tilespmem:s17+$0x0]  }
0x1c7: {  	v10 =	vld [tilespmem:s0+$0x1000];
	v1 =	vadd.f32 v1, v2  }
0x1c8: {  	v6 =	vadd.f32 v3, v6;
	v3 =	vld [tilespmem:s6+$0x0]  }
.Ltmp6:
0x1c9: {  	v4 =	vld [tilespmem:s3+$0x0];
	v1 =	vadd.f32 v5, v1;
	(pc) =	sbr.rel @p0 .LBB2_15-.Ltmp6, $4  }
0x1ca: {  	v2 =	vld [tilespmem:s5+$0x0]  }
0x1cb: {  	v5 =	vadd.f32 v9, v8;
	[tilespmem:s11+$0x16000] =	vst.add.f32.msk $0xffff, v1  }
0x1cc: {  	v1 =	vld [tilespmem:s13+$0x0]  }
0x1cd: {  	s1 =	sadd.s32 $0x40, s1;
	v3 =	vadd.f32 v3, v10;
	[tilespmem:s31+$0x16000] =	vst.add.f32.msk $0xffff, v7;
	s31 =	smov.u32 s24  }
0x1ce: {  	_ = 	snop  }
0x1cf: {  	v4 =	vadd.f32 v4, v6  }
0x1d0: {  	[tilespmem:s2+$0x16000] =	vst.add.f32.msk $0xffff, v0;
	s1 =	sadd.s32 $0x40, s30;
	v0 =	vadd.f32 v2, v5  }
0x1d1: {  	[tilespmem:s1+$0x0] =	vst.add.f32.msk $0xffff, v4;
	v1 =	vadd.f32 v1, v3  }
0x1d2: {  	[tilespmem:s31+$0x16000] =	vst.add.f32.msk $0xffff, v0  }
0x1d3: {  	s11 =	simm.s32 $0xC00;
	[tilespmem:s0+$0x16000] =	vst.add.f32.msk $0xffff, v1  }
0x1d4: {  	[tilespmem:s23], [sflag:$0x1] =	stream.indirect.gather [hbm4b:s4+s10], $0x80, s11, s10, $0xb8;
	[tilespmem:$0x19800] =	vst v63  }
0x1d5: {  	s13 =	simm.s32 $0xC80  }
0x1d6: {  	[tilespmem:s12], [sflag:$0x1] =	stream.indirect.gather [hbm4b:s4+s10], $0x80, s13, s10, $0xb8;
	[tilespmem:$0x19800] =	vst v63  }
0x1d7: {  	s15 =	simm.s32 $0xD00  }
0x1d8: {  	[tilespmem:s14], [sflag:$0x1] =	stream.indirect.gather [hbm4b:s4+s10], $0x80, s15, s10, $0xb8;
	[tilespmem:$0x19800] =	vst v63  }
0x1d9: {  	_ =	swait.ge [sflag:s21], $0x3800  }
0x1da: {  	[sflag:s21] =	ssyncset.done $0x0  }
0x1db: {  	[sflag:s21] =	ssyncadd.s32 $0xFFFFC800  }
0x1dc: {  	_ =	swait.ge [sflag:s21], $0x3800  }
0x1dd: {  	[sflag:s21] =	ssyncset.done $0x0  }
0x1de: {  	s17 =	simm.s32 $0x0;
	[sflag:s21] =	ssyncadd.s32 $0xFFFFC800  }
0x1df: {  	s1 =	sand.u32 $0x3F80, s17;
	s0 =	sand.u32 $0x40, s17;
	_ =	swait.ge [sflag:s21], $0x3800  }
0x1e0: {  	s19 =	sadd.s32 $0xB800, s1;
	s3 =	sor.u32 $0x30, s0;
	[sflag:s21] =	ssyncset.done $0x0  }
0x1e1: {  	s5 =	sadd.s32 $0xF000, s1;
	s6 =	sor.u32 s3, s19;
	[sflag:s21] =	ssyncadd.s32 $0xFFFFC800  }
0x1e2: {  	s22 =	sor.u32 s3, s5;
	v0 =	vld [tilespmem:s6+$0x0]  }
0x1e3: {  	s8 =	sor.u32 s0, s19;
	s11 =	sadd.s32 $0x12800, s1;
	v1 =	vld [tilespmem:s22+$0x0]  }
0x1e4: {  	s24 =	sor.u32 s3, s11;
	v2 =	vld [tilespmem:s8+$0x0]  }
0x1e5: {  	s13 =	sor.u32 s0, s5;
	v3 =	vld [tilespmem:s24+$0x0]  }
0x1e6: {  	s8 =	sor.u32 $0x10, s0;
	v4 =	vld [tilespmem:s13+$0x0];
	s22 =	sor.u32 s0, s11  }
0x1e7: {  	s25 =	sor.u32 s8, s19;
	v10 =	vld [tilespmem:s22+$0x0]  }
0x1e8: {  	s13 =	sor.u32 $0x20, s0;
	s15 =	sor.u32 s8, s5;
	v5 =	vld [tilespmem:s25+$0x0]  }
0x1e9: {  	s26 =	simm.s32 $0x40;
	s2 =	sor.u32 s13, s19;
	v6 =	vld [tilespmem:s15+$0x0]  }
0x1ea: {  	s6 =	sand.u32 $0x3F80, s26;
	s5 =	sor.u32 s13, s5;
	s15 =	sand.u32 $0x40, s26;
	v7 =	vld [tilespmem:s2+$0x0]  }
0x1eb: {  	s2 =	sadd.s32 $0xB800, s6;
	v8 =	vld [tilespmem:s5+$0x0];
	s26 =	sor.u32 s8, s11;
	s17 =	sor.u32 $0x30, s15  }
0x1ec: {  	s5 =	sadd.s32 $0xF000, s6;
	v11 =	vld [tilespmem:s26+$0x0];
	s19 =	sor.u32 s17, s2  }
0x1ed: {  	s31 =	sor.u32 s17, s5;
	v0 =	vadd.f32 v1, v0;
	v1 =	vld [tilespmem:s19+$0x0]  }
0x1ee: {  	s24 =	sadd.s32 $0x12800, s6;
	s22 =	sor.u32 s15, s5;
	v9 =	vld [tilespmem:s31+$0x0]  }
0x1ef: {  	s25 =	sor.u32 s17, s24;
	v13 =	vld [tilespmem:s22+$0x0]  }
0x1f0: {  	s31 =	sor.u32 s13, s11;
	s19 =	sor.u32 $0x10, s15;
	v0 =	vadd.f32 v3, v0;
	v3 =	vld [tilespmem:s25+$0x0]  }
0x1f1: {  	s1 =	sadd.s32 $0x16000, s1;
	v12 =	vld [tilespmem:s31+$0x0];
	s31 =	sor.u32 s19, s5  }
0x1f2: {  	s3 =	sor.u32 s3, s1;
	v15 =	vld [tilespmem:s31+$0x0]  }
0x1f3: {  	s6 =	sadd.s32 $0x16000, s6;
	s25 =	sor.u32 s19, s2;
	[tilespmem:s3+$0x0] =	vst.add.f32.msk $0xffff, v0;
	v0 =	vadd.f32 v9, v1  }
0x1f4: {  	s26 =	sor.u32 s17, s6;
	s17 =	sor.u32 $0x20, s15;
	s11 =	sor.u32 s15, s2;
	v14 =	vld [tilespmem:s25+$0x0]  }
0x1f5: {  	s2 =	sor.u32 s17, s2;
	v9 =	vld [tilespmem:s11+$0x0];
	v0 =	vadd.f32 v3, v0  }
0x1f6: {  	v3 =	vld [tilespmem:s2+$0x0]  }
0x1f7: {  	s22 =	sor.u32 s17, s5;
	[tilespmem:s26+$0x0] =	vst.add.f32.msk $0xffff, v0  }
0x1f8: {  	s25 =	sor.u32 s15, s24;
	v1 =	vadd.f32 v6, v5;
	v0 =	vadd.f32 v4, v2;
	v4 =	vld [tilespmem:s22+$0x0]  }
0x1f9: {  	s29 =	simm.s32 $0x80;
	v5 =	vld [tilespmem:s25+$0x0]  }
0x1fa: {  	s0 =	sor.u32 s0, s1;
	s30 =	sor.u32 s17, s6;
	v1 =	vadd.f32 v11, v1;
	v2 =	vadd.f32 v8, v7;
	s26 =	sor.u32 s19, s24  }
0x1fb: {  	s31 =	sor.u32 s17, s24;
	s3 =	sor.u32 s8, s1;
	s1 =	sor.u32 s13, s1;
	v8 =	vadd.f32 v15, v14;
	v6 =	vld [tilespmem:s26+$0x0];
	v0 =	vadd.f32 v10, v0  }
0x1fc: {  	s8 =	sor.u32 s19, s6;
	s11 =	sor.u32 s15, s6;
	s2 =	simm.s32 $0x4;
	v7 =	vld [tilespmem:s31+$0x0];
	v9 =	vadd.f32 v13, v9;
	v2 =	vadd.f32 v12, v2  }
.LBB2_17:
0x1fd: {  	s5 =	sand.u32 $0x40, s29;
	s6 =	sand.u32 $0x3F80, s29;
	v3 =	vadd.f32 v4, v3;
	[tilespmem:s0+$0x0] =	vst.add.f32.msk $0xffff, v0;
	s0 =	smov.u32 s11  }
0x1fe: {  	s2 =	sadd.s32 $0x4, s2;
	s11 =	sadd.s32 $0xB800, s6;
	s13 =	sor.u32 $0x30, s5;
	v0 =	vadd.f32 v5, v9;
	[tilespmem:s3+$0x0] =	vst.add.f32.msk $0xffff, v1  }
0x1ff: {  	s3 =	sadd.s32 $0xF000, s6;
	p0 =	slt.u32 s2, $0x37C;
	s15 =	sor.u32 s13, s11;
	[tilespmem:s1+$0x0] =	vst.add.f32.msk $0xffff, v2  }
0x200: {  	s17 =	sor.u32 $0x10, s5;
	s19 =	sor.u32 $0x20, s5;
	s1 =	sor.u32 s13, s3;
	v4 =	vld [tilespmem:s15+$0x0];
	v1 =	vadd.f32 v6, v8  }
0x201: {  	s24 =	sadd.s32 $0x12800, s6;
	s22 =	sor.u32 s5, s3;
	s15 =	sor.u32 s5, s11;
	v5 =	vld [tilespmem:s1+$0x0];
	v2 =	vadd.f32 v7, v3  }
0x202: {  	s25 =	sor.u32 s13, s24;
	s1 =	sor.u32 s17, s11;
	v6 =	vld [tilespmem:s15+$0x0];
	s15 =	sor.u32 s17, s3  }
0x203: {  	s26 =	sor.u32 s5, s24;
	s31 =	sor.u32 s19, s3;
	s11 =	sor.u32 s19, s11;
	v7 =	vld [tilespmem:s25+$0x0]  }
0x204: {  	s3 =	smov.u32 s8;
	v8 =	vld [tilespmem:s22+$0x0];
	s22 =	sor.u32 s17, s24;
	s24 =	sor.u32 s19, s24  }
0x205: {  	v10 =	vld [tilespmem:s1+$0x0];
	s1 =	smov.u32 s30  }
0x206: {  	v11 =	vld [tilespmem:s15+$0x0];
	v5 =	vadd.f32 v5, v4  }
0x207: {  	v3 =	vld [tilespmem:s11+$0x0]  }
.Ltmp7:
0x208: {  	s6 =	sadd.s32 $0x16000, s6;
	v4 =	vld [tilespmem:s31+$0x0];
	v7 =	vadd.f32 v7, v5;
	(pc) =	sbr.rel @p0 .LBB2_17-.Ltmp7, $4  }
0x209: {  	s8 =	sor.u32 s17, s6;
	s11 =	sor.u32 s5, s6;
	s5 =	sor.u32 s13, s6;
	v9 =	vadd.f32 v8, v6;
	v5 =	vld [tilespmem:s26+$0x0]  }
0x20a: {  	s30 =	sor.u32 s19, s6;
	[tilespmem:s5+$0x0] =	vst.add.f32.msk $0xffff, v7  }
0x20b: {  	v8 =	vadd.f32 v11, v10;
	v6 =	vld [tilespmem:s22+$0x0]  }
0x20c: {  	s29 =	sadd.s32 $0x40, s29;
	v7 =	vld [tilespmem:s24+$0x0]  }
0x20d: {  	_ = 	snop  }
0x20e: {  	[tilespmem:s0+$0x0] =	vst.add.f32.msk $0xffff, v0  }
0x20f: {  	v0 =	vadd.f32 v4, v3;
	[tilespmem:s3+$0x0] =	vst.add.f32.msk $0xffff, v1;
	v3 =	vadd.f32 v5, v9  }
0x210: {  	[tilespmem:s1+$0x0] =	vst.add.f32.msk $0xffff, v2;
	v1 =	vadd.f32 v6, v8  }
0x211: {  	[tilespmem:s11+$0x0] =	vst.add.f32.msk $0xffff, v3;
	v0 =	vadd.f32 v7, v0  }
0x212: {  	[tilespmem:s8+$0x0] =	vst.add.f32.msk $0xffff, v1  }
0x213: {  	[tilespmem:s30+$0x0] =	vst.add.f32.msk $0xffff, v0  }
0x214: {  	_ =	swait.ge [sflag:s21], $0x3800  }
0x215: {  	[sflag:s21] =	ssyncset.done $0x0  }
0x216: {  	[sflag:s21] =	ssyncadd.s32 $0xFFFFC800  }
0x217: {  	_ =	swait.ge [sflag:s21], $0x3800  }
0x218: {  	[sflag:s21] =	ssyncset.done $0x0  }
0x219: {  	[sflag:s21] =	ssyncadd.s32 $0xFFFFC800  }
0x21a: {  	s25 =	simm.s32 $0x0;
	_ =	swait.ge [sflag:s21], $0x3800  }
0x21b: {  	s2 =	simm.s32 $0x1000;
	s26 =	sand.u32 $0x40, s25;
	[sflag:s21] =	ssyncset.done $0x0  }
0x21c: {  	s0 =	sand.u32 $0x3F80, s25;
	s11 =	sor.u32 $0x30, s26;
	[sflag:s21] =	ssyncadd.s32 $0xFFFFC800  }
0x21d: {  	s5 =	sadd.s32 $0x4800, s0;
	s6 =	sor.u32 s0, s11;
	v0 =	vld [tilespmem:s2+$0x0]  }
0x21e: {  	s15 =	sor.u32 s11, s5;
	v1 =	vld [tilespmem:s6+$0x1000]  }
0x21f: {  	s19 =	sor.u32 $0x8000, s0;
	s17 =	sor.u32 s26, s5;
	v2 =	vld [tilespmem:s15+$0x0]  }
0x220: {  	s13 =	sor.u32 $0x10, s26;
	s22 =	sor.u32 s11, s19;
	v3 =	vld [tilespmem:s17+$0x0]  }
0x221: {  	s24 =	sor.u32 $0x20, s26;
	s3 =	sor.u32 s0, s13;
	v4 =	vld [tilespmem:s22+$0x0]  }
0x222: {  	s25 =	sor.u32 s24, s5;
	s1 =	sor.u32 s26, s19;
	v5 =	vld [tilespmem:s3+$0x1000]  }
0x223: {  	s26 =	sor.u32 s13, s19;
	s15 =	sor.u32 s13, s5;
	v8 =	vld [tilespmem:s1+$0x0];
	s5 =	simm.s32 $0x40  }
0x224: {  	v62 =	vld [tilespmem:s26+$0x0];
	s13 =	sand.u32 $0x40, s5  }
0x225: {  	s2 =	sor.u32 s0, s24;
	v6 =	vld [tilespmem:s15+$0x0];
	s1 =	sand.u32 $0x3F80, s5;
	s15 =	sor.u32 $0x10, s13  }
0x226: {  	v7 =	vld [tilespmem:s2+$0x1000];
	s31 =	sor.u32 s1, s15  }
0x227: {  	s17 =	sor.u32 s24, s19;
	s19 =	sor.u32 $0x30, s13;
	v12 =	vld [tilespmem:s31+$0x1000]  }
0x228: {  	s22 =	sadd.s32 $0x4800, s1;
	s24 =	sor.u32 s1, s19;
	v1 =	vadd.f32 v2, v1;
	v2 =	vld [tilespmem:s25+$0x0]  }
0x229: {  	v0 =	vadd.f32 v3, v0;
	v3 =	vld [tilespmem:s24+$0x1000];
	s25 =	sor.u32 s19, s22  }
0x22a: {  	s29 =	simm.s32 $0x1040;
	v1 =	vadd.f32 v4, v1;
	v4 =	vld [tilespmem:s25+$0x0]  }
0x22b: {  	s26 =	sor.u32 $0x8000, s1;
	v0 =	vadd.f32 v8, v0;
	v8 =	vld [tilespmem:s29+$0x0]  }
0x22c: {  	[tilespmem:s6+$0x16000] =	vst.add.f32.msk $0xffff, v1;
	s6 =	sor.u32 s19, s26  }
0x22d: {  	v10 =	vld [tilespmem:s6+$0x0]  }
0x22e: {  	s30 =	simm.s32 $0x16000;
	v1 =	vld [tilespmem:s17+$0x0]  }
0x22f: {  	[tilespmem:s30+$0x0] =	vst.add.f32.msk $0xffff, v0;
	s17 =	sor.u32 s13, s22;
	s19 =	sor.u32 $0x20, s13  }
0x230: {  	v11 =	vld [tilespmem:s17+$0x0];
	s0 =	sor.u32 s1, s19;
	v0 =	vadd.f32 v4, v3  }
0x231: {  	s17 =	sor.u32 s15, s22;
	s22 =	sor.u32 s19, s22;
	v13 =	vld [tilespmem:s0+$0x1000]  }
0x232: {  	v63 =	vld [tilespmem:s22+$0x0];
	v0 =	vadd.f32 v10, v0  }
0x233: {  	v3 =	vld [tilespmem:s17+$0x0]  }
0x234: {  	[tilespmem:s24+$0x16000] =	vst.add.f32.msk $0xffff, v0;
	s24 =	sor.u32 s13, s26  }
0x235: {  	v5 =	vadd.f32 v6, v5;
	s25 =	sor.u32 s15, s26;
	v4 =	vld [tilespmem:s24+$0x0]  }
0x236: {  	v0 =	vadd.f32 v2, v7;
	v2 =	vld [tilespmem:s25+$0x0]  }
0x237: {  	v7 =	vadd.f32 v62, v5;
	s26 =	sor.u32 s19, s26  }
0x238: {  	v6 =	vadd.f32 v11, v8;
	v0 =	vadd.f32 v1, v0;
	v1 =	vld [tilespmem:s26+$0x0]  }
0x239: {  	s8 =	simm.s32 $0x4;
	s1 =	simm.s32 $0x80;
	v5 =	vadd.f32 v3, v12;
	v3 =	vadd.f32 v63, v13;
	[tilespmem:s3+$0x16000] =	vst.add.f32.msk $0xffff, v7  }
.LBB2_19:
0x23a: {  	s3 =	sand.u32 $0x40, s1;
	v4 =	vadd.f32 v4, v6;
	s29 =	sadd.s32 $0x40, s29;
	[tilespmem:s2+$0x16000] =	vst.add.f32.msk $0xffff, v0;
	s30 =	sadd.s32 $0x40, s30  }
0x23b: {  	s2 =	sand.u32 $0x3F80, s1;
	s8 =	sadd.s32 $0x4, s8;
	v6 =	vld [tilespmem:s29+$0x0];
	s5 =	sor.u32 $0x30, s3;
	v7 =	vadd.f32 v2, v5  }
0x23c: {  	s6 =	sadd.s32 $0x4800, s2;
	p0 =	slt.u32 s8, $0x37C;
	s11 =	sor.u32 s2, s5;
	[tilespmem:s30+$0x0] =	vst.add.f32.msk $0xffff, v4  }
0x23d: {  	s13 =	sor.u32 $0x10, s3;
	s15 =	sor.u32 $0x20, s3;
	s17 =	sor.u32 s5, s6;
	v2 =	vld [tilespmem:s11+$0x1000];
	v0 =	vadd.f32 v1, v3  }
0x23e: {  	s22 =	sor.u32 $0x8000, s2;
	s19 =	sor.u32 s3, s6;
	s24 =	sor.u32 s2, s13;
	v1 =	vld [tilespmem:s17+$0x0]  }
0x23f: {  	s17 =	sor.u32 s13, s6;
	v3 =	vld [tilespmem:s19+$0x0];
	s19 =	sor.u32 s2, s15;
	s2 =	sor.u32 s5, s22  }
0x240: {  	s3 =	sor.u32 s3, s22;
	s6 =	sor.u32 s15, s6;
	s5 =	sor.u32 s13, s22;
	v5 =	vld [tilespmem:s2+$0x0]  }
0x241: {  	s13 =	sor.u32 s15, s22;
	s2 =	smov.u32 s0;
	s0 =	smov.u32 s19;
	v8 =	vld [tilespmem:s24+$0x1000]  }
0x242: {  	v9 =	vld [tilespmem:s17+$0x0]  }
0x243: {  	v10 =	vld [tilespmem:s0+$0x1000];
	v1 =	vadd.f32 v1, v2  }
0x244: {  	v6 =	vadd.f32 v3, v6;
	v3 =	vld [tilespmem:s6+$0x0]  }
.Ltmp8:
0x245: {  	v4 =	vld [tilespmem:s3+$0x0];
	v1 =	vadd.f32 v5, v1;
	(pc) =	sbr.rel @p0 .LBB2_19-.Ltmp8, $4  }
0x246: {  	v2 =	vld [tilespmem:s5+$0x0]  }
0x247: {  	v5 =	vadd.f32 v9, v8;
	[tilespmem:s11+$0x16000] =	vst.add.f32.msk $0xffff, v1  }
0x248: {  	v1 =	vld [tilespmem:s13+$0x0]  }
0x249: {  	s1 =	sadd.s32 $0x40, s1;
	v3 =	vadd.f32 v3, v10;
	[tilespmem:s31+$0x16000] =	vst.add.f32.msk $0xffff, v7;
	s31 =	smov.u32 s24  }
0x24a: {  	_ = 	snop  }
0x24b: {  	v4 =	vadd.f32 v4, v6  }
0x24c: {  	[tilespmem:s2+$0x16000] =	vst.add.f32.msk $0xffff, v0;
	s29 =	sadd.s32 $0x40, s30;
	v63 =	vadd.f32 v2, v5  }
0x24d: {  	s1 =	smul.u32 $0x70, s28;
	[tilespmem:s29+$0x0] =	vst.add.f32.msk $0xffff, v4;
	v1 =	vadd.f32 v1, v3  }
0x24e: {  	s2 =	rddreg [dreg:$0x4];
	[tilespmem:s31+$0x16000] =	vst.add.f32.msk $0xffff, v63  }
0x24f: {  	s30 =	simm.s32 $0x0;
	s28 =	sadd.s32 $0x1, s28;
	s1 =	sadd.s32 s2, s1;
	[tilespmem:s0+$0x16000] =	vst.add.f32.msk $0xffff, v1  }
0x250: {  	p0 =	sne.s32 s28, $0xE;
	s1 =	sshll.u32 s1, $0x4;
	s0 =	rddreg [dreg:$0x3]  }
.Ltmp9:
0x251: {  	s31 =	simm.s32 $0x16000;
	s0 =	sadd.s32 s0, s1;
	(pc) =	sbr.rel @p0 .LBB2_2-.Ltmp9, $4  }
0x252: {  	[hbm4b:s0+s30] =	stream.linear.scatter [tilespmem:s31], [sflag:$0x2], $0x3800, $0x38;
	[tilespmem:$0x19800] =	vst v63  }
0x253: {  	_ =	swait.ge [sflag:s9], $0x3800  }
0x254: {  	[sflag:s9] =	ssyncset.done $0x0  }
0x255: {  	[sflag:s9] =	ssyncadd.s32 $0xFFFFC800  }
0x256: {  	s1 =	rddreg [dreg:$0x6]  }
0x257: {  	s0 =	rddreg [dreg:$0x5];
	s1 =	sadd.s32 $0x1, s1  }
0x258: {  	p0 =	sne.s32 s1, s0  }
.Ltmp10:
0x259: {  	_ = 	snop;
	(pc) =	sbr.rel @p0 .LBB2_1-.Ltmp10, $1  }
0x25a: {  	_ =	sdelay $0x3  }
0x25b: {  	_ =	sfence.sel $0x180000  }
0x25c: {  	[bflag:$0x0] =	sbarrier.arrive $0xFFFF  }
0x25d: {  	_ =	strace $0x9000004A  }
0x25e: {  	s0 =	stileid.u32;
	[bflag:$0x2] =	sbarrier.arrive $0xFFFF  }
0x25f: {  	p0 =	sne.s32 s0, $0x0;
	s0 =	rddreg [dreg:$0x2]  }
0x260: {  	s0 =	sadd.s32 @!p0 $0x100000, s0  }
0x261: {  	[sflag:s0] =	ssyncadd.tile.s32 @!p0 $0x1;
	_ =	shalt  }
.Lfunc_end2:
_tile_overlayer_lowered:
.L_overlay_start_2:
0x262: {  	(tag) =	ssettag $0x2  }
0x263: {  	s0 =	rddreg [dreg:$0x0];
	s2 =	stileid.u32  }
0x264: {  	s1 =	rddreg [dreg:$0x1];
	p0 =	sne.s32 s2, $0x0  }
0x265: {  	s3 =	rddreg [dreg:$0x2];
	[bflag:$0x3] =	sbarrier.arrive $0xFFFF;
	s2 =	simm.s32 @!p0 $0x1C02  }
0x266: {  	[timem:s3], [sflag:s2] =	dma.local @!p0 [hbm:s0], s1  }
0x267: {  	s0 =	simm.s32 @!p0 $0x2  }
0x268: {  	_ =	swait.ge @!p0 [sflag:s0], s1  }
0x269: {  	s1 =	ssub.s32 @!p0 $0x0, s1;
	[sflag:s0] =	ssyncset.done @!p0 $0x0  }
0x26a: {  	[sflag:s0] =	ssyncadd.s32 @!p0 s1  }
0x26b: {  	[bflag:$0x3] =	sbarrier.arrive $0xFFFF  }
0x26c: {  	_ =	shalt  }

// kernel: kernel.9.cloned.1.call-start
scs
__scs_entry_jumppad:
0x0: {  	(pc) =	sbr.rel $0x88, $3  }
0x1: {  	(tag) =	ssettag $0x0;
	lr =	simm.s32 $0x1  }
0x2: {  	[smem:$0x3F98] =	sst lr;
	_ =	strace $0xD0000000  }
0x3: {  	_ = 	snop  }
0x4: {  	_ = 	snop  }
0x5: {  	_ = 	snop  }
0x6: {  	_ = 	snop  }
0x7: {  	_ = 	snop  }
__scs_overlays_trampoline_lowered:
0x8: {  	[smem:$0x3FA7] =	sst s0  }
0x9: {  	[smem:$0x3FA8] =	sst s1  }
0xa: {  	[smem:$0x3FA9] =	sst s2  }
0xb: {  	[smem:$0x3FAA] =	sst s3  }
0xc: {  	[smem:$0x3FAB] =	sst s4  }
0xd: {  	[smem:$0x3FAC] =	sst s5  }
0xe: {  	[smem:$0x3FAD] =	sst s6  }
0xf: {  	[smem:$0x3FAE] =	sst s7  }
0x10: {  	[smem:$0x3FAF] =	sst s8  }
0x11: {  	[smem:$0x3FB0] =	sst s9;
	s0 =	simm.s32 @!p0 $0x0  }
0x12: {  	s1 =	sld [smem:$0x3F96];
	s0 =	simm.s32 @p0 $0x1  }
0x13: {  	[smem:$0x3FB1] =	sst s0;
	s0 =	simm.s32 @!p1 $0x0  }
0x14: {  	s2 =	sld [smem:$0x3F95];
	s0 =	simm.s32 @p1 $0x1  }
0x15: {  	[smem:$0x3FB2] =	sst s0;
	s0 =	simm.s32 @!p2 $0x0  }
0x16: {  	s3 =	sld [smem:$0x3FDB];
	s0 =	simm.s32 @p2 $0x1  }
0x17: {  	s4 =	simm.s32 $0x1BF5;
	[smem:$0x3FB4] =	sst s0  }
0x18: {  	s0 =	sld [smem:$0x3F97];
	_ =	swait.ge [sflag:s4], $0x0  }
0x19: {  	s7 =	sld [smem:$0x3F98]  }
0x1a: {  	s8 =	sadd.s32 $0xFFFFE003, lr  }
0x1b: {  	s9 =	sadd.s32 $0xFFFFFEF7, lr;
	s5 =	simm.s32 $0xFFFFFFFF;
	p2 =	slt.u32 s8, $0xFFFFF086  }
0x1c: {  	p1 =	slt.u32 s9, $0xF7A;
	s5 =	simm.s32 @!p2 $0x0  }
0x1d: {  	s5 =	simm.s32 @p1 $0x1;
	p0 =	seq.s32 s7, s2  }
0x1e: {  	s7 =	smul.u32 @!p0 $0xF7A, s2;
	p2 =	seq.s32 @!p0 s5, $0x0  }
0x1f: {  	s9 =	smul.u32 $0xF7A, s1;
	s8 =	simm.s32 @!p0 $0x1BF5;
	p2 =	por !p2, p0  }
0x20: {  	[sflag:s8] =	ssyncset.s32 @!p0 $0xFFFFF086;
	s6 =	sadd.s32 @!p0 s3, s7;
	s7 =	simm.s32 @!p0 $0x108  }
0x21: {  	s3 =	sadd.s32 s3, s9;
	s6 =	sadd.s32 @!p0 $0x88, s6;
	s7 =	simm.s32 @p2 $0x1082  }
0x22: {  	[simem:s7], [sflag:s8] =	dma.local @!p0 [hbm:s6], $0xF7A  }
0x23: {  	s9 =	sor.u32 $0xD0000000, s2;
	s6 =	simm.s32 $0x108;
	_ =	swait.ge @!p0 [sflag:s8], $0x0  }
0x24: {  	s3 =	sadd.s32 $0x88, s3;
	s6 =	simm.s32 @!p1 $0x1082;
	[sflag:s4] =	ssyncset.s32 $0xFFFFF086  }
0x25: {  	[simem:s6], [sflag:s4] =	dma.local [hbm:s3], $0xF7A  }
0x26: {  	[smem:$0x3F98] =	sst s1;
	(tag) =	ssettag s2;
	_ =	strace s9  }
0x27: {  	s1 =	sld [smem:$0x3FA8]  }
0x28: {  	s2 =	sld [smem:$0x3FA9]  }
0x29: {  	s4 =	sld [smem:$0x3FAB]  }
0x2a: {  	p0 =	seq.s32 s5, $0x0;
	s5 =	sld [smem:$0x3FAC]  }
0x2b: {  	s6 =	sld [smem:$0x3FAD]  }
0x2c: {  	s7 =	sld [smem:$0x3FAE]  }
0x2d: {  	s3 =	simm.s32 $0x108;
	s8 =	sld [smem:$0x3FAF]  }
0x2e: {  	s3 =	simm.s32 @!p0 $0x1082;
	s9 =	sld [smem:$0x3FB0]  }
0x2f: {  	lr =	sadd.s32 s0, s3;
	s0 =	sld [smem:$0x3FA7]  }
0x30: {  	s3 =	sld [smem:$0x3FAA]  }
0x31: {  	[smem:$0x3FB3] =	sst s10  }
0x32: {  	s10 =	sld [smem:$0x3FB1];
	_ =	sdelay $0x3  }
0x33: {  	p0 =	seq.s32 s10, $0x1;
	s10 =	sld [smem:$0x3FB3];
	_ =	sdelay $0x3  }
0x34: {  	[smem:$0x3FB3] =	sst s10  }
0x35: {  	s10 =	sld [smem:$0x3FB2];
	_ =	sdelay $0x3  }
0x36: {  	p1 =	seq.s32 s10, $0x1;
	s10 =	sld [smem:$0x3FB3];
	_ =	sdelay $0x3  }
0x37: {  	[smem:$0x3FB3] =	sst s10  }
0x38: {  	s10 =	sld [smem:$0x3FB4]  }
0x39: {  	_ = 	snop;
	(pc) =	sbr.ind lr, $3  }
0x3a: {  	_ = 	snop  }
0x3b: {  	_ = 	snop  }
0x3c: {  	p2 =	seq.s32 s10, $0x1;
	s10 =	sld [smem:$0x3FB3]  }
0x3d: {  	_ =	shalt  }
0x3e: {  	_ =	shalt  }
0x3f: {  	_ =	shalt  }
0x40: {  	_ =	shalt  }
0x41: {  	_ =	shalt  }
0x42: {  	_ =	shalt  }
0x43: {  	_ =	shalt  }
0x44: {  	_ =	shalt  }
0x45: {  	_ =	shalt  }
0x46: {  	_ =	shalt  }
0x47: {  	_ =	shalt  }
0x48: {  	_ =	shalt  }
0x49: {  	_ =	shalt  }
0x4a: {  	_ =	shalt  }
0x4b: {  	_ =	shalt  }
0x4c: {  	_ =	shalt  }
0x4d: {  	_ =	shalt  }
0x4e: {  	_ =	shalt  }
0x4f: {  	_ =	shalt  }
0x50: {  	_ =	shalt  }
0x51: {  	_ =	shalt  }
0x52: {  	_ =	shalt  }
0x53: {  	_ =	shalt  }
0x54: {  	_ =	shalt  }
0x55: {  	_ =	shalt  }
0x56: {  	_ =	shalt  }
0x57: {  	_ =	shalt  }
0x58: {  	_ =	shalt  }
0x59: {  	_ =	shalt  }
0x5a: {  	_ =	shalt  }
0x5b: {  	_ =	shalt  }
0x5c: {  	_ =	shalt  }
0x5d: {  	_ =	shalt  }
0x5e: {  	_ =	shalt  }
0x5f: {  	_ =	shalt  }
0x60: {  	_ =	shalt  }
0x61: {  	_ =	shalt  }
0x62: {  	_ =	shalt  }
0x63: {  	_ =	shalt  }
0x64: {  	_ =	shalt  }
0x65: {  	_ =	shalt  }
0x66: {  	_ =	shalt  }
0x67: {  	_ =	shalt  }
0x68: {  	_ =	shalt  }
0x69: {  	_ =	shalt  }
0x6a: {  	_ =	shalt  }
0x6b: {  	_ =	shalt  }
0x6c: {  	_ =	shalt  }
0x6d: {  	_ =	shalt  }
0x6e: {  	_ =	shalt  }
0x6f: {  	_ =	shalt  }
0x70: {  	_ =	shalt  }
0x71: {  	_ =	shalt  }
0x72: {  	_ =	shalt  }
0x73: {  	_ =	shalt  }
0x74: {  	_ =	shalt  }
0x75: {  	_ =	shalt  }
0x76: {  	_ =	shalt  }
0x77: {  	_ =	shalt  }
0x78: {  	_ =	shalt  }
0x79: {  	_ =	shalt  }
0x7a: {  	_ =	shalt  }
0x7b: {  	_ =	shalt  }
0x7c: {  	_ =	shalt  }
0x7d: {  	_ =	shalt  }
0x7e: {  	_ =	shalt  }
0x7f: {  	_ =	shalt  }
0x80: {  	_ =	shalt  }
0x81: {  	_ =	shalt  }
0x82: {  	_ =	shalt  }
0x83: {  	_ =	shalt  }
0x84: {  	_ =	shalt  }
0x85: {  	_ =	shalt  }
0x86: {  	_ =	shalt  }
0x87: {  	_ =	shalt  }
.Lfunc_end0:
.L_simem_size_0:
called_computation_lowered:
.L_overlay_start_0:
0x88: {  	s2 =	sld [smem:$0x3FD9]  }
0x89: {  	s3 =	sld [smem:$0x3FFE];
	_ =	sdelay $0x1  }
0x8a: {  	s1 =	srdreg.scid  }
0x8b: {  	s0 =	sand.u32 $0x1, s1  }
0x8c: {  	s17 =	sshll.u32 s0, $0xA;
	s2 =	sadd.s32 s3, s2  }
0x8d: {  	s2 =	sadd.s32 s2, s17  }
0x8e: {  	[smem:$0x3FBF] =	sst s2  }
0x8f: {  	_ = 	snop  }
0x90: {  	s2 =	sld [smem:$0x3FD0];
	(tm) =	ssettm $0x1  }
0x91: {  	s18 =	sld [smem:$0x3FFB];
	_ =	sdelay $0x3  }
0x92: {  	_ =	strace s18  }
0x93: {  	s3 =	sld [smem:$0x3FFC];
	_ =	sdelay $0x3  }
0x94: {  	_ =	strace s3  }
0x95: {  	s3 =	sld [smem:$0x3FFD];
	_ =	sdelay $0x3  }
0x96: {  	_ =	strace s3  }
0x97: {  	_ =	strace $0x8FFFFFFF  }
0x98: {  	s19 =	sld [smem:$0x3FDB];
	_ =	sdelay $0x1  }
0x99: {  	s4 =	simm.s32 $_scs_section_size  }
0x9a: {  	s5 =	simm.s32 $_size__tile_overlayer_lowered;
	s6 =	simm.s32 $_tile_overlayer_lowered  }
0x9b: {  	s22 =	simm.s32 $0x1BFF;
	s21 =	sshll.u32 s6, $0x1;
	s3 =	sadd.s32 s4, s19  }
0x9c: {  	s7 =	simm.s32 $0x0;
	s20 =	sshll.u32 s5, $0x1;
	s5 =	sadd.s32 s21, s3  }
0x9d: {  	[timem:s7], [sflag:s22] =	dma.local [hbm:s5], s20  }
0x9e: {  	_ =	swait.ge [sflag:s22], s20  }
0x9f: {  	s4 =	ssub.s32 $0x0, s20;
	[sflag:s22] =	ssyncset.done $0x0  }
0xa0: {  	[sflag:s22] =	ssyncadd.s32 s4;
	_ =	sdelay $0x1  }
0xa1: {  	s23 =	simm.s32 $0x1B8B  }
0xa2: {  	_ =	swait.ge [sflag:s23], $0x1  }
0xa3: {  	[sflag:s23] =	ssyncset.done $0x0  }
0xa4: {  	s25 =	simm.s32 $0x1B8E;
	s24 =	sld [smem:$0x3FFE];
	[sflag:s23] =	ssyncadd.s32 $0xFFFFFFFF  }
0xa5: {  	s26 =	simm.s32 $execute0_lowered;
	[smem:$0x3FD2] =	sst s25  }
0xa6: {  	s5 =	sshll.u32 s26, $0x1;
	_ =	strace $0x80000046;
	[dreg:$0x1] =	wrdreg $0xFFFFFFFF  }
0xa7: {  	s28 =	simm.s32 $_size_execute0_lowered;
	s3 =	sadd.s32 s3, s5;
	[dreg:$0x0] =	wrdreg $0x0  }
0xa8: {  	s5 =	sshll.u32 s28, $0x1;
	[dreg:$0x2] =	wrdreg s3  }
0xa9: {  	[dreg:$0x3] =	wrdreg s5  }
0xaa: {  	[dreg:$0x4] =	wrdreg $0xC0  }
0xab: {  	_ =	task [dreg:s7], $0x5FFFF  }
0xac: {  	[dreg:$0x1] =	wrdreg $0xFFFFFFFF  }
0xad: {  	[dreg:$0x0] =	wrdreg $0x60  }
0xae: {  	[dreg:$0x2] =	wrdreg s24  }
0xaf: {  	[dreg:$0x3] =	wrdreg s2  }
0xb0: {  	[dreg:$0x4] =	wrdreg $0x9  }
0xb1: {  	_ =	task.clear_ibuf [dreg:s7], $0x5FFFF;
	_ =	strace $0x90000046  }
0xb2: {  	s29 =	simm.s32 $0x9;
	_ =	strace $0x80000048  }
0xb3: {  	_ =	swait.ge [sflag:s29], $0x1  }
0xb4: {  	[sflag:s29] =	ssyncadd.s32 $0xFFFFFFFF  }
0xb5: {  	_ =	strace $0x90000048  }
0xb6: {  	_ =	sfence  }
0xb7: {  	s30 =	sld [smem:$0x0];
	_ =	sdelay $0x2  }
0xb8: {  	s31 =	sshll.u32 s1, $0xD;
	s1 =	sshrl.u32 s1, $0x2  }
0xb9: {  	s3 =	sand.u32 $0x4000, s31;
	s1 =	sadd.s32 s1, s30  }
0xba: {  	s0 =	sor.u32 s3, s0;
	s1 =	sshll.u32 s1, $0x11  }
0xbb: {  	s0 =	sor.u32 s1, s0  }
0xbc: {  	s0 =	sadd.s32 $0x8F2B, s0  }
0xbd: {  	[sflag:s0] =	ssyncadd.remote.s32 $0x1  }
0xbe: {  	_ =	sfence.sel $0xFFFF  }
0xbf: {  	[dreg:$0x0] =	wrdreg $0xFFFFFFFF;
	(pc) =	sbr.abs _section_cstart, $3  }
0xc0: {  	[dreg:$0x1] =	wrdreg $0xFFFFFFFF  }
0xc1: {  	_ =	task.clear_ibuf [dreg:s7], $0x2FFFF;
	_ =	strace $0x9FFFFFFF  }
0xc2: {  	(tm) =	ssettm $0x7FFFFFFF  }
0xc3: {  	_ =	shalt  }
tec
execute0_lowered:
.L_overlay_start_1:
0x0: {  	(tag) =	ssettag $0x1  }
0x1: {  	s0 =	rddreg [dreg:$0x0];
	s2 =	simm.s32 $0x0;
	s1 =	srdreg.scid  }
0x2: {  	s3 =	stileid.u32;
	s9 =	simm.s32 $0x2;
	s10 =	simm.s32 $0x70  }
0x3: {  	s12 =	simm.s32 $0x4800;
	s14 =	simm.s32 $0x8000;
	s16 =	simm.s32 $0xB800  }
0x4: {  	s18 =	simm.s32 $0xF000;
	s20 =	simm.s32 $0x12800;
	s21 =	simm.s32 $0x1  }
0x5: {  	[smem:$0x7FF] =	sst s2;
	s1 =	sand.u32 $0x1, s1;
	s3 =	sshll.u32 s3, $0x1  }
0x6: {  	s4 =	sadd.s32 $0xC7000, s0;
	s29 =	ssub.s32 $0x2, s1;
	s1 =	sor.u32 s1, s3  }
0x7: {  	s0 =	sadd.s32 $0x3000, s0;
	s6 =	sshrl.u32 s29, $0x1;
	s31 =	smul.u32 $0x620, s1  }
0x8: {  	_ =	strace $0x80000047;
	[dreg:$0x3] =	wrdreg s0;
	s30 =	ssub.s32 s29, s6  }
0x9: {  	s23 =	simm.s32 $0x1000;
	[dreg:$0x4] =	wrdreg s31;
	s0 =	smax.u32 s30, $0x1  }
0xa: {  	s7 =	smul.u32 $0xE, s1;
	s1 =	simm.s32 $0x0;
	[dreg:$0x5] =	wrdreg s0  }
.LBB2_1:
0xb: {  	[dreg:$0x6] =	wrdreg s1;
	s28 =	simm.s32 $0x0  }
.LBB2_2:
0xc: {  	s0 =	sadd.s32 s7, s28  }
0xd: {  	s1 =	rddreg [dreg:$0x1];
	s0 =	sshll.u32 s0, $0x9  }
0xe: {  	s3 =	simm.s32 $0x0;
	s0 =	sadd.s32 s1, s0  }
0xf: {  	[tilespmem:s3], [sflag:$0x2] =	stream.linear.gather [hbm4b:s0+s3], $0xD80, $0x38;
	[tilespmem:$0x19800] =	vst v63  }
0x10: {  	_ =	swait.ge [sflag:s9], $0xD80  }
0x11: {  	[sflag:s9] =	ssyncset.done $0x0  }
0x12: {  	s5 =	simm.s32 $0x1000;
	[sflag:s9] =	ssyncadd.s32 $0xFFFFF280  }
0x13: {  	[tilespmem:s5], [sflag:$0x1] =	stream.indirect.gather [hbm4b:s4+s10], $0x80, s3, s10, $0xb8;
	[tilespmem:$0x19800] =	vst v63  }
0x14: {  	s2 =	simm.s32 $0x80  }
0x15: {  	[tilespmem:s12], [sflag:$0x1] =	stream.indirect.gather [hbm4b:s4+s10], $0x80, s2, s10, $0xb8;
	[tilespmem:$0x19800] =	vst v63  }
0x16: {  	s6 =	simm.s32 $0x100  }
0x17: {  	[tilespmem:s14], [sflag:$0x1] =	stream.indirect.gather [hbm4b:s4+s10], $0x80, s6, s10, $0xb8;
	[tilespmem:$0x19800] =	vst v63  }
0x18: {  	s8 =	simm.s32 $0x180  }
0x19: {  	[tilespmem:s16], [sflag:$0x1] =	stream.indirect.gather [hbm4b:s4+s10], $0x80, s8, s10, $0xb8;
	[tilespmem:$0x19800] =	vst v63  }
0x1a: {  	s11 =	simm.s32 $0x200  }
0x1b: {  	[tilespmem:s18], [sflag:$0x1] =	stream.indirect.gather [hbm4b:s4+s10], $0x80, s11, s10, $0xb8;
	[tilespmem:$0x19800] =	vst v63  }
0x1c: {  	s13 =	simm.s32 $0x280  }
0x1d: {  	[tilespmem:s20], [sflag:$0x1] =	stream.indirect.gather [hbm4b:s4+s10], $0x80, s13, s10, $0xb8;
	[tilespmem:$0x19800] =	vst v63  }
0x1e: {  	_ =	swait.ge [sflag:s21], $0x3800  }
0x1f: {  	[sflag:s21] =	ssyncset.done $0x0  }
0x20: {  	[sflag:s21] =	ssyncadd.s32 $0xFFFFC800  }
0x21: {  	_ =	swait.ge [sflag:s21], $0x3800  }
0x22: {  	[sflag:s21] =	ssyncset.done $0x0  }
0x23: {  	[sflag:s21] =	ssyncadd.s32 $0xFFFFC800  }
0x24: {  	_ =	swait.ge [sflag:s21], $0x3800  }
0x25: {  	s15 =	sand.u32 $0x40, s3;
	[sflag:s21] =	ssyncset.done $0x0  }
0x26: {  	s1 =	sand.u32 $0x3F80, s3;
	s3 =	sor.u32 $0x30, s15;
	[sflag:s21] =	ssyncadd.s32 $0xFFFFC800  }
0x27: {  	s17 =	sadd.s32 $0x4800, s1;
	s8 =	sor.u32 s1, s3;
	v1 =	vld [tilespmem:s5+$0x0]  }
0x28: {  	s11 =	sor.u32 s3, s17;
	v0 =	vld [tilespmem:s8+$0x1000]  }
0x29: {  	s30 =	sor.u32 $0x8000, s1;
	s29 =	sor.u32 s15, s17;
	v2 =	vld [tilespmem:s11+$0x0]  }
0x2a: {  	s19 =	sor.u32 $0x10, s15;
	s3 =	sor.u32 s3, s30;
	v3 =	vld [tilespmem:s29+$0x0]  }
0x2b: {  	s22 =	sor.u32 $0x20, s15;
	s31 =	sor.u32 s1, s19;
	v4 =	vld [tilespmem:s3+$0x0]  }
0x2c: {  	s1 =	sor.u32 s1, s22;
	v5 =	vld [tilespmem:s31+$0x1000]  }
0x2d: {  	s0 =	sor.u32 s22, s17;
	v7 =	vld [tilespmem:s1+$0x1000]  }
0x2e: {  	s2 =	sor.u32 s15, s30;
	v8 =	vld [tilespmem:s0+$0x0]  }
0x2f: {  	s25 =	simm.s32 $0x40;
	s24 =	sor.u32 s19, s30;
	v9 =	vld [tilespmem:s2+$0x0]  }
0x30: {  	s26 =	sand.u32 $0x40, s25;
	s29 =	sor.u32 s19, s17;
	v10 =	vld [tilespmem:s24+$0x0]  }
0x31: {  	s3 =	sor.u32 s22, s30;
	s2 =	sand.u32 $0x3F80, s25;
	s5 =	sor.u32 $0x30, s26;
	v6 =	vld [tilespmem:s29+$0x0]  }
0x32: {  	v11 =	vld [tilespmem:s3+$0x0];
	s6 =	sadd.s32 $0x4800, s2;
	s30 =	sor.u32 s2, s5  }
0x33: {  	v13 =	vld [tilespmem:s30+$0x1000];
	s13 =	sor.u32 s5, s6  }
0x34: {  	s29 =	simm.s32 $0x1040;
	s17 =	sor.u32 $0x8000, s2;
	v0 =	vadd.f32 v2, v0;
	v2 =	vld [tilespmem:s13+$0x0]  }
0x35: {  	v12 =	vld [tilespmem:s29+$0x0];
	s0 =	sor.u32 s5, s17  }
0x36: {  	s19 =	sor.u32 $0x10, s26;
	s15 =	sor.u32 s26, s6;
	v7 =	vadd.f32 v8, v7;
	v8 =	vld [tilespmem:s0+$0x0];
	v5 =	vadd.f32 v6, v5  }
0x37: {  	s24 =	sor.u32 s19, s6;
	v6 =	vld [tilespmem:s15+$0x0];
	v4 =	vadd.f32 v4, v0  }
0x38: {  	s22 =	sor.u32 $0x20, s26;
	v3 =	vadd.f32 v3, v1;
	s0 =	sor.u32 s2, s19;
	v0 =	vld [tilespmem:s24+$0x0];
	v5 =	vadd.f32 v10, v5  }
0x39: {  	s25 =	sor.u32 s22, s6;
	[tilespmem:s8+$0x16000] =	vst v4;
	v4 =	vadd.f32 v11, v7;
	v7 =	vadd.f32 v2, v13;
	v2 =	vld [tilespmem:s0+$0x1000]  }
0x3a: {  	v1 =	vld [tilespmem:s25+$0x0];
	s2 =	sor.u32 s2, s22;
	[tilespmem:s31+$0x16000] =	vst v5;
	v5 =	vadd.f32 v9, v3  }
0x3b: {  	s3 =	simm.s32 $0x80;
	s26 =	sor.u32 s26, s17;
	s31 =	simm.s32 $0x16000;
	v3 =	vld [tilespmem:s2+$0x1000];
	[tilespmem:s1+$0x16000] =	vst v4  }
0x3c: {  	s11 =	sor.u32 s22, s17;
	s8 =	sor.u32 s19, s17;
	s1 =	simm.s32 $0x4;
	v4 =	vadd.f32 v6, v12;
	[tilespmem:s31+$0x0] =	vst v5;
	v5 =	vld [tilespmem:s26+$0x0];
	v6 =	vadd.f32 v8, v7  }
.LBB2_3:
0x3d: {  	s13 =	sand.u32 $0x40, s3;
	v7 =	vld [tilespmem:s8+$0x0];
	s29 =	sadd.s32 $0x40, s29;
	s31 =	sadd.s32 $0x40, s31  }
0x3e: {  	s8 =	sand.u32 $0x3F80, s3;
	s1 =	sadd.s32 $0x4, s1;
	s15 =	sor.u32 $0x30, s13;
	v0 =	vadd.f32 v0, v2;
	v2 =	vld [tilespmem:s11+$0x0];
	[tilespmem:s30+$0x16000] =	vst v6  }
0x3f: {  	s11 =	sadd.s32 $0x4800, s8;
	p0 =	slt.u32 s1, $0x37C;
	v6 =	vld [tilespmem:s29+$0x0];
	s30 =	sor.u32 s8, s15  }
0x40: {  	s17 =	sor.u32 $0x10, s13;
	s19 =	sor.u32 $0x20, s13;
	s22 =	sor.u32 s15, s11;
	v8 =	vld [tilespmem:s30+$0x1000];
	v1 =	vadd.f32 v1, v3  }
0x41: {  	s25 =	sor.u32 $0x8000, s8;
	s24 =	sor.u32 s13, s11;
	s26 =	sor.u32 s8, s17;
	v9 =	vld [tilespmem:s22+$0x0];
	v3 =	vadd.f32 v5, v4  }
0x42: {  	s15 =	sor.u32 s15, s25;
	s22 =	sor.u32 s17, s11;
	v4 =	vld [tilespmem:s24+$0x0];
	s24 =	sor.u32 s8, s19;
	v0 =	vadd.f32 v7, v0  }
0x43: {  	s13 =	sor.u32 s13, s25;
	s8 =	sor.u32 s17, s25;
	s17 =	sor.u32 s19, s11;
	v7 =	vld [tilespmem:s15+$0x0];
	[tilespmem:s31+$0x0] =	vst v3;
	v1 =	vadd.f32 v2, v1  }
.Ltmp0:
0x44: {  	s11 =	sor.u32 s19, s25;
	v2 =	vld [tilespmem:s26+$0x1000];
	[tilespmem:s0+$0x16000] =	vst v0;
	s0 =	smov.u32 s26;
	(pc) =	sbr.rel @p0 .LBB2_3-.Ltmp0, $4  }
0x45: {  	v0 =	vld [tilespmem:s22+$0x0];
	[tilespmem:s2+$0x16000] =	vst v1;
	s2 =	smov.u32 s24  }
0x46: {  	v3 =	vld [tilespmem:s2+$0x1000];
	v8 =	vadd.f32 v9, v8  }
0x47: {  	v4 =	vadd.f32 v4, v6;
	v1 =	vld [tilespmem:s17+$0x0]  }
0x48: {  	s3 =	sadd.s32 $0x40, s3;
	v5 =	vld [tilespmem:s13+$0x0];
	v6 =	vadd.f32 v7, v8  }
0x49: {  	v7 =	vld [tilespmem:s8+$0x0]  }
0x4a: {  	v8 =	vld [tilespmem:s11+$0x0];
	_ =	sdelay $0x1  }
0x4b: {  	v0 =	vadd.f32 v0, v2  }
0x4c: {  	v1 =	vadd.f32 v1, v3;
	v2 =	vadd.f32 v5, v4  }
0x4d: {  	s1 =	sadd.s32 $0x40, s31;
	[tilespmem:s30+$0x16000] =	vst v6;
	v0 =	vadd.f32 v7, v0  }
0x4e: {  	v1 =	vadd.f32 v8, v1;
	[tilespmem:s1+$0x0] =	vst v2  }
0x4f: {  	[tilespmem:s0+$0x16000] =	vst v0  }
0x50: {  	s31 =	simm.s32 $0x300;
	[tilespmem:s2+$0x16000] =	vst v1  }
0x51: {  	[tilespmem:s23], [sflag:$0x1] =	stream.indirect.gather [hbm4b:s4+s10], $0x80, s31, s10, $0xb8;
	[tilespmem:$0x19800] =	vst v63  }
0x52: {  	s1 =	simm.s32 $0x380  }
0x53: {  	[tilespmem:s12], [sflag:$0x1] =	stream.indirect.gather [hbm4b:s4+s10], $0x80, s1, s10, $0xb8;
	[tilespmem:$0x19800] =	vst v63  }
0x54: {  	s2 =	simm.s32 $0x400  }
0x55: {  	[tilespmem:s14], [sflag:$0x1] =	stream.indirect.gather [hbm4b:s4+s10], $0x80, s2, s10, $0xb8;
	[tilespmem:$0x19800] =	vst v63  }
0x56: {  	_ =	swait.ge [sflag:s21], $0x3800  }
0x57: {  	[sflag:s21] =	ssyncset.done $0x0  }
0x58: {  	[sflag:s21] =	ssyncadd.s32 $0xFFFFC800  }
0x59: {  	_ =	swait.ge [sflag:s21], $0x3800  }
0x5a: {  	[sflag:s21] =	ssyncset.done $0x0  }
0x5b: {  	s3 =	simm.s32 $0x0;
	[sflag:s21] =	ssyncadd.s32 $0xFFFFC800  }
0x5c: {  	s0 =	sand.u32 $0x40, s3;
	s1 =	sand.u32 $0x3F80, s3;
	_ =	swait.ge [sflag:s21], $0x3800  }
0x5d: {  	s3 =	sor.u32 $0x30, s0;
	s5 =	sadd.s32 $0xB800, s1;
	[sflag:s21] =	ssyncset.done $0x0  }
0x5e: {  	s6 =	sadd.s32 $0xF000, s1;
	s22 =	sor.u32 s3, s5;
	[sflag:s21] =	ssyncadd.s32 $0xFFFFC800  }
0x5f: {  	s24 =	sor.u32 s3, s6;
	v0 =	vld [tilespmem:s22+$0x0]  }
0x60: {  	s15 =	sadd.s32 $0x12800, s1;
	s13 =	sor.u32 s0, s5;
	v1 =	vld [tilespmem:s24+$0x0]  }
0x61: {  	s25 =	sor.u32 s3, s15;
	v2 =	vld [tilespmem:s13+$0x0]  }
0x62: {  	s17 =	sor.u32 s0, s6;
	v3 =	vld [tilespmem:s25+$0x0]  }
0x63: {  	s13 =	sor.u32 $0x10, s0;
	v4 =	vld [tilespmem:s17+$0x0];
	s25 =	sor.u32 s0, s15  }
0x64: {  	s26 =	sor.u32 s13, s5;
	v10 =	vld [tilespmem:s25+$0x0]  }
0x65: {  	s17 =	sor.u32 $0x20, s0;
	s19 =	sor.u32 s13, s6;
	v5 =	vld [tilespmem:s26+$0x0]  }
0x66: {  	s31 =	simm.s32 $0x40;
	s2 =	sor.u32 s17, s5;
	v6 =	vld [tilespmem:s19+$0x0]  }
0x67: {  	s11 =	sand.u32 $0x3F80, s31;
	s8 =	sor.u32 s17, s6;
	s19 =	sand.u32 $0x40, s31;
	v7 =	vld [tilespmem:s2+$0x0]  }
0x68: {  	s25 =	sor.u32 s13, s15;
	s2 =	sadd.s32 $0xB800, s11;
	v8 =	vld [tilespmem:s8+$0x0];
	s22 =	sor.u32 $0x30, s19  }
0x69: {  	s8 =	sadd.s32 $0xF000, s11;
	v11 =	vld [tilespmem:s25+$0x0];
	s24 =	sor.u32 s22, s2  }
0x6a: {  	s5 =	sor.u32 s22, s8;
	v0 =	vadd.f32 v1, v0;
	v1 =	vld [tilespmem:s24+$0x0]  }
0x6b: {  	s26 =	sadd.s32 $0x12800, s11;
	s31 =	sor.u32 s17, s15;
	v9 =	vld [tilespmem:s5+$0x0]  }
0x6c: {  	v12 =	vld [tilespmem:s31+$0x0];
	s15 =	sor.u32 $0x10, s19;
	s6 =	sor.u32 s22, s26  }
0x6d: {  	s25 =	sor.u32 s15, s2;
	v0 =	vadd.f32 v3, v0;
	v3 =	vld [tilespmem:s6+$0x0]  }
0x6e: {  	s1 =	sadd.s32 $0x16000, s1;
	v14 =	vld [tilespmem:s25+$0x0];
	s6 =	sor.u32 s19, s8  }
0x6f: {  	s3 =	sor.u32 s3, s1;
	v13 =	vld [tilespmem:s6+$0x0]  }
0x70: {  	s5 =	sor.u32 s19, s2;
	[tilespmem:s3+$0x0] =	vst.add.f32.msk $0xffff, v0;
	v0 =	vadd.f32 v9, v1  }
0x71: {  	s6 =	sor.u32 s15, s8;
	v9 =	vld [tilespmem:s5+$0x0];
	s5 =	sor.u32 $0x20, s19  }
0x72: {  	s24 =	sadd.s32 $0x16000, s11;
	v15 =	vld [tilespmem:s6+$0x0];
	s2 =	sor.u32 s5, s2;
	v0 =	vadd.f32 v3, v0  }
0x73: {  	s31 =	sor.u32 s22, s24;
	v3 =	vld [tilespmem:s2+$0x0]  }
0x74: {  	s8 =	sor.u32 s5, s8;
	[tilespmem:s31+$0x0] =	vst.add.f32.msk $0xffff, v0  }
0x75: {  	s11 =	sor.u32 s19, s26;
	v1 =	vadd.f32 v6, v5;
	v0 =	vadd.f32 v4, v2;
	v4 =	vld [tilespmem:s8+$0x0]  }
0x76: {  	s29 =	simm.s32 $0x80;
	v5 =	vld [tilespmem:s11+$0x0]  }
0x77: {  	s0 =	sor.u32 s0, s1;
	s25 =	sor.u32 s15, s26;
	s3 =	sor.u32 s13, s1;
	v1 =	vadd.f32 v11, v1;
	v2 =	vadd.f32 v8, v7  }
0x78: {  	s1 =	sor.u32 s17, s1;
	s11 =	sor.u32 s19, s24;
	v6 =	vld [tilespmem:s25+$0x0];
	s31 =	sor.u32 s5, s26;
	v8 =	vadd.f32 v15, v14;
	v0 =	vadd.f32 v10, v0  }
0x79: {  	s30 =	sor.u32 s5, s24;
	s2 =	simm.s32 $0x4;
	s8 =	sor.u32 s15, s24;
	v9 =	vadd.f32 v13, v9;
	v7 =	vld [tilespmem:s31+$0x0];
	v2 =	vadd.f32 v12, v2  }
.LBB2_5:
0x7a: {  	s13 =	sand.u32 $0x40, s29;
	s15 =	sand.u32 $0x3F80, s29;
	v3 =	vadd.f32 v4, v3;
	[tilespmem:s0+$0x0] =	vst.add.f32.msk $0xffff, v0;
	s0 =	smov.u32 s11  }
0x7b: {  	s2 =	sadd.s32 $0x4, s2;
	s11 =	sadd.s32 $0xB800, s15;
	s17 =	sor.u32 $0x30, s13;
	v0 =	vadd.f32 v5, v9;
	[tilespmem:s3+$0x0] =	vst.add.f32.msk $0xffff, v1  }
0x7c: {  	s3 =	sadd.s32 $0xF000, s15;
	p0 =	slt.u32 s2, $0x37C;
	s19 =	sor.u32 s17, s11;
	[tilespmem:s1+$0x0] =	vst.add.f32.msk $0xffff, v2  }
0x7d: {  	s22 =	sor.u32 $0x10, s13;
	s24 =	sor.u32 $0x20, s13;
	s1 =	sor.u32 s17, s3;
	v4 =	vld [tilespmem:s19+$0x0];
	v1 =	vadd.f32 v6, v8  }
0x7e: {  	s26 =	sadd.s32 $0x12800, s15;
	s25 =	sor.u32 s13, s3;
	s19 =	sor.u32 s13, s11;
	v5 =	vld [tilespmem:s1+$0x0];
	v2 =	vadd.f32 v7, v3  }
0x7f: {  	s31 =	sor.u32 s17, s26;
	s1 =	sor.u32 s22, s11;
	v6 =	vld [tilespmem:s19+$0x0];
	s19 =	sor.u32 s22, s3  }
0x80: {  	s5 =	sor.u32 s13, s26;
	s6 =	sor.u32 s24, s3;
	s11 =	sor.u32 s24, s11;
	v7 =	vld [tilespmem:s31+$0x0]  }
0x81: {  	s3 =	smov.u32 s8;
	v8 =	vld [tilespmem:s25+$0x0];
	s25 =	sor.u32 s22, s26;
	s26 =	sor.u32 s24, s26  }
0x82: {  	v10 =	vld [tilespmem:s1+$0x0];
	s1 =	smov.u32 s30  }
0x83: {  	v11 =	vld [tilespmem:s19+$0x0];
	v5 =	vadd.f32 v5, v4  }
0x84: {  	v3 =	vld [tilespmem:s11+$0x0]  }
.Ltmp1:
0x85: {  	s15 =	sadd.s32 $0x16000, s15;
	v4 =	vld [tilespmem:s6+$0x0];
	v7 =	vadd.f32 v7, v5;
	(pc) =	sbr.rel @p0 .LBB2_5-.Ltmp1, $4  }
0x86: {  	s8 =	sor.u32 s22, s15;
	s11 =	sor.u32 s13, s15;
	v9 =	vadd.f32 v8, v6;
	v5 =	vld [tilespmem:s5+$0x0];
	s5 =	sor.u32 s17, s15  }
0x87: {  	s30 =	sor.u32 s24, s15;
	[tilespmem:s5+$0x0] =	vst.add.f32.msk $0xffff, v7  }
0x88: {  	v8 =	vadd.f32 v11, v10;
	v6 =	vld [tilespmem:s25+$0x0]  }
0x89: {  	s29 =	sadd.s32 $0x40, s29;
	v7 =	vld [tilespmem:s26+$0x0]  }
0x8a: {  	_ = 	snop  }
0x8b: {  	[tilespmem:s0+$0x0] =	vst.add.f32.msk $0xffff, v0  }
0x8c: {  	v0 =	vadd.f32 v4, v3;
	[tilespmem:s3+$0x0] =	vst.add.f32.msk $0xffff, v1;
	v3 =	vadd.f32 v5, v9  }
0x8d: {  	[tilespmem:s1+$0x0] =	vst.add.f32.msk $0xffff, v2;
	v1 =	vadd.f32 v6, v8  }
0x8e: {  	[tilespmem:s11+$0x0] =	vst.add.f32.msk $0xffff, v3;
	v0 =	vadd.f32 v7, v0  }
0x8f: {  	[tilespmem:s8+$0x0] =	vst.add.f32.msk $0xffff, v1  }
0x90: {  	s19 =	simm.s32 $0x480;
	[tilespmem:s30+$0x0] =	vst.add.f32.msk $0xffff, v0  }
0x91: {  	[tilespmem:s16], [sflag:$0x1] =	stream.indirect.gather [hbm4b:s4+s10], $0x80, s19, s10, $0xb8;
	[tilespmem:$0x19800] =	vst v63  }
0x92: {  	s22 =	simm.s32 $0x500  }
0x93: {  	[tilespmem:s18], [sflag:$0x1] =	stream.indirect.gather [hbm4b:s4+s10], $0x80, s22, s10, $0xb8;
	[tilespmem:$0x19800] =	vst v63  }
0x94: {  	s24 =	simm.s32 $0x580  }
0x95: {  	[tilespmem:s20], [sflag:$0x1] =	stream.indirect.gather [hbm4b:s4+s10], $0x80, s24, s10, $0xb8;
	[tilespmem:$0x19800] =	vst v63  }
0x96: {  	_ =	swait.ge [sflag:s21], $0x3800  }
0x97: {  	[sflag:s21] =	ssyncset.done $0x0  }
0x98: {  	[sflag:s21] =	ssyncadd.s32 $0xFFFFC800  }
0x99: {  	_ =	swait.ge [sflag:s21], $0x3800  }
0x9a: {  	[sflag:s21] =	ssyncset.done $0x0  }
0x9b: {  	[sflag:s21] =	ssyncadd.s32 $0xFFFFC800  }
0x9c: {  	s25 =	simm.s32 $0x0;
	_ =	swait.ge [sflag:s21], $0x3800  }
0x9d: {  	s2 =	simm.s32 $0x1000;
	s26 =	sand.u32 $0x40, s25;
	[sflag:s21] =	ssyncset.done $0x0  }
0x9e: {  	s0 =	sand.u32 $0x3F80, s25;
	s11 =	sor.u32 $0x30, s26;
	[sflag:s21] =	ssyncadd.s32 $0xFFFFC800  }
0x9f: {  	s5 =	sadd.s32 $0x4800, s0;
	s6 =	sor.u32 s0, s11;
	v0 =	vld [tilespmem:s2+$0x0]  }
0xa0: {  	s15 =	sor.u32 s11, s5;
	v1 =	vld [tilespmem:s6+$0x1000]  }
0xa1: {  	s17 =	sor.u32 s26, s5;
	s19 =	sor.u32 $0x8000, s0;
	v2 =	vld [tilespmem:s15+$0x0]  }
0xa2: {  	s13 =	sor.u32 $0x10, s26;
	s22 =	sor.u32 s11, s19;
	v3 =	vld [tilespmem:s17+$0x0]  }
0xa3: {  	s3 =	sor.u32 s0, s13;
	v4 =	vld [tilespmem:s22+$0x0]  }
0xa4: {  	s1 =	sor.u32 s26, s19;
	s24 =	sor.u32 $0x20, s26;
	s26 =	sor.u32 s13, s19;
	v5 =	vld [tilespmem:s3+$0x1000]  }
0xa5: {  	s25 =	sor.u32 s24, s5;
	s15 =	sor.u32 s13, s5;
	v8 =	vld [tilespmem:s1+$0x0];
	s5 =	simm.s32 $0x40  }
0xa6: {  	v62 =	vld [tilespmem:s26+$0x0];
	s13 =	sand.u32 $0x40, s5  }
0xa7: {  	s2 =	sor.u32 s0, s24;
	v6 =	vld [tilespmem:s15+$0x0];
	s1 =	sand.u32 $0x3F80, s5;
	s15 =	sor.u32 $0x10, s13  }
0xa8: {  	v7 =	vld [tilespmem:s2+$0x1000];
	s31 =	sor.u32 s1, s15  }
0xa9: {  	s17 =	sor.u32 s24, s19;
	s19 =	sor.u32 $0x30, s13;
	v12 =	vld [tilespmem:s31+$0x1000]  }
0xaa: {  	s22 =	sadd.s32 $0x4800, s1;
	s24 =	sor.u32 s1, s19;
	v1 =	vadd.f32 v2, v1;
	v2 =	vld [tilespmem:s25+$0x0]  }
0xab: {  	v0 =	vadd.f32 v3, v0;
	v3 =	vld [tilespmem:s24+$0x1000];
	s25 =	sor.u32 s19, s22  }
0xac: {  	s29 =	simm.s32 $0x1040;
	v1 =	vadd.f32 v4, v1;
	v4 =	vld [tilespmem:s25+$0x0]  }
0xad: {  	s26 =	sor.u32 $0x8000, s1;
	v0 =	vadd.f32 v8, v0;
	v8 =	vld [tilespmem:s29+$0x0]  }
0xae: {  	[tilespmem:s6+$0x16000] =	vst.add.f32.msk $0xffff, v1;
	s6 =	sor.u32 s19, s26  }
0xaf: {  	v10 =	vld [tilespmem:s6+$0x0]  }
0xb0: {  	s30 =	simm.s32 $0x16000;
	v1 =	vld [tilespmem:s17+$0x0]  }
0xb1: {  	[tilespmem:s30+$0x0] =	vst.add.f32.msk $0xffff, v0;
	s17 =	sor.u32 s13, s22;
	s19 =	sor.u32 $0x20, s13  }
0xb2: {  	v11 =	vld [tilespmem:s17+$0x0];
	s0 =	sor.u32 s1, s19;
	v0 =	vadd.f32 v4, v3  }
0xb3: {  	s17 =	sor.u32 s15, s22;
	s22 =	sor.u32 s19, s22;
	v13 =	vld [tilespmem:s0+$0x1000]  }
0xb4: {  	v63 =	vld [tilespmem:s22+$0x0];
	v0 =	vadd.f32 v10, v0  }
0xb5: {  	v3 =	vld [tilespmem:s17+$0x0]  }
0xb6: {  	[tilespmem:s24+$0x16000] =	vst.add.f32.msk $0xffff, v0;
	s24 =	sor.u32 s13, s26  }
0xb7: {  	v5 =	vadd.f32 v6, v5;
	s25 =	sor.u32 s15, s26;
	v4 =	vld [tilespmem:s24+$0x0]  }
0xb8: {  	v0 =	vadd.f32 v2, v7;
	v2 =	vld [tilespmem:s25+$0x0]  }
0xb9: {  	v7 =	vadd.f32 v62, v5;
	s26 =	sor.u32 s19, s26  }
0xba: {  	v6 =	vadd.f32 v11, v8;
	v0 =	vadd.f32 v1, v0;
	v1 =	vld [tilespmem:s26+$0x0]  }
0xbb: {  	s8 =	simm.s32 $0x4;
	s1 =	simm.s32 $0x80;
	v5 =	vadd.f32 v3, v12;
	v3 =	vadd.f32 v63, v13;
	[tilespmem:s3+$0x16000] =	vst.add.f32.msk $0xffff, v7  }
.LBB2_7:
0xbc: {  	s3 =	sand.u32 $0x40, s1;
	v4 =	vadd.f32 v4, v6;
	s29 =	sadd.s32 $0x40, s29;
	[tilespmem:s2+$0x16000] =	vst.add.f32.msk $0xffff, v0;
	s30 =	sadd.s32 $0x40, s30  }
0xbd: {  	s2 =	sand.u32 $0x3F80, s1;
	s8 =	sadd.s32 $0x4, s8;
	v6 =	vld [tilespmem:s29+$0x0];
	s5 =	sor.u32 $0x30, s3;
	v7 =	vadd.f32 v2, v5  }
0xbe: {  	s6 =	sadd.s32 $0x4800, s2;
	p0 =	slt.u32 s8, $0x37C;
	s11 =	sor.u32 s2, s5;
	[tilespmem:s30+$0x0] =	vst.add.f32.msk $0xffff, v4  }
0xbf: {  	s13 =	sor.u32 $0x10, s3;
	s15 =	sor.u32 $0x20, s3;
	s17 =	sor.u32 s5, s6;
	v2 =	vld [tilespmem:s11+$0x1000];
	v0 =	vadd.f32 v1, v3  }
0xc0: {  	s22 =	sor.u32 $0x8000, s2;
	s19 =	sor.u32 s3, s6;
	s24 =	sor.u32 s2, s13;
	v1 =	vld [tilespmem:s17+$0x0]  }
0xc1: {  	s17 =	sor.u32 s13, s6;
	v3 =	vld [tilespmem:s19+$0x0];
	s19 =	sor.u32 s2, s15;
	s2 =	sor.u32 s5, s22  }
0xc2: {  	s3 =	sor.u32 s3, s22;
	s6 =	sor.u32 s15, s6;
	s5 =	sor.u32 s13, s22;
	v5 =	vld [tilespmem:s2+$0x0]  }
0xc3: {  	s13 =	sor.u32 s15, s22;
	s2 =	smov.u32 s0;
	s0 =	smov.u32 s19;
	v8 =	vld [tilespmem:s24+$0x1000]  }
0xc4: {  	v9 =	vld [tilespmem:s17+$0x0]  }
0xc5: {  	v10 =	vld [tilespmem:s0+$0x1000];
	v1 =	vadd.f32 v1, v2  }
0xc6: {  	v6 =	vadd.f32 v3, v6;
	v3 =	vld [tilespmem:s6+$0x0]  }
.Ltmp2:
0xc7: {  	v4 =	vld [tilespmem:s3+$0x0];
	v1 =	vadd.f32 v5, v1;
	(pc) =	sbr.rel @p0 .LBB2_7-.Ltmp2, $4  }
0xc8: {  	v2 =	vld [tilespmem:s5+$0x0]  }
0xc9: {  	v5 =	vadd.f32 v9, v8;
	[tilespmem:s11+$0x16000] =	vst.add.f32.msk $0xffff, v1  }
0xca: {  	v1 =	vld [tilespmem:s13+$0x0]  }
0xcb: {  	s1 =	sadd.s32 $0x40, s1;
	v3 =	vadd.f32 v3, v10;
	[tilespmem:s31+$0x16000] =	vst.add.f32.msk $0xffff, v7;
	s31 =	smov.u32 s24  }
0xcc: {  	_ = 	snop  }
0xcd: {  	v4 =	vadd.f32 v4, v6  }
0xce: {  	[tilespmem:s2+$0x16000] =	vst.add.f32.msk $0xffff, v0;
	s1 =	sadd.s32 $0x40, s30;
	v0 =	vadd.f32 v2, v5  }
0xcf: {  	[tilespmem:s1+$0x0] =	vst.add.f32.msk $0xffff, v4;
	v1 =	vadd.f32 v1, v3  }
0xd0: {  	[tilespmem:s31+$0x16000] =	vst.add.f32.msk $0xffff, v0  }
0xd1: {  	s11 =	simm.s32 $0x600;
	[tilespmem:s0+$0x16000] =	vst.add.f32.msk $0xffff, v1  }
0xd2: {  	[tilespmem:s23], [sflag:$0x1] =	stream.indirect.gather [hbm4b:s4+s10], $0x80, s11, s10, $0xb8;
	[tilespmem:$0x19800] =	vst v63  }
0xd3: {  	s13 =	simm.s32 $0x680  }
0xd4: {  	[tilespmem:s12], [sflag:$0x1] =	stream.indirect.gather [hbm4b:s4+s10], $0x80, s13, s10, $0xb8;
	[tilespmem:$0x19800] =	vst v63  }
0xd5: {  	s15 =	simm.s32 $0x700  }
0xd6: {  	[tilespmem:s14], [sflag:$0x1] =	stream.indirect.gather [hbm4b:s4+s10], $0x80, s15, s10, $0xb8;
	[tilespmem:$0x19800] =	vst v63  }
0xd7: {  	_ =	swait.ge [sflag:s21], $0x3800  }
0xd8: {  	[sflag:s21] =	ssyncset.done $0x0  }
0xd9: {  	[sflag:s21] =	ssyncadd.s32 $0xFFFFC800  }
0xda: {  	_ =	swait.ge [sflag:s21], $0x3800  }
0xdb: {  	[sflag:s21] =	ssyncset.done $0x0  }
0xdc: {  	s17 =	simm.s32 $0x0;
	[sflag:s21] =	ssyncadd.s32 $0xFFFFC800  }
0xdd: {  	s1 =	sand.u32 $0x3F80, s17;
	s0 =	sand.u32 $0x40, s17;
	_ =	swait.ge [sflag:s21], $0x3800  }
0xde: {  	s19 =	sadd.s32 $0xB800, s1;
	s3 =	sor.u32 $0x30, s0;
	[sflag:s21] =	ssyncset.done $0x0  }
0xdf: {  	s5 =	sadd.s32 $0xF000, s1;
	s6 =	sor.u32 s3, s19;
	[sflag:s21] =	ssyncadd.s32 $0xFFFFC800  }
0xe0: {  	s22 =	sor.u32 s3, s5;
	v0 =	vld [tilespmem:s6+$0x0]  }
0xe1: {  	s8 =	sor.u32 s0, s19;
	s11 =	sadd.s32 $0x12800, s1;
	v1 =	vld [tilespmem:s22+$0x0]  }
0xe2: {  	s24 =	sor.u32 s3, s11;
	v2 =	vld [tilespmem:s8+$0x0]  }
0xe3: {  	s13 =	sor.u32 s0, s5;
	v3 =	vld [tilespmem:s24+$0x0]  }
0xe4: {  	s8 =	sor.u32 $0x10, s0;
	v4 =	vld [tilespmem:s13+$0x0];
	s22 =	sor.u32 s0, s11  }
0xe5: {  	s25 =	sor.u32 s8, s19;
	v10 =	vld [tilespmem:s22+$0x0]  }
0xe6: {  	s13 =	sor.u32 $0x20, s0;
	s15 =	sor.u32 s8, s5;
	v5 =	vld [tilespmem:s25+$0x0]  }
0xe7: {  	s26 =	simm.s32 $0x40;
	s2 =	sor.u32 s13, s19;
	v6 =	vld [tilespmem:s15+$0x0]  }
0xe8: {  	s6 =	sand.u32 $0x3F80, s26;
	s5 =	sor.u32 s13, s5;
	s15 =	sand.u32 $0x40, s26;
	v7 =	vld [tilespmem:s2+$0x0]  }
0xe9: {  	s2 =	sadd.s32 $0xB800, s6;
	v8 =	vld [tilespmem:s5+$0x0];
	s26 =	sor.u32 s8, s11;
	s17 =	sor.u32 $0x30, s15  }
0xea: {  	s5 =	sadd.s32 $0xF000, s6;
	v11 =	vld [tilespmem:s26+$0x0];
	s19 =	sor.u32 s17, s2  }
0xeb: {  	s31 =	sor.u32 s17, s5;
	v0 =	vadd.f32 v1, v0;
	v1 =	vld [tilespmem:s19+$0x0]  }
0xec: {  	s24 =	sadd.s32 $0x12800, s6;
	s22 =	sor.u32 s15, s5;
	v9 =	vld [tilespmem:s31+$0x0]  }
0xed: {  	s25 =	sor.u32 s17, s24;
	v13 =	vld [tilespmem:s22+$0x0]  }
0xee: {  	s31 =	sor.u32 s13, s11;
	s19 =	sor.u32 $0x10, s15;
	v0 =	vadd.f32 v3, v0;
	v3 =	vld [tilespmem:s25+$0x0]  }
0xef: {  	s1 =	sadd.s32 $0x16000, s1;
	v12 =	vld [tilespmem:s31+$0x0];
	s31 =	sor.u32 s19, s5  }
0xf0: {  	s3 =	sor.u32 s3, s1;
	v15 =	vld [tilespmem:s31+$0x0]  }
0xf1: {  	s6 =	sadd.s32 $0x16000, s6;
	s25 =	sor.u32 s19, s2;
	[tilespmem:s3+$0x0] =	vst.add.f32.msk $0xffff, v0;
	v0 =	vadd.f32 v9, v1  }
0xf2: {  	s26 =	sor.u32 s17, s6;
	s17 =	sor.u32 $0x20, s15;
	s11 =	sor.u32 s15, s2;
	v14 =	vld [tilespmem:s25+$0x0]  }
0xf3: {  	s2 =	sor.u32 s17, s2;
	v9 =	vld [tilespmem:s11+$0x0];
	v0 =	vadd.f32 v3, v0  }
0xf4: {  	v3 =	vld [tilespmem:s2+$0x0]  }
0xf5: {  	s22 =	sor.u32 s17, s5;
	[tilespmem:s26+$0x0] =	vst.add.f32.msk $0xffff, v0  }
0xf6: {  	s25 =	sor.u32 s15, s24;
	v1 =	vadd.f32 v6, v5;
	v0 =	vadd.f32 v4, v2;
	v4 =	vld [tilespmem:s22+$0x0]  }
0xf7: {  	s29 =	simm.s32 $0x80;
	v5 =	vld [tilespmem:s25+$0x0]  }
0xf8: {  	s0 =	sor.u32 s0, s1;
	s30 =	sor.u32 s17, s6;
	v1 =	vadd.f32 v11, v1;
	v2 =	vadd.f32 v8, v7;
	s26 =	sor.u32 s19, s24  }
0xf9: {  	s31 =	sor.u32 s17, s24;
	s3 =	sor.u32 s8, s1;
	s1 =	sor.u32 s13, s1;
	v8 =	vadd.f32 v15, v14;
	v6 =	vld [tilespmem:s26+$0x0];
	v0 =	vadd.f32 v10, v0  }
0xfa: {  	s8 =	sor.u32 s19, s6;
	s11 =	sor.u32 s15, s6;
	s2 =	simm.s32 $0x4;
	v7 =	vld [tilespmem:s31+$0x0];
	v9 =	vadd.f32 v13, v9;
	v2 =	vadd.f32 v12, v2  }
.LBB2_9:
0xfb: {  	s5 =	sand.u32 $0x40, s29;
	s6 =	sand.u32 $0x3F80, s29;
	v3 =	vadd.f32 v4, v3;
	[tilespmem:s0+$0x0] =	vst.add.f32.msk $0xffff, v0;
	s0 =	smov.u32 s11  }
0xfc: {  	s2 =	sadd.s32 $0x4, s2;
	s11 =	sadd.s32 $0xB800, s6;
	s13 =	sor.u32 $0x30, s5;
	v0 =	vadd.f32 v5, v9;
	[tilespmem:s3+$0x0] =	vst.add.f32.msk $0xffff, v1  }
0xfd: {  	s3 =	sadd.s32 $0xF000, s6;
	p0 =	slt.u32 s2, $0x37C;
	s15 =	sor.u32 s13, s11;
	[tilespmem:s1+$0x0] =	vst.add.f32.msk $0xffff, v2  }
0xfe: {  	s17 =	sor.u32 $0x10, s5;
	s19 =	sor.u32 $0x20, s5;
	s1 =	sor.u32 s13, s3;
	v4 =	vld [tilespmem:s15+$0x0];
	v1 =	vadd.f32 v6, v8  }
0xff: {  	s24 =	sadd.s32 $0x12800, s6;
	s22 =	sor.u32 s5, s3;
	s15 =	sor.u32 s5, s11;
	v5 =	vld [tilespmem:s1+$0x0];
	v2 =	vadd.f32 v7, v3  }
0x100: {  	s25 =	sor.u32 s13, s24;
	s1 =	sor.u32 s17, s11;
	v6 =	vld [tilespmem:s15+$0x0];
	s15 =	sor.u32 s17, s3  }
0x101: {  	s26 =	sor.u32 s5, s24;
	s31 =	sor.u32 s19, s3;
	s11 =	sor.u32 s19, s11;
	v7 =	vld [tilespmem:s25+$0x0]  }
0x102: {  	s3 =	smov.u32 s8;
	v8 =	vld [tilespmem:s22+$0x0];
	s22 =	sor.u32 s17, s24;
	s24 =	sor.u32 s19, s24  }
0x103: {  	v10 =	vld [tilespmem:s1+$0x0];
	s1 =	smov.u32 s30  }
0x104: {  	v11 =	vld [tilespmem:s15+$0x0];
	v5 =	vadd.f32 v5, v4  }
0x105: {  	v3 =	vld [tilespmem:s11+$0x0]  }
.Ltmp3:
0x106: {  	s6 =	sadd.s32 $0x16000, s6;
	v4 =	vld [tilespmem:s31+$0x0];
	v7 =	vadd.f32 v7, v5;
	(pc) =	sbr.rel @p0 .LBB2_9-.Ltmp3, $4  }
0x107: {  	s8 =	sor.u32 s17, s6;
	s11 =	sor.u32 s5, s6;
	s5 =	sor.u32 s13, s6;
	v9 =	vadd.f32 v8, v6;
	v5 =	vld [tilespmem:s26+$0x0]  }
0x108: {  	s30 =	sor.u32 s19, s6;
	[tilespmem:s5+$0x0] =	vst.add.f32.msk $0xffff, v7  }
0x109: {  	v8 =	vadd.f32 v11, v10;
	v6 =	vld [tilespmem:s22+$0x0]  }
0x10a: {  	s29 =	sadd.s32 $0x40, s29;
	v7 =	vld [tilespmem:s24+$0x0]  }
0x10b: {  	_ = 	snop  }
0x10c: {  	[tilespmem:s0+$0x0] =	vst.add.f32.msk $0xffff, v0  }
0x10d: {  	v0 =	vadd.f32 v4, v3;
	[tilespmem:s3+$0x0] =	vst.add.f32.msk $0xffff, v1;
	v3 =	vadd.f32 v5, v9  }
0x10e: {  	[tilespmem:s1+$0x0] =	vst.add.f32.msk $0xffff, v2;
	v1 =	vadd.f32 v6, v8  }
0x10f: {  	[tilespmem:s11+$0x0] =	vst.add.f32.msk $0xffff, v3;
	v0 =	vadd.f32 v7, v0  }
0x110: {  	[tilespmem:s8+$0x0] =	vst.add.f32.msk $0xffff, v1  }
0x111: {  	s19 =	simm.s32 $0x780;
	[tilespmem:s30+$0x0] =	vst.add.f32.msk $0xffff, v0  }
0x112: {  	[tilespmem:s16], [sflag:$0x1] =	stream.indirect.gather [hbm4b:s4+s10], $0x80, s19, s10, $0xb8;
	[tilespmem:$0x19800] =	vst v63  }
0x113: {  	s22 =	simm.s32 $0x800  }
0x114: {  	[tilespmem:s18], [sflag:$0x1] =	stream.indirect.gather [hbm4b:s4+s10], $0x80, s22, s10, $0xb8;
	[tilespmem:$0x19800] =	vst v63  }
0x115: {  	s24 =	simm.s32 $0x880  }
0x116: {  	[tilespmem:s20], [sflag:$0x1] =	stream.indirect.gather [hbm4b:s4+s10], $0x80, s24, s10, $0xb8;
	[tilespmem:$0x19800] =	vst v63  }
0x117: {  	_ =	swait.ge [sflag:s21], $0x3800  }
0x118: {  	[sflag:s21] =	ssyncset.done $0x0  }
0x119: {  	[sflag:s21] =	ssyncadd.s32 $0xFFFFC800  }
0x11a: {  	_ =	swait.ge [sflag:s21], $0x3800  }
0x11b: {  	[sflag:s21] =	ssyncset.done $0x0  }
0x11c: {  	[sflag:s21] =	ssyncadd.s32 $0xFFFFC800  }
0x11d: {  	s25 =	simm.s32 $0x0;
	_ =	swait.ge [sflag:s21], $0x3800  }
0x11e: {  	s2 =	simm.s32 $0x1000;
	s26 =	sand.u32 $0x40, s25;
	[sflag:s21] =	ssyncset.done $0x0  }
0x11f: {  	s0 =	sand.u32 $0x3F80, s25;
	s11 =	sor.u32 $0x30, s26;
	[sflag:s21] =	ssyncadd.s32 $0xFFFFC800  }
0x120: {  	s5 =	sadd.s32 $0x4800, s0;
	s6 =	sor.u32 s0, s11;
	v0 =	vld [tilespmem:s2+$0x0]  }
0x121: {  	s15 =	sor.u32 s11, s5;
	v1 =	vld [tilespmem:s6+$0x1000]  }
0x122: {  	s17 =	sor.u32 s26, s5;
	s19 =	sor.u32 $0x8000, s0;
	v2 =	vld [tilespmem:s15+$0x0]  }
0x123: {  	s13 =	sor.u32 $0x10, s26;
	s22 =	sor.u32 s11, s19;
	v3 =	vld [tilespmem:s17+$0x0]  }
0x124: {  	s3 =	sor.u32 s0, s13;
	v4 =	vld [tilespmem:s22+$0x0]  }
0x125: {  	s1 =	sor.u32 s26, s19;
	s24 =	sor.u32 $0x20, s26;
	s26 =	sor.u32 s13, s19;
	v5 =	vld [tilespmem:s3+$0x1000]  }
0x126: {  	s25 =	sor.u32 s24, s5;
	s15 =	sor.u32 s13, s5;
	v8 =	vld [tilespmem:s1+$0x0];
	s5 =	simm.s32 $0x40  }
0x127: {  	v62 =	vld [tilespmem:s26+$0x0];
	s13 =	sand.u32 $0x40, s5  }
0x128: {  	s2 =	sor.u32 s0, s24;
	v6 =	vld [tilespmem:s15+$0x0];
	s1 =	sand.u32 $0x3F80, s5;
	s15 =	sor.u32 $0x10, s13  }
0x129: {  	v7 =	vld [tilespmem:s2+$0x1000];
	s31 =	sor.u32 s1, s15  }
0x12a: {  	s17 =	sor.u32 s24, s19;
	s19 =	sor.u32 $0x30, s13;
	v12 =	vld [tilespmem:s31+$0x1000]  }
0x12b: {  	s22 =	sadd.s32 $0x4800, s1;
	s24 =	sor.u32 s1, s19;
	v1 =	vadd.f32 v2, v1;
	v2 =	vld [tilespmem:s25+$0x0]  }
0x12c: {  	v0 =	vadd.f32 v3, v0;
	v3 =	vld [tilespmem:s24+$0x1000];
	s25 =	sor.u32 s19, s22  }
0x12d: {  	s29 =	simm.s32 $0x1040;
	v1 =	vadd.f32 v4, v1;
	v4 =	vld [tilespmem:s25+$0x0]  }
0x12e: {  	s26 =	sor.u32 $0x8000, s1;
	v0 =	vadd.f32 v8, v0;
	v8 =	vld [tilespmem:s29+$0x0]  }
0x12f: {  	[tilespmem:s6+$0x16000] =	vst.add.f32.msk $0xffff, v1;
	s6 =	sor.u32 s19, s26  }
0x130: {  	v10 =	vld [tilespmem:s6+$0x0]  }
0x131: {  	s30 =	simm.s32 $0x16000;
	v1 =	vld [tilespmem:s17+$0x0]  }
0x132: {  	[tilespmem:s30+$0x0] =	vst.add.f32.msk $0xffff, v0;
	s17 =	sor.u32 s13, s22;
	s19 =	sor.u32 $0x20, s13  }
0x133: {  	v11 =	vld [tilespmem:s17+$0x0];
	s0 =	sor.u32 s1, s19;
	v0 =	vadd.f32 v4, v3  }
0x134: {  	s17 =	sor.u32 s15, s22;
	s22 =	sor.u32 s19, s22;
	v13 =	vld [tilespmem:s0+$0x1000]  }
0x135: {  	v63 =	vld [tilespmem:s22+$0x0];
	v0 =	vadd.f32 v10, v0  }
0x136: {  	v3 =	vld [tilespmem:s17+$0x0]  }
0x137: {  	[tilespmem:s24+$0x16000] =	vst.add.f32.msk $0xffff, v0;
	s24 =	sor.u32 s13, s26  }
0x138: {  	v5 =	vadd.f32 v6, v5;
	s25 =	sor.u32 s15, s26;
	v4 =	vld [tilespmem:s24+$0x0]  }
0x139: {  	v0 =	vadd.f32 v2, v7;
	v2 =	vld [tilespmem:s25+$0x0]  }
0x13a: {  	v7 =	vadd.f32 v62, v5;
	s26 =	sor.u32 s19, s26  }
0x13b: {  	v6 =	vadd.f32 v11, v8;
	v0 =	vadd.f32 v1, v0;
	v1 =	vld [tilespmem:s26+$0x0]  }
0x13c: {  	s8 =	simm.s32 $0x4;
	s1 =	simm.s32 $0x80;
	v5 =	vadd.f32 v3, v12;
	v3 =	vadd.f32 v63, v13;
	[tilespmem:s3+$0x16000] =	vst.add.f32.msk $0xffff, v7  }
.LBB2_11:
0x13d: {  	s3 =	sand.u32 $0x40, s1;
	v4 =	vadd.f32 v4, v6;
	s29 =	sadd.s32 $0x40, s29;
	[tilespmem:s2+$0x16000] =	vst.add.f32.msk $0xffff, v0;
	s30 =	sadd.s32 $0x40, s30  }
0x13e: {  	s2 =	sand.u32 $0x3F80, s1;
	s8 =	sadd.s32 $0x4, s8;
	v6 =	vld [tilespmem:s29+$0x0];
	s5 =	sor.u32 $0x30, s3;
	v7 =	vadd.f32 v2, v5  }
0x13f: {  	s6 =	sadd.s32 $0x4800, s2;
	p0 =	slt.u32 s8, $0x37C;
	s11 =	sor.u32 s2, s5;
	[tilespmem:s30+$0x0] =	vst.add.f32.msk $0xffff, v4  }
0x140: {  	s13 =	sor.u32 $0x10, s3;
	s15 =	sor.u32 $0x20, s3;
	s17 =	sor.u32 s5, s6;
	v2 =	vld [tilespmem:s11+$0x1000];
	v0 =	vadd.f32 v1, v3  }
0x141: {  	s22 =	sor.u32 $0x8000, s2;
	s19 =	sor.u32 s3, s6;
	s24 =	sor.u32 s2, s13;
	v1 =	vld [tilespmem:s17+$0x0]  }
0x142: {  	s17 =	sor.u32 s13, s6;
	v3 =	vld [tilespmem:s19+$0x0];
	s19 =	sor.u32 s2, s15;
	s2 =	sor.u32 s5, s22  }
0x143: {  	s3 =	sor.u32 s3, s22;
	s6 =	sor.u32 s15, s6;
	s5 =	sor.u32 s13, s22;
	v5 =	vld [tilespmem:s2+$0x0]  }
0x144: {  	s13 =	sor.u32 s15, s22;
	s2 =	smov.u32 s0;
	s0 =	smov.u32 s19;
	v8 =	vld [tilespmem:s24+$0x1000]  }
0x145: {  	v9 =	vld [tilespmem:s17+$0x0]  }
0x146: {  	v10 =	vld [tilespmem:s0+$0x1000];
	v1 =	vadd.f32 v1, v2  }
0x147: {  	v6 =	vadd.f32 v3, v6;
	v3 =	vld [tilespmem:s6+$0x0]  }
.Ltmp4:
0x148: {  	v4 =	vld [tilespmem:s3+$0x0];
	v1 =	vadd.f32 v5, v1;
	(pc) =	sbr.rel @p0 .LBB2_11-.Ltmp4, $4  }
0x149: {  	v2 =	vld [tilespmem:s5+$0x0]  }
0x14a: {  	v5 =	vadd.f32 v9, v8;
	[tilespmem:s11+$0x16000] =	vst.add.f32.msk $0xffff, v1  }
0x14b: {  	v1 =	vld [tilespmem:s13+$0x0]  }
0x14c: {  	s1 =	sadd.s32 $0x40, s1;
	v3 =	vadd.f32 v3, v10;
	[tilespmem:s31+$0x16000] =	vst.add.f32.msk $0xffff, v7;
	s31 =	smov.u32 s24  }
0x14d: {  	_ = 	snop  }
0x14e: {  	v4 =	vadd.f32 v4, v6  }
0x14f: {  	[tilespmem:s2+$0x16000] =	vst.add.f32.msk $0xffff, v0;
	s1 =	sadd.s32 $0x40, s30;
	v0 =	vadd.f32 v2, v5  }
0x150: {  	[tilespmem:s1+$0x0] =	vst.add.f32.msk $0xffff, v4;
	v1 =	vadd.f32 v1, v3  }
0x151: {  	[tilespmem:s31+$0x16000] =	vst.add.f32.msk $0xffff, v0  }
0x152: {  	s11 =	simm.s32 $0x900;
	[tilespmem:s0+$0x16000] =	vst.add.f32.msk $0xffff, v1  }
0x153: {  	[tilespmem:s23], [sflag:$0x1] =	stream.indirect.gather [hbm4b:s4+s10], $0x80, s11, s10, $0xb8;
	[tilespmem:$0x19800] =	vst v63  }
0x154: {  	s13 =	simm.s32 $0x980  }
0x155: {  	[tilespmem:s12], [sflag:$0x1] =	stream.indirect.gather [hbm4b:s4+s10], $0x80, s13, s10, $0xb8;
	[tilespmem:$0x19800] =	vst v63  }
0x156: {  	s15 =	simm.s32 $0xA00  }
0x157: {  	[tilespmem:s14], [sflag:$0x1] =	stream.indirect.gather [hbm4b:s4+s10], $0x80, s15, s10, $0xb8;
	[tilespmem:$0x19800] =	vst v63  }
0x158: {  	_ =	swait.ge [sflag:s21], $0x3800  }
0x159: {  	[sflag:s21] =	ssyncset.done $0x0  }
0x15a: {  	[sflag:s21] =	ssyncadd.s32 $0xFFFFC800  }
0x15b: {  	_ =	swait.ge [sflag:s21], $0x3800  }
0x15c: {  	[sflag:s21] =	ssyncset.done $0x0  }
0x15d: {  	s17 =	simm.s32 $0x0;
	[sflag:s21] =	ssyncadd.s32 $0xFFFFC800  }
0x15e: {  	s1 =	sand.u32 $0x3F80, s17;
	s0 =	sand.u32 $0x40, s17;
	_ =	swait.ge [sflag:s21], $0x3800  }
0x15f: {  	s19 =	sadd.s32 $0xB800, s1;
	s3 =	sor.u32 $0x30, s0;
	[sflag:s21] =	ssyncset.done $0x0  }
0x160: {  	s5 =	sadd.s32 $0xF000, s1;
	s6 =	sor.u32 s3, s19;
	[sflag:s21] =	ssyncadd.s32 $0xFFFFC800  }
0x161: {  	s22 =	sor.u32 s3, s5;
	v0 =	vld [tilespmem:s6+$0x0]  }
0x162: {  	s8 =	sor.u32 s0, s19;
	s11 =	sadd.s32 $0x12800, s1;
	v1 =	vld [tilespmem:s22+$0x0]  }
0x163: {  	s24 =	sor.u32 s3, s11;
	v2 =	vld [tilespmem:s8+$0x0]  }
0x164: {  	s13 =	sor.u32 s0, s5;
	v3 =	vld [tilespmem:s24+$0x0]  }
0x165: {  	s8 =	sor.u32 $0x10, s0;
	v4 =	vld [tilespmem:s13+$0x0];
	s22 =	sor.u32 s0, s11  }
0x166: {  	s25 =	sor.u32 s8, s19;
	v10 =	vld [tilespmem:s22+$0x0]  }
0x167: {  	s13 =	sor.u32 $0x20, s0;
	s15 =	sor.u32 s8, s5;
	v5 =	vld [tilespmem:s25+$0x0]  }
0x168: {  	s26 =	simm.s32 $0x40;
	s2 =	sor.u32 s13, s19;
	v6 =	vld [tilespmem:s15+$0x0]  }
0x169: {  	s6 =	sand.u32 $0x3F80, s26;
	s5 =	sor.u32 s13, s5;
	s15 =	sand.u32 $0x40, s26;
	v7 =	vld [tilespmem:s2+$0x0]  }
0x16a: {  	s2 =	sadd.s32 $0xB800, s6;
	v8 =	vld [tilespmem:s5+$0x0];
	s26 =	sor.u32 s8, s11;
	s17 =	sor.u32 $0x30, s15  }
0x16b: {  	s5 =	sadd.s32 $0xF000, s6;
	v11 =	vld [tilespmem:s26+$0x0];
	s19 =	sor.u32 s17, s2  }
0x16c: {  	s31 =	sor.u32 s17, s5;
	v0 =	vadd.f32 v1, v0;
	v1 =	vld [tilespmem:s19+$0x0]  }
0x16d: {  	s24 =	sadd.s32 $0x12800, s6;
	s22 =	sor.u32 s15, s5;
	v9 =	vld [tilespmem:s31+$0x0]  }
0x16e: {  	s25 =	sor.u32 s17, s24;
	v13 =	vld [tilespmem:s22+$0x0]  }
0x16f: {  	s31 =	sor.u32 s13, s11;
	s19 =	sor.u32 $0x10, s15;
	v0 =	vadd.f32 v3, v0;
	v3 =	vld [tilespmem:s25+$0x0]  }
0x170: {  	s1 =	sadd.s32 $0x16000, s1;
	v12 =	vld [tilespmem:s31+$0x0];
	s31 =	sor.u32 s19, s5  }
0x171: {  	s3 =	sor.u32 s3, s1;
	v15 =	vld [tilespmem:s31+$0x0]  }
0x172: {  	s6 =	sadd.s32 $0x16000, s6;
	s25 =	sor.u32 s19, s2;
	[tilespmem:s3+$0x0] =	vst.add.f32.msk $0xffff, v0;
	v0 =	vadd.f32 v9, v1  }
0x173: {  	s26 =	sor.u32 s17, s6;
	s17 =	sor.u32 $0x20, s15;
	s11 =	sor.u32 s15, s2;
	v14 =	vld [tilespmem:s25+$0x0]  }
0x174: {  	s2 =	sor.u32 s17, s2;
	v9 =	vld [tilespmem:s11+$0x0];
	v0 =	vadd.f32 v3, v0  }
0x175: {  	v3 =	vld [tilespmem:s2+$0x0]  }
0x176: {  	s22 =	sor.u32 s17, s5;
	[tilespmem:s26+$0x0] =	vst.add.f32.msk $0xffff, v0  }
0x177: {  	s25 =	sor.u32 s15, s24;
	v1 =	vadd.f32 v6, v5;
	v0 =	vadd.f32 v4, v2;
	v4 =	vld [tilespmem:s22+$0x0]  }
0x178: {  	s29 =	simm.s32 $0x80;
	v5 =	vld [tilespmem:s25+$0x0]  }
0x179: {  	s0 =	sor.u32 s0, s1;
	s30 =	sor.u32 s17, s6;
	v1 =	vadd.f32 v11, v1;
	v2 =	vadd.f32 v8, v7;
	s26 =	sor.u32 s19, s24  }
0x17a: {  	s31 =	sor.u32 s17, s24;
	s3 =	sor.u32 s8, s1;
	s1 =	sor.u32 s13, s1;
	v8 =	vadd.f32 v15, v14;
	v6 =	vld [tilespmem:s26+$0x0];
	v0 =	vadd.f32 v10, v0  }
0x17b: {  	s8 =	sor.u32 s19, s6;
	s11 =	sor.u32 s15, s6;
	s2 =	simm.s32 $0x4;
	v7 =	vld [tilespmem:s31+$0x0];
	v9 =	vadd.f32 v13, v9;
	v2 =	vadd.f32 v12, v2  }
.LBB2_13:
0x17c: {  	s5 =	sand.u32 $0x40, s29;
	s6 =	sand.u32 $0x3F80, s29;
	v3 =	vadd.f32 v4, v3;
	[tilespmem:s0+$0x0] =	vst.add.f32.msk $0xffff, v0;
	s0 =	smov.u32 s11  }
0x17d: {  	s2 =	sadd.s32 $0x4, s2;
	s11 =	sadd.s32 $0xB800, s6;
	s13 =	sor.u32 $0x30, s5;
	v0 =	vadd.f32 v5, v9;
	[tilespmem:s3+$0x0] =	vst.add.f32.msk $0xffff, v1  }
0x17e: {  	s3 =	sadd.s32 $0xF000, s6;
	p0 =	slt.u32 s2, $0x37C;
	s15 =	sor.u32 s13, s11;
	[tilespmem:s1+$0x0] =	vst.add.f32.msk $0xffff, v2  }
0x17f: {  	s17 =	sor.u32 $0x10, s5;
	s19 =	sor.u32 $0x20, s5;
	s1 =	sor.u32 s13, s3;
	v4 =	vld [tilespmem:s15+$0x0];
	v1 =	vadd.f32 v6, v8  }
0x180: {  	s24 =	sadd.s32 $0x12800, s6;
	s22 =	sor.u32 s5, s3;
	s15 =	sor.u32 s5, s11;
	v5 =	vld [tilespmem:s1+$0x0];
	v2 =	vadd.f32 v7, v3  }
0x181: {  	s25 =	sor.u32 s13, s24;
	s1 =	sor.u32 s17, s11;
	v6 =	vld [tilespmem:s15+$0x0];
	s15 =	sor.u32 s17, s3  }
0x182: {  	s26 =	sor.u32 s5, s24;
	s31 =	sor.u32 s19, s3;
	s11 =	sor.u32 s19, s11;
	v7 =	vld [tilespmem:s25+$0x0]  }
0x183: {  	s3 =	smov.u32 s8;
	v8 =	vld [tilespmem:s22+$0x0];
	s22 =	sor.u32 s17, s24;
	s24 =	sor.u32 s19, s24  }
0x184: {  	v10 =	vld [tilespmem:s1+$0x0];
	s1 =	smov.u32 s30  }
0x185: {  	v11 =	vld [tilespmem:s15+$0x0];
	v5 =	vadd.f32 v5, v4  }
0x186: {  	v3 =	vld [tilespmem:s11+$0x0]  }
.Ltmp5:
0x187: {  	s6 =	sadd.s32 $0x16000, s6;
	v4 =	vld [tilespmem:s31+$0x0];
	v7 =	vadd.f32 v7, v5;
	(pc) =	sbr.rel @p0 .LBB2_13-.Ltmp5, $4  }
0x188: {  	s8 =	sor.u32 s17, s6;
	s11 =	sor.u32 s5, s6;
	s5 =	sor.u32 s13, s6;
	v9 =	vadd.f32 v8, v6;
	v5 =	vld [tilespmem:s26+$0x0]  }
0x189: {  	s30 =	sor.u32 s19, s6;
	[tilespmem:s5+$0x0] =	vst.add.f32.msk $0xffff, v7  }
0x18a: {  	v8 =	vadd.f32 v11, v10;
	v6 =	vld [tilespmem:s22+$0x0]  }
0x18b: {  	s29 =	sadd.s32 $0x40, s29;
	v7 =	vld [tilespmem:s24+$0x0]  }
0x18c: {  	_ = 	snop  }
0x18d: {  	[tilespmem:s0+$0x0] =	vst.add.f32.msk $0xffff, v0  }
0x18e: {  	v0 =	vadd.f32 v4, v3;
	[tilespmem:s3+$0x0] =	vst.add.f32.msk $0xffff, v1;
	v3 =	vadd.f32 v5, v9  }
0x18f: {  	[tilespmem:s1+$0x0] =	vst.add.f32.msk $0xffff, v2;
	v1 =	vadd.f32 v6, v8  }
0x190: {  	[tilespmem:s11+$0x0] =	vst.add.f32.msk $0xffff, v3;
	v0 =	vadd.f32 v7, v0  }
0x191: {  	[tilespmem:s8+$0x0] =	vst.add.f32.msk $0xffff, v1  }
0x192: {  	s19 =	simm.s32 $0xA80;
	[tilespmem:s30+$0x0] =	vst.add.f32.msk $0xffff, v0  }
0x193: {  	[tilespmem:s16], [sflag:$0x1] =	stream.indirect.gather [hbm4b:s4+s10], $0x80, s19, s10, $0xb8;
	[tilespmem:$0x19800] =	vst v63  }
0x194: {  	s22 =	simm.s32 $0xB00  }
0x195: {  	[tilespmem:s18], [sflag:$0x1] =	stream.indirect.gather [hbm4b:s4+s10], $0x80, s22, s10, $0xb8;
	[tilespmem:$0x19800] =	vst v63  }
0x196: {  	s24 =	simm.s32 $0xB80  }
0x197: {  	[tilespmem:s20], [sflag:$0x1] =	stream.indirect.gather [hbm4b:s4+s10], $0x80, s24, s10, $0xb8;
	[tilespmem:$0x19800] =	vst v63  }
0x198: {  	_ =	swait.ge [sflag:s21], $0x3800  }
0x199: {  	[sflag:s21] =	ssyncset.done $0x0  }
0x19a: {  	[sflag:s21] =	ssyncadd.s32 $0xFFFFC800  }
0x19b: {  	_ =	swait.ge [sflag:s21], $0x3800  }
0x19c: {  	[sflag:s21] =	ssyncset.done $0x0  }
0x19d: {  	[sflag:s21] =	ssyncadd.s32 $0xFFFFC800  }
0x19e: {  	s25 =	simm.s32 $0x0;
	_ =	swait.ge [sflag:s21], $0x3800  }
0x19f: {  	s2 =	simm.s32 $0x1000;
	s26 =	sand.u32 $0x40, s25;
	[sflag:s21] =	ssyncset.done $0x0  }
0x1a0: {  	s0 =	sand.u32 $0x3F80, s25;
	s11 =	sor.u32 $0x30, s26;
	[sflag:s21] =	ssyncadd.s32 $0xFFFFC800  }
0x1a1: {  	s5 =	sadd.s32 $0x4800, s0;
	s6 =	sor.u32 s0, s11;
	v0 =	vld [tilespmem:s2+$0x0]  }
0x1a2: {  	s15 =	sor.u32 s11, s5;
	v1 =	vld [tilespmem:s6+$0x1000]  }
0x1a3: {  	s17 =	sor.u32 s26, s5;
	s19 =	sor.u32 $0x8000, s0;
	v2 =	vld [tilespmem:s15+$0x0]  }
0x1a4: {  	s13 =	sor.u32 $0x10, s26;
	s22 =	sor.u32 s11, s19;
	v3 =	vld [tilespmem:s17+$0x0]  }
0x1a5: {  	s3 =	sor.u32 s0, s13;
	v4 =	vld [tilespmem:s22+$0x0]  }
0x1a6: {  	s1 =	sor.u32 s26, s19;
	s24 =	sor.u32 $0x20, s26;
	s26 =	sor.u32 s13, s19;
	v5 =	vld [tilespmem:s3+$0x1000]  }
0x1a7: {  	s25 =	sor.u32 s24, s5;
	s15 =	sor.u32 s13, s5;
	v8 =	vld [tilespmem:s1+$0x0];
	s5 =	simm.s32 $0x40  }
0x1a8: {  	v62 =	vld [tilespmem:s26+$0x0];
	s13 =	sand.u32 $0x40, s5  }
0x1a9: {  	s2 =	sor.u32 s0, s24;
	v6 =	vld [tilespmem:s15+$0x0];
	s1 =	sand.u32 $0x3F80, s5;
	s15 =	sor.u32 $0x10, s13  }
0x1aa: {  	v7 =	vld [tilespmem:s2+$0x1000];
	s31 =	sor.u32 s1, s15  }
0x1ab: {  	s17 =	sor.u32 s24, s19;
	s19 =	sor.u32 $0x30, s13;
	v12 =	vld [tilespmem:s31+$0x1000]  }
0x1ac: {  	s22 =	sadd.s32 $0x4800, s1;
	s24 =	sor.u32 s1, s19;
	v1 =	vadd.f32 v2, v1;
	v2 =	vld [tilespmem:s25+$0x0]  }
0x1ad: {  	v0 =	vadd.f32 v3, v0;
	v3 =	vld [tilespmem:s24+$0x1000];
	s25 =	sor.u32 s19, s22  }
0x1ae: {  	s29 =	simm.s32 $0x1040;
	v1 =	vadd.f32 v4, v1;
	v4 =	vld [tilespmem:s25+$0x0]  }
0x1af: {  	s26 =	sor.u32 $0x8000, s1;
	v0 =	vadd.f32 v8, v0;
	v8 =	vld [tilespmem:s29+$0x0]  }
0x1b0: {  	[tilespmem:s6+$0x16000] =	vst.add.f32.msk $0xffff, v1;
	s6 =	sor.u32 s19, s26  }
0x1b1: {  	v10 =	vld [tilespmem:s6+$0x0]  }
0x1b2: {  	s30 =	simm.s32 $0x16000;
	v1 =	vld [tilespmem:s17+$0x0]  }
0x1b3: {  	[tilespmem:s30+$0x0] =	vst.add.f32.msk $0xffff, v0;
	s17 =	sor.u32 s13, s22;
	s19 =	sor.u32 $0x20, s13  }
0x1b4: {  	v11 =	vld [tilespmem:s17+$0x0];
	s0 =	sor.u32 s1, s19;
	v0 =	vadd.f32 v4, v3  }
0x1b5: {  	s17 =	sor.u32 s15, s22;
	s22 =	sor.u32 s19, s22;
	v13 =	vld [tilespmem:s0+$0x1000]  }
0x1b6: {  	v63 =	vld [tilespmem:s22+$0x0];
	v0 =	vadd.f32 v10, v0  }
0x1b7: {  	v3 =	vld [tilespmem:s17+$0x0]  }
0x1b8: {  	[tilespmem:s24+$0x16000] =	vst.add.f32.msk $0xffff, v0;
	s24 =	sor.u32 s13, s26  }
0x1b9: {  	v5 =	vadd.f32 v6, v5;
	s25 =	sor.u32 s15, s26;
	v4 =	vld [tilespmem:s24+$0x0]  }
0x1ba: {  	v0 =	vadd.f32 v2, v7;
	v2 =	vld [tilespmem:s25+$0x0]  }
0x1bb: {  	v7 =	vadd.f32 v62, v5;
	s26 =	sor.u32 s19, s26  }
0x1bc: {  	v6 =	vadd.f32 v11, v8;
	v0 =	vadd.f32 v1, v0;
	v1 =	vld [tilespmem:s26+$0x0]  }
0x1bd: {  	s8 =	simm.s32 $0x4;
	s1 =	simm.s32 $0x80;
	v5 =	vadd.f32 v3, v12;
	v3 =	vadd.f32 v63, v13;
	[tilespmem:s3+$0x16000] =	vst.add.f32.msk $0xffff, v7  }
.LBB2_15:
0x1be: {  	s3 =	sand.u32 $0x40, s1;
	v4 =	vadd.f32 v4, v6;
	s29 =	sadd.s32 $0x40, s29;
	[tilespmem:s2+$0x16000] =	vst.add.f32.msk $0xffff, v0;
	s30 =	sadd.s32 $0x40, s30  }
0x1bf: {  	s2 =	sand.u32 $0x3F80, s1;
	s8 =	sadd.s32 $0x4, s8;
	v6 =	vld [tilespmem:s29+$0x0];
	s5 =	sor.u32 $0x30, s3;
	v7 =	vadd.f32 v2, v5  }
0x1c0: {  	s6 =	sadd.s32 $0x4800, s2;
	p0 =	slt.u32 s8, $0x37C;
	s11 =	sor.u32 s2, s5;
	[tilespmem:s30+$0x0] =	vst.add.f32.msk $0xffff, v4  }
0x1c1: {  	s13 =	sor.u32 $0x10, s3;
	s15 =	sor.u32 $0x20, s3;
	s17 =	sor.u32 s5, s6;
	v2 =	vld [tilespmem:s11+$0x1000];
	v0 =	vadd.f32 v1, v3  }
0x1c2: {  	s22 =	sor.u32 $0x8000, s2;
	s19 =	sor.u32 s3, s6;
	s24 =	sor.u32 s2, s13;
	v1 =	vld [tilespmem:s17+$0x0]  }
0x1c3: {  	s17 =	sor.u32 s13, s6;
	v3 =	vld [tilespmem:s19+$0x0];
	s19 =	sor.u32 s2, s15;
	s2 =	sor.u32 s5, s22  }
0x1c4: {  	s3 =	sor.u32 s3, s22;
	s6 =	sor.u32 s15, s6;
	s5 =	sor.u32 s13, s22;
	v5 =	vld [tilespmem:s2+$0x0]  }
0x1c5: {  	s13 =	sor.u32 s15, s22;
	s2 =	smov.u32 s0;
	s0 =	smov.u32 s19;
	v8 =	vld [tilespmem:s24+$0x1000]  }
0x1c6: {  	v9 =	vld [tilespmem:s17+$0x0]  }
0x1c7: {  	v10 =	vld [tilespmem:s0+$0x1000];
	v1 =	vadd.f32 v1, v2  }
0x1c8: {  	v6 =	vadd.f32 v3, v6;
	v3 =	vld [tilespmem:s6+$0x0]  }
.Ltmp6:
0x1c9: {  	v4 =	vld [tilespmem:s3+$0x0];
	v1 =	vadd.f32 v5, v1;
	(pc) =	sbr.rel @p0 .LBB2_15-.Ltmp6, $4  }
0x1ca: {  	v2 =	vld [tilespmem:s5+$0x0]  }
0x1cb: {  	v5 =	vadd.f32 v9, v8;
	[tilespmem:s11+$0x16000] =	vst.add.f32.msk $0xffff, v1  }
0x1cc: {  	v1 =	vld [tilespmem:s13+$0x0]  }
0x1cd: {  	s1 =	sadd.s32 $0x40, s1;
	v3 =	vadd.f32 v3, v10;
	[tilespmem:s31+$0x16000] =	vst.add.f32.msk $0xffff, v7;
	s31 =	smov.u32 s24  }
0x1ce: {  	_ = 	snop  }
0x1cf: {  	v4 =	vadd.f32 v4, v6  }
0x1d0: {  	[tilespmem:s2+$0x16000] =	vst.add.f32.msk $0xffff, v0;
	s1 =	sadd.s32 $0x40, s30;
	v0 =	vadd.f32 v2, v5  }
0x1d1: {  	[tilespmem:s1+$0x0] =	vst.add.f32.msk $0xffff, v4;
	v1 =	vadd.f32 v1, v3  }
0x1d2: {  	[tilespmem:s31+$0x16000] =	vst.add.f32.msk $0xffff, v0  }
0x1d3: {  	s11 =	simm.s32 $0xC00;
	[tilespmem:s0+$0x16000] =	vst.add.f32.msk $0xffff, v1  }
0x1d4: {  	[tilespmem:s23], [sflag:$0x1] =	stream.indirect.gather [hbm4b:s4+s10], $0x80, s11, s10, $0xb8;
	[tilespmem:$0x19800] =	vst v63  }
0x1d5: {  	s13 =	simm.s32 $0xC80  }
0x1d6: {  	[tilespmem:s12], [sflag:$0x1] =	stream.indirect.gather [hbm4b:s4+s10], $0x80, s13, s10, $0xb8;
	[tilespmem:$0x19800] =	vst v63  }
0x1d7: {  	s15 =	simm.s32 $0xD00  }
0x1d8: {  	[tilespmem:s14], [sflag:$0x1] =	stream.indirect.gather [hbm4b:s4+s10], $0x80, s15, s10, $0xb8;
	[tilespmem:$0x19800] =	vst v63  }
0x1d9: {  	_ =	swait.ge [sflag:s21], $0x3800  }
0x1da: {  	[sflag:s21] =	ssyncset.done $0x0  }
0x1db: {  	[sflag:s21] =	ssyncadd.s32 $0xFFFFC800  }
0x1dc: {  	_ =	swait.ge [sflag:s21], $0x3800  }
0x1dd: {  	[sflag:s21] =	ssyncset.done $0x0  }
0x1de: {  	s17 =	simm.s32 $0x0;
	[sflag:s21] =	ssyncadd.s32 $0xFFFFC800  }
0x1df: {  	s1 =	sand.u32 $0x3F80, s17;
	s0 =	sand.u32 $0x40, s17;
	_ =	swait.ge [sflag:s21], $0x3800  }
0x1e0: {  	s19 =	sadd.s32 $0xB800, s1;
	s3 =	sor.u32 $0x30, s0;
	[sflag:s21] =	ssyncset.done $0x0  }
0x1e1: {  	s5 =	sadd.s32 $0xF000, s1;
	s6 =	sor.u32 s3, s19;
	[sflag:s21] =	ssyncadd.s32 $0xFFFFC800  }
0x1e2: {  	s22 =	sor.u32 s3, s5;
	v0 =	vld [tilespmem:s6+$0x0]  }
0x1e3: {  	s8 =	sor.u32 s0, s19;
	s11 =	sadd.s32 $0x12800, s1;
	v1 =	vld [tilespmem:s22+$0x0]  }
0x1e4: {  	s24 =	sor.u32 s3, s11;
	v2 =	vld [tilespmem:s8+$0x0]  }
0x1e5: {  	s13 =	sor.u32 s0, s5;
	v3 =	vld [tilespmem:s24+$0x0]  }
0x1e6: {  	s8 =	sor.u32 $0x10, s0;
	v4 =	vld [tilespmem:s13+$0x0];
	s22 =	sor.u32 s0, s11  }
0x1e7: {  	s25 =	sor.u32 s8, s19;
	v10 =	vld [tilespmem:s22+$0x0]  }
0x1e8: {  	s13 =	sor.u32 $0x20, s0;
	s15 =	sor.u32 s8, s5;
	v5 =	vld [tilespmem:s25+$0x0]  }
0x1e9: {  	s26 =	simm.s32 $0x40;
	s2 =	sor.u32 s13, s19;
	v6 =	vld [tilespmem:s15+$0x0]  }
0x1ea: {  	s6 =	sand.u32 $0x3F80, s26;
	s5 =	sor.u32 s13, s5;
	s15 =	sand.u32 $0x40, s26;
	v7 =	vld [tilespmem:s2+$0x0]  }
0x1eb: {  	s2 =	sadd.s32 $0xB800, s6;
	v8 =	vld [tilespmem:s5+$0x0];
	s26 =	sor.u32 s8, s11;
	s17 =	sor.u32 $0x30, s15  }
0x1ec: {  	s5 =	sadd.s32 $0xF000, s6;
	v11 =	vld [tilespmem:s26+$0x0];
	s19 =	sor.u32 s17, s2  }
0x1ed: {  	s31 =	sor.u32 s17, s5;
	v0 =	vadd.f32 v1, v0;
	v1 =	vld [tilespmem:s19+$0x0]  }
0x1ee: {  	s24 =	sadd.s32 $0x12800, s6;
	s22 =	sor.u32 s15, s5;
	v9 =	vld [tilespmem:s31+$0x0]  }
0x1ef: {  	s25 =	sor.u32 s17, s24;
	v13 =	vld [tilespmem:s22+$0x0]  }
0x1f0: {  	s31 =	sor.u32 s13, s11;
	s19 =	sor.u32 $0x10, s15;
	v0 =	vadd.f32 v3, v0;
	v3 =	vld [tilespmem:s25+$0x0]  }
0x1f1: {  	s1 =	sadd.s32 $0x16000, s1;
	v12 =	vld [tilespmem:s31+$0x0];
	s31 =	sor.u32 s19, s5  }
0x1f2: {  	s3 =	sor.u32 s3, s1;
	v15 =	vld [tilespmem:s31+$0x0]  }
0x1f3: {  	s6 =	sadd.s32 $0x16000, s6;
	s25 =	sor.u32 s19, s2;
	[tilespmem:s3+$0x0] =	vst.add.f32.msk $0xffff, v0;
	v0 =	vadd.f32 v9, v1  }
0x1f4: {  	s26 =	sor.u32 s17, s6;
	s17 =	sor.u32 $0x20, s15;
	s11 =	sor.u32 s15, s2;
	v14 =	vld [tilespmem:s25+$0x0]  }
0x1f5: {  	s2 =	sor.u32 s17, s2;
	v9 =	vld [tilespmem:s11+$0x0];
	v0 =	vadd.f32 v3, v0  }
0x1f6: {  	v3 =	vld [tilespmem:s2+$0x0]  }
0x1f7: {  	s22 =	sor.u32 s17, s5;
	[tilespmem:s26+$0x0] =	vst.add.f32.msk $0xffff, v0  }
0x1f8: {  	s25 =	sor.u32 s15, s24;
	v1 =	vadd.f32 v6, v5;
	v0 =	vadd.f32 v4, v2;
	v4 =	vld [tilespmem:s22+$0x0]  }
0x1f9: {  	s29 =	simm.s32 $0x80;
	v5 =	vld [tilespmem:s25+$0x0]  }
0x1fa: {  	s0 =	sor.u32 s0, s1;
	s30 =	sor.u32 s17, s6;
	v1 =	vadd.f32 v11, v1;
	v2 =	vadd.f32 v8, v7;
	s26 =	sor.u32 s19, s24  }
0x1fb: {  	s31 =	sor.u32 s17, s24;
	s3 =	sor.u32 s8, s1;
	s1 =	sor.u32 s13, s1;
	v8 =	vadd.f32 v15, v14;
	v6 =	vld [tilespmem:s26+$0x0];
	v0 =	vadd.f32 v10, v0  }
0x1fc: {  	s8 =	sor.u32 s19, s6;
	s11 =	sor.u32 s15, s6;
	s2 =	simm.s32 $0x4;
	v7 =	vld [tilespmem:s31+$0x0];
	v9 =	vadd.f32 v13, v9;
	v2 =	vadd.f32 v12, v2  }
.LBB2_17:
0x1fd: {  	s5 =	sand.u32 $0x40, s29;
	s6 =	sand.u32 $0x3F80, s29;
	v3 =	vadd.f32 v4, v3;
	[tilespmem:s0+$0x0] =	vst.add.f32.msk $0xffff, v0;
	s0 =	smov.u32 s11  }
0x1fe: {  	s2 =	sadd.s32 $0x4, s2;
	s11 =	sadd.s32 $0xB800, s6;
	s13 =	sor.u32 $0x30, s5;
	v0 =	vadd.f32 v5, v9;
	[tilespmem:s3+$0x0] =	vst.add.f32.msk $0xffff, v1  }
0x1ff: {  	s3 =	sadd.s32 $0xF000, s6;
	p0 =	slt.u32 s2, $0x37C;
	s15 =	sor.u32 s13, s11;
	[tilespmem:s1+$0x0] =	vst.add.f32.msk $0xffff, v2  }
0x200: {  	s17 =	sor.u32 $0x10, s5;
	s19 =	sor.u32 $0x20, s5;
	s1 =	sor.u32 s13, s3;
	v4 =	vld [tilespmem:s15+$0x0];
	v1 =	vadd.f32 v6, v8  }
0x201: {  	s24 =	sadd.s32 $0x12800, s6;
	s22 =	sor.u32 s5, s3;
	s15 =	sor.u32 s5, s11;
	v5 =	vld [tilespmem:s1+$0x0];
	v2 =	vadd.f32 v7, v3  }
0x202: {  	s25 =	sor.u32 s13, s24;
	s1 =	sor.u32 s17, s11;
	v6 =	vld [tilespmem:s15+$0x0];
	s15 =	sor.u32 s17, s3  }
0x203: {  	s26 =	sor.u32 s5, s24;
	s31 =	sor.u32 s19, s3;
	s11 =	sor.u32 s19, s11;
	v7 =	vld [tilespmem:s25+$0x0]  }
0x204: {  	s3 =	smov.u32 s8;
	v8 =	vld [tilespmem:s22+$0x0];
	s22 =	sor.u32 s17, s24;
	s24 =	sor.u32 s19, s24  }
0x205: {  	v10 =	vld [tilespmem:s1+$0x0];
	s1 =	smov.u32 s30  }
0x206: {  	v11 =	vld [tilespmem:s15+$0x0];
	v5 =	vadd.f32 v5, v4  }
0x207: {  	v3 =	vld [tilespmem:s11+$0x0]  }
.Ltmp7:
0x208: {  	s6 =	sadd.s32 $0x16000, s6;
	v4 =	vld [tilespmem:s31+$0x0];
	v7 =	vadd.f32 v7, v5;
	(pc) =	sbr.rel @p0 .LBB2_17-.Ltmp7, $4  }
0x209: {  	s8 =	sor.u32 s17, s6;
	s11 =	sor.u32 s5, s6;
	s5 =	sor.u32 s13, s6;
	v9 =	vadd.f32 v8, v6;
	v5 =	vld [tilespmem:s26+$0x0]  }
0x20a: {  	s30 =	sor.u32 s19, s6;
	[tilespmem:s5+$0x0] =	vst.add.f32.msk $0xffff, v7  }
0x20b: {  	v8 =	vadd.f32 v11, v10;
	v6 =	vld [tilespmem:s22+$0x0]  }
0x20c: {  	s29 =	sadd.s32 $0x40, s29;
	v7 =	vld [tilespmem:s24+$0x0]  }
0x20d: {  	_ = 	snop  }
0x20e: {  	[tilespmem:s0+$0x0] =	vst.add.f32.msk $0xffff, v0  }
0x20f: {  	v0 =	vadd.f32 v4, v3;
	[tilespmem:s3+$0x0] =	vst.add.f32.msk $0xffff, v1;
	v3 =	vadd.f32 v5, v9  }
0x210: {  	[tilespmem:s1+$0x0] =	vst.add.f32.msk $0xffff, v2;
	v1 =	vadd.f32 v6, v8  }
0x211: {  	[tilespmem:s11+$0x0] =	vst.add.f32.msk $0xffff, v3;
	v0 =	vadd.f32 v7, v0  }
0x212: {  	[tilespmem:s8+$0x0] =	vst.add.f32.msk $0xffff, v1  }
0x213: {  	[tilespmem:s30+$0x0] =	vst.add.f32.msk $0xffff, v0  }
0x214: {  	_ =	swait.ge [sflag:s21], $0x3800  }
0x215: {  	[sflag:s21] =	ssyncset.done $0x0  }
0x216: {  	[sflag:s21] =	ssyncadd.s32 $0xFFFFC800  }
0x217: {  	_ =	swait.ge [sflag:s21], $0x3800  }
0x218: {  	[sflag:s21] =	ssyncset.done $0x0  }
0x219: {  	[sflag:s21] =	ssyncadd.s32 $0xFFFFC800  }
0x21a: {  	s25 =	simm.s32 $0x0;
	_ =	swait.ge [sflag:s21], $0x3800  }
0x21b: {  	s2 =	simm.s32 $0x1000;
	s26 =	sand.u32 $0x40, s25;
	[sflag:s21] =	ssyncset.done $0x0  }
0x21c: {  	s0 =	sand.u32 $0x3F80, s25;
	s11 =	sor.u32 $0x30, s26;
	[sflag:s21] =	ssyncadd.s32 $0xFFFFC800  }
0x21d: {  	s5 =	sadd.s32 $0x4800, s0;
	s6 =	sor.u32 s0, s11;
	v0 =	vld [tilespmem:s2+$0x0]  }
0x21e: {  	s15 =	sor.u32 s11, s5;
	v1 =	vld [tilespmem:s6+$0x1000]  }
0x21f: {  	s19 =	sor.u32 $0x8000, s0;
	s17 =	sor.u32 s26, s5;
	v2 =	vld [tilespmem:s15+$0x0]  }
0x220: {  	s13 =	sor.u32 $0x10, s26;
	s22 =	sor.u32 s11, s19;
	v3 =	vld [tilespmem:s17+$0x0]  }
0x221: {  	s24 =	sor.u32 $0x20, s26;
	s3 =	sor.u32 s0, s13;
	v4 =	vld [tilespmem:s22+$0x0]  }
0x222: {  	s25 =	sor.u32 s24, s5;
	s1 =	sor.u32 s26, s19;
	v5 =	vld [tilespmem:s3+$0x1000]  }
0x223: {  	s26 =	sor.u32 s13, s19;
	s15 =	sor.u32 s13, s5;
	v8 =	vld [tilespmem:s1+$0x0];
	s5 =	simm.s32 $0x40  }
0x224: {  	v62 =	vld [tilespmem:s26+$0x0];
	s13 =	sand.u32 $0x40, s5  }
0x225: {  	s2 =	sor.u32 s0, s24;
	v6 =	vld [tilespmem:s15+$0x0];
	s1 =	sand.u32 $0x3F80, s5;
	s15 =	sor.u32 $0x10, s13  }
0x226: {  	v7 =	vld [tilespmem:s2+$0x1000];
	s31 =	sor.u32 s1, s15  }
0x227: {  	s17 =	sor.u32 s24, s19;
	s19 =	sor.u32 $0x30, s13;
	v12 =	vld [tilespmem:s31+$0x1000]  }
0x228: {  	s22 =	sadd.s32 $0x4800, s1;
	s24 =	sor.u32 s1, s19;
	v1 =	vadd.f32 v2, v1;
	v2 =	vld [tilespmem:s25+$0x0]  }
0x229: {  	v0 =	vadd.f32 v3, v0;
	v3 =	vld [tilespmem:s24+$0x1000];
	s25 =	sor.u32 s19, s22  }
0x22a: {  	s29 =	simm.s32 $0x1040;
	v1 =	vadd.f32 v4, v1;
	v4 =	vld [tilespmem:s25+$0x0]  }
0x22b: {  	s26 =	sor.u32 $0x8000, s1;
	v0 =	vadd.f32 v8, v0;
	v8 =	vld [tilespmem:s29+$0x0]  }
0x22c: {  	[tilespmem:s6+$0x16000] =	vst.add.f32.msk $0xffff, v1;
	s6 =	sor.u32 s19, s26  }
0x22d: {  	v10 =	vld [tilespmem:s6+$0x0]  }
0x22e: {  	s30 =	simm.s32 $0x16000;
	v1 =	vld [tilespmem:s17+$0x0]  }
0x22f: {  	[tilespmem:s30+$0x0] =	vst.add.f32.msk $0xffff, v0;
	s17 =	sor.u32 s13, s22;
	s19 =	sor.u32 $0x20, s13  }
0x230: {  	v11 =	vld [tilespmem:s17+$0x0];
	s0 =	sor.u32 s1, s19;
	v0 =	vadd.f32 v4, v3  }
0x231: {  	s17 =	sor.u32 s15, s22;
	s22 =	sor.u32 s19, s22;
	v13 =	vld [tilespmem:s0+$0x1000]  }
0x232: {  	v63 =	vld [tilespmem:s22+$0x0];
	v0 =	vadd.f32 v10, v0  }
0x233: {  	v3 =	vld [tilespmem:s17+$0x0]  }
0x234: {  	[tilespmem:s24+$0x16000] =	vst.add.f32.msk $0xffff, v0;
	s24 =	sor.u32 s13, s26  }
0x235: {  	v5 =	vadd.f32 v6, v5;
	s25 =	sor.u32 s15, s26;
	v4 =	vld [tilespmem:s24+$0x0]  }
0x236: {  	v0 =	vadd.f32 v2, v7;
	v2 =	vld [tilespmem:s25+$0x0]  }
0x237: {  	v7 =	vadd.f32 v62, v5;
	s26 =	sor.u32 s19, s26  }
0x238: {  	v6 =	vadd.f32 v11, v8;
	v0 =	vadd.f32 v1, v0;
	v1 =	vld [tilespmem:s26+$0x0]  }
0x239: {  	s8 =	simm.s32 $0x4;
	s1 =	simm.s32 $0x80;
	v5 =	vadd.f32 v3, v12;
	v3 =	vadd.f32 v63, v13;
	[tilespmem:s3+$0x16000] =	vst.add.f32.msk $0xffff, v7  }
.LBB2_19:
0x23a: {  	s3 =	sand.u32 $0x40, s1;
	v4 =	vadd.f32 v4, v6;
	s29 =	sadd.s32 $0x40, s29;
	[tilespmem:s2+$0x16000] =	vst.add.f32.msk $0xffff, v0;
	s30 =	sadd.s32 $0x40, s30  }
0x23b: {  	s2 =	sand.u32 $0x3F80, s1;
	s8 =	sadd.s32 $0x4, s8;
	v6 =	vld [tilespmem:s29+$0x0];
	s5 =	sor.u32 $0x30, s3;
	v7 =	vadd.f32 v2, v5  }
0x23c: {  	s6 =	sadd.s32 $0x4800, s2;
	p0 =	slt.u32 s8, $0x37C;
	s11 =	sor.u32 s2, s5;
	[tilespmem:s30+$0x0] =	vst.add.f32.msk $0xffff, v4  }
0x23d: {  	s13 =	sor.u32 $0x10, s3;
	s15 =	sor.u32 $0x20, s3;
	s17 =	sor.u32 s5, s6;
	v2 =	vld [tilespmem:s11+$0x1000];
	v0 =	vadd.f32 v1, v3  }
0x23e: {  	s22 =	sor.u32 $0x8000, s2;
	s19 =	sor.u32 s3, s6;
	s24 =	sor.u32 s2, s13;
	v1 =	vld [tilespmem:s17+$0x0]  }
0x23f: {  	s17 =	sor.u32 s13, s6;
	v3 =	vld [tilespmem:s19+$0x0];
	s19 =	sor.u32 s2, s15;
	s2 =	sor.u32 s5, s22  }
0x240: {  	s3 =	sor.u32 s3, s22;
	s6 =	sor.u32 s15, s6;
	s5 =	sor.u32 s13, s22;
	v5 =	vld [tilespmem:s2+$0x0]  }
0x241: {  	s13 =	sor.u32 s15, s22;
	s2 =	smov.u32 s0;
	s0 =	smov.u32 s19;
	v8 =	vld [tilespmem:s24+$0x1000]  }
0x242: {  	v9 =	vld [tilespmem:s17+$0x0]  }
0x243: {  	v10 =	vld [tilespmem:s0+$0x1000];
	v1 =	vadd.f32 v1, v2  }
0x244: {  	v6 =	vadd.f32 v3, v6;
	v3 =	vld [tilespmem:s6+$0x0]  }
.Ltmp8:
0x245: {  	v4 =	vld [tilespmem:s3+$0x0];
	v1 =	vadd.f32 v5, v1;
	(pc) =	sbr.rel @p0 .LBB2_19-.Ltmp8, $4  }
0x246: {  	v2 =	vld [tilespmem:s5+$0x0]  }
0x247: {  	v5 =	vadd.f32 v9, v8;
	[tilespmem:s11+$0x16000] =	vst.add.f32.msk $0xffff, v1  }
0x248: {  	v1 =	vld [tilespmem:s13+$0x0]  }
0x249: {  	s1 =	sadd.s32 $0x40, s1;
	v3 =	vadd.f32 v3, v10;
	[tilespmem:s31+$0x16000] =	vst.add.f32.msk $0xffff, v7;
	s31 =	smov.u32 s24  }
0x24a: {  	_ = 	snop  }
0x24b: {  	v4 =	vadd.f32 v4, v6  }
0x24c: {  	[tilespmem:s2+$0x16000] =	vst.add.f32.msk $0xffff, v0;
	s29 =	sadd.s32 $0x40, s30;
	v63 =	vadd.f32 v2, v5  }
0x24d: {  	s1 =	smul.u32 $0x70, s28;
	[tilespmem:s29+$0x0] =	vst.add.f32.msk $0xffff, v4;
	v1 =	vadd.f32 v1, v3  }
0x24e: {  	s2 =	rddreg [dreg:$0x4];
	[tilespmem:s31+$0x16000] =	vst.add.f32.msk $0xffff, v63  }
0x24f: {  	s30 =	simm.s32 $0x0;
	s28 =	sadd.s32 $0x1, s28;
	s1 =	sadd.s32 s2, s1;
	[tilespmem:s0+$0x16000] =	vst.add.f32.msk $0xffff, v1  }
0x250: {  	p0 =	sne.s32 s28, $0xE;
	s1 =	sshll.u32 s1, $0x4;
	s0 =	rddreg [dreg:$0x3]  }
.Ltmp9:
0x251: {  	s31 =	simm.s32 $0x16000;
	s0 =	sadd.s32 s0, s1;
	(pc) =	sbr.rel @p0 .LBB2_2-.Ltmp9, $4  }
0x252: {  	[hbm4b:s0+s30] =	stream.linear.scatter [tilespmem:s31], [sflag:$0x2], $0x3800, $0x38;
	[tilespmem:$0x19800] =	vst v63  }
0x253: {  	_ =	swait.ge [sflag:s9], $0x3800  }
0x254: {  	[sflag:s9] =	ssyncset.done $0x0  }
0x255: {  	[sflag:s9] =	ssyncadd.s32 $0xFFFFC800  }
0x256: {  	s1 =	rddreg [dreg:$0x6]  }
0x257: {  	s0 =	rddreg [dreg:$0x5];
	s1 =	sadd.s32 $0x1, s1  }
0x258: {  	p0 =	sne.s32 s1, s0  }
.Ltmp10:
0x259: {  	_ = 	snop;
	(pc) =	sbr.rel @p0 .LBB2_1-.Ltmp10, $1  }
0x25a: {  	_ =	sdelay $0x3  }
0x25b: {  	_ =	sfence.sel $0x180000  }
0x25c: {  	[bflag:$0x0] =	sbarrier.arrive $0xFFFF  }
0x25d: {  	_ =	strace $0x90000047  }
0x25e: {  	s0 =	stileid.u32;
	[bflag:$0x2] =	sbarrier.arrive $0xFFFF  }
0x25f: {  	p0 =	sne.s32 s0, $0x0;
	s0 =	rddreg [dreg:$0x2]  }
0x260: {  	s0 =	sadd.s32 @!p0 $0x100000, s0  }
0x261: {  	[sflag:s0] =	ssyncadd.tile.s32 @!p0 $0x1;
	_ =	shalt  }
.Lfunc_end2:
_tile_overlayer_lowered:
.L_overlay_start_2:
0x262: {  	(tag) =	ssettag $0x2  }
0x263: {  	s0 =	rddreg [dreg:$0x0];
	s2 =	stileid.u32  }
0x264: {  	s1 =	rddreg [dreg:$0x1];
	p0 =	sne.s32 s2, $0x0  }
0x265: {  	s3 =	rddreg [dreg:$0x2];
	[bflag:$0x3] =	sbarrier.arrive $0xFFFF;
	s2 =	simm.s32 @!p0 $0x1C02  }
0x266: {  	[timem:s3], [sflag:s2] =	dma.local @!p0 [hbm:s0], s1  }
0x267: {  	s0 =	simm.s32 @!p0 $0x2  }
0x268: {  	_ =	swait.ge @!p0 [sflag:s0], s1  }
0x269: {  	s1 =	ssub.s32 @!p0 $0x0, s1;
	[sflag:s0] =	ssyncset.done @!p0 $0x0  }
0x26a: {  	[sflag:s0] =	ssyncadd.s32 @!p0 s1  }
0x26b: {  	[bflag:$0x3] =	sbarrier.arrive $0xFFFF  }
0x26c: {  	_ =	shalt  }

</sc_bundles>
